<compile_context>
chip_gen: v7x
topology: tpu7x:2x2x1
jax: 0.10.2.dev20260603
libtpu: 0.0.44.dev20260713+nightly
codegen_flags: <defaults>
</compile_context>

<pallas_src>
import functools

import numpy as np
import jax
import jax.numpy as jnp
from jax import lax
from jax.experimental import pallas as pl
from jax.experimental.pallas import tpu as pltpu
from jax.experimental.pallas import tpu_sc as plsc

D = 128
N = 10000
E = 320000
B = 16
NC = 2
NS = 16
W = 80
WE = 128
ERP = 2560
EPAD = ERP * WE - E
NWIN = ERP // NS
CH = 40
NPAD = 10240
LOG2 = float(np.log(2.0))


def _embdeg_body(table, ids2d, dst2d, embflat, deg, idsv, rows_v, dstv,
                 ones_v, zrow, hsem, deg_sh):
  c = lax.axis_index("c")
  s = lax.axis_index("s")

  def fill16(i, _):
    zrow[pl.ds(i * 16, 16)] = jnp.zeros((16,), jnp.float32)
    return 0
  lax.fori_loop(0, 40, fill16, 0)
  for i in range(8):
    ones_v[pl.ds(i * 16, 16)] = jnp.ones((16,), jnp.float32)

  pltpu.sync_copy(zrow, deg_sh.at[pl.ds(s * 640, 640)])
  plsc.subcore_barrier()

  pltpu.sync_copy(ids2d.at[pl.ds(c * 128 + s * 8, 8)], idsv)

  def gather_win(j, _):
    w = s * 8 + j
    @pl.when(w < 125)
    def _():
      pltpu.sync_copy(table.at[idsv.at[j]], rows_v)
      pltpu.sync_copy(rows_v, embflat.at[pl.ds(c * N + w * W, W)])
    return 0
  lax.fori_loop(0, 8, gather_win, 0)

  pltpu.sync_copy(dst2d.at[pl.ds(c * ERP + s * NWIN, NWIN)], dstv)

  def hist8(jc, _):
    for u in range(8):
      pltpu.make_async_copy(ones_v, deg_sh.at[dstv.at[jc * 8 + u]],
                            hsem).start(add=True)
    for u in range(8):
      pltpu.make_async_copy(ones_v, deg_sh.at[dstv.at[jc * 8 + u]],
                            hsem).wait()
    return 0
  lax.fori_loop(0, NWIN // 8, hist8, 0)

  plsc.subcore_barrier()
  pltpu.sync_copy(deg_sh.at[pl.ds(s * 640, 640)], deg.at[c, pl.ds(s * 640, 640)])


def _segsum_body(zflat, src2d, dst2d, accflat, srcv, dstv, buf0, buf1,
                 sg0, sg1, ss0, ss1, acc_sh):
  c = lax.axis_index("c")
  s = lax.axis_index("s")

  base = s * 640

  @pl.when(s < 15)
  def _():
    pltpu.sync_copy(zflat.at[pl.ds(c * N + base, 640)],
                    acc_sh.at[pl.ds(base, 640)])

  @pl.when(s == 15)
  def _():
    pltpu.sync_copy(zflat.at[pl.ds(c * N + 9600, 400)],
                    acc_sh.at[pl.ds(9600, 400)])
  plsc.subcore_barrier()

  erow = c * ERP + s * NWIN

  for chunk in range(NWIN // CH):
    pltpu.sync_copy(src2d.at[pl.ds(erow + chunk * CH, CH)], srcv)
    pltpu.sync_copy(dst2d.at[pl.ds(erow + chunk * CH, CH)], dstv)

    def g_desc(j, b, sem):
      return pltpu.make_async_copy(zflat.at[srcv.at[j]], b, sem)

    def s_desc(j, b, sem):
      return pltpu.make_async_copy(b, acc_sh.at[dstv.at[j]], sem)

    g_desc(0, buf0, sg0).start()

    def pair(k, _):
      w0 = 2 * k
      w1 = 2 * k + 1
      g_desc(w0, buf0, sg0).wait()
      s_desc(w0, buf0, ss0).start(add=True)

      @pl.when(k > 0)
      def _():
        s_desc(w1 - 2, buf1, ss1).wait()

      g_desc(w1, buf1, sg1).start()
      g_desc(w1, buf1, sg1).wait()
      s_desc(w1, buf1, ss1).start(add=True)
      s_desc(w0, buf0, ss0).wait()

      @pl.when(k < CH // 2 - 1)
      def _():
        g_desc(w0 + 2, buf0, sg0).start()

      return 0
    lax.fori_loop(0, CH // 2, pair, 0)
    s_desc(CH - 1, buf1, ss1).wait()

  plsc.subcore_barrier()

  @pl.when(s < 15)
  def _():
    pltpu.sync_copy(acc_sh.at[pl.ds(base, 640)],
                    accflat.at[pl.ds(c * NPAD + base, 640)])

  @pl.when(s == 15)
  def _():
    pltpu.sync_copy(acc_sh.at[pl.ds(9600, 400)],
                    accflat.at[pl.ds(c * NPAD + 9600, 400)])


@functools.lru_cache(maxsize=None)
def _sc_kernels():
  mesh = plsc.VectorSubcoreMesh(core_axis_name="c", subcore_axis_name="s",
                                num_cores=NC, num_subcores=NS)
  embdeg = functools.partial(
      pl.kernel,
      out_type=(
          jax.ShapeDtypeStruct((2 * N, D), jnp.float32),
          jax.ShapeDtypeStruct((2, NPAD), jnp.float32),
      ),
      mesh=mesh,
      scratch_types=(
          pltpu.VMEM((8, W), jnp.int32),
          pltpu.VMEM((W, D), jnp.float32),
          pltpu.VMEM((NWIN, WE), jnp.int32),
          pltpu.VMEM((WE,), jnp.float32),
          pltpu.VMEM((640,), jnp.float32),
          pltpu.SemaphoreType.DMA,
          pltpu.VMEM_SHARED((NPAD,), jnp.float32),
      ),
  )(_embdeg_body)
  segsum = functools.partial(
      pl.kernel,
      out_type=jax.ShapeDtypeStruct((2 * NPAD, D), jnp.float32),
      mesh=mesh,
      scratch_types=(
          pltpu.VMEM((CH, WE), jnp.int32),
          pltpu.VMEM((CH, WE), jnp.int32),
          pltpu.VMEM((WE, D), jnp.float32),
          pltpu.VMEM((WE, D), jnp.float32),
          pltpu.SemaphoreType.DMA,
          pltpu.SemaphoreType.DMA,
          pltpu.SemaphoreType.DMA,
          pltpu.SemaphoreType.DMA,
          pltpu.VMEM_SHARED((NPAD, D), jnp.float32),
      ),
  )(_segsum_body)
  return embdeg, segsum


def _ln(x, g, b):
  m = jnp.mean(x, axis=-1, keepdims=True)
  v = jnp.mean((x - m) ** 2, axis=-1, keepdims=True)
  return (x - m) * lax.rsqrt(v + 1e-5) * g + b


def _matmul_t(x, w):
  return lax.dot_general(x, w, (((1,), (1,)), ((), ())),
                         preferred_element_type=jnp.float32)


def _softplus(x):
  return jnp.maximum(x, 0.0) + jnp.log1p(jnp.exp(-jnp.abs(x)))


def _t1_body(emb, w1, deg, z1, dinv):
  dv = lax.rsqrt(deg[0] + 1.0)
  z1[...] = _matmul_t(emb[...], w1[0]) * dv
  dinv[...] = dv[None]


def _t2_body(emb, acc1, dinv, ws, bs, b1, g1, be1, w2, z2):
  dv = dinv[0]
  pre = dv * acc1[0] + b1[0]
  h = jax.nn.relu(_ln(pre, g1[0], be1[0]))
  u = _matmul_t(emb[...], ws[0]) + bs[0] + h
  z2[...] = _matmul_t(u, w2[0]) * dv


def _t3_body(acc2, dinv, b2, g2, be2, lw, lb, lg, lbe, lal, sw, sb,
             lp, gsum):
  dv = dinv[0]
  local = jax.nn.relu(_ln(dv * acc2[0] + b2[0], g2[0], be2[0]))
  rows = lax.broadcasted_iota(jnp.int32, (8, 5000), 1) // 625
  gid = lax.broadcasted_iota(jnp.int32, (8, 5000), 0)
  onehot = (rows == gid).astype(jnp.float32)
  gsum[...] = lax.dot_general(onehot, local, (((1,), (0,)), ((), ())),
                              preferred_element_type=jnp.float32)[None]
  h = local
  for i in range(3):
    a = lal[i]
    t = _ln(_matmul_t(h, lw[i]) + lb[i], lg[i], lbe[i])
    h = jnp.where(t >= 0, t, a * t)
  lp[...] = (h + _matmul_t(local, sw[...]) + sb[...])[None]


def _t4_body(lp1, lp2, gsum, mw, mb, mg, mbe, mal, msw, msb, out):
  hblk = pl.program_id(0)

  def mlp2(xg):
    h = xg
    for i in range(3):
      t = _ln(_matmul_t(h, mw[i]) + mb[i], mg[i], mbe[i])
      h = jnp.where(t >= 0, t, mal[i] * t)
    return h + _matmul_t(xg, msw[...]) + msb[...]

  g1p = mlp2(gsum[0] / 625.0)
  g2p = mlp2(gsum[1] / 625.0)

  def contrib(l_blk, gp):
    res = _matmul_t(l_blk, gp)
    rowg = lax.broadcasted_iota(jnp.int32, (5000, B), 0) // 625 + hblk * 8
    colg = lax.broadcasted_iota(jnp.int32, (5000, B), 1)
    pos = (colg == rowg).astype(jnp.float32)
    spn = _softplus(-res)
    e_pos = jnp.sum(pos * (LOG2 - spn))
    e_neg = jnp.sum((1.0 - pos) * (spn + res - LOG2))
    return e_neg / (N * (B - 1)) - e_pos / N

  c = contrib(lp1[0], g2p) + contrib(lp2[0], g1p)

  cb = jnp.reshape(c, (1, 1))

  @pl.when(hblk == 0)
  def _():
    out[...] = cb

  @pl.when(hblk != 0)
  def _():
    out[...] = out[...] + cb


def _spec(shape, index_map):
  return pl.BlockSpec(shape, index_map)


def _t1_call(embflat, w1s, degv):
  flatrow = lambda v, i: (10 * v + i, 0)
  return pl.pallas_call(
      _t1_body,
      grid=(2, 10),
      in_specs=[
          _spec((1000, D), flatrow),
          _spec((1, D, D), lambda v, i: (v, 0, 0)),
          _spec((1, 1000, 1), lambda v, i: (v, i, 0)),
      ],
      out_specs=[
          _spec((1000, D), flatrow),
          _spec((1, 1000, 1), lambda v, i: (v, i, 0)),
      ],
      out_shape=[
          jax.ShapeDtypeStruct((2 * N, D), jnp.float32),
          jax.ShapeDtypeStruct((2, N, 1), jnp.float32),
      ],
  )(embflat, w1s, degv)


def _t2_call(embflat, acc1, dinv, wss, bss, b1s, g1s, be1s, w2s):
  flatrow = lambda v, i: (10 * v + i, 0)
  row = lambda v, i: (v, i, 0)
  par = lambda v, i: (v, 0, 0)
  return pl.pallas_call(
      _t2_body,
      grid=(2, 10),
      in_specs=[
          _spec((1000, D), flatrow), _spec((1, 1000, D), row),
          _spec((1, 1000, 1), row),
          _spec((1, D, D), par), _spec((1, 1, D), par), _spec((1, 1, D), par),
          _spec((1, 1, D), par), _spec((1, 1, D), par), _spec((1, D, D), par),
      ],
      out_specs=_spec((1000, D), flatrow),
      out_shape=jax.ShapeDtypeStruct((2 * N, D), jnp.float32),
  )(embflat, acc1, dinv, wss, bss, b1s, g1s, be1s, w2s)


def _t3_call(acc2, dinv, b2s, g2s, be2s, lw, lb, lg, lbe, lal, sw, sb):
  row = lambda v, h: (v, h, 0)
  par = lambda v, h: (v, 0, 0)
  full3 = lambda v, h: (0, 0, 0)
  full2 = lambda v, h: (0, 0)
  return pl.pallas_call(
      _t3_body,
      grid=(2, 2),
      in_specs=[
          _spec((1, 5000, D), row),
          _spec((1, 5000, 1), row),
          _spec((1, 1, D), par), _spec((1, 1, D), par), _spec((1, 1, D), par),
          _spec((3, D, D), full3), _spec((3, 1, D), full3),
          _spec((3, 1, D), full3), _spec((3, 1, D), full3),
          _spec((3, 1, 1), full3),
          _spec((D, D), full2), _spec((1, D), full2),
      ],
      out_specs=[
          _spec((1, 5000, D), row),
          _spec((1, 8, D), row),
      ],
      out_shape=[
          jax.ShapeDtypeStruct((2, N, D), jnp.float32),
          jax.ShapeDtypeStruct((2, B, D), jnp.float32),
      ],
  )(acc2, dinv, b2s, g2s, be2s, lw, lb, lg, lbe, lal, sw, sb)


def _t4_call(lp, gsum, mw, mb, mg, mbe, mal, msw, msb):
  full3 = lambda h: (0, 0, 0)
  full2 = lambda h: (0, 0)
  return pl.pallas_call(
      _t4_body,
      grid=(2,),
      in_specs=[
          _spec((1, 5000, D), lambda h: (0, h, 0)),
          _spec((1, 5000, D), lambda h: (1, h, 0)),
          _spec((2, B, D), full3),
          _spec((3, D, D), full3), _spec((3, 1, D), full3),
          _spec((3, 1, D), full3), _spec((3, 1, D), full3),
          _spec((3, 1, 1), full3),
          _spec((D, D), full2), _spec((1, D), full2),
      ],
      out_specs=_spec((1, 1), lambda h: (0, 0)),
      out_shape=jax.ShapeDtypeStruct((1, 1), jnp.float32),
  )(lp, lp, gsum, mw, mb, mg, mbe, mal, msw, msb)


def _stack_enc(p, key, idx=None, sub=None):
  def leaf(enc):
    v = enc[key]
    if idx is not None:
      v = v[idx]
    if sub is not None:
      v = v[sub]
    return v
  return jnp.stack([leaf(p['enc1']), leaf(p['enc2'])])


def kernel(x, edge_index_x, ptr_x, y, edge_index_y, ptr_y, params):
  p = params
  table = p['emb']

  xi = x.astype(jnp.int32)
  yi = y.astype(jnp.int32)
  padi = jnp.zeros((NPAD - N,), jnp.int32)
  ids2d = jnp.concatenate([xi, padi, yi, padi]).reshape(2 * 128, W)

  sx, dx = edge_index_x[0], edge_index_x[1]
  sy, dy = edge_index_y[0], edge_index_y[1]
  ar = np.arange(EPAD, dtype=np.int32)
  pad_src = jnp.asarray(ar % 240)
  pad_dst = jnp.asarray(N + ar % (NPAD - N))
  src2d = jnp.concatenate([sx, pad_src, sy + N, pad_src + N]).reshape(
      2 * ERP, WE)
  dst2d = jnp.concatenate([dx, pad_dst, dy, pad_dst]).reshape(2 * ERP, WE)

  embdeg_k, segsum_k = _sc_kernels()
  embflat, deg2 = embdeg_k(table, ids2d, dst2d)
  degv = deg2.reshape(2, NPAD, 1)

  w1s = _stack_enc(p, 'conv', idx=0, sub='W')
  z1, dinv = _t1_call(embflat, w1s, degv)

  acc1 = segsum_k(z1, src2d,
                  dst2d).reshape(2, NPAD, D)

  wss = _stack_enc(p, 'fc_skip_W')
  bss = _stack_enc(p, 'fc_skip_b').reshape(2, 1, D)
  b1s = _stack_enc(p, 'conv', idx=0, sub='b').reshape(2, 1, D)
  g1s = _stack_enc(p, 'ln', idx=0, sub='g').reshape(2, 1, D)
  be1s = _stack_enc(p, 'ln', idx=0, sub='b').reshape(2, 1, D)
  w2s = _stack_enc(p, 'conv', idx=1, sub='W')
  z2 = _t2_call(embflat, acc1, dinv, wss, bss, b1s, g1s, be1s, w2s)

  acc2 = segsum_k(z2, src2d,
                  dst2d).reshape(2, NPAD, D)

  b2s = _stack_enc(p, 'conv', idx=1, sub='b').reshape(2, 1, D)
  g2s = _stack_enc(p, 'ln', idx=1, sub='g').reshape(2, 1, D)
  be2s = _stack_enc(p, 'ln', idx=1, sub='b').reshape(2, 1, D)
  m1 = p['mlp1']
  lw = jnp.stack([m1['lin'][i]['W'] for i in range(3)])
  lb = jnp.stack([m1['lin'][i]['b'] for i in range(3)]).reshape(3, 1, D)
  lg = jnp.stack([m1['ln'][i]['g'] for i in range(3)]).reshape(3, 1, D)
  lbe = jnp.stack([m1['ln'][i]['b'] for i in range(3)]).reshape(3, 1, D)
  lal = jnp.stack([m1['prelu'][i] for i in range(3)]).reshape(3, 1, 1)
  sw = m1['short_W']
  sb = m1['short_b'].reshape(1, D)
  lp, gsum = _t3_call(acc2, dinv, b2s, g2s, be2s, lw, lb, lg, lbe, lal,
                      sw, sb)

  m2 = p['mlp2']
  mw = jnp.stack([m2['lin'][i]['W'] for i in range(3)])
  mb = jnp.stack([m2['lin'][i]['b'] for i in range(3)]).reshape(3, 1, D)
  mg = jnp.stack([m2['ln'][i]['g'] for i in range(3)]).reshape(3, 1, D)
  mbe = jnp.stack([m2['ln'][i]['b'] for i in range(3)]).reshape(3, 1, D)
  mal = jnp.stack([m2['prelu'][i] for i in range(3)]).reshape(3, 1, 1)
  msw = m2['short_W']
  msb = m2['short_b'].reshape(1, D)
  loss = _t4_call(lp, gsum, mw, mb, mg, mbe, mal, msw, msb)
  return loss[0, 0]

# --- scband reference (transcript-rebuilt; emitter-appended) ---
"""Pipeline reference for scband-pair-wise-learning-mvgrl-65532611002854 (READ-ONLY COPY).

The authoritative reference and input builder live on the scoring server;
editing this copy changes nothing except your own understanding.
"""

import jax, jax.numpy as jnp
import numpy as np

D = 128
N = 10000
E = 320000
B = 16
V = 10000


def _make_params(key):
    keys = list(jax.random.split(key, 16))
    def w(shape):
        return jax.random.normal(keys.pop(), shape, dtype=jnp.float32) * 0.05
    def enc():
        return {'fc_skip_W': w((D, D)), 'fc_skip_b': jnp.zeros((D,), jnp.float32),
                'conv': [{'W': w((D, D)), 'b': jnp.zeros((D,), jnp.float32)} for _ in range(2)],
                'ln': [{'g': jnp.ones((D,), jnp.float32), 'b': jnp.zeros((D,), jnp.float32)} for _ in range(2)]}
    def mlpp():
        return {'lin': [{'W': w((D, D)), 'b': jnp.zeros((D,), jnp.float32)} for _ in range(3)],
                'ln': [{'g': jnp.ones((D,), jnp.float32), 'b': jnp.zeros((D,), jnp.float32)} for _ in range(3)],
                'prelu': [jnp.full((1,), 0.25, jnp.float32) for _ in range(3)],
                'short_W': w((D, D)), 'short_b': jnp.zeros((D,), jnp.float32)}
    return {'emb': w((V, D)), 'enc1': enc(), 'enc2': enc(), 'mlp1': mlpp(), 'mlp2': mlpp()}


def layer_norm(x, g, b):
    m = jnp.mean(x, axis=-1, keepdims=True)
    v = jnp.mean((x - m) ** 2, axis=-1, keepdims=True)
    return (x - m) / jnp.sqrt(v + 1e-5) * g + b


def prelu(x, a):
    return jnp.where(x >= 0, x, a * x)


def gcn_conv(x, src, dst, W, b):
    n = x.shape[0]
    loop = jnp.arange(n, dtype=src.dtype)
    s = jnp.concatenate([src, loop])
    t = jnp.concatenate([dst, loop])
    deg = jax.ops.segment_sum(jnp.ones(s.shape[0], dtype=x.dtype), t, num_segments=n)
    dinv = jax.lax.rsqrt(jnp.maximum(deg, 1.0))
    xw = x @ W.T
    msg = xw[s] * (dinv[s] * dinv[t])[:, None]
    return jax.ops.segment_sum(msg, t, num_segments=n) + b


def encoder(p, x, edge_index, ptr):
    n = x.shape[0]
    src, dst = edge_index[0], edge_index[1]
    h = jax.nn.relu(layer_norm(gcn_conv(x, src, dst, p['conv'][0]['W'], p['conv'][0]['b']), p['ln'][0]['g'], p['ln'][0]['b']))
    hs = [x @ p['fc_skip_W'].T + p['fc_skip_b'], h]
    for i in range(1, 2):
        u = hs[0]
        for t_ in hs[1:]:
            u = u + t_
        hs.append(jax.nn.relu(layer_norm(gcn_conv(u, src, dst, p['conv'][i]['W'], p['conv'][i]['b']), p['ln'][i]['g'], p['ln'][i]['b'])))
    local = hs[-1]
    batch = jnp.searchsorted(ptr, jnp.arange(n, dtype=ptr.dtype), side='right') - 1
    nb = ptr.shape[0] - 1
    sums = jax.ops.segment_sum(local, batch, num_segments=nb)
    cnt = jax.ops.segment_sum(jnp.ones(n, dtype=local.dtype), batch, num_segments=nb)
    return local, sums / cnt[:, None], batch


def mlp(p, x):
    h = x
    for i in range(3):
        h = prelu(layer_norm(h @ p['lin'][i]['W'].T + p['lin'][i]['b'], p['ln'][i]['g'], p['ln'][i]['b']), p['prelu'][i])
    return h + x @ p['short_W'].T + p['short_b']


def lgl_jsd(l, g, batch):
    num_graphs = g.shape[0]
    num_nodes = l.shape[0]
    pos = jax.nn.one_hot(batch, num_graphs, dtype=l.dtype)
    neg = 1.0 - pos
    res = l @ g.T
    log2 = np.log(2.0)
    E_pos = jnp.sum(log2 - jax.nn.softplus(-(res * pos))) / num_nodes
    pn = res * neg
    E_neg = jnp.sum(jax.nn.softplus(-pn) + pn - log2) / (num_nodes * (num_graphs - 1))
    return E_neg - E_pos


def setup_inputs(seed: int = 0):
    key = jax.random.key(seed)
    k1, k2, k3, k4, k5 = jax.random.split(key, 5)
    x = jax.random.randint(k1, (N,), 0, V)
    y = jax.random.randint(k2, (N,), 0, V)
    ex = jax.random.randint(k3, (2, E), 0, N)
    ey = jax.random.randint(k4, (2, E), 0, N)
    ptr = jnp.arange(B + 1, dtype=jnp.int32) * (N // B)
    params = _make_params(k5)
    return {'x': x, 'edge_index_x': ex, 'ptr_x': ptr, 'y': y, 'edge_index_y': ey, 'ptr_y': ptr, 'params': params}


def reference(x, edge_index_x, ptr_x, y, edge_index_y, ptr_y, params):
    emb_x = params['emb'][x]
    emb_y = params['emb'][y]
    l1, g1, b1 = encoder(params['enc1'], emb_x, edge_index_x, ptr_x)
    l2, g2, b2 = encoder(params['enc2'], emb_y, edge_index_y, ptr_y)
    l1p = mlp(params['mlp1'], l1)
    l2p = mlp(params['mlp1'], l2)
    g1p = mlp(params['mlp2'], g1)
    g2p = mlp(params['mlp2'], g2)
    return lgl_jsd(l1p, g2p, b1) + lgl_jsd(l2p, g1p, b2)

if __name__ == "__main__":
    import jax
    _d = setup_inputs()
    print(jax.jit(kernel)(*tuple(_d.values())))

</pallas_src>

<mosaic_0001>
#map = affine_map<(d0, d1) -> (0, 0)>
module attributes {stable_mosaic.version = 14 : i64} {
  func.func @_segsum_body(%arg0: i32, %arg1: i32, %arg2: memref<20000x128xf32, #tpu.memory_space<hbm>>, %arg3: memref<5120x128xi32, #tpu.memory_space<hbm>>, %arg4: memref<5120x128xi32, #tpu.memory_space<hbm>>, %arg5: memref<20480x128xf32, #tpu.memory_space<hbm>>, %arg6: memref<40x128xi32, #tpu.memory_space<vmem>>, %arg7: memref<40x128xi32, #tpu.memory_space<vmem>>, %arg8: memref<128x128xf32, #tpu.memory_space<vmem>>, %arg9: memref<128x128xf32, #tpu.memory_space<vmem>>, %arg10: memref<!tpu.dma_semaphore, #tpu.memory_space<semaphore_mem>>, %arg11: memref<!tpu.dma_semaphore, #tpu.memory_space<semaphore_mem>>, %arg12: memref<!tpu.dma_semaphore, #tpu.memory_space<semaphore_mem>>, %arg13: memref<!tpu.dma_semaphore, #tpu.memory_space<semaphore_mem>>, %arg14: memref<10240x128xf32, #tpu.memory_space<vmem_shared>>) attributes {dimension_semantics = [#tpu.dimension_semantics<core_parallel>, #tpu.dimension_semantics<subcore_parallel>], iteration_bounds = array<i64: 2, 16>, scalar_prefetch = 0 : i64, scratch_operands = 9 : i64, tpu.core_type = #tpu.core_type<sc_vector_subcore>, window_params = [{transform_indices = #map}, {transform_indices = #map}, {transform_indices = #map}, {transform_indices = #map}]} {
    %mul3A = arith.constant 640 : i32
    %mul3A_0 = arith.muli %arg1, %mul3A : i32
    %lt3A = arith.constant 15 : i32
    %lt3A_1 = arith.cmpi slt, %arg1, %lt3A : i32
    %convert_element_type3A = arith.extui %lt3A_1 : i1 to i32
    %cond3A = arith.constant 0 : i32
    %cond3A_2 = arith.cmpi ne, %convert_element_type3A, %cond3A : i32
    scf.if %cond3A_2 {
      %mul3A_119 = arith.constant 10000 : i32
      %mul3A_120 = arith.muli %arg0, %mul3A_119 : i32
      %add3A_121 = arith.addi %mul3A_120, %mul3A_0 : i32
      "tpu.region"() ({
        %run_scoped3A = tpu.sem_alloc : memref<!tpu.dma_semaphore, #tpu.memory_space<semaphore_mem>>
        %dma_start3A_122 = arith.constant 0 : i32
        %dma_start3A_123 = tpu.memref_slice %arg14[%mul3A_0, %dma_start3A_122] : memref<10240x128xf32, #tpu.memory_space<vmem_shared>> -> memref<640x128xf32, #tpu.memory_space<vmem_shared>>
        %dma_start3A_124 = arith.constant 0 : i32
        %dma_start3A_125 = tpu.memref_slice %arg2[%add3A_121, %dma_start3A_124] : memref<20000x128xf32, #tpu.memory_space<hbm>> -> memref<640x128xf32, #tpu.memory_space<hbm>>
        tpu.enqueue_dma source(%dma_start3A_125 : memref<640x128xf32, #tpu.memory_space<hbm>>) target(%dma_start3A_123 : memref<640x128xf32, #tpu.memory_space<vmem_shared>>) target_semaphore(%run_scoped3A : memref<!tpu.dma_semaphore, #tpu.memory_space<semaphore_mem>>)
        %dma_wait3A_126 = arith.constant 0 : i32
        %dma_wait3A_127 = tpu.memref_slice %arg14[%mul3A_0, %dma_wait3A_126] : memref<10240x128xf32, #tpu.memory_space<vmem_shared>> -> memref<640x128xf32, #tpu.memory_space<vmem_shared>>
        %dma_wait3A_128 = arith.constant 0 : i32
        %dma_wait3A_129 = tpu.memref_slice %arg2[%add3A_121, %dma_wait3A_128] : memref<20000x128xf32, #tpu.memory_space<hbm>> -> memref<640x128xf32, #tpu.memory_space<hbm>>
        tpu.wait_dma2 semaphore(%run_scoped3A : memref<!tpu.dma_semaphore, #tpu.memory_space<semaphore_mem>>) src(%dma_wait3A_129 : memref<640x128xf32, #tpu.memory_space<hbm>>) dst(%dma_wait3A_127 : memref<640x128xf32, #tpu.memory_space<vmem_shared>>)
        tpu.yield
      }) : () -> ()
    } else {
    }
    %eq3A = arith.constant 15 : i32
    %eq3A_3 = arith.cmpi eq, %arg1, %eq3A : i32
    %convert_element_type3A_4 = arith.extui %eq3A_3 : i1 to i32
    %cond3A_5 = arith.constant 0 : i32
    %cond3A_6 = arith.cmpi ne, %convert_element_type3A_4, %cond3A_5 : i32
    scf.if %cond3A_6 {
      %mul3A_119 = arith.constant 10000 : i32
      %mul3A_120 = arith.muli %arg0, %mul3A_119 : i32
      %add3A_121 = arith.constant 9600 : i32
      %add3A_122 = arith.addi %mul3A_120, %add3A_121 : i32
      "tpu.region"() ({
        %run_scoped3A = tpu.sem_alloc : memref<!tpu.dma_semaphore, #tpu.memory_space<semaphore_mem>>
        %dma_start3A_123 = arith.constant 9600 : i32
        %dma_start3A_124 = arith.constant 0 : i32
        %dma_start3A_125 = tpu.memref_slice %arg14[%dma_start3A_123, %dma_start3A_124] : memref<10240x128xf32, #tpu.memory_space<vmem_shared>> -> memref<400x128xf32, #tpu.memory_space<vmem_shared>>
        %dma_start3A_126 = arith.constant 0 : i32
        %dma_start3A_127 = tpu.memref_slice %arg2[%add3A_122, %dma_start3A_126] : memref<20000x128xf32, #tpu.memory_space<hbm>> -> memref<400x128xf32, #tpu.memory_space<hbm>>
        tpu.enqueue_dma source(%dma_start3A_127 : memref<400x128xf32, #tpu.memory_space<hbm>>) target(%dma_start3A_125 : memref<400x128xf32, #tpu.memory_space<vmem_shared>>) target_semaphore(%run_scoped3A : memref<!tpu.dma_semaphore, #tpu.memory_space<semaphore_mem>>)
        %dma_wait3A_128 = arith.constant 9600 : i32
        %dma_wait3A_129 = arith.constant 0 : i32
        %dma_wait3A_130 = tpu.memref_slice %arg14[%dma_wait3A_128, %dma_wait3A_129] : memref<10240x128xf32, #tpu.memory_space<vmem_shared>> -> memref<400x128xf32, #tpu.memory_space<vmem_shared>>
        %dma_wait3A_131 = arith.constant 0 : i32
        %dma_wait3A_132 = tpu.memref_slice %arg2[%add3A_122, %dma_wait3A_131] : memref<20000x128xf32, #tpu.memory_space<hbm>> -> memref<400x128xf32, #tpu.memory_space<hbm>>
        tpu.wait_dma2 semaphore(%run_scoped3A : memref<!tpu.dma_semaphore, #tpu.memory_space<semaphore_mem>>) src(%dma_wait3A_132 : memref<400x128xf32, #tpu.memory_space<hbm>>) dst(%dma_wait3A_130 : memref<400x128xf32, #tpu.memory_space<vmem_shared>>)
        tpu.yield
      }) : () -> ()
    } else {
    }
    %barrier3A = arith.constant 0 : index
    tpu.barrier barrier_id(%barrier3A)
    %mul3A_7 = arith.constant 2560 : i32
    %mul3A_8 = arith.muli %arg0, %mul3A_7 : i32
    %mul3A_9 = arith.constant 160 : i32
    %mul3A_10 = arith.muli %arg1, %mul3A_9 : i32
    %add3A = arith.addi %mul3A_8, %mul3A_10 : i32
    %add3A_11 = arith.constant 0 : i32
    %add3A_12 = arith.addi %add3A, %add3A_11 : i32
    "tpu.region"() ({
      %run_scoped3A = tpu.sem_alloc : memref<!tpu.dma_semaphore, #tpu.memory_space<semaphore_mem>>
      %dma_start3A_119 = arith.constant 0 : i32
      %dma_start3A_120 = tpu.memref_slice %arg3[%add3A_12, %dma_start3A_119] : memref<5120x128xi32, #tpu.memory_space<hbm>> -> memref<40x128xi32, #tpu.memory_space<hbm>>
      %dma_start3A_121 = arith.constant 0 : i32
      %dma_start3A_122 = tpu.memref_slice %arg3[%add3A_12, %dma_start3A_121] : memref<5120x128xi32, #tpu.memory_space<hbm>> -> memref<40x128xi32, #tpu.memory_space<hbm>>
      tpu.enqueue_dma source(%dma_start3A_122 : memref<40x128xi32, #tpu.memory_space<hbm>>) target(%arg6 : memref<40x128xi32, #tpu.memory_space<vmem>>) target_semaphore(%run_scoped3A : memref<!tpu.dma_semaphore, #tpu.memory_space<semaphore_mem>>)
      %dma_wait3A_123 = arith.constant 0 : i32
      %dma_wait3A_124 = tpu.memref_slice %arg3[%add3A_12, %dma_wait3A_123] : memref<5120x128xi32, #tpu.memory_space<hbm>> -> memref<40x128xi32, #tpu.memory_space<hbm>>
      %dma_wait3A_125 = arith.constant 0 : i32
      %dma_wait3A_126 = tpu.memref_slice %arg3[%add3A_12, %dma_wait3A_125] : memref<5120x128xi32, #tpu.memory_space<hbm>> -> memref<40x128xi32, #tpu.memory_space<hbm>>
      tpu.wait_dma2 semaphore(%run_scoped3A : memref<!tpu.dma_semaphore, #tpu.memory_space<semaphore_mem>>) src(%dma_wait3A_126 : memref<40x128xi32, #tpu.memory_space<hbm>>) dst(%arg6 : memref<40x128xi32, #tpu.memory_space<vmem>>)
      tpu.yield
    }) : () -> ()
    %add3A_13 = arith.constant 0 : i32
    %add3A_14 = arith.addi %add3A, %add3A_13 : i32
    "tpu.region"() ({
      %run_scoped3A = tpu.sem_alloc : memref<!tpu.dma_semaphore, #tpu.memory_space<semaphore_mem>>
      %dma_start3A_119 = arith.constant 0 : i32
      %dma_start3A_120 = tpu.memref_slice %arg4[%add3A_14, %dma_start3A_119] : memref<5120x128xi32, #tpu.memory_space<hbm>> -> memref<40x128xi32, #tpu.memory_space<hbm>>
      %dma_start3A_121 = arith.constant 0 : i32
      %dma_start3A_122 = tpu.memref_slice %arg4[%add3A_14, %dma_start3A_121] : memref<5120x128xi32, #tpu.memory_space<hbm>> -> memref<40x128xi32, #tpu.memory_space<hbm>>
      tpu.enqueue_dma source(%dma_start3A_122 : memref<40x128xi32, #tpu.memory_space<hbm>>) target(%arg7 : memref<40x128xi32, #tpu.memory_space<vmem>>) target_semaphore(%run_scoped3A : memref<!tpu.dma_semaphore, #tpu.memory_space<semaphore_mem>>)
      %dma_wait3A_123 = arith.constant 0 : i32
      %dma_wait3A_124 = tpu.memref_slice %arg4[%add3A_14, %dma_wait3A_123] : memref<5120x128xi32, #tpu.memory_space<hbm>> -> memref<40x128xi32, #tpu.memory_space<hbm>>
      %dma_wait3A_125 = arith.constant 0 : i32
      %dma_wait3A_126 = tpu.memref_slice %arg4[%add3A_14, %dma_wait3A_125] : memref<5120x128xi32, #tpu.memory_space<hbm>> -> memref<40x128xi32, #tpu.memory_space<hbm>>
      tpu.wait_dma2 semaphore(%run_scoped3A : memref<!tpu.dma_semaphore, #tpu.memory_space<semaphore_mem>>) src(%dma_wait3A_126 : memref<40x128xi32, #tpu.memory_space<hbm>>) dst(%arg7 : memref<40x128xi32, #tpu.memory_space<vmem>>)
      tpu.yield
    }) : () -> ()
    %dma_start3A = arith.constant 0 : i32
    %dma_start3A_15 = arith.constant 0 : i32
    %dma_start3A_16 = tpu.memref_slice %arg6[%dma_start3A, %dma_start3A_15] : memref<40x128xi32, #tpu.memory_space<vmem>> -> memref<1x128xi32, #tpu.memory_space<vmem>>
    %dma_start3A_17 = tpu.memref_squeeze %dma_start3A_16 : memref<1x128xi32, #tpu.memory_space<vmem>> -> memref<128xi32, #tpu.memory_space<vmem>>
    %dma_start3A_18 = arith.constant 0 : i32
    %dma_start3A_19 = arith.constant 0 : i32
    %dma_start3A_20 = tpu.memref_slice %arg2[%dma_start3A_18, %dma_start3A_19] : memref<20000x128xf32, #tpu.memory_space<hbm>> -> memref<20000x128xf32, #tpu.memory_space<hbm>>
    tpu.enqueue_indirect_dma source(%dma_start3A_20 : memref<20000x128xf32, #tpu.memory_space<hbm>>) target(%arg8 : memref<128x128xf32, #tpu.memory_space<vmem>>) offsets(%dma_start3A_17 : memref<128xi32, #tpu.memory_space<vmem>>) semaphore(%arg10 : memref<!tpu.dma_semaphore, #tpu.memory_space<semaphore_mem>>)
    %scan3A = arith.constant 0 : i32
    %scan3A_21 = arith.constant 0 : i32
    %scan3A_22 = arith.constant 20 : i32
    %scan3A_23 = arith.addi %scan3A_21, %scan3A_22 : i32
    %scan3A_24 = arith.constant 1 : i32
    %scan3A_25 = scf.for %scan3A_119 = %scan3A_21 to %scan3A_23 step %scan3A_24 iter_args(%scan3A_120 = %scan3A) -> (i32)  : i32 {
      %mul3A_121 = arith.constant 2 : i32
      %mul3A_122 = arith.muli %mul3A_121, %scan3A_119 : i32
      %mul3A_123 = arith.constant 2 : i32
      %mul3A_124 = arith.muli %mul3A_123, %scan3A_119 : i32
      %add3A_125 = arith.constant 1 : i32
      %add3A_126 = arith.addi %mul3A_124, %add3A_125 : i32
      %dma_wait3A_127 = arith.constant 0 : i32
      %dma_wait3A_128 = tpu.memref_slice %arg6[%mul3A_122, %dma_wait3A_127] : memref<40x128xi32, #tpu.memory_space<vmem>> -> memref<1x128xi32, #tpu.memory_space<vmem>>
      %dma_wait3A_129 = tpu.memref_squeeze %dma_wait3A_128 : memref<1x128xi32, #tpu.memory_space<vmem>> -> memref<128xi32, #tpu.memory_space<vmem>>
      %dma_wait3A_130 = arith.constant 0 : i32
      %dma_wait3A_131 = arith.constant 0 : i32
      %dma_wait3A_132 = tpu.memref_slice %arg2[%dma_wait3A_130, %dma_wait3A_131] : memref<20000x128xf32, #tpu.memory_space<hbm>> -> memref<20000x128xf32, #tpu.memory_space<hbm>>
      tpu.wait_indirect_dma semaphore(%arg10 : memref<!tpu.dma_semaphore, #tpu.memory_space<semaphore_mem>>) src(%dma_wait3A_132 : memref<20000x128xf32, #tpu.memory_space<hbm>>) dst(%arg8 : memref<128x128xf32, #tpu.memory_space<vmem>>)
      %dma_start3A_133 = arith.constant 0 : i32
      %dma_start3A_134 = tpu.memref_slice %arg7[%mul3A_122, %dma_start3A_133] : memref<40x128xi32, #tpu.memory_space<vmem>> -> memref<1x128xi32, #tpu.memory_space<vmem>>
      %dma_start3A_135 = tpu.memref_squeeze %dma_start3A_134 : memref<1x128xi32, #tpu.memory_space<vmem>> -> memref<128xi32, #tpu.memory_space<vmem>>
      %dma_start3A_136 = arith.constant 0 : i32
      %dma_start3A_137 = arith.constant 0 : i32
      %dma_start3A_138 = tpu.memref_slice %arg14[%dma_start3A_136, %dma_start3A_137] : memref<10240x128xf32, #tpu.memory_space<vmem_shared>> -> memref<10240x128xf32, #tpu.memory_space<vmem_shared>>
      tpu.enqueue_indirect_dma source(%arg8 : memref<128x128xf32, #tpu.memory_space<vmem>>) target(%dma_start3A_138 : memref<10240x128xf32, #tpu.memory_space<vmem_shared>>) offsets(%dma_start3A_135 : memref<128xi32, #tpu.memory_space<vmem>>) semaphore(%arg12 : memref<!tpu.dma_semaphore, #tpu.memory_space<semaphore_mem>>) {add = true}
      %gt3A = arith.constant 0 : i32
      %gt3A_139 = arith.cmpi sgt, %scan3A_119, %gt3A : i32
      %convert_element_type3A_140 = arith.extui %gt3A_139 : i1 to i32
      %cond3A_141 = arith.constant 0 : i32
      %cond3A_142 = arith.cmpi ne, %convert_element_type3A_140, %cond3A_141 : i32
      scf.if %cond3A_142 {
        %sub3A = arith.constant 2 : i32
        %sub3A_173 = arith.subi %add3A_126, %sub3A : i32
        %dma_wait3A_174 = arith.constant 0 : i32
        %dma_wait3A_175 = tpu.memref_slice %arg7[%sub3A_173, %dma_wait3A_174] : memref<40x128xi32, #tpu.memory_space<vmem>> -> memref<1x128xi32, #tpu.memory_space<vmem>>
        %dma_wait3A_176 = tpu.memref_squeeze %dma_wait3A_175 : memref<1x128xi32, #tpu.memory_space<vmem>> -> memref<128xi32, #tpu.memory_space<vmem>>
        %dma_wait3A_177 = arith.constant 0 : i32
        %dma_wait3A_178 = arith.constant 0 : i32
        %dma_wait3A_179 = tpu.memref_slice %arg14[%dma_wait3A_177, %dma_wait3A_178] : memref<10240x128xf32, #tpu.memory_space<vmem_shared>> -> memref<10240x128xf32, #tpu.memory_space<vmem_shared>>
        tpu.wait_indirect_dma semaphore(%arg13 : memref<!tpu.dma_semaphore, #tpu.memory_space<semaphore_mem>>) src(%arg9 : memref<128x128xf32, #tpu.memory_space<vmem>>) dst(%dma_wait3A_179 : memref<10240x128xf32, #tpu.memory_space<vmem_shared>>)
      } else {
      }
      %dma_start3A_143 = arith.constant 0 : i32
      %dma_start3A_144 = tpu.memref_slice %arg6[%add3A_126, %dma_start3A_143] : memref<40x128xi32, #tpu.memory_space<vmem>> -> memref<1x128xi32, #tpu.memory_space<vmem>>
      %dma_start3A_145 = tpu.memref_squeeze %dma_start3A_144 : memref<1x128xi32, #tpu.memory_space<vmem>> -> memref<128xi32, #tpu.memory_space<vmem>>
      %dma_start3A_146 = arith.constant 0 : i32
      %dma_start3A_147 = arith.constant 0 : i32
      %dma_start3A_148 = tpu.memref_slice %arg2[%dma_start3A_146, %dma_start3A_147] : memref<20000x128xf32, #tpu.memory_space<hbm>> -> memref<20000x128xf32, #tpu.memory_space<hbm>>
      tpu.enqueue_indirect_dma source(%dma_start3A_148 : memref<20000x128xf32, #tpu.memory_space<hbm>>) target(%arg9 : memref<128x128xf32, #tpu.memory_space<vmem>>) offsets(%dma_start3A_145 : memref<128xi32, #tpu.memory_space<vmem>>) semaphore(%arg11 : memref<!tpu.dma_semaphore, #tpu.memory_space<semaphore_mem>>)
      %dma_wait3A_149 = arith.constant 0 : i32
      %dma_wait3A_150 = tpu.memref_slice %arg6[%add3A_126, %dma_wait3A_149] : memref<40x128xi32, #tpu.memory_space<vmem>> -> memref<1x128xi32, #tpu.memory_space<vmem>>
      %dma_wait3A_151 = tpu.memref_squeeze %dma_wait3A_150 : memref<1x128xi32, #tpu.memory_space<vmem>> -> memref<128xi32, #tpu.memory_space<vmem>>
      %dma_wait3A_152 = arith.constant 0 : i32
      %dma_wait3A_153 = arith.constant 0 : i32
      %dma_wait3A_154 = tpu.memref_slice %arg2[%dma_wait3A_152, %dma_wait3A_153] : memref<20000x128xf32, #tpu.memory_space<hbm>> -> memref<20000x128xf32, #tpu.memory_space<hbm>>
      tpu.wait_indirect_dma semaphore(%arg11 : memref<!tpu.dma_semaphore, #tpu.memory_space<semaphore_mem>>) src(%dma_wait3A_154 : memref<20000x128xf32, #tpu.memory_space<hbm>>) dst(%arg9 : memref<128x128xf32, #tpu.memory_space<vmem>>)
      %dma_start3A_155 = arith.constant 0 : i32
      %dma_start3A_156 = tpu.memref_slice %arg7[%add3A_126, %dma_start3A_155] : memref<40x128xi32, #tpu.memory_space<vmem>> -> memref<1x128xi32, #tpu.memory_space<vmem>>
      %dma_start3A_157 = tpu.memref_squeeze %dma_start3A_156 : memref<1x128xi32, #tpu.memory_space<vmem>> -> memref<128xi32, #tpu.memory_space<vmem>>
      %dma_start3A_158 = arith.constant 0 : i32
      %dma_start3A_159 = arith.constant 0 : i32
      %dma_start3A_160 = tpu.memref_slice %arg14[%dma_start3A_158, %dma_start3A_159] : memref<10240x128xf32, #tpu.memory_space<vmem_shared>> -> memref<10240x128xf32, #tpu.memory_space<vmem_shared>>
      tpu.enqueue_indirect_dma source(%arg9 : memref<128x128xf32, #tpu.memory_space<vmem>>) target(%dma_start3A_160 : memref<10240x128xf32, #tpu.memory_space<vmem_shared>>) offsets(%dma_start3A_157 : memref<128xi32, #tpu.memory_space<vmem>>) semaphore(%arg13 : memref<!tpu.dma_semaphore, #tpu.memory_space<semaphore_mem>>) {add = true}
      %dma_wait3A_161 = arith.constant 0 : i32
      %dma_wait3A_162 = tpu.memref_slice %arg7[%mul3A_122, %dma_wait3A_161] : memref<40x128xi32, #tpu.memory_space<vmem>> -> memref<1x128xi32, #tpu.memory_space<vmem>>
      %dma_wait3A_163 = tpu.memref_squeeze %dma_wait3A_162 : memref<1x128xi32, #tpu.memory_space<vmem>> -> memref<128xi32, #tpu.memory_space<vmem>>
      %dma_wait3A_164 = arith.constant 0 : i32
      %dma_wait3A_165 = arith.constant 0 : i32
      %dma_wait3A_166 = tpu.memref_slice %arg14[%dma_wait3A_164, %dma_wait3A_165] : memref<10240x128xf32, #tpu.memory_space<vmem_shared>> -> memref<10240x128xf32, #tpu.memory_space<vmem_shared>>
      tpu.wait_indirect_dma semaphore(%arg12 : memref<!tpu.dma_semaphore, #tpu.memory_space<semaphore_mem>>) src(%arg8 : memref<128x128xf32, #tpu.memory_space<vmem>>) dst(%dma_wait3A_166 : memref<10240x128xf32, #tpu.memory_space<vmem_shared>>)
      %lt3A_167 = arith.constant 19 : i32
      %lt3A_168 = arith.cmpi slt, %scan3A_119, %lt3A_167 : i32
      %convert_element_type3A_169 = arith.extui %lt3A_168 : i1 to i32
      %cond3A_170 = arith.constant 0 : i32
      %cond3A_171 = arith.cmpi ne, %convert_element_type3A_169, %cond3A_170 : i32
      scf.if %cond3A_171 {
        %add3A_173 = arith.constant 2 : i32
        %add3A_174 = arith.addi %mul3A_122, %add3A_173 : i32
        %dma_start3A_175 = arith.constant 0 : i32
        %dma_start3A_176 = tpu.memref_slice %arg6[%add3A_174, %dma_start3A_175] : memref<40x128xi32, #tpu.memory_space<vmem>> -> memref<1x128xi32, #tpu.memory_space<vmem>>
        %dma_start3A_177 = tpu.memref_squeeze %dma_start3A_176 : memref<1x128xi32, #tpu.memory_space<vmem>> -> memref<128xi32, #tpu.memory_space<vmem>>
        %dma_start3A_178 = arith.constant 0 : i32
        %dma_start3A_179 = arith.constant 0 : i32
        %dma_start3A_180 = tpu.memref_slice %arg2[%dma_start3A_178, %dma_start3A_179] : memref<20000x128xf32, #tpu.memory_space<hbm>> -> memref<20000x128xf32, #tpu.memory_space<hbm>>
        tpu.enqueue_indirect_dma source(%dma_start3A_180 : memref<20000x128xf32, #tpu.memory_space<hbm>>) target(%arg8 : memref<128x128xf32, #tpu.memory_space<vmem>>) offsets(%dma_start3A_177 : memref<128xi32, #tpu.memory_space<vmem>>) semaphore(%arg10 : memref<!tpu.dma_semaphore, #tpu.memory_space<semaphore_mem>>)
      } else {
      }
      %scan3A_172 = arith.constant 0 : i32
      scf.yield %scan3A_172 : i32
    }
    %scan3A_26 = arith.constant 20 : i32
    %dma_wait3A = arith.constant 39 : i32
    %dma_wait3A_27 = arith.constant 0 : i32
    %dma_wait3A_28 = tpu.memref_slice %arg7[%dma_wait3A, %dma_wait3A_27] : memref<40x128xi32, #tpu.memory_space<vmem>> -> memref<1x128xi32, #tpu.memory_space<vmem>>
    %dma_wait3A_29 = tpu.memref_squeeze %dma_wait3A_28 : memref<1x128xi32, #tpu.memory_space<vmem>> -> memref<128xi32, #tpu.memory_space<vmem>>
    %dma_wait3A_30 = arith.constant 0 : i32
    %dma_wait3A_31 = arith.constant 0 : i32
    %dma_wait3A_32 = tpu.memref_slice %arg14[%dma_wait3A_30, %dma_wait3A_31] : memref<10240x128xf32, #tpu.memory_space<vmem_shared>> -> memref<10240x128xf32, #tpu.memory_space<vmem_shared>>
    tpu.wait_indirect_dma semaphore(%arg13 : memref<!tpu.dma_semaphore, #tpu.memory_space<semaphore_mem>>) src(%arg9 : memref<128x128xf32, #tpu.memory_space<vmem>>) dst(%dma_wait3A_32 : memref<10240x128xf32, #tpu.memory_space<vmem_shared>>)
    %add3A_33 = arith.constant 40 : i32
    %add3A_34 = arith.addi %add3A, %add3A_33 : i32
    "tpu.region"() ({
      %run_scoped3A = tpu.sem_alloc : memref<!tpu.dma_semaphore, #tpu.memory_space<semaphore_mem>>
      %dma_start3A_119 = arith.constant 0 : i32
      %dma_start3A_120 = tpu.memref_slice %arg3[%add3A_34, %dma_start3A_119] : memref<5120x128xi32, #tpu.memory_space<hbm>> -> memref<40x128xi32, #tpu.memory_space<hbm>>
      %dma_start3A_121 = arith.constant 0 : i32
      %dma_start3A_122 = tpu.memref_slice %arg3[%add3A_34, %dma_start3A_121] : memref<5120x128xi32, #tpu.memory_space<hbm>> -> memref<40x128xi32, #tpu.memory_space<hbm>>
      tpu.enqueue_dma source(%dma_start3A_122 : memref<40x128xi32, #tpu.memory_space<hbm>>) target(%arg6 : memref<40x128xi32, #tpu.memory_space<vmem>>) target_semaphore(%run_scoped3A : memref<!tpu.dma_semaphore, #tpu.memory_space<semaphore_mem>>)
      %dma_wait3A_123 = arith.constant 0 : i32
      %dma_wait3A_124 = tpu.memref_slice %arg3[%add3A_34, %dma_wait3A_123] : memref<5120x128xi32, #tpu.memory_space<hbm>> -> memref<40x128xi32, #tpu.memory_space<hbm>>
      %dma_wait3A_125 = arith.constant 0 : i32
      %dma_wait3A_126 = tpu.memref_slice %arg3[%add3A_34, %dma_wait3A_125] : memref<5120x128xi32, #tpu.memory_space<hbm>> -> memref<40x128xi32, #tpu.memory_space<hbm>>
      tpu.wait_dma2 semaphore(%run_scoped3A : memref<!tpu.dma_semaphore, #tpu.memory_space<semaphore_mem>>) src(%dma_wait3A_126 : memref<40x128xi32, #tpu.memory_space<hbm>>) dst(%arg6 : memref<40x128xi32, #tpu.memory_space<vmem>>)
      tpu.yield
    }) : () -> ()
    %add3A_35 = arith.constant 40 : i32
    %add3A_36 = arith.addi %add3A, %add3A_35 : i32
    "tpu.region"() ({
      %run_scoped3A = tpu.sem_alloc : memref<!tpu.dma_semaphore, #tpu.memory_space<semaphore_mem>>
      %dma_start3A_119 = arith.constant 0 : i32
      %dma_start3A_120 = tpu.memref_slice %arg4[%add3A_36, %dma_start3A_119] : memref<5120x128xi32, #tpu.memory_space<hbm>> -> memref<40x128xi32, #tpu.memory_space<hbm>>
      %dma_start3A_121 = arith.constant 0 : i32
      %dma_start3A_122 = tpu.memref_slice %arg4[%add3A_36, %dma_start3A_121] : memref<5120x128xi32, #tpu.memory_space<hbm>> -> memref<40x128xi32, #tpu.memory_space<hbm>>
      tpu.enqueue_dma source(%dma_start3A_122 : memref<40x128xi32, #tpu.memory_space<hbm>>) target(%arg7 : memref<40x128xi32, #tpu.memory_space<vmem>>) target_semaphore(%run_scoped3A : memref<!tpu.dma_semaphore, #tpu.memory_space<semaphore_mem>>)
      %dma_wait3A_123 = arith.constant 0 : i32
      %dma_wait3A_124 = tpu.memref_slice %arg4[%add3A_36, %dma_wait3A_123] : memref<5120x128xi32, #tpu.memory_space<hbm>> -> memref<40x128xi32, #tpu.memory_space<hbm>>
      %dma_wait3A_125 = arith.constant 0 : i32
      %dma_wait3A_126 = tpu.memref_slice %arg4[%add3A_36, %dma_wait3A_125] : memref<5120x128xi32, #tpu.memory_space<hbm>> -> memref<40x128xi32, #tpu.memory_space<hbm>>
      tpu.wait_dma2 semaphore(%run_scoped3A : memref<!tpu.dma_semaphore, #tpu.memory_space<semaphore_mem>>) src(%dma_wait3A_126 : memref<40x128xi32, #tpu.memory_space<hbm>>) dst(%arg7 : memref<40x128xi32, #tpu.memory_space<vmem>>)
      tpu.yield
    }) : () -> ()
    %dma_start3A_37 = arith.constant 0 : i32
    %dma_start3A_38 = arith.constant 0 : i32
    %dma_start3A_39 = tpu.memref_slice %arg6[%dma_start3A_37, %dma_start3A_38] : memref<40x128xi32, #tpu.memory_space<vmem>> -> memref<1x128xi32, #tpu.memory_space<vmem>>
    %dma_start3A_40 = tpu.memref_squeeze %dma_start3A_39 : memref<1x128xi32, #tpu.memory_space<vmem>> -> memref<128xi32, #tpu.memory_space<vmem>>
    %dma_start3A_41 = arith.constant 0 : i32
    %dma_start3A_42 = arith.constant 0 : i32
    %dma_start3A_43 = tpu.memref_slice %arg2[%dma_start3A_41, %dma_start3A_42] : memref<20000x128xf32, #tpu.memory_space<hbm>> -> memref<20000x128xf32, #tpu.memory_space<hbm>>
    tpu.enqueue_indirect_dma source(%dma_start3A_43 : memref<20000x128xf32, #tpu.memory_space<hbm>>) target(%arg8 : memref<128x128xf32, #tpu.memory_space<vmem>>) offsets(%dma_start3A_40 : memref<128xi32, #tpu.memory_space<vmem>>) semaphore(%arg10 : memref<!tpu.dma_semaphore, #tpu.memory_space<semaphore_mem>>)
    %scan3A_44 = arith.constant 0 : i32
    %scan3A_45 = arith.constant 0 : i32
    %scan3A_46 = arith.constant 20 : i32
    %scan3A_47 = arith.addi %scan3A_45, %scan3A_46 : i32
    %scan3A_48 = arith.constant 1 : i32
    %scan3A_49 = scf.for %scan3A_119 = %scan3A_45 to %scan3A_47 step %scan3A_48 iter_args(%scan3A_120 = %scan3A_44) -> (i32)  : i32 {
      %mul3A_121 = arith.constant 2 : i32
      %mul3A_122 = arith.muli %mul3A_121, %scan3A_119 : i32
      %mul3A_123 = arith.constant 2 : i32
      %mul3A_124 = arith.muli %mul3A_123, %scan3A_119 : i32
      %add3A_125 = arith.constant 1 : i32
      %add3A_126 = arith.addi %mul3A_124, %add3A_125 : i32
      %dma_wait3A_127 = arith.constant 0 : i32
      %dma_wait3A_128 = tpu.memref_slice %arg6[%mul3A_122, %dma_wait3A_127] : memref<40x128xi32, #tpu.memory_space<vmem>> -> memref<1x128xi32, #tpu.memory_space<vmem>>
      %dma_wait3A_129 = tpu.memref_squeeze %dma_wait3A_128 : memref<1x128xi32, #tpu.memory_space<vmem>> -> memref<128xi32, #tpu.memory_space<vmem>>
      %dma_wait3A_130 = arith.constant 0 : i32
      %dma_wait3A_131 = arith.constant 0 : i32
      %dma_wait3A_132 = tpu.memref_slice %arg2[%dma_wait3A_130, %dma_wait3A_131] : memref<20000x128xf32, #tpu.memory_space<hbm>> -> memref<20000x128xf32, #tpu.memory_space<hbm>>
      tpu.wait_indirect_dma semaphore(%arg10 : memref<!tpu.dma_semaphore, #tpu.memory_space<semaphore_mem>>) src(%dma_wait3A_132 : memref<20000x128xf32, #tpu.memory_space<hbm>>) dst(%arg8 : memref<128x128xf32, #tpu.memory_space<vmem>>)
      %dma_start3A_133 = arith.constant 0 : i32
      %dma_start3A_134 = tpu.memref_slice %arg7[%mul3A_122, %dma_start3A_133] : memref<40x128xi32, #tpu.memory_space<vmem>> -> memref<1x128xi32, #tpu.memory_space<vmem>>
      %dma_start3A_135 = tpu.memref_squeeze %dma_start3A_134 : memref<1x128xi32, #tpu.memory_space<vmem>> -> memref<128xi32, #tpu.memory_space<vmem>>
      %dma_start3A_136 = arith.constant 0 : i32
      %dma_start3A_137 = arith.constant 0 : i32
      %dma_start3A_138 = tpu.memref_slice %arg14[%dma_start3A_136, %dma_start3A_137] : memref<10240x128xf32, #tpu.memory_space<vmem_shared>> -> memref<10240x128xf32, #tpu.memory_space<vmem_shared>>
      tpu.enqueue_indirect_dma source(%arg8 : memref<128x128xf32, #tpu.memory_space<vmem>>) target(%dma_start3A_138 : memref<10240x128xf32, #tpu.memory_space<vmem_shared>>) offsets(%dma_start3A_135 : memref<128xi32, #tpu.memory_space<vmem>>) semaphore(%arg12 : memref<!tpu.dma_semaphore, #tpu.memory_space<semaphore_mem>>) {add = true}
      %gt3A = arith.constant 0 : i32
      %gt3A_139 = arith.cmpi sgt, %scan3A_119, %gt3A : i32
      %convert_element_type3A_140 = arith.extui %gt3A_139 : i1 to i32
      %cond3A_141 = arith.constant 0 : i32
      %cond3A_142 = arith.cmpi ne, %convert_element_type3A_140, %cond3A_141 : i32
      scf.if %cond3A_142 {
        %sub3A = arith.constant 2 : i32
        %sub3A_173 = arith.subi %add3A_126, %sub3A : i32
        %dma_wait3A_174 = arith.constant 0 : i32
        %dma_wait3A_175 = tpu.memref_slice %arg7[%sub3A_173, %dma_wait3A_174] : memref<40x128xi32, #tpu.memory_space<vmem>> -> memref<1x128xi32, #tpu.memory_space<vmem>>
        %dma_wait3A_176 = tpu.memref_squeeze %dma_wait3A_175 : memref<1x128xi32, #tpu.memory_space<vmem>> -> memref<128xi32, #tpu.memory_space<vmem>>
        %dma_wait3A_177 = arith.constant 0 : i32
        %dma_wait3A_178 = arith.constant 0 : i32
        %dma_wait3A_179 = tpu.memref_slice %arg14[%dma_wait3A_177, %dma_wait3A_178] : memref<10240x128xf32, #tpu.memory_space<vmem_shared>> -> memref<10240x128xf32, #tpu.memory_space<vmem_shared>>
        tpu.wait_indirect_dma semaphore(%arg13 : memref<!tpu.dma_semaphore, #tpu.memory_space<semaphore_mem>>) src(%arg9 : memref<128x128xf32, #tpu.memory_space<vmem>>) dst(%dma_wait3A_179 : memref<10240x128xf32, #tpu.memory_space<vmem_shared>>)
      } else {
      }
      %dma_start3A_143 = arith.constant 0 : i32
      %dma_start3A_144 = tpu.memref_slice %arg6[%add3A_126, %dma_start3A_143] : memref<40x128xi32, #tpu.memory_space<vmem>> -> memref<1x128xi32, #tpu.memory_space<vmem>>
      %dma_start3A_145 = tpu.memref_squeeze %dma_start3A_144 : memref<1x128xi32, #tpu.memory_space<vmem>> -> memref<128xi32, #tpu.memory_space<vmem>>
      %dma_start3A_146 = arith.constant 0 : i32
      %dma_start3A_147 = arith.constant 0 : i32
      %dma_start3A_148 = tpu.memref_slice %arg2[%dma_start3A_146, %dma_start3A_147] : memref<20000x128xf32, #tpu.memory_space<hbm>> -> memref<20000x128xf32, #tpu.memory_space<hbm>>
      tpu.enqueue_indirect_dma source(%dma_start3A_148 : memref<20000x128xf32, #tpu.memory_space<hbm>>) target(%arg9 : memref<128x128xf32, #tpu.memory_space<vmem>>) offsets(%dma_start3A_145 : memref<128xi32, #tpu.memory_space<vmem>>) semaphore(%arg11 : memref<!tpu.dma_semaphore, #tpu.memory_space<semaphore_mem>>)
      %dma_wait3A_149 = arith.constant 0 : i32
      %dma_wait3A_150 = tpu.memref_slice %arg6[%add3A_126, %dma_wait3A_149] : memref<40x128xi32, #tpu.memory_space<vmem>> -> memref<1x128xi32, #tpu.memory_space<vmem>>
      %dma_wait3A_151 = tpu.memref_squeeze %dma_wait3A_150 : memref<1x128xi32, #tpu.memory_space<vmem>> -> memref<128xi32, #tpu.memory_space<vmem>>
      %dma_wait3A_152 = arith.constant 0 : i32
      %dma_wait3A_153 = arith.constant 0 : i32
      %dma_wait3A_154 = tpu.memref_slice %arg2[%dma_wait3A_152, %dma_wait3A_153] : memref<20000x128xf32, #tpu.memory_space<hbm>> -> memref<20000x128xf32, #tpu.memory_space<hbm>>
      tpu.wait_indirect_dma semaphore(%arg11 : memref<!tpu.dma_semaphore, #tpu.memory_space<semaphore_mem>>) src(%dma_wait3A_154 : memref<20000x128xf32, #tpu.memory_space<hbm>>) dst(%arg9 : memref<128x128xf32, #tpu.memory_space<vmem>>)
      %dma_start3A_155 = arith.constant 0 : i32
      %dma_start3A_156 = tpu.memref_slice %arg7[%add3A_126, %dma_start3A_155] : memref<40x128xi32, #tpu.memory_space<vmem>> -> memref<1x128xi32, #tpu.memory_space<vmem>>
      %dma_start3A_157 = tpu.memref_squeeze %dma_start3A_156 : memref<1x128xi32, #tpu.memory_space<vmem>> -> memref<128xi32, #tpu.memory_space<vmem>>
      %dma_start3A_158 = arith.constant 0 : i32
      %dma_start3A_159 = arith.constant 0 : i32
      %dma_start3A_160 = tpu.memref_slice %arg14[%dma_start3A_158, %dma_start3A_159] : memref<10240x128xf32, #tpu.memory_space<vmem_shared>> -> memref<10240x128xf32, #tpu.memory_space<vmem_shared>>
      tpu.enqueue_indirect_dma source(%arg9 : memref<128x128xf32, #tpu.memory_space<vmem>>) target(%dma_start3A_160 : memref<10240x128xf32, #tpu.memory_space<vmem_shared>>) offsets(%dma_start3A_157 : memref<128xi32, #tpu.memory_space<vmem>>) semaphore(%arg13 : memref<!tpu.dma_semaphore, #tpu.memory_space<semaphore_mem>>) {add = true}
      %dma_wait3A_161 = arith.constant 0 : i32
      %dma_wait3A_162 = tpu.memref_slice %arg7[%mul3A_122, %dma_wait3A_161] : memref<40x128xi32, #tpu.memory_space<vmem>> -> memref<1x128xi32, #tpu.memory_space<vmem>>
      %dma_wait3A_163 = tpu.memref_squeeze %dma_wait3A_162 : memref<1x128xi32, #tpu.memory_space<vmem>> -> memref<128xi32, #tpu.memory_space<vmem>>
      %dma_wait3A_164 = arith.constant 0 : i32
      %dma_wait3A_165 = arith.constant 0 : i32
      %dma_wait3A_166 = tpu.memref_slice %arg14[%dma_wait3A_164, %dma_wait3A_165] : memref<10240x128xf32, #tpu.memory_space<vmem_shared>> -> memref<10240x128xf32, #tpu.memory_space<vmem_shared>>
      tpu.wait_indirect_dma semaphore(%arg12 : memref<!tpu.dma_semaphore, #tpu.memory_space<semaphore_mem>>) src(%arg8 : memref<128x128xf32, #tpu.memory_space<vmem>>) dst(%dma_wait3A_166 : memref<10240x128xf32, #tpu.memory_space<vmem_shared>>)
      %lt3A_167 = arith.constant 19 : i32
      %lt3A_168 = arith.cmpi slt, %scan3A_119, %lt3A_167 : i32
      %convert_element_type3A_169 = arith.extui %lt3A_168 : i1 to i32
      %cond3A_170 = arith.constant 0 : i32
      %cond3A_171 = arith.cmpi ne, %convert_element_type3A_169, %cond3A_170 : i32
      scf.if %cond3A_171 {
        %add3A_173 = arith.constant 2 : i32
        %add3A_174 = arith.addi %mul3A_122, %add3A_173 : i32
        %dma_start3A_175 = arith.constant 0 : i32
        %dma_start3A_176 = tpu.memref_slice %arg6[%add3A_174, %dma_start3A_175] : memref<40x128xi32, #tpu.memory_space<vmem>> -> memref<1x128xi32, #tpu.memory_space<vmem>>
        %dma_start3A_177 = tpu.memref_squeeze %dma_start3A_176 : memref<1x128xi32, #tpu.memory_space<vmem>> -> memref<128xi32, #tpu.memory_space<vmem>>
        %dma_start3A_178 = arith.constant 0 : i32
        %dma_start3A_179 = arith.constant 0 : i32
        %dma_start3A_180 = tpu.memref_slice %arg2[%dma_start3A_178, %dma_start3A_179] : memref<20000x128xf32, #tpu.memory_space<hbm>> -> memref<20000x128xf32, #tpu.memory_space<hbm>>
        tpu.enqueue_indirect_dma source(%dma_start3A_180 : memref<20000x128xf32, #tpu.memory_space<hbm>>) target(%arg8 : memref<128x128xf32, #tpu.memory_space<vmem>>) offsets(%dma_start3A_177 : memref<128xi32, #tpu.memory_space<vmem>>) semaphore(%arg10 : memref<!tpu.dma_semaphore, #tpu.memory_space<semaphore_mem>>)
      } else {
      }
      %scan3A_172 = arith.constant 0 : i32
      scf.yield %scan3A_172 : i32
    }
    %scan3A_50 = arith.constant 20 : i32
    %dma_wait3A_51 = arith.constant 39 : i32
    %dma_wait3A_52 = arith.constant 0 : i32
    %dma_wait3A_53 = tpu.memref_slice %arg7[%dma_wait3A_51, %dma_wait3A_52] : memref<40x128xi32, #tpu.memory_space<vmem>> -> memref<1x128xi32, #tpu.memory_space<vmem>>
    %dma_wait3A_54 = tpu.memref_squeeze %dma_wait3A_53 : memref<1x128xi32, #tpu.memory_space<vmem>> -> memref<128xi32, #tpu.memory_space<vmem>>
    %dma_wait3A_55 = arith.constant 0 : i32
    %dma_wait3A_56 = arith.constant 0 : i32
    %dma_wait3A_57 = tpu.memref_slice %arg14[%dma_wait3A_55, %dma_wait3A_56] : memref<10240x128xf32, #tpu.memory_space<vmem_shared>> -> memref<10240x128xf32, #tpu.memory_space<vmem_shared>>
    tpu.wait_indirect_dma semaphore(%arg13 : memref<!tpu.dma_semaphore, #tpu.memory_space<semaphore_mem>>) src(%arg9 : memref<128x128xf32, #tpu.memory_space<vmem>>) dst(%dma_wait3A_57 : memref<10240x128xf32, #tpu.memory_space<vmem_shared>>)
    %add3A_58 = arith.constant 80 : i32
    %add3A_59 = arith.addi %add3A, %add3A_58 : i32
    "tpu.region"() ({
      %run_scoped3A = tpu.sem_alloc : memref<!tpu.dma_semaphore, #tpu.memory_space<semaphore_mem>>
      %dma_start3A_119 = arith.constant 0 : i32
      %dma_start3A_120 = tpu.memref_slice %arg3[%add3A_59, %dma_start3A_119] : memref<5120x128xi32, #tpu.memory_space<hbm>> -> memref<40x128xi32, #tpu.memory_space<hbm>>
      %dma_start3A_121 = arith.constant 0 : i32
      %dma_start3A_122 = tpu.memref_slice %arg3[%add3A_59, %dma_start3A_121] : memref<5120x128xi32, #tpu.memory_space<hbm>> -> memref<40x128xi32, #tpu.memory_space<hbm>>
      tpu.enqueue_dma source(%dma_start3A_122 : memref<40x128xi32, #tpu.memory_space<hbm>>) target(%arg6 : memref<40x128xi32, #tpu.memory_space<vmem>>) target_semaphore(%run_scoped3A : memref<!tpu.dma_semaphore, #tpu.memory_space<semaphore_mem>>)
      %dma_wait3A_123 = arith.constant 0 : i32
      %dma_wait3A_124 = tpu.memref_slice %arg3[%add3A_59, %dma_wait3A_123] : memref<5120x128xi32, #tpu.memory_space<hbm>> -> memref<40x128xi32, #tpu.memory_space<hbm>>
      %dma_wait3A_125 = arith.constant 0 : i32
      %dma_wait3A_126 = tpu.memref_slice %arg3[%add3A_59, %dma_wait3A_125] : memref<5120x128xi32, #tpu.memory_space<hbm>> -> memref<40x128xi32, #tpu.memory_space<hbm>>
      tpu.wait_dma2 semaphore(%run_scoped3A : memref<!tpu.dma_semaphore, #tpu.memory_space<semaphore_mem>>) src(%dma_wait3A_126 : memref<40x128xi32, #tpu.memory_space<hbm>>) dst(%arg6 : memref<40x128xi32, #tpu.memory_space<vmem>>)
      tpu.yield
    }) : () -> ()
    %add3A_60 = arith.constant 80 : i32
    %add3A_61 = arith.addi %add3A, %add3A_60 : i32
    "tpu.region"() ({
      %run_scoped3A = tpu.sem_alloc : memref<!tpu.dma_semaphore, #tpu.memory_space<semaphore_mem>>
      %dma_start3A_119 = arith.constant 0 : i32
      %dma_start3A_120 = tpu.memref_slice %arg4[%add3A_61, %dma_start3A_119] : memref<5120x128xi32, #tpu.memory_space<hbm>> -> memref<40x128xi32, #tpu.memory_space<hbm>>
      %dma_start3A_121 = arith.constant 0 : i32
      %dma_start3A_122 = tpu.memref_slice %arg4[%add3A_61, %dma_start3A_121] : memref<5120x128xi32, #tpu.memory_space<hbm>> -> memref<40x128xi32, #tpu.memory_space<hbm>>
      tpu.enqueue_dma source(%dma_start3A_122 : memref<40x128xi32, #tpu.memory_space<hbm>>) target(%arg7 : memref<40x128xi32, #tpu.memory_space<vmem>>) target_semaphore(%run_scoped3A : memref<!tpu.dma_semaphore, #tpu.memory_space<semaphore_mem>>)
      %dma_wait3A_123 = arith.constant 0 : i32
      %dma_wait3A_124 = tpu.memref_slice %arg4[%add3A_61, %dma_wait3A_123] : memref<5120x128xi32, #tpu.memory_space<hbm>> -> memref<40x128xi32, #tpu.memory_space<hbm>>
      %dma_wait3A_125 = arith.constant 0 : i32
      %dma_wait3A_126 = tpu.memref_slice %arg4[%add3A_61, %dma_wait3A_125] : memref<5120x128xi32, #tpu.memory_space<hbm>> -> memref<40x128xi32, #tpu.memory_space<hbm>>
      tpu.wait_dma2 semaphore(%run_scoped3A : memref<!tpu.dma_semaphore, #tpu.memory_space<semaphore_mem>>) src(%dma_wait3A_126 : memref<40x128xi32, #tpu.memory_space<hbm>>) dst(%arg7 : memref<40x128xi32, #tpu.memory_space<vmem>>)
      tpu.yield
    }) : () -> ()
    %dma_start3A_62 = arith.constant 0 : i32
    %dma_start3A_63 = arith.constant 0 : i32
    %dma_start3A_64 = tpu.memref_slice %arg6[%dma_start3A_62, %dma_start3A_63] : memref<40x128xi32, #tpu.memory_space<vmem>> -> memref<1x128xi32, #tpu.memory_space<vmem>>
    %dma_start3A_65 = tpu.memref_squeeze %dma_start3A_64 : memref<1x128xi32, #tpu.memory_space<vmem>> -> memref<128xi32, #tpu.memory_space<vmem>>
    %dma_start3A_66 = arith.constant 0 : i32
    %dma_start3A_67 = arith.constant 0 : i32
    %dma_start3A_68 = tpu.memref_slice %arg2[%dma_start3A_66, %dma_start3A_67] : memref<20000x128xf32, #tpu.memory_space<hbm>> -> memref<20000x128xf32, #tpu.memory_space<hbm>>
    tpu.enqueue_indirect_dma source(%dma_start3A_68 : memref<20000x128xf32, #tpu.memory_space<hbm>>) target(%arg8 : memref<128x128xf32, #tpu.memory_space<vmem>>) offsets(%dma_start3A_65 : memref<128xi32, #tpu.memory_space<vmem>>) semaphore(%arg10 : memref<!tpu.dma_semaphore, #tpu.memory_space<semaphore_mem>>)
    %scan3A_69 = arith.constant 0 : i32
    %scan3A_70 = arith.constant 0 : i32
    %scan3A_71 = arith.constant 20 : i32
    %scan3A_72 = arith.addi %scan3A_70, %scan3A_71 : i32
    %scan3A_73 = arith.constant 1 : i32
    %scan3A_74 = scf.for %scan3A_119 = %scan3A_70 to %scan3A_72 step %scan3A_73 iter_args(%scan3A_120 = %scan3A_69) -> (i32)  : i32 {
      %mul3A_121 = arith.constant 2 : i32
      %mul3A_122 = arith.muli %mul3A_121, %scan3A_119 : i32
      %mul3A_123 = arith.constant 2 : i32
      %mul3A_124 = arith.muli %mul3A_123, %scan3A_119 : i32
      %add3A_125 = arith.constant 1 : i32
      %add3A_126 = arith.addi %mul3A_124, %add3A_125 : i32
      %dma_wait3A_127 = arith.constant 0 : i32
      %dma_wait3A_128 = tpu.memref_slice %arg6[%mul3A_122, %dma_wait3A_127] : memref<40x128xi32, #tpu.memory_space<vmem>> -> memref<1x128xi32, #tpu.memory_space<vmem>>
      %dma_wait3A_129 = tpu.memref_squeeze %dma_wait3A_128 : memref<1x128xi32, #tpu.memory_space<vmem>> -> memref<128xi32, #tpu.memory_space<vmem>>
      %dma_wait3A_130 = arith.constant 0 : i32
      %dma_wait3A_131 = arith.constant 0 : i32
      %dma_wait3A_132 = tpu.memref_slice %arg2[%dma_wait3A_130, %dma_wait3A_131] : memref<20000x128xf32, #tpu.memory_space<hbm>> -> memref<20000x128xf32, #tpu.memory_space<hbm>>
      tpu.wait_indirect_dma semaphore(%arg10 : memref<!tpu.dma_semaphore, #tpu.memory_space<semaphore_mem>>) src(%dma_wait3A_132 : memref<20000x128xf32, #tpu.memory_space<hbm>>) dst(%arg8 : memref<128x128xf32, #tpu.memory_space<vmem>>)
      %dma_start3A_133 = arith.constant 0 : i32
      %dma_start3A_134 = tpu.memref_slice %arg7[%mul3A_122, %dma_start3A_133] : memref<40x128xi32, #tpu.memory_space<vmem>> -> memref<1x128xi32, #tpu.memory_space<vmem>>
      %dma_start3A_135 = tpu.memref_squeeze %dma_start3A_134 : memref<1x128xi32, #tpu.memory_space<vmem>> -> memref<128xi32, #tpu.memory_space<vmem>>
      %dma_start3A_136 = arith.constant 0 : i32
      %dma_start3A_137 = arith.constant 0 : i32
      %dma_start3A_138 = tpu.memref_slice %arg14[%dma_start3A_136, %dma_start3A_137] : memref<10240x128xf32, #tpu.memory_space<vmem_shared>> -> memref<10240x128xf32, #tpu.memory_space<vmem_shared>>
      tpu.enqueue_indirect_dma source(%arg8 : memref<128x128xf32, #tpu.memory_space<vmem>>) target(%dma_start3A_138 : memref<10240x128xf32, #tpu.memory_space<vmem_shared>>) offsets(%dma_start3A_135 : memref<128xi32, #tpu.memory_space<vmem>>) semaphore(%arg12 : memref<!tpu.dma_semaphore, #tpu.memory_space<semaphore_mem>>) {add = true}
      %gt3A = arith.constant 0 : i32
      %gt3A_139 = arith.cmpi sgt, %scan3A_119, %gt3A : i32
      %convert_element_type3A_140 = arith.extui %gt3A_139 : i1 to i32
      %cond3A_141 = arith.constant 0 : i32
      %cond3A_142 = arith.cmpi ne, %convert_element_type3A_140, %cond3A_141 : i32
      scf.if %cond3A_142 {
        %sub3A = arith.constant 2 : i32
        %sub3A_173 = arith.subi %add3A_126, %sub3A : i32
        %dma_wait3A_174 = arith.constant 0 : i32
        %dma_wait3A_175 = tpu.memref_slice %arg7[%sub3A_173, %dma_wait3A_174] : memref<40x128xi32, #tpu.memory_space<vmem>> -> memref<1x128xi32, #tpu.memory_space<vmem>>
        %dma_wait3A_176 = tpu.memref_squeeze %dma_wait3A_175 : memref<1x128xi32, #tpu.memory_space<vmem>> -> memref<128xi32, #tpu.memory_space<vmem>>
        %dma_wait3A_177 = arith.constant 0 : i32
        %dma_wait3A_178 = arith.constant 0 : i32
        %dma_wait3A_179 = tpu.memref_slice %arg14[%dma_wait3A_177, %dma_wait3A_178] : memref<10240x128xf32, #tpu.memory_space<vmem_shared>> -> memref<10240x128xf32, #tpu.memory_space<vmem_shared>>
        tpu.wait_indirect_dma semaphore(%arg13 : memref<!tpu.dma_semaphore, #tpu.memory_space<semaphore_mem>>) src(%arg9 : memref<128x128xf32, #tpu.memory_space<vmem>>) dst(%dma_wait3A_179 : memref<10240x128xf32, #tpu.memory_space<vmem_shared>>)
      } else {
      }
      %dma_start3A_143 = arith.constant 0 : i32
      %dma_start3A_144 = tpu.memref_slice %arg6[%add3A_126, %dma_start3A_143] : memref<40x128xi32, #tpu.memory_space<vmem>> -> memref<1x128xi32, #tpu.memory_space<vmem>>
      %dma_start3A_145 = tpu.memref_squeeze %dma_start3A_144 : memref<1x128xi32, #tpu.memory_space<vmem>> -> memref<128xi32, #tpu.memory_space<vmem>>
      %dma_start3A_146 = arith.constant 0 : i32
      %dma_start3A_147 = arith.constant 0 : i32
      %dma_start3A_148 = tpu.memref_slice %arg2[%dma_start3A_146, %dma_start3A_147] : memref<20000x128xf32, #tpu.memory_space<hbm>> -> memref<20000x128xf32, #tpu.memory_space<hbm>>
      tpu.enqueue_indirect_dma source(%dma_start3A_148 : memref<20000x128xf32, #tpu.memory_space<hbm>>) target(%arg9 : memref<128x128xf32, #tpu.memory_space<vmem>>) offsets(%dma_start3A_145 : memref<128xi32, #tpu.memory_space<vmem>>) semaphore(%arg11 : memref<!tpu.dma_semaphore, #tpu.memory_space<semaphore_mem>>)
      %dma_wait3A_149 = arith.constant 0 : i32
      %dma_wait3A_150 = tpu.memref_slice %arg6[%add3A_126, %dma_wait3A_149] : memref<40x128xi32, #tpu.memory_space<vmem>> -> memref<1x128xi32, #tpu.memory_space<vmem>>
      %dma_wait3A_151 = tpu.memref_squeeze %dma_wait3A_150 : memref<1x128xi32, #tpu.memory_space<vmem>> -> memref<128xi32, #tpu.memory_space<vmem>>
      %dma_wait3A_152 = arith.constant 0 : i32
      %dma_wait3A_153 = arith.constant 0 : i32
      %dma_wait3A_154 = tpu.memref_slice %arg2[%dma_wait3A_152, %dma_wait3A_153] : memref<20000x128xf32, #tpu.memory_space<hbm>> -> memref<20000x128xf32, #tpu.memory_space<hbm>>
      tpu.wait_indirect_dma semaphore(%arg11 : memref<!tpu.dma_semaphore, #tpu.memory_space<semaphore_mem>>) src(%dma_wait3A_154 : memref<20000x128xf32, #tpu.memory_space<hbm>>) dst(%arg9 : memref<128x128xf32, #tpu.memory_space<vmem>>)
      %dma_start3A_155 = arith.constant 0 : i32
      %dma_start3A_156 = tpu.memref_slice %arg7[%add3A_126, %dma_start3A_155] : memref<40x128xi32, #tpu.memory_space<vmem>> -> memref<1x128xi32, #tpu.memory_space<vmem>>
      %dma_start3A_157 = tpu.memref_squeeze %dma_start3A_156 : memref<1x128xi32, #tpu.memory_space<vmem>> -> memref<128xi32, #tpu.memory_space<vmem>>
      %dma_start3A_158 = arith.constant 0 : i32
      %dma_start3A_159 = arith.constant 0 : i32
      %dma_start3A_160 = tpu.memref_slice %arg14[%dma_start3A_158, %dma_start3A_159] : memref<10240x128xf32, #tpu.memory_space<vmem_shared>> -> memref<10240x128xf32, #tpu.memory_space<vmem_shared>>
      tpu.enqueue_indirect_dma source(%arg9 : memref<128x128xf32, #tpu.memory_space<vmem>>) target(%dma_start3A_160 : memref<10240x128xf32, #tpu.memory_space<vmem_shared>>) offsets(%dma_start3A_157 : memref<128xi32, #tpu.memory_space<vmem>>) semaphore(%arg13 : memref<!tpu.dma_semaphore, #tpu.memory_space<semaphore_mem>>) {add = true}
      %dma_wait3A_161 = arith.constant 0 : i32
      %dma_wait3A_162 = tpu.memref_slice %arg7[%mul3A_122, %dma_wait3A_161] : memref<40x128xi32, #tpu.memory_space<vmem>> -> memref<1x128xi32, #tpu.memory_space<vmem>>
      %dma_wait3A_163 = tpu.memref_squeeze %dma_wait3A_162 : memref<1x128xi32, #tpu.memory_space<vmem>> -> memref<128xi32, #tpu.memory_space<vmem>>
      %dma_wait3A_164 = arith.constant 0 : i32
      %dma_wait3A_165 = arith.constant 0 : i32
      %dma_wait3A_166 = tpu.memref_slice %arg14[%dma_wait3A_164, %dma_wait3A_165] : memref<10240x128xf32, #tpu.memory_space<vmem_shared>> -> memref<10240x128xf32, #tpu.memory_space<vmem_shared>>
      tpu.wait_indirect_dma semaphore(%arg12 : memref<!tpu.dma_semaphore, #tpu.memory_space<semaphore_mem>>) src(%arg8 : memref<128x128xf32, #tpu.memory_space<vmem>>) dst(%dma_wait3A_166 : memref<10240x128xf32, #tpu.memory_space<vmem_shared>>)
      %lt3A_167 = arith.constant 19 : i32
      %lt3A_168 = arith.cmpi slt, %scan3A_119, %lt3A_167 : i32
      %convert_element_type3A_169 = arith.extui %lt3A_168 : i1 to i32
      %cond3A_170 = arith.constant 0 : i32
      %cond3A_171 = arith.cmpi ne, %convert_element_type3A_169, %cond3A_170 : i32
      scf.if %cond3A_171 {
        %add3A_173 = arith.constant 2 : i32
        %add3A_174 = arith.addi %mul3A_122, %add3A_173 : i32
        %dma_start3A_175 = arith.constant 0 : i32
        %dma_start3A_176 = tpu.memref_slice %arg6[%add3A_174, %dma_start3A_175] : memref<40x128xi32, #tpu.memory_space<vmem>> -> memref<1x128xi32, #tpu.memory_space<vmem>>
        %dma_start3A_177 = tpu.memref_squeeze %dma_start3A_176 : memref<1x128xi32, #tpu.memory_space<vmem>> -> memref<128xi32, #tpu.memory_space<vmem>>
        %dma_start3A_178 = arith.constant 0 : i32
        %dma_start3A_179 = arith.constant 0 : i32
        %dma_start3A_180 = tpu.memref_slice %arg2[%dma_start3A_178, %dma_start3A_179] : memref<20000x128xf32, #tpu.memory_space<hbm>> -> memref<20000x128xf32, #tpu.memory_space<hbm>>
        tpu.enqueue_indirect_dma source(%dma_start3A_180 : memref<20000x128xf32, #tpu.memory_space<hbm>>) target(%arg8 : memref<128x128xf32, #tpu.memory_space<vmem>>) offsets(%dma_start3A_177 : memref<128xi32, #tpu.memory_space<vmem>>) semaphore(%arg10 : memref<!tpu.dma_semaphore, #tpu.memory_space<semaphore_mem>>)
      } else {
      }
      %scan3A_172 = arith.constant 0 : i32
      scf.yield %scan3A_172 : i32
    }
    %scan3A_75 = arith.constant 20 : i32
    %dma_wait3A_76 = arith.constant 39 : i32
    %dma_wait3A_77 = arith.constant 0 : i32
    %dma_wait3A_78 = tpu.memref_slice %arg7[%dma_wait3A_76, %dma_wait3A_77] : memref<40x128xi32, #tpu.memory_space<vmem>> -> memref<1x128xi32, #tpu.memory_space<vmem>>
    %dma_wait3A_79 = tpu.memref_squeeze %dma_wait3A_78 : memref<1x128xi32, #tpu.memory_space<vmem>> -> memref<128xi32, #tpu.memory_space<vmem>>
    %dma_wait3A_80 = arith.constant 0 : i32
    %dma_wait3A_81 = arith.constant 0 : i32
    %dma_wait3A_82 = tpu.memref_slice %arg14[%dma_wait3A_80, %dma_wait3A_81] : memref<10240x128xf32, #tpu.memory_space<vmem_shared>> -> memref<10240x128xf32, #tpu.memory_space<vmem_shared>>
    tpu.wait_indirect_dma semaphore(%arg13 : memref<!tpu.dma_semaphore, #tpu.memory_space<semaphore_mem>>) src(%arg9 : memref<128x128xf32, #tpu.memory_space<vmem>>) dst(%dma_wait3A_82 : memref<10240x128xf32, #tpu.memory_space<vmem_shared>>)
    %add3A_83 = arith.constant 120 : i32
    %add3A_84 = arith.addi %add3A, %add3A_83 : i32
    "tpu.region"() ({
      %run_scoped3A = tpu.sem_alloc : memref<!tpu.dma_semaphore, #tpu.memory_space<semaphore_mem>>
      %dma_start3A_119 = arith.constant 0 : i32
      %dma_start3A_120 = tpu.memref_slice %arg3[%add3A_84, %dma_start3A_119] : memref<5120x128xi32, #tpu.memory_space<hbm>> -> memref<40x128xi32, #tpu.memory_space<hbm>>
      %dma_start3A_121 = arith.constant 0 : i32
      %dma_start3A_122 = tpu.memref_slice %arg3[%add3A_84, %dma_start3A_121] : memref<5120x128xi32, #tpu.memory_space<hbm>> -> memref<40x128xi32, #tpu.memory_space<hbm>>
      tpu.enqueue_dma source(%dma_start3A_122 : memref<40x128xi32, #tpu.memory_space<hbm>>) target(%arg6 : memref<40x128xi32, #tpu.memory_space<vmem>>) target_semaphore(%run_scoped3A : memref<!tpu.dma_semaphore, #tpu.memory_space<semaphore_mem>>)
      %dma_wait3A_123 = arith.constant 0 : i32
      %dma_wait3A_124 = tpu.memref_slice %arg3[%add3A_84, %dma_wait3A_123] : memref<5120x128xi32, #tpu.memory_space<hbm>> -> memref<40x128xi32, #tpu.memory_space<hbm>>
      %dma_wait3A_125 = arith.constant 0 : i32
      %dma_wait3A_126 = tpu.memref_slice %arg3[%add3A_84, %dma_wait3A_125] : memref<5120x128xi32, #tpu.memory_space<hbm>> -> memref<40x128xi32, #tpu.memory_space<hbm>>
      tpu.wait_dma2 semaphore(%run_scoped3A : memref<!tpu.dma_semaphore, #tpu.memory_space<semaphore_mem>>) src(%dma_wait3A_126 : memref<40x128xi32, #tpu.memory_space<hbm>>) dst(%arg6 : memref<40x128xi32, #tpu.memory_space<vmem>>)
      tpu.yield
    }) : () -> ()
    %add3A_85 = arith.constant 120 : i32
    %add3A_86 = arith.addi %add3A, %add3A_85 : i32
    "tpu.region"() ({
      %run_scoped3A = tpu.sem_alloc : memref<!tpu.dma_semaphore, #tpu.memory_space<semaphore_mem>>
      %dma_start3A_119 = arith.constant 0 : i32
      %dma_start3A_120 = tpu.memref_slice %arg4[%add3A_86, %dma_start3A_119] : memref<5120x128xi32, #tpu.memory_space<hbm>> -> memref<40x128xi32, #tpu.memory_space<hbm>>
      %dma_start3A_121 = arith.constant 0 : i32
      %dma_start3A_122 = tpu.memref_slice %arg4[%add3A_86, %dma_start3A_121] : memref<5120x128xi32, #tpu.memory_space<hbm>> -> memref<40x128xi32, #tpu.memory_space<hbm>>
      tpu.enqueue_dma source(%dma_start3A_122 : memref<40x128xi32, #tpu.memory_space<hbm>>) target(%arg7 : memref<40x128xi32, #tpu.memory_space<vmem>>) target_semaphore(%run_scoped3A : memref<!tpu.dma_semaphore, #tpu.memory_space<semaphore_mem>>)
      %dma_wait3A_123 = arith.constant 0 : i32
      %dma_wait3A_124 = tpu.memref_slice %arg4[%add3A_86, %dma_wait3A_123] : memref<5120x128xi32, #tpu.memory_space<hbm>> -> memref<40x128xi32, #tpu.memory_space<hbm>>
      %dma_wait3A_125 = arith.constant 0 : i32
      %dma_wait3A_126 = tpu.memref_slice %arg4[%add3A_86, %dma_wait3A_125] : memref<5120x128xi32, #tpu.memory_space<hbm>> -> memref<40x128xi32, #tpu.memory_space<hbm>>
      tpu.wait_dma2 semaphore(%run_scoped3A : memref<!tpu.dma_semaphore, #tpu.memory_space<semaphore_mem>>) src(%dma_wait3A_126 : memref<40x128xi32, #tpu.memory_space<hbm>>) dst(%arg7 : memref<40x128xi32, #tpu.memory_space<vmem>>)
      tpu.yield
    }) : () -> ()
    %dma_start3A_87 = arith.constant 0 : i32
    %dma_start3A_88 = arith.constant 0 : i32
    %dma_start3A_89 = tpu.memref_slice %arg6[%dma_start3A_87, %dma_start3A_88] : memref<40x128xi32, #tpu.memory_space<vmem>> -> memref<1x128xi32, #tpu.memory_space<vmem>>
    %dma_start3A_90 = tpu.memref_squeeze %dma_start3A_89 : memref<1x128xi32, #tpu.memory_space<vmem>> -> memref<128xi32, #tpu.memory_space<vmem>>
    %dma_start3A_91 = arith.constant 0 : i32
    %dma_start3A_92 = arith.constant 0 : i32
    %dma_start3A_93 = tpu.memref_slice %arg2[%dma_start3A_91, %dma_start3A_92] : memref<20000x128xf32, #tpu.memory_space<hbm>> -> memref<20000x128xf32, #tpu.memory_space<hbm>>
    tpu.enqueue_indirect_dma source(%dma_start3A_93 : memref<20000x128xf32, #tpu.memory_space<hbm>>) target(%arg8 : memref<128x128xf32, #tpu.memory_space<vmem>>) offsets(%dma_start3A_90 : memref<128xi32, #tpu.memory_space<vmem>>) semaphore(%arg10 : memref<!tpu.dma_semaphore, #tpu.memory_space<semaphore_mem>>)
    %scan3A_94 = arith.constant 0 : i32
    %scan3A_95 = arith.constant 0 : i32
    %scan3A_96 = arith.constant 20 : i32
    %scan3A_97 = arith.addi %scan3A_95, %scan3A_96 : i32
    %scan3A_98 = arith.constant 1 : i32
    %scan3A_99 = scf.for %scan3A_119 = %scan3A_95 to %scan3A_97 step %scan3A_98 iter_args(%scan3A_120 = %scan3A_94) -> (i32)  : i32 {
      %mul3A_121 = arith.constant 2 : i32
      %mul3A_122 = arith.muli %mul3A_121, %scan3A_119 : i32
      %mul3A_123 = arith.constant 2 : i32
      %mul3A_124 = arith.muli %mul3A_123, %scan3A_119 : i32
      %add3A_125 = arith.constant 1 : i32
      %add3A_126 = arith.addi %mul3A_124, %add3A_125 : i32
      %dma_wait3A_127 = arith.constant 0 : i32
      %dma_wait3A_128 = tpu.memref_slice %arg6[%mul3A_122, %dma_wait3A_127] : memref<40x128xi32, #tpu.memory_space<vmem>> -> memref<1x128xi32, #tpu.memory_space<vmem>>
      %dma_wait3A_129 = tpu.memref_squeeze %dma_wait3A_128 : memref<1x128xi32, #tpu.memory_space<vmem>> -> memref<128xi32, #tpu.memory_space<vmem>>
      %dma_wait3A_130 = arith.constant 0 : i32
      %dma_wait3A_131 = arith.constant 0 : i32
      %dma_wait3A_132 = tpu.memref_slice %arg2[%dma_wait3A_130, %dma_wait3A_131] : memref<20000x128xf32, #tpu.memory_space<hbm>> -> memref<20000x128xf32, #tpu.memory_space<hbm>>
      tpu.wait_indirect_dma semaphore(%arg10 : memref<!tpu.dma_semaphore, #tpu.memory_space<semaphore_mem>>) src(%dma_wait3A_132 : memref<20000x128xf32, #tpu.memory_space<hbm>>) dst(%arg8 : memref<128x128xf32, #tpu.memory_space<vmem>>)
      %dma_start3A_133 = arith.constant 0 : i32
      %dma_start3A_134 = tpu.memref_slice %arg7[%mul3A_122, %dma_start3A_133] : memref<40x128xi32, #tpu.memory_space<vmem>> -> memref<1x128xi32, #tpu.memory_space<vmem>>
      %dma_start3A_135 = tpu.memref_squeeze %dma_start3A_134 : memref<1x128xi32, #tpu.memory_space<vmem>> -> memref<128xi32, #tpu.memory_space<vmem>>
      %dma_start3A_136 = arith.constant 0 : i32
      %dma_start3A_137 = arith.constant 0 : i32
      %dma_start3A_138 = tpu.memref_slice %arg14[%dma_start3A_136, %dma_start3A_137] : memref<10240x128xf32, #tpu.memory_space<vmem_shared>> -> memref<10240x128xf32, #tpu.memory_space<vmem_shared>>
      tpu.enqueue_indirect_dma source(%arg8 : memref<128x128xf32, #tpu.memory_space<vmem>>) target(%dma_start3A_138 : memref<10240x128xf32, #tpu.memory_space<vmem_shared>>) offsets(%dma_start3A_135 : memref<128xi32, #tpu.memory_space<vmem>>) semaphore(%arg12 : memref<!tpu.dma_semaphore, #tpu.memory_space<semaphore_mem>>) {add = true}
      %gt3A = arith.constant 0 : i32
      %gt3A_139 = arith.cmpi sgt, %scan3A_119, %gt3A : i32
      %convert_element_type3A_140 = arith.extui %gt3A_139 : i1 to i32
      %cond3A_141 = arith.constant 0 : i32
      %cond3A_142 = arith.cmpi ne, %convert_element_type3A_140, %cond3A_141 : i32
      scf.if %cond3A_142 {
        %sub3A = arith.constant 2 : i32
        %sub3A_173 = arith.subi %add3A_126, %sub3A : i32
        %dma_wait3A_174 = arith.constant 0 : i32
        %dma_wait3A_175 = tpu.memref_slice %arg7[%sub3A_173, %dma_wait3A_174] : memref<40x128xi32, #tpu.memory_space<vmem>> -> memref<1x128xi32, #tpu.memory_space<vmem>>
        %dma_wait3A_176 = tpu.memref_squeeze %dma_wait3A_175 : memref<1x128xi32, #tpu.memory_space<vmem>> -> memref<128xi32, #tpu.memory_space<vmem>>
        %dma_wait3A_177 = arith.constant 0 : i32
        %dma_wait3A_178 = arith.constant 0 : i32
        %dma_wait3A_179 = tpu.memref_slice %arg14[%dma_wait3A_177, %dma_wait3A_178] : memref<10240x128xf32, #tpu.memory_space<vmem_shared>> -> memref<10240x128xf32, #tpu.memory_space<vmem_shared>>
        tpu.wait_indirect_dma semaphore(%arg13 : memref<!tpu.dma_semaphore, #tpu.memory_space<semaphore_mem>>) src(%arg9 : memref<128x128xf32, #tpu.memory_space<vmem>>) dst(%dma_wait3A_179 : memref<10240x128xf32, #tpu.memory_space<vmem_shared>>)
      } else {
      }
      %dma_start3A_143 = arith.constant 0 : i32
      %dma_start3A_144 = tpu.memref_slice %arg6[%add3A_126, %dma_start3A_143] : memref<40x128xi32, #tpu.memory_space<vmem>> -> memref<1x128xi32, #tpu.memory_space<vmem>>
      %dma_start3A_145 = tpu.memref_squeeze %dma_start3A_144 : memref<1x128xi32, #tpu.memory_space<vmem>> -> memref<128xi32, #tpu.memory_space<vmem>>
      %dma_start3A_146 = arith.constant 0 : i32
      %dma_start3A_147 = arith.constant 0 : i32
      %dma_start3A_148 = tpu.memref_slice %arg2[%dma_start3A_146, %dma_start3A_147] : memref<20000x128xf32, #tpu.memory_space<hbm>> -> memref<20000x128xf32, #tpu.memory_space<hbm>>
      tpu.enqueue_indirect_dma source(%dma_start3A_148 : memref<20000x128xf32, #tpu.memory_space<hbm>>) target(%arg9 : memref<128x128xf32, #tpu.memory_space<vmem>>) offsets(%dma_start3A_145 : memref<128xi32, #tpu.memory_space<vmem>>) semaphore(%arg11 : memref<!tpu.dma_semaphore, #tpu.memory_space<semaphore_mem>>)
      %dma_wait3A_149 = arith.constant 0 : i32
      %dma_wait3A_150 = tpu.memref_slice %arg6[%add3A_126, %dma_wait3A_149] : memref<40x128xi32, #tpu.memory_space<vmem>> -> memref<1x128xi32, #tpu.memory_space<vmem>>
      %dma_wait3A_151 = tpu.memref_squeeze %dma_wait3A_150 : memref<1x128xi32, #tpu.memory_space<vmem>> -> memref<128xi32, #tpu.memory_space<vmem>>
      %dma_wait3A_152 = arith.constant 0 : i32
      %dma_wait3A_153 = arith.constant 0 : i32
      %dma_wait3A_154 = tpu.memref_slice %arg2[%dma_wait3A_152, %dma_wait3A_153] : memref<20000x128xf32, #tpu.memory_space<hbm>> -> memref<20000x128xf32, #tpu.memory_space<hbm>>
      tpu.wait_indirect_dma semaphore(%arg11 : memref<!tpu.dma_semaphore, #tpu.memory_space<semaphore_mem>>) src(%dma_wait3A_154 : memref<20000x128xf32, #tpu.memory_space<hbm>>) dst(%arg9 : memref<128x128xf32, #tpu.memory_space<vmem>>)
      %dma_start3A_155 = arith.constant 0 : i32
      %dma_start3A_156 = tpu.memref_slice %arg7[%add3A_126, %dma_start3A_155] : memref<40x128xi32, #tpu.memory_space<vmem>> -> memref<1x128xi32, #tpu.memory_space<vmem>>
      %dma_start3A_157 = tpu.memref_squeeze %dma_start3A_156 : memref<1x128xi32, #tpu.memory_space<vmem>> -> memref<128xi32, #tpu.memory_space<vmem>>
      %dma_start3A_158 = arith.constant 0 : i32
      %dma_start3A_159 = arith.constant 0 : i32
      %dma_start3A_160 = tpu.memref_slice %arg14[%dma_start3A_158, %dma_start3A_159] : memref<10240x128xf32, #tpu.memory_space<vmem_shared>> -> memref<10240x128xf32, #tpu.memory_space<vmem_shared>>
      tpu.enqueue_indirect_dma source(%arg9 : memref<128x128xf32, #tpu.memory_space<vmem>>) target(%dma_start3A_160 : memref<10240x128xf32, #tpu.memory_space<vmem_shared>>) offsets(%dma_start3A_157 : memref<128xi32, #tpu.memory_space<vmem>>) semaphore(%arg13 : memref<!tpu.dma_semaphore, #tpu.memory_space<semaphore_mem>>) {add = true}
      %dma_wait3A_161 = arith.constant 0 : i32
      %dma_wait3A_162 = tpu.memref_slice %arg7[%mul3A_122, %dma_wait3A_161] : memref<40x128xi32, #tpu.memory_space<vmem>> -> memref<1x128xi32, #tpu.memory_space<vmem>>
      %dma_wait3A_163 = tpu.memref_squeeze %dma_wait3A_162 : memref<1x128xi32, #tpu.memory_space<vmem>> -> memref<128xi32, #tpu.memory_space<vmem>>
      %dma_wait3A_164 = arith.constant 0 : i32
      %dma_wait3A_165 = arith.constant 0 : i32
      %dma_wait3A_166 = tpu.memref_slice %arg14[%dma_wait3A_164, %dma_wait3A_165] : memref<10240x128xf32, #tpu.memory_space<vmem_shared>> -> memref<10240x128xf32, #tpu.memory_space<vmem_shared>>
      tpu.wait_indirect_dma semaphore(%arg12 : memref<!tpu.dma_semaphore, #tpu.memory_space<semaphore_mem>>) src(%arg8 : memref<128x128xf32, #tpu.memory_space<vmem>>) dst(%dma_wait3A_166 : memref<10240x128xf32, #tpu.memory_space<vmem_shared>>)
      %lt3A_167 = arith.constant 19 : i32
      %lt3A_168 = arith.cmpi slt, %scan3A_119, %lt3A_167 : i32
      %convert_element_type3A_169 = arith.extui %lt3A_168 : i1 to i32
      %cond3A_170 = arith.constant 0 : i32
      %cond3A_171 = arith.cmpi ne, %convert_element_type3A_169, %cond3A_170 : i32
      scf.if %cond3A_171 {
        %add3A_173 = arith.constant 2 : i32
        %add3A_174 = arith.addi %mul3A_122, %add3A_173 : i32
        %dma_start3A_175 = arith.constant 0 : i32
        %dma_start3A_176 = tpu.memref_slice %arg6[%add3A_174, %dma_start3A_175] : memref<40x128xi32, #tpu.memory_space<vmem>> -> memref<1x128xi32, #tpu.memory_space<vmem>>
        %dma_start3A_177 = tpu.memref_squeeze %dma_start3A_176 : memref<1x128xi32, #tpu.memory_space<vmem>> -> memref<128xi32, #tpu.memory_space<vmem>>
        %dma_start3A_178 = arith.constant 0 : i32
        %dma_start3A_179 = arith.constant 0 : i32
        %dma_start3A_180 = tpu.memref_slice %arg2[%dma_start3A_178, %dma_start3A_179] : memref<20000x128xf32, #tpu.memory_space<hbm>> -> memref<20000x128xf32, #tpu.memory_space<hbm>>
        tpu.enqueue_indirect_dma source(%dma_start3A_180 : memref<20000x128xf32, #tpu.memory_space<hbm>>) target(%arg8 : memref<128x128xf32, #tpu.memory_space<vmem>>) offsets(%dma_start3A_177 : memref<128xi32, #tpu.memory_space<vmem>>) semaphore(%arg10 : memref<!tpu.dma_semaphore, #tpu.memory_space<semaphore_mem>>)
      } else {
      }
      %scan3A_172 = arith.constant 0 : i32
      scf.yield %scan3A_172 : i32
    }
    %scan3A_100 = arith.constant 20 : i32
    %dma_wait3A_101 = arith.constant 39 : i32
    %dma_wait3A_102 = arith.constant 0 : i32
    %dma_wait3A_103 = tpu.memref_slice %arg7[%dma_wait3A_101, %dma_wait3A_102] : memref<40x128xi32, #tpu.memory_space<vmem>> -> memref<1x128xi32, #tpu.memory_space<vmem>>
    %dma_wait3A_104 = tpu.memref_squeeze %dma_wait3A_103 : memref<1x128xi32, #tpu.memory_space<vmem>> -> memref<128xi32, #tpu.memory_space<vmem>>
    %dma_wait3A_105 = arith.constant 0 : i32
    %dma_wait3A_106 = arith.constant 0 : i32
    %dma_wait3A_107 = tpu.memref_slice %arg14[%dma_wait3A_105, %dma_wait3A_106] : memref<10240x128xf32, #tpu.memory_space<vmem_shared>> -> memref<10240x128xf32, #tpu.memory_space<vmem_shared>>
    tpu.wait_indirect_dma semaphore(%arg13 : memref<!tpu.dma_semaphore, #tpu.memory_space<semaphore_mem>>) src(%arg9 : memref<128x128xf32, #tpu.memory_space<vmem>>) dst(%dma_wait3A_107 : memref<10240x128xf32, #tpu.memory_space<vmem_shared>>)
    %barrier3A_108 = arith.constant 0 : index
    tpu.barrier barrier_id(%barrier3A_108)
    %lt3A_109 = arith.constant 15 : i32
    %lt3A_110 = arith.cmpi slt, %arg1, %lt3A_109 : i32
    %convert_element_type3A_111 = arith.extui %lt3A_110 : i1 to i32
    %cond3A_112 = arith.constant 0 : i32
    %cond3A_113 = arith.cmpi ne, %convert_element_type3A_111, %cond3A_112 : i32
    scf.if %cond3A_113 {
      %mul3A_119 = arith.constant 10240 : i32
      %mul3A_120 = arith.muli %arg0, %mul3A_119 : i32
      %add3A_121 = arith.addi %mul3A_120, %mul3A_0 : i32
      "tpu.region"() ({
        %run_scoped3A = tpu.sem_alloc : memref<!tpu.dma_semaphore, #tpu.memory_space<semaphore_mem>>
        %dma_start3A_122 = arith.constant 0 : i32
        %dma_start3A_123 = tpu.memref_slice %arg5[%add3A_121, %dma_start3A_122] : memref<20480x128xf32, #tpu.memory_space<hbm>> -> memref<640x128xf32, #tpu.memory_space<hbm>>
        %dma_start3A_124 = arith.constant 0 : i32
        %dma_start3A_125 = tpu.memref_slice %arg14[%mul3A_0, %dma_start3A_124] : memref<10240x128xf32, #tpu.memory_space<vmem_shared>> -> memref<640x128xf32, #tpu.memory_space<vmem_shared>>
        tpu.enqueue_dma source(%dma_start3A_125 : memref<640x128xf32, #tpu.memory_space<vmem_shared>>) target(%dma_start3A_123 : memref<640x128xf32, #tpu.memory_space<hbm>>) target_semaphore(%run_scoped3A : memref<!tpu.dma_semaphore, #tpu.memory_space<semaphore_mem>>)
        %dma_wait3A_126 = arith.constant 0 : i32
        %dma_wait3A_127 = tpu.memref_slice %arg5[%add3A_121, %dma_wait3A_126] : memref<20480x128xf32, #tpu.memory_space<hbm>> -> memref<640x128xf32, #tpu.memory_space<hbm>>
        %dma_wait3A_128 = arith.constant 0 : i32
        %dma_wait3A_129 = tpu.memref_slice %arg14[%mul3A_0, %dma_wait3A_128] : memref<10240x128xf32, #tpu.memory_space<vmem_shared>> -> memref<640x128xf32, #tpu.memory_space<vmem_shared>>
        tpu.wait_dma2 semaphore(%run_scoped3A : memref<!tpu.dma_semaphore, #tpu.memory_space<semaphore_mem>>) src(%dma_wait3A_129 : memref<640x128xf32, #tpu.memory_space<vmem_shared>>) dst(%dma_wait3A_127 : memref<640x128xf32, #tpu.memory_space<hbm>>)
        tpu.yield
      }) : () -> ()
    } else {
    }
    %eq3A_114 = arith.constant 15 : i32
    %eq3A_115 = arith.cmpi eq, %arg1, %eq3A_114 : i32
    %convert_element_type3A_116 = arith.extui %eq3A_115 : i1 to i32
    %cond3A_117 = arith.constant 0 : i32
    %cond3A_118 = arith.cmpi ne, %convert_element_type3A_116, %cond3A_117 : i32
    scf.if %cond3A_118 {
      %mul3A_119 = arith.constant 10240 : i32
      %mul3A_120 = arith.muli %arg0, %mul3A_119 : i32
      %add3A_121 = arith.constant 9600 : i32
      %add3A_122 = arith.addi %mul3A_120, %add3A_121 : i32
      "tpu.region"() ({
        %run_scoped3A = tpu.sem_alloc : memref<!tpu.dma_semaphore, #tpu.memory_space<semaphore_mem>>
        %dma_start3A_123 = arith.constant 0 : i32
        %dma_start3A_124 = tpu.memref_slice %arg5[%add3A_122, %dma_start3A_123] : memref<20480x128xf32, #tpu.memory_space<hbm>> -> memref<400x128xf32, #tpu.memory_space<hbm>>
        %dma_start3A_125 = arith.constant 9600 : i32
        %dma_start3A_126 = arith.constant 0 : i32
        %dma_start3A_127 = tpu.memref_slice %arg14[%dma_start3A_125, %dma_start3A_126] : memref<10240x128xf32, #tpu.memory_space<vmem_shared>> -> memref<400x128xf32, #tpu.memory_space<vmem_shared>>
        tpu.enqueue_dma source(%dma_start3A_127 : memref<400x128xf32, #tpu.memory_space<vmem_shared>>) target(%dma_start3A_124 : memref<400x128xf32, #tpu.memory_space<hbm>>) target_semaphore(%run_scoped3A : memref<!tpu.dma_semaphore, #tpu.memory_space<semaphore_mem>>)
        %dma_wait3A_128 = arith.constant 0 : i32
        %dma_wait3A_129 = tpu.memref_slice %arg5[%add3A_122, %dma_wait3A_128] : memref<20480x128xf32, #tpu.memory_space<hbm>> -> memref<400x128xf32, #tpu.memory_space<hbm>>
        %dma_wait3A_130 = arith.constant 9600 : i32
        %dma_wait3A_131 = arith.constant 0 : i32
        %dma_wait3A_132 = tpu.memref_slice %arg14[%dma_wait3A_130, %dma_wait3A_131] : memref<10240x128xf32, #tpu.memory_space<vmem_shared>> -> memref<400x128xf32, #tpu.memory_space<vmem_shared>>
        tpu.wait_dma2 semaphore(%run_scoped3A : memref<!tpu.dma_semaphore, #tpu.memory_space<semaphore_mem>>) src(%dma_wait3A_132 : memref<400x128xf32, #tpu.memory_space<vmem_shared>>) dst(%dma_wait3A_129 : memref<400x128xf32, #tpu.memory_space<hbm>>)
        tpu.yield
      }) : () -> ()
    } else {
    }
    return
  }
}

#map = affine_map<(d0, d1) -> (0, 0)>
module attributes {stable_mosaic.version = 14 : i64} {
  func.func @_embdeg_body(%arg0: i32, %arg1: i32, %arg2: memref<10000x128xf32, #tpu.memory_space<hbm>>, %arg3: memref<256x80xi32, #tpu.memory_space<hbm>>, %arg4: memref<5120x128xi32, #tpu.memory_space<hbm>>, %arg5: memref<20000x128xf32, #tpu.memory_space<hbm>>, %arg6: memref<2x10240xf32, #tpu.memory_space<hbm>>, %arg7: memref<8x80xi32, #tpu.memory_space<vmem>>, %arg8: memref<80x128xf32, #tpu.memory_space<vmem>>, %arg9: memref<160x128xi32, #tpu.memory_space<vmem>>, %arg10: memref<128xf32, #tpu.memory_space<vmem>>, %arg11: memref<640xf32, #tpu.memory_space<vmem>>, %arg12: memref<!tpu.dma_semaphore, #tpu.memory_space<semaphore_mem>>, %arg13: memref<10240xf32, #tpu.memory_space<vmem_shared>>) attributes {dimension_semantics = [#tpu.dimension_semantics<core_parallel>, #tpu.dimension_semantics<subcore_parallel>], iteration_bounds = array<i64: 2, 16>, scalar_prefetch = 0 : i64, scratch_operands = 7 : i64, tpu.core_type = #tpu.core_type<sc_vector_subcore>, window_params = [{transform_indices = #map}, {transform_indices = #map}, {transform_indices = #map}, {transform_indices = #map}, {transform_indices = #map}]} {
    %scan3A = arith.constant 0 : i32
    %scan3A_0 = arith.constant 0 : i32
    %scan3A_1 = arith.constant 40 : i32
    %scan3A_2 = arith.addi %scan3A_0, %scan3A_1 : i32
    %scan3A_3 = arith.constant 1 : i32
    %scan3A_4 = scf.for %scan3A_81 = %scan3A_0 to %scan3A_2 step %scan3A_3 iter_args(%scan3A_82 = %scan3A) -> (i32)  : i32 {
      %broadcast_in_dim3A_83 = arith.constant 0.000000e+00 : f32
      %broadcast_in_dim3A_84 = vector.broadcast %broadcast_in_dim3A_83 : f32 to vector<16xf32>
      %mul3A_85 = arith.constant 16 : i32
      %mul3A_86 = arith.muli %scan3A_81, %mul3A_85 : i32
      %swap3A_87 = arith.index_cast %mul3A_86 : i32 to index
      %swap3A_88 = tpu.vector_load %arg11[%swap3A_87] {strides = array<i32>} : memref<640xf32, #tpu.memory_space<vmem>>, vector<16xf32>,
      %swap3A_89 = vector.shape_cast %swap3A_88 : vector<16xf32> to vector<16xf32>
      %swap3A_90 = vector.shape_cast %broadcast_in_dim3A_84 : vector<16xf32> to vector<16xf32>
      tpu.vector_store %arg11[%swap3A_87], %swap3A_90 {strides = array<i32>} : memref<640xf32, #tpu.memory_space<vmem>>, vector<16xf32>,
      %scan3A_91 = arith.constant 0 : i32
      scf.yield %scan3A_91 : i32
    }
    %scan3A_5 = arith.constant 40 : i32
    %broadcast_in_dim3A = arith.constant 1.000000e+00 : f32
    %broadcast_in_dim3A_6 = vector.broadcast %broadcast_in_dim3A : f32 to vector<16xf32>
    %swap3A = arith.constant 0 : index
    %swap3A_7 = tpu.vector_load %arg10[%swap3A] {strides = array<i32>} : memref<128xf32, #tpu.memory_space<vmem>>, vector<16xf32>,
    %swap3A_8 = vector.shape_cast %swap3A_7 : vector<16xf32> to vector<16xf32>
    %swap3A_9 = vector.shape_cast %broadcast_in_dim3A_6 : vector<16xf32> to vector<16xf32>
    tpu.vector_store %arg10[%swap3A], %swap3A_9 {strides = array<i32>} : memref<128xf32, #tpu.memory_space<vmem>>, vector<16xf32>,
    %broadcast_in_dim3A_10 = arith.constant 1.000000e+00 : f32
    %broadcast_in_dim3A_11 = vector.broadcast %broadcast_in_dim3A_10 : f32 to vector<16xf32>
    %swap3A_12 = arith.constant 16 : index
    %swap3A_13 = tpu.vector_load %arg10[%swap3A_12] {strides = array<i32>} : memref<128xf32, #tpu.memory_space<vmem>>, vector<16xf32>,
    %swap3A_14 = vector.shape_cast %swap3A_13 : vector<16xf32> to vector<16xf32>
    %swap3A_15 = vector.shape_cast %broadcast_in_dim3A_11 : vector<16xf32> to vector<16xf32>
    tpu.vector_store %arg10[%swap3A_12], %swap3A_15 {strides = array<i32>} : memref<128xf32, #tpu.memory_space<vmem>>, vector<16xf32>,
    %broadcast_in_dim3A_16 = arith.constant 1.000000e+00 : f32
    %broadcast_in_dim3A_17 = vector.broadcast %broadcast_in_dim3A_16 : f32 to vector<16xf32>
    %swap3A_18 = arith.constant 32 : index
    %swap3A_19 = tpu.vector_load %arg10[%swap3A_18] {strides = array<i32>} : memref<128xf32, #tpu.memory_space<vmem>>, vector<16xf32>,
    %swap3A_20 = vector.shape_cast %swap3A_19 : vector<16xf32> to vector<16xf32>
    %swap3A_21 = vector.shape_cast %broadcast_in_dim3A_17 : vector<16xf32> to vector<16xf32>
    tpu.vector_store %arg10[%swap3A_18], %swap3A_21 {strides = array<i32>} : memref<128xf32, #tpu.memory_space<vmem>>, vector<16xf32>,
    %broadcast_in_dim3A_22 = arith.constant 1.000000e+00 : f32
    %broadcast_in_dim3A_23 = vector.broadcast %broadcast_in_dim3A_22 : f32 to vector<16xf32>
    %swap3A_24 = arith.constant 48 : index
    %swap3A_25 = tpu.vector_load %arg10[%swap3A_24] {strides = array<i32>} : memref<128xf32, #tpu.memory_space<vmem>>, vector<16xf32>,
    %swap3A_26 = vector.shape_cast %swap3A_25 : vector<16xf32> to vector<16xf32>
    %swap3A_27 = vector.shape_cast %broadcast_in_dim3A_23 : vector<16xf32> to vector<16xf32>
    tpu.vector_store %arg10[%swap3A_24], %swap3A_27 {strides = array<i32>} : memref<128xf32, #tpu.memory_space<vmem>>, vector<16xf32>,
    %broadcast_in_dim3A_28 = arith.constant 1.000000e+00 : f32
    %broadcast_in_dim3A_29 = vector.broadcast %broadcast_in_dim3A_28 : f32 to vector<16xf32>
    %swap3A_30 = arith.constant 64 : index
    %swap3A_31 = tpu.vector_load %arg10[%swap3A_30] {strides = array<i32>} : memref<128xf32, #tpu.memory_space<vmem>>, vector<16xf32>,
    %swap3A_32 = vector.shape_cast %swap3A_31 : vector<16xf32> to vector<16xf32>
    %swap3A_33 = vector.shape_cast %broadcast_in_dim3A_29 : vector<16xf32> to vector<16xf32>
    tpu.vector_store %arg10[%swap3A_30], %swap3A_33 {strides = array<i32>} : memref<128xf32, #tpu.memory_space<vmem>>, vector<16xf32>,
    %broadcast_in_dim3A_34 = arith.constant 1.000000e+00 : f32
    %broadcast_in_dim3A_35 = vector.broadcast %broadcast_in_dim3A_34 : f32 to vector<16xf32>
    %swap3A_36 = arith.constant 80 : index
    %swap3A_37 = tpu.vector_load %arg10[%swap3A_36] {strides = array<i32>} : memref<128xf32, #tpu.memory_space<vmem>>, vector<16xf32>,
    %swap3A_38 = vector.shape_cast %swap3A_37 : vector<16xf32> to vector<16xf32>
    %swap3A_39 = vector.shape_cast %broadcast_in_dim3A_35 : vector<16xf32> to vector<16xf32>
    tpu.vector_store %arg10[%swap3A_36], %swap3A_39 {strides = array<i32>} : memref<128xf32, #tpu.memory_space<vmem>>, vector<16xf32>,
    %broadcast_in_dim3A_40 = arith.constant 1.000000e+00 : f32
    %broadcast_in_dim3A_41 = vector.broadcast %broadcast_in_dim3A_40 : f32 to vector<16xf32>
    %swap3A_42 = arith.constant 96 : index
    %swap3A_43 = tpu.vector_load %arg10[%swap3A_42] {strides = array<i32>} : memref<128xf32, #tpu.memory_space<vmem>>, vector<16xf32>,
    %swap3A_44 = vector.shape_cast %swap3A_43 : vector<16xf32> to vector<16xf32>
    %swap3A_45 = vector.shape_cast %broadcast_in_dim3A_41 : vector<16xf32> to vector<16xf32>
    tpu.vector_store %arg10[%swap3A_42], %swap3A_45 {strides = array<i32>} : memref<128xf32, #tpu.memory_space<vmem>>, vector<16xf32>,
    %broadcast_in_dim3A_46 = arith.constant 1.000000e+00 : f32
    %broadcast_in_dim3A_47 = vector.broadcast %broadcast_in_dim3A_46 : f32 to vector<16xf32>
    %swap3A_48 = arith.constant 112 : index
    %swap3A_49 = tpu.vector_load %arg10[%swap3A_48] {strides = array<i32>} : memref<128xf32, #tpu.memory_space<vmem>>, vector<16xf32>,
    %swap3A_50 = vector.shape_cast %swap3A_49 : vector<16xf32> to vector<16xf32>
    %swap3A_51 = vector.shape_cast %broadcast_in_dim3A_47 : vector<16xf32> to vector<16xf32>
    tpu.vector_store %arg10[%swap3A_48], %swap3A_51 {strides = array<i32>} : memref<128xf32, #tpu.memory_space<vmem>>, vector<16xf32>,
    %mul3A = arith.constant 640 : i32
    %mul3A_52 = arith.muli %arg1, %mul3A : i32
    "tpu.region"() ({
      %run_scoped3A = tpu.sem_alloc : memref<!tpu.dma_semaphore, #tpu.memory_space<semaphore_mem>>
      %dma_start3A = tpu.memref_slice %arg13[%mul3A_52] : memref<10240xf32, #tpu.memory_space<vmem_shared>> -> memref<640xf32, #tpu.memory_space<vmem_shared>>
      %dma_start3A_81 = tpu.memref_slice %arg13[%mul3A_52] : memref<10240xf32, #tpu.memory_space<vmem_shared>> -> memref<640xf32, #tpu.memory_space<vmem_shared>>
      tpu.enqueue_dma source(%arg11 : memref<640xf32, #tpu.memory_space<vmem>>) target(%dma_start3A_81 : memref<640xf32, #tpu.memory_space<vmem_shared>>) target_semaphore(%run_scoped3A : memref<!tpu.dma_semaphore, #tpu.memory_space<semaphore_mem>>)
      %dma_wait3A = tpu.memref_slice %arg13[%mul3A_52] : memref<10240xf32, #tpu.memory_space<vmem_shared>> -> memref<640xf32, #tpu.memory_space<vmem_shared>>
      %dma_wait3A_82 = tpu.memref_slice %arg13[%mul3A_52] : memref<10240xf32, #tpu.memory_space<vmem_shared>> -> memref<640xf32, #tpu.memory_space<vmem_shared>>
      tpu.wait_dma2 semaphore(%run_scoped3A : memref<!tpu.dma_semaphore, #tpu.memory_space<semaphore_mem>>) src(%arg11 : memref<640xf32, #tpu.memory_space<vmem>>) dst(%dma_wait3A_82 : memref<640xf32, #tpu.memory_space<vmem_shared>>)
      tpu.yield
    }) : () -> ()
    %barrier3A = arith.constant 0 : index
    tpu.barrier barrier_id(%barrier3A)
    %mul3A_53 = arith.constant 128 : i32
    %mul3A_54 = arith.muli %arg0, %mul3A_53 : i32
    %mul3A_55 = arith.constant 8 : i32
    %mul3A_56 = arith.muli %arg1, %mul3A_55 : i32
    %add3A = arith.addi %mul3A_54, %mul3A_56 : i32
    "tpu.region"() ({
      %run_scoped3A = tpu.sem_alloc : memref<!tpu.dma_semaphore, #tpu.memory_space<semaphore_mem>>
      %dma_start3A = arith.constant 0 : i32
      %dma_start3A_81 = tpu.memref_slice %arg3[%add3A, %dma_start3A] : memref<256x80xi32, #tpu.memory_space<hbm>> -> memref<8x80xi32, #tpu.memory_space<hbm>>
      %dma_start3A_82 = arith.constant 0 : i32
      %dma_start3A_83 = tpu.memref_slice %arg3[%add3A, %dma_start3A_82] : memref<256x80xi32, #tpu.memory_space<hbm>> -> memref<8x80xi32, #tpu.memory_space<hbm>>
      tpu.enqueue_dma source(%dma_start3A_83 : memref<8x80xi32, #tpu.memory_space<hbm>>) target(%arg7 : memref<8x80xi32, #tpu.memory_space<vmem>>) target_semaphore(%run_scoped3A : memref<!tpu.dma_semaphore, #tpu.memory_space<semaphore_mem>>)
      %dma_wait3A = arith.constant 0 : i32
      %dma_wait3A_84 = tpu.memref_slice %arg3[%add3A, %dma_wait3A] : memref<256x80xi32, #tpu.memory_space<hbm>> -> memref<8x80xi32, #tpu.memory_space<hbm>>
      %dma_wait3A_85 = arith.constant 0 : i32
      %dma_wait3A_86 = tpu.memref_slice %arg3[%add3A, %dma_wait3A_85] : memref<256x80xi32, #tpu.memory_space<hbm>> -> memref<8x80xi32, #tpu.memory_space<hbm>>
      tpu.wait_dma2 semaphore(%run_scoped3A : memref<!tpu.dma_semaphore, #tpu.memory_space<semaphore_mem>>) src(%dma_wait3A_86 : memref<8x80xi32, #tpu.memory_space<hbm>>) dst(%arg7 : memref<8x80xi32, #tpu.memory_space<vmem>>)
      tpu.yield
    }) : () -> ()
    %scan3A_57 = arith.constant 0 : i32
    %scan3A_58 = arith.constant 0 : i32
    %scan3A_59 = arith.constant 8 : i32
    %scan3A_60 = arith.addi %scan3A_58, %scan3A_59 : i32
    %scan3A_61 = arith.constant 1 : i32
    %scan3A_62 = scf.for %scan3A_81 = %scan3A_58 to %scan3A_60 step %scan3A_61 iter_args(%scan3A_82 = %scan3A_57) -> (i32)  : i32 {
      %mul3A_83 = arith.constant 8 : i32
      %mul3A_84 = arith.muli %arg1, %mul3A_83 : i32
      %add3A_85 = arith.addi %mul3A_84, %scan3A_81 : i32
      %lt3A = arith.constant 125 : i32
      %lt3A_86 = arith.cmpi slt, %add3A_85, %lt3A : i32
      %convert_element_type3A = arith.extui %lt3A_86 : i1 to i32
      %cond3A = arith.constant 0 : i32
      %cond3A_87 = arith.cmpi ne, %convert_element_type3A, %cond3A : i32
      scf.if %cond3A_87 {
        "tpu.region"() ({
          %run_scoped3A = tpu.sem_alloc : memref<!tpu.dma_semaphore, #tpu.memory_space<semaphore_mem>>
          %dma_start3A = arith.constant 0 : i32
          %dma_start3A_94 = tpu.memref_slice %arg7[%scan3A_81, %dma_start3A] : memref<8x80xi32, #tpu.memory_space<vmem>> -> memref<1x80xi32, #tpu.memory_space<vmem>>
          %dma_start3A_95 = tpu.memref_squeeze %dma_start3A_94 : memref<1x80xi32, #tpu.memory_space<vmem>> -> memref<80xi32, #tpu.memory_space<vmem>>
          %dma_start3A_96 = arith.constant 0 : i32
          %dma_start3A_97 = arith.constant 0 : i32
          %dma_start3A_98 = tpu.memref_slice %arg2[%dma_start3A_96, %dma_start3A_97] : memref<10000x128xf32, #tpu.memory_space<hbm>> -> memref<10000x128xf32, #tpu.memory_space<hbm>>
          tpu.enqueue_indirect_dma source(%dma_start3A_98 : memref<10000x128xf32, #tpu.memory_space<hbm>>) target(%arg8 : memref<80x128xf32, #tpu.memory_space<vmem>>) offsets(%dma_start3A_95 : memref<80xi32, #tpu.memory_space<vmem>>) semaphore(%run_scoped3A : memref<!tpu.dma_semaphore, #tpu.memory_space<semaphore_mem>>)
          %dma_wait3A = arith.constant 0 : i32
          %dma_wait3A_99 = tpu.memref_slice %arg7[%scan3A_81, %dma_wait3A] : memref<8x80xi32, #tpu.memory_space<vmem>> -> memref<1x80xi32, #tpu.memory_space<vmem>>
          %dma_wait3A_100 = tpu.memref_squeeze %dma_wait3A_99 : memref<1x80xi32, #tpu.memory_space<vmem>> -> memref<80xi32, #tpu.memory_space<vmem>>
          %dma_wait3A_101 = arith.constant 0 : i32
          %dma_wait3A_102 = arith.constant 0 : i32
          %dma_wait3A_103 = tpu.memref_slice %arg2[%dma_wait3A_101, %dma_wait3A_102] : memref<10000x128xf32, #tpu.memory_space<hbm>> -> memref<10000x128xf32, #tpu.memory_space<hbm>>
          tpu.wait_indirect_dma semaphore(%run_scoped3A : memref<!tpu.dma_semaphore, #tpu.memory_space<semaphore_mem>>) src(%dma_wait3A_103 : memref<10000x128xf32, #tpu.memory_space<hbm>>) dst(%arg8 : memref<80x128xf32, #tpu.memory_space<vmem>>)
          tpu.yield
        }) : () -> ()
        %mul3A_89 = arith.constant 10000 : i32
        %mul3A_90 = arith.muli %arg0, %mul3A_89 : i32
        %mul3A_91 = arith.constant 80 : i32
        %mul3A_92 = arith.muli %add3A_85, %mul3A_91 : i32
        %add3A_93 = arith.addi %mul3A_90, %mul3A_92 : i32
        "tpu.region"() ({
          %run_scoped3A = tpu.sem_alloc : memref<!tpu.dma_semaphore, #tpu.memory_space<semaphore_mem>>
          %dma_start3A = arith.constant 0 : i32
          %dma_start3A_94 = tpu.memref_slice %arg5[%add3A_93, %dma_start3A] : memref<20000x128xf32, #tpu.memory_space<hbm>> -> memref<80x128xf32, #tpu.memory_space<hbm>>
          %dma_start3A_95 = arith.constant 0 : i32
          %dma_start3A_96 = tpu.memref_slice %arg5[%add3A_93, %dma_start3A_95] : memref<20000x128xf32, #tpu.memory_space<hbm>> -> memref<80x128xf32, #tpu.memory_space<hbm>>
          tpu.enqueue_dma source(%arg8 : memref<80x128xf32, #tpu.memory_space<vmem>>) target(%dma_start3A_96 : memref<80x128xf32, #tpu.memory_space<hbm>>) target_semaphore(%run_scoped3A : memref<!tpu.dma_semaphore, #tpu.memory_space<semaphore_mem>>)
          %dma_wait3A = arith.constant 0 : i32
          %dma_wait3A_97 = tpu.memref_slice %arg5[%add3A_93, %dma_wait3A] : memref<20000x128xf32, #tpu.memory_space<hbm>> -> memref<80x128xf32, #tpu.memory_space<hbm>>
          %dma_wait3A_98 = arith.constant 0 : i32
          %dma_wait3A_99 = tpu.memref_slice %arg5[%add3A_93, %dma_wait3A_98] : memref<20000x128xf32, #tpu.memory_space<hbm>> -> memref<80x128xf32, #tpu.memory_space<hbm>>
          tpu.wait_dma2 semaphore(%run_scoped3A : memref<!tpu.dma_semaphore, #tpu.memory_space<semaphore_mem>>) src(%arg8 : memref<80x128xf32, #tpu.memory_space<vmem>>) dst(%dma_wait3A_99 : memref<80x128xf32, #tpu.memory_space<hbm>>)
          tpu.yield
        }) : () -> ()
      } else {
      }
      %scan3A_88 = arith.constant 0 : i32
      scf.yield %scan3A_88 : i32
    }
    %scan3A_63 = arith.constant 8 : i32
    %mul3A_64 = arith.constant 2560 : i32
    %mul3A_65 = arith.muli %arg0, %mul3A_64 : i32
    %mul3A_66 = arith.constant 160 : i32
    %mul3A_67 = arith.muli %arg1, %mul3A_66 : i32
    %add3A_68 = arith.addi %mul3A_65, %mul3A_67 : i32
    "tpu.region"() ({
      %run_scoped3A = tpu.sem_alloc : memref<!tpu.dma_semaphore, #tpu.memory_space<semaphore_mem>>
      %dma_start3A = arith.constant 0 : i32
      %dma_start3A_81 = tpu.memref_slice %arg4[%add3A_68, %dma_start3A] : memref<5120x128xi32, #tpu.memory_space<hbm>> -> memref<160x128xi32, #tpu.memory_space<hbm>>
      %dma_start3A_82 = arith.constant 0 : i32
      %dma_start3A_83 = tpu.memref_slice %arg4[%add3A_68, %dma_start3A_82] : memref<5120x128xi32, #tpu.memory_space<hbm>> -> memref<160x128xi32, #tpu.memory_space<hbm>>
      tpu.enqueue_dma source(%dma_start3A_83 : memref<160x128xi32, #tpu.memory_space<hbm>>) target(%arg9 : memref<160x128xi32, #tpu.memory_space<vmem>>) target_semaphore(%run_scoped3A : memref<!tpu.dma_semaphore, #tpu.memory_space<semaphore_mem>>)
      %dma_wait3A = arith.constant 0 : i32
      %dma_wait3A_84 = tpu.memref_slice %arg4[%add3A_68, %dma_wait3A] : memref<5120x128xi32, #tpu.memory_space<hbm>> -> memref<160x128xi32, #tpu.memory_space<hbm>>
      %dma_wait3A_85 = arith.constant 0 : i32
      %dma_wait3A_86 = tpu.memref_slice %arg4[%add3A_68, %dma_wait3A_85] : memref<5120x128xi32, #tpu.memory_space<hbm>> -> memref<160x128xi32, #tpu.memory_space<hbm>>
      tpu.wait_dma2 semaphore(%run_scoped3A : memref<!tpu.dma_semaphore, #tpu.memory_space<semaphore_mem>>) src(%dma_wait3A_86 : memref<160x128xi32, #tpu.memory_space<hbm>>) dst(%arg9 : memref<160x128xi32, #tpu.memory_space<vmem>>)
      tpu.yield
    }) : () -> ()
    %scan3A_69 = arith.constant 0 : i32
    %scan3A_70 = arith.constant 0 : i32
    %scan3A_71 = arith.constant 20 : i32
    %scan3A_72 = arith.addi %scan3A_70, %scan3A_71 : i32
    %scan3A_73 = arith.constant 1 : i32
    %scan3A_74 = scf.for %scan3A_81 = %scan3A_70 to %scan3A_72 step %scan3A_73 iter_args(%scan3A_82 = %scan3A_69) -> (i32)  : i32 {
      %mul3A_83 = arith.constant 8 : i32
      %mul3A_84 = arith.muli %scan3A_81, %mul3A_83 : i32
      %add3A_85 = arith.constant 0 : i32
      %add3A_86 = arith.addi %mul3A_84, %add3A_85 : i32
      %dma_start3A = arith.constant 0 : i32
      %dma_start3A_87 = tpu.memref_slice %arg9[%add3A_86, %dma_start3A] : memref<160x128xi32, #tpu.memory_space<vmem>> -> memref<1x128xi32, #tpu.memory_space<vmem>>
      %dma_start3A_88 = tpu.memref_squeeze %dma_start3A_87 : memref<1x128xi32, #tpu.memory_space<vmem>> -> memref<128xi32, #tpu.memory_space<vmem>>
      %dma_start3A_89 = arith.constant 0 : i32
      %dma_start3A_90 = tpu.memref_slice %arg13[%dma_start3A_89] : memref<10240xf32, #tpu.memory_space<vmem_shared>> -> memref<10240xf32, #tpu.memory_space<vmem_shared>>
      tpu.enqueue_indirect_dma source(%arg10 : memref<128xf32, #tpu.memory_space<vmem>>) target(%dma_start3A_90 : memref<10240xf32, #tpu.memory_space<vmem_shared>>) offsets(%dma_start3A_88 : memref<128xi32, #tpu.memory_space<vmem>>) semaphore(%arg12 : memref<!tpu.dma_semaphore, #tpu.memory_space<semaphore_mem>>) {add = true}
      %mul3A_91 = arith.constant 8 : i32
      %mul3A_92 = arith.muli %scan3A_81, %mul3A_91 : i32
      %add3A_93 = arith.constant 1 : i32
      %add3A_94 = arith.addi %mul3A_92, %add3A_93 : i32
      %dma_start3A_95 = arith.constant 0 : i32
      %dma_start3A_96 = tpu.memref_slice %arg9[%add3A_94, %dma_start3A_95] : memref<160x128xi32, #tpu.memory_space<vmem>> -> memref<1x128xi32, #tpu.memory_space<vmem>>
      %dma_start3A_97 = tpu.memref_squeeze %dma_start3A_96 : memref<1x128xi32, #tpu.memory_space<vmem>> -> memref<128xi32, #tpu.memory_space<vmem>>
      %dma_start3A_98 = arith.constant 0 : i32
      %dma_start3A_99 = tpu.memref_slice %arg13[%dma_start3A_98] : memref<10240xf32, #tpu.memory_space<vmem_shared>> -> memref<10240xf32, #tpu.memory_space<vmem_shared>>
      tpu.enqueue_indirect_dma source(%arg10 : memref<128xf32, #tpu.memory_space<vmem>>) target(%dma_start3A_99 : memref<10240xf32, #tpu.memory_space<vmem_shared>>) offsets(%dma_start3A_97 : memref<128xi32, #tpu.memory_space<vmem>>) semaphore(%arg12 : memref<!tpu.dma_semaphore, #tpu.memory_space<semaphore_mem>>) {add = true}
      %mul3A_100 = arith.constant 8 : i32
      %mul3A_101 = arith.muli %scan3A_81, %mul3A_100 : i32
      %add3A_102 = arith.constant 2 : i32
      %add3A_103 = arith.addi %mul3A_101, %add3A_102 : i32
      %dma_start3A_104 = arith.constant 0 : i32
      %dma_start3A_105 = tpu.memref_slice %arg9[%add3A_103, %dma_start3A_104] : memref<160x128xi32, #tpu.memory_space<vmem>> -> memref<1x128xi32, #tpu.memory_space<vmem>>
      %dma_start3A_106 = tpu.memref_squeeze %dma_start3A_105 : memref<1x128xi32, #tpu.memory_space<vmem>> -> memref<128xi32, #tpu.memory_space<vmem>>
      %dma_start3A_107 = arith.constant 0 : i32
      %dma_start3A_108 = tpu.memref_slice %arg13[%dma_start3A_107] : memref<10240xf32, #tpu.memory_space<vmem_shared>> -> memref<10240xf32, #tpu.memory_space<vmem_shared>>
      tpu.enqueue_indirect_dma source(%arg10 : memref<128xf32, #tpu.memory_space<vmem>>) target(%dma_start3A_108 : memref<10240xf32, #tpu.memory_space<vmem_shared>>) offsets(%dma_start3A_106 : memref<128xi32, #tpu.memory_space<vmem>>) semaphore(%arg12 : memref<!tpu.dma_semaphore, #tpu.memory_space<semaphore_mem>>) {add = true}
      %mul3A_109 = arith.constant 8 : i32
      %mul3A_110 = arith.muli %scan3A_81, %mul3A_109 : i32
      %add3A_111 = arith.constant 3 : i32
      %add3A_112 = arith.addi %mul3A_110, %add3A_111 : i32
      %dma_start3A_113 = arith.constant 0 : i32
      %dma_start3A_114 = tpu.memref_slice %arg9[%add3A_112, %dma_start3A_113] : memref<160x128xi32, #tpu.memory_space<vmem>> -> memref<1x128xi32, #tpu.memory_space<vmem>>
      %dma_start3A_115 = tpu.memref_squeeze %dma_start3A_114 : memref<1x128xi32, #tpu.memory_space<vmem>> -> memref<128xi32, #tpu.memory_space<vmem>>
      %dma_start3A_116 = arith.constant 0 : i32
      %dma_start3A_117 = tpu.memref_slice %arg13[%dma_start3A_116] : memref<10240xf32, #tpu.memory_space<vmem_shared>> -> memref<10240xf32, #tpu.memory_space<vmem_shared>>
      tpu.enqueue_indirect_dma source(%arg10 : memref<128xf32, #tpu.memory_space<vmem>>) target(%dma_start3A_117 : memref<10240xf32, #tpu.memory_space<vmem_shared>>) offsets(%dma_start3A_115 : memref<128xi32, #tpu.memory_space<vmem>>) semaphore(%arg12 : memref<!tpu.dma_semaphore, #tpu.memory_space<semaphore_mem>>) {add = true}
      %mul3A_118 = arith.constant 8 : i32
      %mul3A_119 = arith.muli %scan3A_81, %mul3A_118 : i32
      %add3A_120 = arith.constant 4 : i32
      %add3A_121 = arith.addi %mul3A_119, %add3A_120 : i32
      %dma_start3A_122 = arith.constant 0 : i32
      %dma_start3A_123 = tpu.memref_slice %arg9[%add3A_121, %dma_start3A_122] : memref<160x128xi32, #tpu.memory_space<vmem>> -> memref<1x128xi32, #tpu.memory_space<vmem>>
      %dma_start3A_124 = tpu.memref_squeeze %dma_start3A_123 : memref<1x128xi32, #tpu.memory_space<vmem>> -> memref<128xi32, #tpu.memory_space<vmem>>
      %dma_start3A_125 = arith.constant 0 : i32
      %dma_start3A_126 = tpu.memref_slice %arg13[%dma_start3A_125] : memref<10240xf32, #tpu.memory_space<vmem_shared>> -> memref<10240xf32, #tpu.memory_space<vmem_shared>>
      tpu.enqueue_indirect_dma source(%arg10 : memref<128xf32, #tpu.memory_space<vmem>>) target(%dma_start3A_126 : memref<10240xf32, #tpu.memory_space<vmem_shared>>) offsets(%dma_start3A_124 : memref<128xi32, #tpu.memory_space<vmem>>) semaphore(%arg12 : memref<!tpu.dma_semaphore, #tpu.memory_space<semaphore_mem>>) {add = true}
      %mul3A_127 = arith.constant 8 : i32
      %mul3A_128 = arith.muli %scan3A_81, %mul3A_127 : i32
      %add3A_129 = arith.constant 5 : i32
      %add3A_130 = arith.addi %mul3A_128, %add3A_129 : i32
      %dma_start3A_131 = arith.constant 0 : i32
      %dma_start3A_132 = tpu.memref_slice %arg9[%add3A_130, %dma_start3A_131] : memref<160x128xi32, #tpu.memory_space<vmem>> -> memref<1x128xi32, #tpu.memory_space<vmem>>
      %dma_start3A_133 = tpu.memref_squeeze %dma_start3A_132 : memref<1x128xi32, #tpu.memory_space<vmem>> -> memref<128xi32, #tpu.memory_space<vmem>>
      %dma_start3A_134 = arith.constant 0 : i32
      %dma_start3A_135 = tpu.memref_slice %arg13[%dma_start3A_134] : memref<10240xf32, #tpu.memory_space<vmem_shared>> -> memref<10240xf32, #tpu.memory_space<vmem_shared>>
      tpu.enqueue_indirect_dma source(%arg10 : memref<128xf32, #tpu.memory_space<vmem>>) target(%dma_start3A_135 : memref<10240xf32, #tpu.memory_space<vmem_shared>>) offsets(%dma_start3A_133 : memref<128xi32, #tpu.memory_space<vmem>>) semaphore(%arg12 : memref<!tpu.dma_semaphore, #tpu.memory_space<semaphore_mem>>) {add = true}
      %mul3A_136 = arith.constant 8 : i32
      %mul3A_137 = arith.muli %scan3A_81, %mul3A_136 : i32
      %add3A_138 = arith.constant 6 : i32
      %add3A_139 = arith.addi %mul3A_137, %add3A_138 : i32
      %dma_start3A_140 = arith.constant 0 : i32
      %dma_start3A_141 = tpu.memref_slice %arg9[%add3A_139, %dma_start3A_140] : memref<160x128xi32, #tpu.memory_space<vmem>> -> memref<1x128xi32, #tpu.memory_space<vmem>>
      %dma_start3A_142 = tpu.memref_squeeze %dma_start3A_141 : memref<1x128xi32, #tpu.memory_space<vmem>> -> memref<128xi32, #tpu.memory_space<vmem>>
      %dma_start3A_143 = arith.constant 0 : i32
      %dma_start3A_144 = tpu.memref_slice %arg13[%dma_start3A_143] : memref<10240xf32, #tpu.memory_space<vmem_shared>> -> memref<10240xf32, #tpu.memory_space<vmem_shared>>
      tpu.enqueue_indirect_dma source(%arg10 : memref<128xf32, #tpu.memory_space<vmem>>) target(%dma_start3A_144 : memref<10240xf32, #tpu.memory_space<vmem_shared>>) offsets(%dma_start3A_142 : memref<128xi32, #tpu.memory_space<vmem>>) semaphore(%arg12 : memref<!tpu.dma_semaphore, #tpu.memory_space<semaphore_mem>>) {add = true}
      %mul3A_145 = arith.constant 8 : i32
      %mul3A_146 = arith.muli %scan3A_81, %mul3A_145 : i32
      %add3A_147 = arith.constant 7 : i32
      %add3A_148 = arith.addi %mul3A_146, %add3A_147 : i32
      %dma_start3A_149 = arith.constant 0 : i32
      %dma_start3A_150 = tpu.memref_slice %arg9[%add3A_148, %dma_start3A_149] : memref<160x128xi32, #tpu.memory_space<vmem>> -> memref<1x128xi32, #tpu.memory_space<vmem>>
      %dma_start3A_151 = tpu.memref_squeeze %dma_start3A_150 : memref<1x128xi32, #tpu.memory_space<vmem>> -> memref<128xi32, #tpu.memory_space<vmem>>
      %dma_start3A_152 = arith.constant 0 : i32
      %dma_start3A_153 = tpu.memref_slice %arg13[%dma_start3A_152] : memref<10240xf32, #tpu.memory_space<vmem_shared>> -> memref<10240xf32, #tpu.memory_space<vmem_shared>>
      tpu.enqueue_indirect_dma source(%arg10 : memref<128xf32, #tpu.memory_space<vmem>>) target(%dma_start3A_153 : memref<10240xf32, #tpu.memory_space<vmem_shared>>) offsets(%dma_start3A_151 : memref<128xi32, #tpu.memory_space<vmem>>) semaphore(%arg12 : memref<!tpu.dma_semaphore, #tpu.memory_space<semaphore_mem>>) {add = true}
      %mul3A_154 = arith.constant 8 : i32
      %mul3A_155 = arith.muli %scan3A_81, %mul3A_154 : i32
      %add3A_156 = arith.constant 0 : i32
      %add3A_157 = arith.addi %mul3A_155, %add3A_156 : i32
      %dma_wait3A = arith.constant 0 : i32
      %dma_wait3A_158 = tpu.memref_slice %arg9[%add3A_157, %dma_wait3A] : memref<160x128xi32, #tpu.memory_space<vmem>> -> memref<1x128xi32, #tpu.memory_space<vmem>>
      %dma_wait3A_159 = tpu.memref_squeeze %dma_wait3A_158 : memref<1x128xi32, #tpu.memory_space<vmem>> -> memref<128xi32, #tpu.memory_space<vmem>>
      %dma_wait3A_160 = arith.constant 0 : i32
      %dma_wait3A_161 = tpu.memref_slice %arg13[%dma_wait3A_160] : memref<10240xf32, #tpu.memory_space<vmem_shared>> -> memref<10240xf32, #tpu.memory_space<vmem_shared>>
      tpu.wait_indirect_dma semaphore(%arg12 : memref<!tpu.dma_semaphore, #tpu.memory_space<semaphore_mem>>) src(%arg10 : memref<128xf32, #tpu.memory_space<vmem>>) dst(%dma_wait3A_161 : memref<10240xf32, #tpu.memory_space<vmem_shared>>)
      %mul3A_162 = arith.constant 8 : i32
      %mul3A_163 = arith.muli %scan3A_81, %mul3A_162 : i32
      %add3A_164 = arith.constant 1 : i32
      %add3A_165 = arith.addi %mul3A_163, %add3A_164 : i32
      %dma_wait3A_166 = arith.constant 0 : i32
      %dma_wait3A_167 = tpu.memref_slice %arg9[%add3A_165, %dma_wait3A_166] : memref<160x128xi32, #tpu.memory_space<vmem>> -> memref<1x128xi32, #tpu.memory_space<vmem>>
      %dma_wait3A_168 = tpu.memref_squeeze %dma_wait3A_167 : memref<1x128xi32, #tpu.memory_space<vmem>> -> memref<128xi32, #tpu.memory_space<vmem>>
      %dma_wait3A_169 = arith.constant 0 : i32
      %dma_wait3A_170 = tpu.memref_slice %arg13[%dma_wait3A_169] : memref<10240xf32, #tpu.memory_space<vmem_shared>> -> memref<10240xf32, #tpu.memory_space<vmem_shared>>
      tpu.wait_indirect_dma semaphore(%arg12 : memref<!tpu.dma_semaphore, #tpu.memory_space<semaphore_mem>>) src(%arg10 : memref<128xf32, #tpu.memory_space<vmem>>) dst(%dma_wait3A_170 : memref<10240xf32, #tpu.memory_space<vmem_shared>>)
      %mul3A_171 = arith.constant 8 : i32
      %mul3A_172 = arith.muli %scan3A_81, %mul3A_171 : i32
      %add3A_173 = arith.constant 2 : i32
      %add3A_174 = arith.addi %mul3A_172, %add3A_173 : i32
      %dma_wait3A_175 = arith.constant 0 : i32
      %dma_wait3A_176 = tpu.memref_slice %arg9[%add3A_174, %dma_wait3A_175] : memref<160x128xi32, #tpu.memory_space<vmem>> -> memref<1x128xi32, #tpu.memory_space<vmem>>
      %dma_wait3A_177 = tpu.memref_squeeze %dma_wait3A_176 : memref<1x128xi32, #tpu.memory_space<vmem>> -> memref<128xi32, #tpu.memory_space<vmem>>
      %dma_wait3A_178 = arith.constant 0 : i32
      %dma_wait3A_179 = tpu.memref_slice %arg13[%dma_wait3A_178] : memref<10240xf32, #tpu.memory_space<vmem_shared>> -> memref<10240xf32, #tpu.memory_space<vmem_shared>>
      tpu.wait_indirect_dma semaphore(%arg12 : memref<!tpu.dma_semaphore, #tpu.memory_space<semaphore_mem>>) src(%arg10 : memref<128xf32, #tpu.memory_space<vmem>>) dst(%dma_wait3A_179 : memref<10240xf32, #tpu.memory_space<vmem_shared>>)
      %mul3A_180 = arith.constant 8 : i32
      %mul3A_181 = arith.muli %scan3A_81, %mul3A_180 : i32
      %add3A_182 = arith.constant 3 : i32
      %add3A_183 = arith.addi %mul3A_181, %add3A_182 : i32
      %dma_wait3A_184 = arith.constant 0 : i32
      %dma_wait3A_185 = tpu.memref_slice %arg9[%add3A_183, %dma_wait3A_184] : memref<160x128xi32, #tpu.memory_space<vmem>> -> memref<1x128xi32, #tpu.memory_space<vmem>>
      %dma_wait3A_186 = tpu.memref_squeeze %dma_wait3A_185 : memref<1x128xi32, #tpu.memory_space<vmem>> -> memref<128xi32, #tpu.memory_space<vmem>>
      %dma_wait3A_187 = arith.constant 0 : i32
      %dma_wait3A_188 = tpu.memref_slice %arg13[%dma_wait3A_187] : memref<10240xf32, #tpu.memory_space<vmem_shared>> -> memref<10240xf32, #tpu.memory_space<vmem_shared>>
      tpu.wait_indirect_dma semaphore(%arg12 : memref<!tpu.dma_semaphore, #tpu.memory_space<semaphore_mem>>) src(%arg10 : memref<128xf32, #tpu.memory_space<vmem>>) dst(%dma_wait3A_188 : memref<10240xf32, #tpu.memory_space<vmem_shared>>)
      %mul3A_189 = arith.constant 8 : i32
      %mul3A_190 = arith.muli %scan3A_81, %mul3A_189 : i32
      %add3A_191 = arith.constant 4 : i32
      %add3A_192 = arith.addi %mul3A_190, %add3A_191 : i32
      %dma_wait3A_193 = arith.constant 0 : i32
      %dma_wait3A_194 = tpu.memref_slice %arg9[%add3A_192, %dma_wait3A_193] : memref<160x128xi32, #tpu.memory_space<vmem>> -> memref<1x128xi32, #tpu.memory_space<vmem>>
      %dma_wait3A_195 = tpu.memref_squeeze %dma_wait3A_194 : memref<1x128xi32, #tpu.memory_space<vmem>> -> memref<128xi32, #tpu.memory_space<vmem>>
      %dma_wait3A_196 = arith.constant 0 : i32
      %dma_wait3A_197 = tpu.memref_slice %arg13[%dma_wait3A_196] : memref<10240xf32, #tpu.memory_space<vmem_shared>> -> memref<10240xf32, #tpu.memory_space<vmem_shared>>
      tpu.wait_indirect_dma semaphore(%arg12 : memref<!tpu.dma_semaphore, #tpu.memory_space<semaphore_mem>>) src(%arg10 : memref<128xf32, #tpu.memory_space<vmem>>) dst(%dma_wait3A_197 : memref<10240xf32, #tpu.memory_space<vmem_shared>>)
      %mul3A_198 = arith.constant 8 : i32
      %mul3A_199 = arith.muli %scan3A_81, %mul3A_198 : i32
      %add3A_200 = arith.constant 5 : i32
      %add3A_201 = arith.addi %mul3A_199, %add3A_200 : i32
      %dma_wait3A_202 = arith.constant 0 : i32
      %dma_wait3A_203 = tpu.memref_slice %arg9[%add3A_201, %dma_wait3A_202] : memref<160x128xi32, #tpu.memory_space<vmem>> -> memref<1x128xi32, #tpu.memory_space<vmem>>
      %dma_wait3A_204 = tpu.memref_squeeze %dma_wait3A_203 : memref<1x128xi32, #tpu.memory_space<vmem>> -> memref<128xi32, #tpu.memory_space<vmem>>
      %dma_wait3A_205 = arith.constant 0 : i32
      %dma_wait3A_206 = tpu.memref_slice %arg13[%dma_wait3A_205] : memref<10240xf32, #tpu.memory_space<vmem_shared>> -> memref<10240xf32, #tpu.memory_space<vmem_shared>>
      tpu.wait_indirect_dma semaphore(%arg12 : memref<!tpu.dma_semaphore, #tpu.memory_space<semaphore_mem>>) src(%arg10 : memref<128xf32, #tpu.memory_space<vmem>>) dst(%dma_wait3A_206 : memref<10240xf32, #tpu.memory_space<vmem_shared>>)
      %mul3A_207 = arith.constant 8 : i32
      %mul3A_208 = arith.muli %scan3A_81, %mul3A_207 : i32
      %add3A_209 = arith.constant 6 : i32
      %add3A_210 = arith.addi %mul3A_208, %add3A_209 : i32
      %dma_wait3A_211 = arith.constant 0 : i32
      %dma_wait3A_212 = tpu.memref_slice %arg9[%add3A_210, %dma_wait3A_211] : memref<160x128xi32, #tpu.memory_space<vmem>> -> memref<1x128xi32, #tpu.memory_space<vmem>>
      %dma_wait3A_213 = tpu.memref_squeeze %dma_wait3A_212 : memref<1x128xi32, #tpu.memory_space<vmem>> -> memref<128xi32, #tpu.memory_space<vmem>>
      %dma_wait3A_214 = arith.constant 0 : i32
      %dma_wait3A_215 = tpu.memref_slice %arg13[%dma_wait3A_214] : memref<10240xf32, #tpu.memory_space<vmem_shared>> -> memref<10240xf32, #tpu.memory_space<vmem_shared>>
      tpu.wait_indirect_dma semaphore(%arg12 : memref<!tpu.dma_semaphore, #tpu.memory_space<semaphore_mem>>) src(%arg10 : memref<128xf32, #tpu.memory_space<vmem>>) dst(%dma_wait3A_215 : memref<10240xf32, #tpu.memory_space<vmem_shared>>)
      %mul3A_216 = arith.constant 8 : i32
      %mul3A_217 = arith.muli %scan3A_81, %mul3A_216 : i32
      %add3A_218 = arith.constant 7 : i32
      %add3A_219 = arith.addi %mul3A_217, %add3A_218 : i32
      %dma_wait3A_220 = arith.constant 0 : i32
      %dma_wait3A_221 = tpu.memref_slice %arg9[%add3A_219, %dma_wait3A_220] : memref<160x128xi32, #tpu.memory_space<vmem>> -> memref<1x128xi32, #tpu.memory_space<vmem>>
      %dma_wait3A_222 = tpu.memref_squeeze %dma_wait3A_221 : memref<1x128xi32, #tpu.memory_space<vmem>> -> memref<128xi32, #tpu.memory_space<vmem>>
      %dma_wait3A_223 = arith.constant 0 : i32
      %dma_wait3A_224 = tpu.memref_slice %arg13[%dma_wait3A_223] : memref<10240xf32, #tpu.memory_space<vmem_shared>> -> memref<10240xf32, #tpu.memory_space<vmem_shared>>
      tpu.wait_indirect_dma semaphore(%arg12 : memref<!tpu.dma_semaphore, #tpu.memory_space<semaphore_mem>>) src(%arg10 : memref<128xf32, #tpu.memory_space<vmem>>) dst(%dma_wait3A_224 : memref<10240xf32, #tpu.memory_space<vmem_shared>>)
      %scan3A_225 = arith.constant 0 : i32
      scf.yield %scan3A_225 : i32
    }
    %scan3A_75 = arith.constant 20 : i32
    %barrier3A_76 = arith.constant 0 : index
    tpu.barrier barrier_id(%barrier3A_76)
    %mul3A_77 = arith.constant 640 : i32
    %mul3A_78 = arith.muli %arg1, %mul3A_77 : i32
    %mul3A_79 = arith.constant 640 : i32
    %mul3A_80 = arith.muli %arg1, %mul3A_79 : i32
    "tpu.region"() ({
      %run_scoped3A = tpu.sem_alloc : memref<!tpu.dma_semaphore, #tpu.memory_space<semaphore_mem>>
      %dma_start3A = tpu.memref_slice %arg6[%arg0, %mul3A_80] : memref<2x10240xf32, #tpu.memory_space<hbm>> -> memref<1x640xf32, #tpu.memory_space<hbm>>
      %dma_start3A_81 = tpu.memref_squeeze %dma_start3A : memref<1x640xf32, #tpu.memory_space<hbm>> -> memref<640xf32, #tpu.memory_space<hbm>>
      %dma_start3A_82 = tpu.memref_slice %arg13[%mul3A_78] : memref<10240xf32, #tpu.memory_space<vmem_shared>> -> memref<640xf32, #tpu.memory_space<vmem_shared>>
      tpu.enqueue_dma source(%dma_start3A_82 : memref<640xf32, #tpu.memory_space<vmem_shared>>) target(%dma_start3A_81 : memref<640xf32, #tpu.memory_space<hbm>>) target_semaphore(%run_scoped3A : memref<!tpu.dma_semaphore, #tpu.memory_space<semaphore_mem>>)
      %dma_wait3A = tpu.memref_slice %arg6[%arg0, %mul3A_80] : memref<2x10240xf32, #tpu.memory_space<hbm>> -> memref<1x640xf32, #tpu.memory_space<hbm>>
      %dma_wait3A_83 = tpu.memref_squeeze %dma_wait3A : memref<1x640xf32, #tpu.memory_space<hbm>> -> memref<640xf32, #tpu.memory_space<hbm>>
      %dma_wait3A_84 = tpu.memref_slice %arg13[%mul3A_78] : memref<10240xf32, #tpu.memory_space<vmem_shared>> -> memref<640xf32, #tpu.memory_space<vmem_shared>>
      tpu.wait_dma2 semaphore(%run_scoped3A : memref<!tpu.dma_semaphore, #tpu.memory_space<semaphore_mem>>) src(%dma_wait3A_84 : memref<640xf32, #tpu.memory_space<vmem_shared>>) dst(%dma_wait3A_83 : memref<640xf32, #tpu.memory_space<hbm>>)
      tpu.yield
    }) : () -> ()
    return
  }
}

#map = affine_map<(d0, d1) -> (0, 0)>
module attributes {stable_mosaic.version = 14 : i64} {
  func.func @_segsum_body(%arg0: i32, %arg1: i32, %arg2: memref<20000x128xf32, #tpu.memory_space<hbm>>, %arg3: memref<5120x128xi32, #tpu.memory_space<hbm>>, %arg4: memref<5120x128xi32, #tpu.memory_space<hbm>>, %arg5: memref<20480x128xf32, #tpu.memory_space<hbm>>, %arg6: memref<40x128xi32, #tpu.memory_space<vmem>>, %arg7: memref<40x128xi32, #tpu.memory_space<vmem>>, %arg8: memref<128x128xf32, #tpu.memory_space<vmem>>, %arg9: memref<128x128xf32, #tpu.memory_space<vmem>>, %arg10: memref<!tpu.dma_semaphore, #tpu.memory_space<semaphore_mem>>, %arg11: memref<!tpu.dma_semaphore, #tpu.memory_space<semaphore_mem>>, %arg12: memref<!tpu.dma_semaphore, #tpu.memory_space<semaphore_mem>>, %arg13: memref<!tpu.dma_semaphore, #tpu.memory_space<semaphore_mem>>, %arg14: memref<10240x128xf32, #tpu.memory_space<vmem_shared>>) attributes {dimension_semantics = [#tpu.dimension_semantics<core_parallel>, #tpu.dimension_semantics<subcore_parallel>], iteration_bounds = array<i64: 2, 16>, scalar_prefetch = 0 : i64, scratch_operands = 9 : i64, tpu.core_type = #tpu.core_type<sc_vector_subcore>, window_params = [{transform_indices = #map}, {transform_indices = #map}, {transform_indices = #map}, {transform_indices = #map}]} {
    %mul3A = arith.constant 640 : i32
    %mul3A_0 = arith.muli %arg1, %mul3A : i32
    %lt3A = arith.constant 15 : i32
    %lt3A_1 = arith.cmpi slt, %arg1, %lt3A : i32
    %convert_element_type3A = arith.extui %lt3A_1 : i1 to i32
    %cond3A = arith.constant 0 : i32
    %cond3A_2 = arith.cmpi ne, %convert_element_type3A, %cond3A : i32
    scf.if %cond3A_2 {
      %mul3A_119 = arith.constant 10000 : i32
      %mul3A_120 = arith.muli %arg0, %mul3A_119 : i32
      %add3A_121 = arith.addi %mul3A_120, %mul3A_0 : i32
      "tpu.region"() ({
        %run_scoped3A = tpu.sem_alloc : memref<!tpu.dma_semaphore, #tpu.memory_space<semaphore_mem>>
        %dma_start3A_122 = arith.constant 0 : i32
        %dma_start3A_123 = tpu.memref_slice %arg14[%mul3A_0, %dma_start3A_122] : memref<10240x128xf32, #tpu.memory_space<vmem_shared>> -> memref<640x128xf32, #tpu.memory_space<vmem_shared>>
        %dma_start3A_124 = arith.constant 0 : i32
        %dma_start3A_125 = tpu.memref_slice %arg2[%add3A_121, %dma_start3A_124] : memref<20000x128xf32, #tpu.memory_space<hbm>> -> memref<640x128xf32, #tpu.memory_space<hbm>>
        tpu.enqueue_dma source(%dma_start3A_125 : memref<640x128xf32, #tpu.memory_space<hbm>>) target(%dma_start3A_123 : memref<640x128xf32, #tpu.memory_space<vmem_shared>>) target_semaphore(%run_scoped3A : memref<!tpu.dma_semaphore, #tpu.memory_space<semaphore_mem>>)
        %dma_wait3A_126 = arith.constant 0 : i32
        %dma_wait3A_127 = tpu.memref_slice %arg14[%mul3A_0, %dma_wait3A_126] : memref<10240x128xf32, #tpu.memory_space<vmem_shared>> -> memref<640x128xf32, #tpu.memory_space<vmem_shared>>
        %dma_wait3A_128 = arith.constant 0 : i32
        %dma_wait3A_129 = tpu.memref_slice %arg2[%add3A_121, %dma_wait3A_128] : memref<20000x128xf32, #tpu.memory_space<hbm>> -> memref<640x128xf32, #tpu.memory_space<hbm>>
        tpu.wait_dma2 semaphore(%run_scoped3A : memref<!tpu.dma_semaphore, #tpu.memory_space<semaphore_mem>>) src(%dma_wait3A_129 : memref<640x128xf32, #tpu.memory_space<hbm>>) dst(%dma_wait3A_127 : memref<640x128xf32, #tpu.memory_space<vmem_shared>>)
        tpu.yield
      }) : () -> ()
    } else {
    }
    %eq3A = arith.constant 15 : i32
    %eq3A_3 = arith.cmpi eq, %arg1, %eq3A : i32
    %convert_element_type3A_4 = arith.extui %eq3A_3 : i1 to i32
    %cond3A_5 = arith.constant 0 : i32
    %cond3A_6 = arith.cmpi ne, %convert_element_type3A_4, %cond3A_5 : i32
    scf.if %cond3A_6 {
      %mul3A_119 = arith.constant 10000 : i32
      %mul3A_120 = arith.muli %arg0, %mul3A_119 : i32
      %add3A_121 = arith.constant 9600 : i32
      %add3A_122 = arith.addi %mul3A_120, %add3A_121 : i32
      "tpu.region"() ({
        %run_scoped3A = tpu.sem_alloc : memref<!tpu.dma_semaphore, #tpu.memory_space<semaphore_mem>>
        %dma_start3A_123 = arith.constant 9600 : i32
        %dma_start3A_124 = arith.constant 0 : i32
        %dma_start3A_125 = tpu.memref_slice %arg14[%dma_start3A_123, %dma_start3A_124] : memref<10240x128xf32, #tpu.memory_space<vmem_shared>> -> memref<400x128xf32, #tpu.memory_space<vmem_shared>>
        %dma_start3A_126 = arith.constant 0 : i32
        %dma_start3A_127 = tpu.memref_slice %arg2[%add3A_122, %dma_start3A_126] : memref<20000x128xf32, #tpu.memory_space<hbm>> -> memref<400x128xf32, #tpu.memory_space<hbm>>
        tpu.enqueue_dma source(%dma_start3A_127 : memref<400x128xf32, #tpu.memory_space<hbm>>) target(%dma_start3A_125 : memref<400x128xf32, #tpu.memory_space<vmem_shared>>) target_semaphore(%run_scoped3A : memref<!tpu.dma_semaphore, #tpu.memory_space<semaphore_mem>>)
        %dma_wait3A_128 = arith.constant 9600 : i32
        %dma_wait3A_129 = arith.constant 0 : i32
        %dma_wait3A_130 = tpu.memref_slice %arg14[%dma_wait3A_128, %dma_wait3A_129] : memref<10240x128xf32, #tpu.memory_space<vmem_shared>> -> memref<400x128xf32, #tpu.memory_space<vmem_shared>>
        %dma_wait3A_131 = arith.constant 0 : i32
        %dma_wait3A_132 = tpu.memref_slice %arg2[%add3A_122, %dma_wait3A_131] : memref<20000x128xf32, #tpu.memory_space<hbm>> -> memref<400x128xf32, #tpu.memory_space<hbm>>
        tpu.wait_dma2 semaphore(%run_scoped3A : memref<!tpu.dma_semaphore, #tpu.memory_space<semaphore_mem>>) src(%dma_wait3A_132 : memref<400x128xf32, #tpu.memory_space<hbm>>) dst(%dma_wait3A_130 : memref<400x128xf32, #tpu.memory_space<vmem_shared>>)
        tpu.yield
      }) : () -> ()
    } else {
    }
    %barrier3A = arith.constant 0 : index
    tpu.barrier barrier_id(%barrier3A)
    %mul3A_7 = arith.constant 2560 : i32
    %mul3A_8 = arith.muli %arg0, %mul3A_7 : i32
    %mul3A_9 = arith.constant 160 : i32
    %mul3A_10 = arith.muli %arg1, %mul3A_9 : i32
    %add3A = arith.addi %mul3A_8, %mul3A_10 : i32
    %add3A_11 = arith.constant 0 : i32
    %add3A_12 = arith.addi %add3A, %add3A_11 : i32
    "tpu.region"() ({
      %run_scoped3A = tpu.sem_alloc : memref<!tpu.dma_semaphore, #tpu.memory_space<semaphore_mem>>
      %dma_start3A_119 = arith.constant 0 : i32
      %dma_start3A_120 = tpu.memref_slice %arg3[%add3A_12, %dma_start3A_119] : memref<5120x128xi32, #tpu.memory_space<hbm>> -> memref<40x128xi32, #tpu.memory_space<hbm>>
      %dma_start3A_121 = arith.constant 0 : i32
      %dma_start3A_122 = tpu.memref_slice %arg3[%add3A_12, %dma_start3A_121] : memref<5120x128xi32, #tpu.memory_space<hbm>> -> memref<40x128xi32, #tpu.memory_space<hbm>>
      tpu.enqueue_dma source(%dma_start3A_122 : memref<40x128xi32, #tpu.memory_space<hbm>>) target(%arg6 : memref<40x128xi32, #tpu.memory_space<vmem>>) target_semaphore(%run_scoped3A : memref<!tpu.dma_semaphore, #tpu.memory_space<semaphore_mem>>)
      %dma_wait3A_123 = arith.constant 0 : i32
      %dma_wait3A_124 = tpu.memref_slice %arg3[%add3A_12, %dma_wait3A_123] : memref<5120x128xi32, #tpu.memory_space<hbm>> -> memref<40x128xi32, #tpu.memory_space<hbm>>
      %dma_wait3A_125 = arith.constant 0 : i32
      %dma_wait3A_126 = tpu.memref_slice %arg3[%add3A_12, %dma_wait3A_125] : memref<5120x128xi32, #tpu.memory_space<hbm>> -> memref<40x128xi32, #tpu.memory_space<hbm>>
      tpu.wait_dma2 semaphore(%run_scoped3A : memref<!tpu.dma_semaphore, #tpu.memory_space<semaphore_mem>>) src(%dma_wait3A_126 : memref<40x128xi32, #tpu.memory_space<hbm>>) dst(%arg6 : memref<40x128xi32, #tpu.memory_space<vmem>>)
      tpu.yield
    }) : () -> ()
    %add3A_13 = arith.constant 0 : i32
    %add3A_14 = arith.addi %add3A, %add3A_13 : i32
    "tpu.region"() ({
      %run_scoped3A = tpu.sem_alloc : memref<!tpu.dma_semaphore, #tpu.memory_space<semaphore_mem>>
      %dma_start3A_119 = arith.constant 0 : i32
      %dma_start3A_120 = tpu.memref_slice %arg4[%add3A_14, %dma_start3A_119] : memref<5120x128xi32, #tpu.memory_space<hbm>> -> memref<40x128xi32, #tpu.memory_space<hbm>>
      %dma_start3A_121 = arith.constant 0 : i32
      %dma_start3A_122 = tpu.memref_slice %arg4[%add3A_14, %dma_start3A_121] : memref<5120x128xi32, #tpu.memory_space<hbm>> -> memref<40x128xi32, #tpu.memory_space<hbm>>
      tpu.enqueue_dma source(%dma_start3A_122 : memref<40x128xi32, #tpu.memory_space<hbm>>) target(%arg7 : memref<40x128xi32, #tpu.memory_space<vmem>>) target_semaphore(%run_scoped3A : memref<!tpu.dma_semaphore, #tpu.memory_space<semaphore_mem>>)
      %dma_wait3A_123 = arith.constant 0 : i32
      %dma_wait3A_124 = tpu.memref_slice %arg4[%add3A_14, %dma_wait3A_123] : memref<5120x128xi32, #tpu.memory_space<hbm>> -> memref<40x128xi32, #tpu.memory_space<hbm>>
      %dma_wait3A_125 = arith.constant 0 : i32
      %dma_wait3A_126 = tpu.memref_slice %arg4[%add3A_14, %dma_wait3A_125] : memref<5120x128xi32, #tpu.memory_space<hbm>> -> memref<40x128xi32, #tpu.memory_space<hbm>>
      tpu.wait_dma2 semaphore(%run_scoped3A : memref<!tpu.dma_semaphore, #tpu.memory_space<semaphore_mem>>) src(%dma_wait3A_126 : memref<40x128xi32, #tpu.memory_space<hbm>>) dst(%arg7 : memref<40x128xi32, #tpu.memory_space<vmem>>)
      tpu.yield
    }) : () -> ()
    %dma_start3A = arith.constant 0 : i32
    %dma_start3A_15 = arith.constant 0 : i32
    %dma_start3A_16 = tpu.memref_slice %arg6[%dma_start3A, %dma_start3A_15] : memref<40x128xi32, #tpu.memory_space<vmem>> -> memref<1x128xi32, #tpu.memory_space<vmem>>
    %dma_start3A_17 = tpu.memref_squeeze %dma_start3A_16 : memref<1x128xi32, #tpu.memory_space<vmem>> -> memref<128xi32, #tpu.memory_space<vmem>>
    %dma_start3A_18 = arith.constant 0 : i32
    %dma_start3A_19 = arith.constant 0 : i32
    %dma_start3A_20 = tpu.memref_slice %arg2[%dma_start3A_18, %dma_start3A_19] : memref<20000x128xf32, #tpu.memory_space<hbm>> -> memref<20000x128xf32, #tpu.memory_space<hbm>>
    tpu.enqueue_indirect_dma source(%dma_start3A_20 : memref<20000x128xf32, #tpu.memory_space<hbm>>) target(%arg8 : memref<128x128xf32, #tpu.memory_space<vmem>>) offsets(%dma_start3A_17 : memref<128xi32, #tpu.memory_space<vmem>>) semaphore(%arg10 : memref<!tpu.dma_semaphore, #tpu.memory_space<semaphore_mem>>)
    %scan3A = arith.constant 0 : i32
    %scan3A_21 = arith.constant 0 : i32
    %scan3A_22 = arith.constant 20 : i32
    %scan3A_23 = arith.addi %scan3A_21, %scan3A_22 : i32
    %scan3A_24 = arith.constant 1 : i32
    %scan3A_25 = scf.for %scan3A_119 = %scan3A_21 to %scan3A_23 step %scan3A_24 iter_args(%scan3A_120 = %scan3A) -> (i32)  : i32 {
      %mul3A_121 = arith.constant 2 : i32
      %mul3A_122 = arith.muli %mul3A_121, %scan3A_119 : i32
      %mul3A_123 = arith.constant 2 : i32
      %mul3A_124 = arith.muli %mul3A_123, %scan3A_119 : i32
      %add3A_125 = arith.constant 1 : i32
      %add3A_126 = arith.addi %mul3A_124, %add3A_125 : i32
      %dma_wait3A_127 = arith.constant 0 : i32
      %dma_wait3A_128 = tpu.memref_slice %arg6[%mul3A_122, %dma_wait3A_127] : memref<40x128xi32, #tpu.memory_space<vmem>> -> memref<1x128xi32, #tpu.memory_space<vmem>>
      %dma_wait3A_129 = tpu.memref_squeeze %dma_wait3A_128 : memref<1x128xi32, #tpu.memory_space<vmem>> -> memref<128xi32, #tpu.memory_space<vmem>>
      %dma_wait3A_130 = arith.constant 0 : i32
      %dma_wait3A_131 = arith.constant 0 : i32
      %dma_wait3A_132 = tpu.memref_slice %arg2[%dma_wait3A_130, %dma_wait3A_131] : memref<20000x128xf32, #tpu.memory_space<hbm>> -> memref<20000x128xf32, #tpu.memory_space<hbm>>
      tpu.wait_indirect_dma semaphore(%arg10 : memref<!tpu.dma_semaphore, #tpu.memory_space<semaphore_mem>>) src(%dma_wait3A_132 : memref<20000x128xf32, #tpu.memory_space<hbm>>) dst(%arg8 : memref<128x128xf32, #tpu.memory_space<vmem>>)
      %dma_start3A_133 = arith.constant 0 : i32
      %dma_start3A_134 = tpu.memref_slice %arg7[%mul3A_122, %dma_start3A_133] : memref<40x128xi32, #tpu.memory_space<vmem>> -> memref<1x128xi32, #tpu.memory_space<vmem>>
      %dma_start3A_135 = tpu.memref_squeeze %dma_start3A_134 : memref<1x128xi32, #tpu.memory_space<vmem>> -> memref<128xi32, #tpu.memory_space<vmem>>
      %dma_start3A_136 = arith.constant 0 : i32
      %dma_start3A_137 = arith.constant 0 : i32
      %dma_start3A_138 = tpu.memref_slice %arg14[%dma_start3A_136, %dma_start3A_137] : memref<10240x128xf32, #tpu.memory_space<vmem_shared>> -> memref<10240x128xf32, #tpu.memory_space<vmem_shared>>
      tpu.enqueue_indirect_dma source(%arg8 : memref<128x128xf32, #tpu.memory_space<vmem>>) target(%dma_start3A_138 : memref<10240x128xf32, #tpu.memory_space<vmem_shared>>) offsets(%dma_start3A_135 : memref<128xi32, #tpu.memory_space<vmem>>) semaphore(%arg12 : memref<!tpu.dma_semaphore, #tpu.memory_space<semaphore_mem>>) {add = true}
      %gt3A = arith.constant 0 : i32
      %gt3A_139 = arith.cmpi sgt, %scan3A_119, %gt3A : i32
      %convert_element_type3A_140 = arith.extui %gt3A_139 : i1 to i32
      %cond3A_141 = arith.constant 0 : i32
      %cond3A_142 = arith.cmpi ne, %convert_element_type3A_140, %cond3A_141 : i32
      scf.if %cond3A_142 {
        %sub3A = arith.constant 2 : i32
        %sub3A_173 = arith.subi %add3A_126, %sub3A : i32
        %dma_wait3A_174 = arith.constant 0 : i32
        %dma_wait3A_175 = tpu.memref_slice %arg7[%sub3A_173, %dma_wait3A_174] : memref<40x128xi32, #tpu.memory_space<vmem>> -> memref<1x128xi32, #tpu.memory_space<vmem>>
        %dma_wait3A_176 = tpu.memref_squeeze %dma_wait3A_175 : memref<1x128xi32, #tpu.memory_space<vmem>> -> memref<128xi32, #tpu.memory_space<vmem>>
        %dma_wait3A_177 = arith.constant 0 : i32
        %dma_wait3A_178 = arith.constant 0 : i32
        %dma_wait3A_179 = tpu.memref_slice %arg14[%dma_wait3A_177, %dma_wait3A_178] : memref<10240x128xf32, #tpu.memory_space<vmem_shared>> -> memref<10240x128xf32, #tpu.memory_space<vmem_shared>>
        tpu.wait_indirect_dma semaphore(%arg13 : memref<!tpu.dma_semaphore, #tpu.memory_space<semaphore_mem>>) src(%arg9 : memref<128x128xf32, #tpu.memory_space<vmem>>) dst(%dma_wait3A_179 : memref<10240x128xf32, #tpu.memory_space<vmem_shared>>)
      } else {
      }
      %dma_start3A_143 = arith.constant 0 : i32
      %dma_start3A_144 = tpu.memref_slice %arg6[%add3A_126, %dma_start3A_143] : memref<40x128xi32, #tpu.memory_space<vmem>> -> memref<1x128xi32, #tpu.memory_space<vmem>>
      %dma_start3A_145 = tpu.memref_squeeze %dma_start3A_144 : memref<1x128xi32, #tpu.memory_space<vmem>> -> memref<128xi32, #tpu.memory_space<vmem>>
      %dma_start3A_146 = arith.constant 0 : i32
      %dma_start3A_147 = arith.constant 0 : i32
      %dma_start3A_148 = tpu.memref_slice %arg2[%dma_start3A_146, %dma_start3A_147] : memref<20000x128xf32, #tpu.memory_space<hbm>> -> memref<20000x128xf32, #tpu.memory_space<hbm>>
      tpu.enqueue_indirect_dma source(%dma_start3A_148 : memref<20000x128xf32, #tpu.memory_space<hbm>>) target(%arg9 : memref<128x128xf32, #tpu.memory_space<vmem>>) offsets(%dma_start3A_145 : memref<128xi32, #tpu.memory_space<vmem>>) semaphore(%arg11 : memref<!tpu.dma_semaphore, #tpu.memory_space<semaphore_mem>>)
      %dma_wait3A_149 = arith.constant 0 : i32
      %dma_wait3A_150 = tpu.memref_slice %arg6[%add3A_126, %dma_wait3A_149] : memref<40x128xi32, #tpu.memory_space<vmem>> -> memref<1x128xi32, #tpu.memory_space<vmem>>
      %dma_wait3A_151 = tpu.memref_squeeze %dma_wait3A_150 : memref<1x128xi32, #tpu.memory_space<vmem>> -> memref<128xi32, #tpu.memory_space<vmem>>
      %dma_wait3A_152 = arith.constant 0 : i32
      %dma_wait3A_153 = arith.constant 0 : i32
      %dma_wait3A_154 = tpu.memref_slice %arg2[%dma_wait3A_152, %dma_wait3A_153] : memref<20000x128xf32, #tpu.memory_space<hbm>> -> memref<20000x128xf32, #tpu.memory_space<hbm>>
      tpu.wait_indirect_dma semaphore(%arg11 : memref<!tpu.dma_semaphore, #tpu.memory_space<semaphore_mem>>) src(%dma_wait3A_154 : memref<20000x128xf32, #tpu.memory_space<hbm>>) dst(%arg9 : memref<128x128xf32, #tpu.memory_space<vmem>>)
      %dma_start3A_155 = arith.constant 0 : i32
      %dma_start3A_156 = tpu.memref_slice %arg7[%add3A_126, %dma_start3A_155] : memref<40x128xi32, #tpu.memory_space<vmem>> -> memref<1x128xi32, #tpu.memory_space<vmem>>
      %dma_start3A_157 = tpu.memref_squeeze %dma_start3A_156 : memref<1x128xi32, #tpu.memory_space<vmem>> -> memref<128xi32, #tpu.memory_space<vmem>>
      %dma_start3A_158 = arith.constant 0 : i32
      %dma_start3A_159 = arith.constant 0 : i32
      %dma_start3A_160 = tpu.memref_slice %arg14[%dma_start3A_158, %dma_start3A_159] : memref<10240x128xf32, #tpu.memory_space<vmem_shared>> -> memref<10240x128xf32, #tpu.memory_space<vmem_shared>>
      tpu.enqueue_indirect_dma source(%arg9 : memref<128x128xf32, #tpu.memory_space<vmem>>) target(%dma_start3A_160 : memref<10240x128xf32, #tpu.memory_space<vmem_shared>>) offsets(%dma_start3A_157 : memref<128xi32, #tpu.memory_space<vmem>>) semaphore(%arg13 : memref<!tpu.dma_semaphore, #tpu.memory_space<semaphore_mem>>) {add = true}
      %dma_wait3A_161 = arith.constant 0 : i32
      %dma_wait3A_162 = tpu.memref_slice %arg7[%mul3A_122, %dma_wait3A_161] : memref<40x128xi32, #tpu.memory_space<vmem>> -> memref<1x128xi32, #tpu.memory_space<vmem>>
      %dma_wait3A_163 = tpu.memref_squeeze %dma_wait3A_162 : memref<1x128xi32, #tpu.memory_space<vmem>> -> memref<128xi32, #tpu.memory_space<vmem>>
      %dma_wait3A_164 = arith.constant 0 : i32
      %dma_wait3A_165 = arith.constant 0 : i32
      %dma_wait3A_166 = tpu.memref_slice %arg14[%dma_wait3A_164, %dma_wait3A_165] : memref<10240x128xf32, #tpu.memory_space<vmem_shared>> -> memref<10240x128xf32, #tpu.memory_space<vmem_shared>>
      tpu.wait_indirect_dma semaphore(%arg12 : memref<!tpu.dma_semaphore, #tpu.memory_space<semaphore_mem>>) src(%arg8 : memref<128x128xf32, #tpu.memory_space<vmem>>) dst(%dma_wait3A_166 : memref<10240x128xf32, #tpu.memory_space<vmem_shared>>)
      %lt3A_167 = arith.constant 19 : i32
      %lt3A_168 = arith.cmpi slt, %scan3A_119, %lt3A_167 : i32
      %convert_element_type3A_169 = arith.extui %lt3A_168 : i1 to i32
      %cond3A_170 = arith.constant 0 : i32
      %cond3A_171 = arith.cmpi ne, %convert_element_type3A_169, %cond3A_170 : i32
      scf.if %cond3A_171 {
        %add3A_173 = arith.constant 2 : i32
        %add3A_174 = arith.addi %mul3A_122, %add3A_173 : i32
        %dma_start3A_175 = arith.constant 0 : i32
        %dma_start3A_176 = tpu.memref_slice %arg6[%add3A_174, %dma_start3A_175] : memref<40x128xi32, #tpu.memory_space<vmem>> -> memref<1x128xi32, #tpu.memory_space<vmem>>
        %dma_start3A_177 = tpu.memref_squeeze %dma_start3A_176 : memref<1x128xi32, #tpu.memory_space<vmem>> -> memref<128xi32, #tpu.memory_space<vmem>>
        %dma_start3A_178 = arith.constant 0 : i32
        %dma_start3A_179 = arith.constant 0 : i32
        %dma_start3A_180 = tpu.memref_slice %arg2[%dma_start3A_178, %dma_start3A_179] : memref<20000x128xf32, #tpu.memory_space<hbm>> -> memref<20000x128xf32, #tpu.memory_space<hbm>>
        tpu.enqueue_indirect_dma source(%dma_start3A_180 : memref<20000x128xf32, #tpu.memory_space<hbm>>) target(%arg8 : memref<128x128xf32, #tpu.memory_space<vmem>>) offsets(%dma_start3A_177 : memref<128xi32, #tpu.memory_space<vmem>>) semaphore(%arg10 : memref<!tpu.dma_semaphore, #tpu.memory_space<semaphore_mem>>)
      } else {
      }
      %scan3A_172 = arith.constant 0 : i32
      scf.yield %scan3A_172 : i32
    }
    %scan3A_26 = arith.constant 20 : i32
    %dma_wait3A = arith.constant 39 : i32
    %dma_wait3A_27 = arith.constant 0 : i32
    %dma_wait3A_28 = tpu.memref_slice %arg7[%dma_wait3A, %dma_wait3A_27] : memref<40x128xi32, #tpu.memory_space<vmem>> -> memref<1x128xi32, #tpu.memory_space<vmem>>
    %dma_wait3A_29 = tpu.memref_squeeze %dma_wait3A_28 : memref<1x128xi32, #tpu.memory_space<vmem>> -> memref<128xi32, #tpu.memory_space<vmem>>
    %dma_wait3A_30 = arith.constant 0 : i32
    %dma_wait3A_31 = arith.constant 0 : i32
    %dma_wait3A_32 = tpu.memref_slice %arg14[%dma_wait3A_30, %dma_wait3A_31] : memref<10240x128xf32, #tpu.memory_space<vmem_shared>> -> memref<10240x128xf32, #tpu.memory_space<vmem_shared>>
    tpu.wait_indirect_dma semaphore(%arg13 : memref<!tpu.dma_semaphore, #tpu.memory_space<semaphore_mem>>) src(%arg9 : memref<128x128xf32, #tpu.memory_space<vmem>>) dst(%dma_wait3A_32 : memref<10240x128xf32, #tpu.memory_space<vmem_shared>>)
    %add3A_33 = arith.constant 40 : i32
    %add3A_34 = arith.addi %add3A, %add3A_33 : i32
    "tpu.region"() ({
      %run_scoped3A = tpu.sem_alloc : memref<!tpu.dma_semaphore, #tpu.memory_space<semaphore_mem>>
      %dma_start3A_119 = arith.constant 0 : i32
      %dma_start3A_120 = tpu.memref_slice %arg3[%add3A_34, %dma_start3A_119] : memref<5120x128xi32, #tpu.memory_space<hbm>> -> memref<40x128xi32, #tpu.memory_space<hbm>>
      %dma_start3A_121 = arith.constant 0 : i32
      %dma_start3A_122 = tpu.memref_slice %arg3[%add3A_34, %dma_start3A_121] : memref<5120x128xi32, #tpu.memory_space<hbm>> -> memref<40x128xi32, #tpu.memory_space<hbm>>
      tpu.enqueue_dma source(%dma_start3A_122 : memref<40x128xi32, #tpu.memory_space<hbm>>) target(%arg6 : memref<40x128xi32, #tpu.memory_space<vmem>>) target_semaphore(%run_scoped3A : memref<!tpu.dma_semaphore, #tpu.memory_space<semaphore_mem>>)
      %dma_wait3A_123 = arith.constant 0 : i32
      %dma_wait3A_124 = tpu.memref_slice %arg3[%add3A_34, %dma_wait3A_123] : memref<5120x128xi32, #tpu.memory_space<hbm>> -> memref<40x128xi32, #tpu.memory_space<hbm>>
      %dma_wait3A_125 = arith.constant 0 : i32
      %dma_wait3A_126 = tpu.memref_slice %arg3[%add3A_34, %dma_wait3A_125] : memref<5120x128xi32, #tpu.memory_space<hbm>> -> memref<40x128xi32, #tpu.memory_space<hbm>>
      tpu.wait_dma2 semaphore(%run_scoped3A : memref<!tpu.dma_semaphore, #tpu.memory_space<semaphore_mem>>) src(%dma_wait3A_126 : memref<40x128xi32, #tpu.memory_space<hbm>>) dst(%arg6 : memref<40x128xi32, #tpu.memory_space<vmem>>)
      tpu.yield
    }) : () -> ()
    %add3A_35 = arith.constant 40 : i32
    %add3A_36 = arith.addi %add3A, %add3A_35 : i32
    "tpu.region"() ({
      %run_scoped3A = tpu.sem_alloc : memref<!tpu.dma_semaphore, #tpu.memory_space<semaphore_mem>>
      %dma_start3A_119 = arith.constant 0 : i32
      %dma_start3A_120 = tpu.memref_slice %arg4[%add3A_36, %dma_start3A_119] : memref<5120x128xi32, #tpu.memory_space<hbm>> -> memref<40x128xi32, #tpu.memory_space<hbm>>
      %dma_start3A_121 = arith.constant 0 : i32
      %dma_start3A_122 = tpu.memref_slice %arg4[%add3A_36, %dma_start3A_121] : memref<5120x128xi32, #tpu.memory_space<hbm>> -> memref<40x128xi32, #tpu.memory_space<hbm>>
      tpu.enqueue_dma source(%dma_start3A_122 : memref<40x128xi32, #tpu.memory_space<hbm>>) target(%arg7 : memref<40x128xi32, #tpu.memory_space<vmem>>) target_semaphore(%run_scoped3A : memref<!tpu.dma_semaphore, #tpu.memory_space<semaphore_mem>>)
      %dma_wait3A_123 = arith.constant 0 : i32
      %dma_wait3A_124 = tpu.memref_slice %arg4[%add3A_36, %dma_wait3A_123] : memref<5120x128xi32, #tpu.memory_space<hbm>> -> memref<40x128xi32, #tpu.memory_space<hbm>>
      %dma_wait3A_125 = arith.constant 0 : i32
      %dma_wait3A_126 = tpu.memref_slice %arg4[%add3A_36, %dma_wait3A_125] : memref<5120x128xi32, #tpu.memory_space<hbm>> -> memref<40x128xi32, #tpu.memory_space<hbm>>
      tpu.wait_dma2 semaphore(%run_scoped3A : memref<!tpu.dma_semaphore, #tpu.memory_space<semaphore_mem>>) src(%dma_wait3A_126 : memref<40x128xi32, #tpu.memory_space<hbm>>) dst(%arg7 : memref<40x128xi32, #tpu.memory_space<vmem>>)
      tpu.yield
    }) : () -> ()
    %dma_start3A_37 = arith.constant 0 : i32
    %dma_start3A_38 = arith.constant 0 : i32
    %dma_start3A_39 = tpu.memref_slice %arg6[%dma_start3A_37, %dma_start3A_38] : memref<40x128xi32, #tpu.memory_space<vmem>> -> memref<1x128xi32, #tpu.memory_space<vmem>>
    %dma_start3A_40 = tpu.memref_squeeze %dma_start3A_39 : memref<1x128xi32, #tpu.memory_space<vmem>> -> memref<128xi32, #tpu.memory_space<vmem>>
    %dma_start3A_41 = arith.constant 0 : i32
    %dma_start3A_42 = arith.constant 0 : i32
    %dma_start3A_43 = tpu.memref_slice %arg2[%dma_start3A_41, %dma_start3A_42] : memref<20000x128xf32, #tpu.memory_space<hbm>> -> memref<20000x128xf32, #tpu.memory_space<hbm>>
    tpu.enqueue_indirect_dma source(%dma_start3A_43 : memref<20000x128xf32, #tpu.memory_space<hbm>>) target(%arg8 : memref<128x128xf32, #tpu.memory_space<vmem>>) offsets(%dma_start3A_40 : memref<128xi32, #tpu.memory_space<vmem>>) semaphore(%arg10 : memref<!tpu.dma_semaphore, #tpu.memory_space<semaphore_mem>>)
    %scan3A_44 = arith.constant 0 : i32
    %scan3A_45 = arith.constant 0 : i32
    %scan3A_46 = arith.constant 20 : i32
    %scan3A_47 = arith.addi %scan3A_45, %scan3A_46 : i32
    %scan3A_48 = arith.constant 1 : i32
    %scan3A_49 = scf.for %scan3A_119 = %scan3A_45 to %scan3A_47 step %scan3A_48 iter_args(%scan3A_120 = %scan3A_44) -> (i32)  : i32 {
      %mul3A_121 = arith.constant 2 : i32
      %mul3A_122 = arith.muli %mul3A_121, %scan3A_119 : i32
      %mul3A_123 = arith.constant 2 : i32
      %mul3A_124 = arith.muli %mul3A_123, %scan3A_119 : i32
      %add3A_125 = arith.constant 1 : i32
      %add3A_126 = arith.addi %mul3A_124, %add3A_125 : i32
      %dma_wait3A_127 = arith.constant 0 : i32
      %dma_wait3A_128 = tpu.memref_slice %arg6[%mul3A_122, %dma_wait3A_127] : memref<40x128xi32, #tpu.memory_space<vmem>> -> memref<1x128xi32, #tpu.memory_space<vmem>>
      %dma_wait3A_129 = tpu.memref_squeeze %dma_wait3A_128 : memref<1x128xi32, #tpu.memory_space<vmem>> -> memref<128xi32, #tpu.memory_space<vmem>>
      %dma_wait3A_130 = arith.constant 0 : i32
      %dma_wait3A_131 = arith.constant 0 : i32
      %dma_wait3A_132 = tpu.memref_slice %arg2[%dma_wait3A_130, %dma_wait3A_131] : memref<20000x128xf32, #tpu.memory_space<hbm>> -> memref<20000x128xf32, #tpu.memory_space<hbm>>
      tpu.wait_indirect_dma semaphore(%arg10 : memref<!tpu.dma_semaphore, #tpu.memory_space<semaphore_mem>>) src(%dma_wait3A_132 : memref<20000x128xf32, #tpu.memory_space<hbm>>) dst(%arg8 : memref<128x128xf32, #tpu.memory_space<vmem>>)
      %dma_start3A_133 = arith.constant 0 : i32
      %dma_start3A_134 = tpu.memref_slice %arg7[%mul3A_122, %dma_start3A_133] : memref<40x128xi32, #tpu.memory_space<vmem>> -> memref<1x128xi32, #tpu.memory_space<vmem>>
      %dma_start3A_135 = tpu.memref_squeeze %dma_start3A_134 : memref<1x128xi32, #tpu.memory_space<vmem>> -> memref<128xi32, #tpu.memory_space<vmem>>
      %dma_start3A_136 = arith.constant 0 : i32
      %dma_start3A_137 = arith.constant 0 : i32
      %dma_start3A_138 = tpu.memref_slice %arg14[%dma_start3A_136, %dma_start3A_137] : memref<10240x128xf32, #tpu.memory_space<vmem_shared>> -> memref<10240x128xf32, #tpu.memory_space<vmem_shared>>
      tpu.enqueue_indirect_dma source(%arg8 : memref<128x128xf32, #tpu.memory_space<vmem>>) target(%dma_start3A_138 : memref<10240x128xf32, #tpu.memory_space<vmem_shared>>) offsets(%dma_start3A_135 : memref<128xi32, #tpu.memory_space<vmem>>) semaphore(%arg12 : memref<!tpu.dma_semaphore, #tpu.memory_space<semaphore_mem>>) {add = true}
      %gt3A = arith.constant 0 : i32
      %gt3A_139 = arith.cmpi sgt, %scan3A_119, %gt3A : i32
      %convert_element_type3A_140 = arith.extui %gt3A_139 : i1 to i32
      %cond3A_141 = arith.constant 0 : i32
      %cond3A_142 = arith.cmpi ne, %convert_element_type3A_140, %cond3A_141 : i32
      scf.if %cond3A_142 {
        %sub3A = arith.constant 2 : i32
        %sub3A_173 = arith.subi %add3A_126, %sub3A : i32
        %dma_wait3A_174 = arith.constant 0 : i32
        %dma_wait3A_175 = tpu.memref_slice %arg7[%sub3A_173, %dma_wait3A_174] : memref<40x128xi32, #tpu.memory_space<vmem>> -> memref<1x128xi32, #tpu.memory_space<vmem>>
        %dma_wait3A_176 = tpu.memref_squeeze %dma_wait3A_175 : memref<1x128xi32, #tpu.memory_space<vmem>> -> memref<128xi32, #tpu.memory_space<vmem>>
        %dma_wait3A_177 = arith.constant 0 : i32
        %dma_wait3A_178 = arith.constant 0 : i32
        %dma_wait3A_179 = tpu.memref_slice %arg14[%dma_wait3A_177, %dma_wait3A_178] : memref<10240x128xf32, #tpu.memory_space<vmem_shared>> -> memref<10240x128xf32, #tpu.memory_space<vmem_shared>>
        tpu.wait_indirect_dma semaphore(%arg13 : memref<!tpu.dma_semaphore, #tpu.memory_space<semaphore_mem>>) src(%arg9 : memref<128x128xf32, #tpu.memory_space<vmem>>) dst(%dma_wait3A_179 : memref<10240x128xf32, #tpu.memory_space<vmem_shared>>)
      } else {
      }
      %dma_start3A_143 = arith.constant 0 : i32
      %dma_start3A_144 = tpu.memref_slice %arg6[%add3A_126, %dma_start3A_143] : memref<40x128xi32, #tpu.memory_space<vmem>> -> memref<1x128xi32, #tpu.memory_space<vmem>>
      %dma_start3A_145 = tpu.memref_squeeze %dma_start3A_144 : memref<1x128xi32, #tpu.memory_space<vmem>> -> memref<128xi32, #tpu.memory_space<vmem>>
      %dma_start3A_146 = arith.constant 0 : i32
      %dma_start3A_147 = arith.constant 0 : i32
      %dma_start3A_148 = tpu.memref_slice %arg2[%dma_start3A_146, %dma_start3A_147] : memref<20000x128xf32, #tpu.memory_space<hbm>> -> memref<20000x128xf32, #tpu.memory_space<hbm>>
      tpu.enqueue_indirect_dma source(%dma_start3A_148 : memref<20000x128xf32, #tpu.memory_space<hbm>>) target(%arg9 : memref<128x128xf32, #tpu.memory_space<vmem>>) offsets(%dma_start3A_145 : memref<128xi32, #tpu.memory_space<vmem>>) semaphore(%arg11 : memref<!tpu.dma_semaphore, #tpu.memory_space<semaphore_mem>>)
      %dma_wait3A_149 = arith.constant 0 : i32
      %dma_wait3A_150 = tpu.memref_slice %arg6[%add3A_126, %dma_wait3A_149] : memref<40x128xi32, #tpu.memory_space<vmem>> -> memref<1x128xi32, #tpu.memory_space<vmem>>
      %dma_wait3A_151 = tpu.memref_squeeze %dma_wait3A_150 : memref<1x128xi32, #tpu.memory_space<vmem>> -> memref<128xi32, #tpu.memory_space<vmem>>
      %dma_wait3A_152 = arith.constant 0 : i32
      %dma_wait3A_153 = arith.constant 0 : i32
      %dma_wait3A_154 = tpu.memref_slice %arg2[%dma_wait3A_152, %dma_wait3A_153] : memref<20000x128xf32, #tpu.memory_space<hbm>> -> memref<20000x128xf32, #tpu.memory_space<hbm>>
      tpu.wait_indirect_dma semaphore(%arg11 : memref<!tpu.dma_semaphore, #tpu.memory_space<semaphore_mem>>) src(%dma_wait3A_154 : memref<20000x128xf32, #tpu.memory_space<hbm>>) dst(%arg9 : memref<128x128xf32, #tpu.memory_space<vmem>>)
      %dma_start3A_155 = arith.constant 0 : i32
      %dma_start3A_156 = tpu.memref_slice %arg7[%add3A_126, %dma_start3A_155] : memref<40x128xi32, #tpu.memory_space<vmem>> -> memref<1x128xi32, #tpu.memory_space<vmem>>
      %dma_start3A_157 = tpu.memref_squeeze %dma_start3A_156 : memref<1x128xi32, #tpu.memory_space<vmem>> -> memref<128xi32, #tpu.memory_space<vmem>>
      %dma_start3A_158 = arith.constant 0 : i32
      %dma_start3A_159 = arith.constant 0 : i32
      %dma_start3A_160 = tpu.memref_slice %arg14[%dma_start3A_158, %dma_start3A_159] : memref<10240x128xf32, #tpu.memory_space<vmem_shared>> -> memref<10240x128xf32, #tpu.memory_space<vmem_shared>>
      tpu.enqueue_indirect_dma source(%arg9 : memref<128x128xf32, #tpu.memory_space<vmem>>) target(%dma_start3A_160 : memref<10240x128xf32, #tpu.memory_space<vmem_shared>>) offsets(%dma_start3A_157 : memref<128xi32, #tpu.memory_space<vmem>>) semaphore(%arg13 : memref<!tpu.dma_semaphore, #tpu.memory_space<semaphore_mem>>) {add = true}
      %dma_wait3A_161 = arith.constant 0 : i32
      %dma_wait3A_162 = tpu.memref_slice %arg7[%mul3A_122, %dma_wait3A_161] : memref<40x128xi32, #tpu.memory_space<vmem>> -> memref<1x128xi32, #tpu.memory_space<vmem>>
      %dma_wait3A_163 = tpu.memref_squeeze %dma_wait3A_162 : memref<1x128xi32, #tpu.memory_space<vmem>> -> memref<128xi32, #tpu.memory_space<vmem>>
      %dma_wait3A_164 = arith.constant 0 : i32
      %dma_wait3A_165 = arith.constant 0 : i32
      %dma_wait3A_166 = tpu.memref_slice %arg14[%dma_wait3A_164, %dma_wait3A_165] : memref<10240x128xf32, #tpu.memory_space<vmem_shared>> -> memref<10240x128xf32, #tpu.memory_space<vmem_shared>>
      tpu.wait_indirect_dma semaphore(%arg12 : memref<!tpu.dma_semaphore, #tpu.memory_space<semaphore_mem>>) src(%arg8 : memref<128x128xf32, #tpu.memory_space<vmem>>) dst(%dma_wait3A_166 : memref<10240x128xf32, #tpu.memory_space<vmem_shared>>)
      %lt3A_167 = arith.constant 19 : i32
      %lt3A_168 = arith.cmpi slt, %scan3A_119, %lt3A_167 : i32
      %convert_element_type3A_169 = arith.extui %lt3A_168 : i1 to i32
      %cond3A_170 = arith.constant 0 : i32
      %cond3A_171 = arith.cmpi ne, %convert_element_type3A_169, %cond3A_170 : i32
      scf.if %cond3A_171 {
        %add3A_173 = arith.constant 2 : i32
        %add3A_174 = arith.addi %mul3A_122, %add3A_173 : i32
        %dma_start3A_175 = arith.constant 0 : i32
        %dma_start3A_176 = tpu.memref_slice %arg6[%add3A_174, %dma_start3A_175] : memref<40x128xi32, #tpu.memory_space<vmem>> -> memref<1x128xi32, #tpu.memory_space<vmem>>
        %dma_start3A_177 = tpu.memref_squeeze %dma_start3A_176 : memref<1x128xi32, #tpu.memory_space<vmem>> -> memref<128xi32, #tpu.memory_space<vmem>>
        %dma_start3A_178 = arith.constant 0 : i32
        %dma_start3A_179 = arith.constant 0 : i32
        %dma_start3A_180 = tpu.memref_slice %arg2[%dma_start3A_178, %dma_start3A_179] : memref<20000x128xf32, #tpu.memory_space<hbm>> -> memref<20000x128xf32, #tpu.memory_space<hbm>>
        tpu.enqueue_indirect_dma source(%dma_start3A_180 : memref<20000x128xf32, #tpu.memory_space<hbm>>) target(%arg8 : memref<128x128xf32, #tpu.memory_space<vmem>>) offsets(%dma_start3A_177 : memref<128xi32, #tpu.memory_space<vmem>>) semaphore(%arg10 : memref<!tpu.dma_semaphore, #tpu.memory_space<semaphore_mem>>)
      } else {
      }
      %scan3A_172 = arith.constant 0 : i32
      scf.yield %scan3A_172 : i32
    }
    %scan3A_50 = arith.constant 20 : i32
    %dma_wait3A_51 = arith.constant 39 : i32
    %dma_wait3A_52 = arith.constant 0 : i32
    %dma_wait3A_53 = tpu.memref_slice %arg7[%dma_wait3A_51, %dma_wait3A_52] : memref<40x128xi32, #tpu.memory_space<vmem>> -> memref<1x128xi32, #tpu.memory_space<vmem>>
    %dma_wait3A_54 = tpu.memref_squeeze %dma_wait3A_53 : memref<1x128xi32, #tpu.memory_space<vmem>> -> memref<128xi32, #tpu.memory_space<vmem>>
    %dma_wait3A_55 = arith.constant 0 : i32
    %dma_wait3A_56 = arith.constant 0 : i32
    %dma_wait3A_57 = tpu.memref_slice %arg14[%dma_wait3A_55, %dma_wait3A_56] : memref<10240x128xf32, #tpu.memory_space<vmem_shared>> -> memref<10240x128xf32, #tpu.memory_space<vmem_shared>>
    tpu.wait_indirect_dma semaphore(%arg13 : memref<!tpu.dma_semaphore, #tpu.memory_space<semaphore_mem>>) src(%arg9 : memref<128x128xf32, #tpu.memory_space<vmem>>) dst(%dma_wait3A_57 : memref<10240x128xf32, #tpu.memory_space<vmem_shared>>)
    %add3A_58 = arith.constant 80 : i32
    %add3A_59 = arith.addi %add3A, %add3A_58 : i32
    "tpu.region"() ({
      %run_scoped3A = tpu.sem_alloc : memref<!tpu.dma_semaphore, #tpu.memory_space<semaphore_mem>>
      %dma_start3A_119 = arith.constant 0 : i32
      %dma_start3A_120 = tpu.memref_slice %arg3[%add3A_59, %dma_start3A_119] : memref<5120x128xi32, #tpu.memory_space<hbm>> -> memref<40x128xi32, #tpu.memory_space<hbm>>
      %dma_start3A_121 = arith.constant 0 : i32
      %dma_start3A_122 = tpu.memref_slice %arg3[%add3A_59, %dma_start3A_121] : memref<5120x128xi32, #tpu.memory_space<hbm>> -> memref<40x128xi32, #tpu.memory_space<hbm>>
      tpu.enqueue_dma source(%dma_start3A_122 : memref<40x128xi32, #tpu.memory_space<hbm>>) target(%arg6 : memref<40x128xi32, #tpu.memory_space<vmem>>) target_semaphore(%run_scoped3A : memref<!tpu.dma_semaphore, #tpu.memory_space<semaphore_mem>>)
      %dma_wait3A_123 = arith.constant 0 : i32
      %dma_wait3A_124 = tpu.memref_slice %arg3[%add3A_59, %dma_wait3A_123] : memref<5120x128xi32, #tpu.memory_space<hbm>> -> memref<40x128xi32, #tpu.memory_space<hbm>>
      %dma_wait3A_125 = arith.constant 0 : i32
      %dma_wait3A_126 = tpu.memref_slice %arg3[%add3A_59, %dma_wait3A_125] : memref<5120x128xi32, #tpu.memory_space<hbm>> -> memref<40x128xi32, #tpu.memory_space<hbm>>
      tpu.wait_dma2 semaphore(%run_scoped3A : memref<!tpu.dma_semaphore, #tpu.memory_space<semaphore_mem>>) src(%dma_wait3A_126 : memref<40x128xi32, #tpu.memory_space<hbm>>) dst(%arg6 : memref<40x128xi32, #tpu.memory_space<vmem>>)
      tpu.yield
    }) : () -> ()
    %add3A_60 = arith.constant 80 : i32
    %add3A_61 = arith.addi %add3A, %add3A_60 : i32
    "tpu.region"() ({
      %run_scoped3A = tpu.sem_alloc : memref<!tpu.dma_semaphore, #tpu.memory_space<semaphore_mem>>
      %dma_start3A_119 = arith.constant 0 : i32
      %dma_start3A_120 = tpu.memref_slice %arg4[%add3A_61, %dma_start3A_119] : memref<5120x128xi32, #tpu.memory_space<hbm>> -> memref<40x128xi32, #tpu.memory_space<hbm>>
      %dma_start3A_121 = arith.constant 0 : i32
      %dma_start3A_122 = tpu.memref_slice %arg4[%add3A_61, %dma_start3A_121] : memref<5120x128xi32, #tpu.memory_space<hbm>> -> memref<40x128xi32, #tpu.memory_space<hbm>>
      tpu.enqueue_dma source(%dma_start3A_122 : memref<40x128xi32, #tpu.memory_space<hbm>>) target(%arg7 : memref<40x128xi32, #tpu.memory_space<vmem>>) target_semaphore(%run_scoped3A : memref<!tpu.dma_semaphore, #tpu.memory_space<semaphore_mem>>)
      %dma_wait3A_123 = arith.constant 0 : i32
      %dma_wait3A_124 = tpu.memref_slice %arg4[%add3A_61, %dma_wait3A_123] : memref<5120x128xi32, #tpu.memory_space<hbm>> -> memref<40x128xi32, #tpu.memory_space<hbm>>
      %dma_wait3A_125 = arith.constant 0 : i32
      %dma_wait3A_126 = tpu.memref_slice %arg4[%add3A_61, %dma_wait3A_125] : memref<5120x128xi32, #tpu.memory_space<hbm>> -> memref<40x128xi32, #tpu.memory_space<hbm>>
      tpu.wait_dma2 semaphore(%run_scoped3A : memref<!tpu.dma_semaphore, #tpu.memory_space<semaphore_mem>>) src(%dma_wait3A_126 : memref<40x128xi32, #tpu.memory_space<hbm>>) dst(%arg7 : memref<40x128xi32, #tpu.memory_space<vmem>>)
      tpu.yield
    }) : () -> ()
    %dma_start3A_62 = arith.constant 0 : i32
    %dma_start3A_63 = arith.constant 0 : i32
    %dma_start3A_64 = tpu.memref_slice %arg6[%dma_start3A_62, %dma_start3A_63] : memref<40x128xi32, #tpu.memory_space<vmem>> -> memref<1x128xi32, #tpu.memory_space<vmem>>
    %dma_start3A_65 = tpu.memref_squeeze %dma_start3A_64 : memref<1x128xi32, #tpu.memory_space<vmem>> -> memref<128xi32, #tpu.memory_space<vmem>>
    %dma_start3A_66 = arith.constant 0 : i32
    %dma_start3A_67 = arith.constant 0 : i32
    %dma_start3A_68 = tpu.memref_slice %arg2[%dma_start3A_66, %dma_start3A_67] : memref<20000x128xf32, #tpu.memory_space<hbm>> -> memref<20000x128xf32, #tpu.memory_space<hbm>>
    tpu.enqueue_indirect_dma source(%dma_start3A_68 : memref<20000x128xf32, #tpu.memory_space<hbm>>) target(%arg8 : memref<128x128xf32, #tpu.memory_space<vmem>>) offsets(%dma_start3A_65 : memref<128xi32, #tpu.memory_space<vmem>>) semaphore(%arg10 : memref<!tpu.dma_semaphore, #tpu.memory_space<semaphore_mem>>)
    %scan3A_69 = arith.constant 0 : i32
    %scan3A_70 = arith.constant 0 : i32
    %scan3A_71 = arith.constant 20 : i32
    %scan3A_72 = arith.addi %scan3A_70, %scan3A_71 : i32
    %scan3A_73 = arith.constant 1 : i32
    %scan3A_74 = scf.for %scan3A_119 = %scan3A_70 to %scan3A_72 step %scan3A_73 iter_args(%scan3A_120 = %scan3A_69) -> (i32)  : i32 {
      %mul3A_121 = arith.constant 2 : i32
      %mul3A_122 = arith.muli %mul3A_121, %scan3A_119 : i32
      %mul3A_123 = arith.constant 2 : i32
      %mul3A_124 = arith.muli %mul3A_123, %scan3A_119 : i32
      %add3A_125 = arith.constant 1 : i32
      %add3A_126 = arith.addi %mul3A_124, %add3A_125 : i32
      %dma_wait3A_127 = arith.constant 0 : i32
      %dma_wait3A_128 = tpu.memref_slice %arg6[%mul3A_122, %dma_wait3A_127] : memref<40x128xi32, #tpu.memory_space<vmem>> -> memref<1x128xi32, #tpu.memory_space<vmem>>
      %dma_wait3A_129 = tpu.memref_squeeze %dma_wait3A_128 : memref<1x128xi32, #tpu.memory_space<vmem>> -> memref<128xi32, #tpu.memory_space<vmem>>
      %dma_wait3A_130 = arith.constant 0 : i32
      %dma_wait3A_131 = arith.constant 0 : i32
      %dma_wait3A_132 = tpu.memref_slice %arg2[%dma_wait3A_130, %dma_wait3A_131] : memref<20000x128xf32, #tpu.memory_space<hbm>> -> memref<20000x128xf32, #tpu.memory_space<hbm>>
      tpu.wait_indirect_dma semaphore(%arg10 : memref<!tpu.dma_semaphore, #tpu.memory_space<semaphore_mem>>) src(%dma_wait3A_132 : memref<20000x128xf32, #tpu.memory_space<hbm>>) dst(%arg8 : memref<128x128xf32, #tpu.memory_space<vmem>>)
      %dma_start3A_133 = arith.constant 0 : i32
      %dma_start3A_134 = tpu.memref_slice %arg7[%mul3A_122, %dma_start3A_133] : memref<40x128xi32, #tpu.memory_space<vmem>> -> memref<1x128xi32, #tpu.memory_space<vmem>>
      %dma_start3A_135 = tpu.memref_squeeze %dma_start3A_134 : memref<1x128xi32, #tpu.memory_space<vmem>> -> memref<128xi32, #tpu.memory_space<vmem>>
      %dma_start3A_136 = arith.constant 0 : i32
      %dma_start3A_137 = arith.constant 0 : i32
      %dma_start3A_138 = tpu.memref_slice %arg14[%dma_start3A_136, %dma_start3A_137] : memref<10240x128xf32, #tpu.memory_space<vmem_shared>> -> memref<10240x128xf32, #tpu.memory_space<vmem_shared>>
      tpu.enqueue_indirect_dma source(%arg8 : memref<128x128xf32, #tpu.memory_space<vmem>>) target(%dma_start3A_138 : memref<10240x128xf32, #tpu.memory_space<vmem_shared>>) offsets(%dma_start3A_135 : memref<128xi32, #tpu.memory_space<vmem>>) semaphore(%arg12 : memref<!tpu.dma_semaphore, #tpu.memory_space<semaphore_mem>>) {add = true}
      %gt3A = arith.constant 0 : i32
      %gt3A_139 = arith.cmpi sgt, %scan3A_119, %gt3A : i32
      %convert_element_type3A_140 = arith.extui %gt3A_139 : i1 to i32
      %cond3A_141 = arith.constant 0 : i32
      %cond3A_142 = arith.cmpi ne, %convert_element_type3A_140, %cond3A_141 : i32
      scf.if %cond3A_142 {
        %sub3A = arith.constant 2 : i32
        %sub3A_173 = arith.subi %add3A_126, %sub3A : i32
        %dma_wait3A_174 = arith.constant 0 : i32
        %dma_wait3A_175 = tpu.memref_slice %arg7[%sub3A_173, %dma_wait3A_174] : memref<40x128xi32, #tpu.memory_space<vmem>> -> memref<1x128xi32, #tpu.memory_space<vmem>>
        %dma_wait3A_176 = tpu.memref_squeeze %dma_wait3A_175 : memref<1x128xi32, #tpu.memory_space<vmem>> -> memref<128xi32, #tpu.memory_space<vmem>>
        %dma_wait3A_177 = arith.constant 0 : i32
        %dma_wait3A_178 = arith.constant 0 : i32
        %dma_wait3A_179 = tpu.memref_slice %arg14[%dma_wait3A_177, %dma_wait3A_178] : memref<10240x128xf32, #tpu.memory_space<vmem_shared>> -> memref<10240x128xf32, #tpu.memory_space<vmem_shared>>
        tpu.wait_indirect_dma semaphore(%arg13 : memref<!tpu.dma_semaphore, #tpu.memory_space<semaphore_mem>>) src(%arg9 : memref<128x128xf32, #tpu.memory_space<vmem>>) dst(%dma_wait3A_179 : memref<10240x128xf32, #tpu.memory_space<vmem_shared>>)
      } else {
      }
      %dma_start3A_143 = arith.constant 0 : i32
      %dma_start3A_144 = tpu.memref_slice %arg6[%add3A_126, %dma_start3A_143] : memref<40x128xi32, #tpu.memory_space<vmem>> -> memref<1x128xi32, #tpu.memory_space<vmem>>
      %dma_start3A_145 = tpu.memref_squeeze %dma_start3A_144 : memref<1x128xi32, #tpu.memory_space<vmem>> -> memref<128xi32, #tpu.memory_space<vmem>>
      %dma_start3A_146 = arith.constant 0 : i32
      %dma_start3A_147 = arith.constant 0 : i32
      %dma_start3A_148 = tpu.memref_slice %arg2[%dma_start3A_146, %dma_start3A_147] : memref<20000x128xf32, #tpu.memory_space<hbm>> -> memref<20000x128xf32, #tpu.memory_space<hbm>>
      tpu.enqueue_indirect_dma source(%dma_start3A_148 : memref<20000x128xf32, #tpu.memory_space<hbm>>) target(%arg9 : memref<128x128xf32, #tpu.memory_space<vmem>>) offsets(%dma_start3A_145 : memref<128xi32, #tpu.memory_space<vmem>>) semaphore(%arg11 : memref<!tpu.dma_semaphore, #tpu.memory_space<semaphore_mem>>)
      %dma_wait3A_149 = arith.constant 0 : i32
      %dma_wait3A_150 = tpu.memref_slice %arg6[%add3A_126, %dma_wait3A_149] : memref<40x128xi32, #tpu.memory_space<vmem>> -> memref<1x128xi32, #tpu.memory_space<vmem>>
      %dma_wait3A_151 = tpu.memref_squeeze %dma_wait3A_150 : memref<1x128xi32, #tpu.memory_space<vmem>> -> memref<128xi32, #tpu.memory_space<vmem>>
      %dma_wait3A_152 = arith.constant 0 : i32
      %dma_wait3A_153 = arith.constant 0 : i32
      %dma_wait3A_154 = tpu.memref_slice %arg2[%dma_wait3A_152, %dma_wait3A_153] : memref<20000x128xf32, #tpu.memory_space<hbm>> -> memref<20000x128xf32, #tpu.memory_space<hbm>>
      tpu.wait_indirect_dma semaphore(%arg11 : memref<!tpu.dma_semaphore, #tpu.memory_space<semaphore_mem>>) src(%dma_wait3A_154 : memref<20000x128xf32, #tpu.memory_space<hbm>>) dst(%arg9 : memref<128x128xf32, #tpu.memory_space<vmem>>)
      %dma_start3A_155 = arith.constant 0 : i32
      %dma_start3A_156 = tpu.memref_slice %arg7[%add3A_126, %dma_start3A_155] : memref<40x128xi32, #tpu.memory_space<vmem>> -> memref<1x128xi32, #tpu.memory_space<vmem>>
      %dma_start3A_157 = tpu.memref_squeeze %dma_start3A_156 : memref<1x128xi32, #tpu.memory_space<vmem>> -> memref<128xi32, #tpu.memory_space<vmem>>
      %dma_start3A_158 = arith.constant 0 : i32
      %dma_start3A_159 = arith.constant 0 : i32
      %dma_start3A_160 = tpu.memref_slice %arg14[%dma_start3A_158, %dma_start3A_159] : memref<10240x128xf32, #tpu.memory_space<vmem_shared>> -> memref<10240x128xf32, #tpu.memory_space<vmem_shared>>
      tpu.enqueue_indirect_dma source(%arg9 : memref<128x128xf32, #tpu.memory_space<vmem>>) target(%dma_start3A_160 : memref<10240x128xf32, #tpu.memory_space<vmem_shared>>) offsets(%dma_start3A_157 : memref<128xi32, #tpu.memory_space<vmem>>) semaphore(%arg13 : memref<!tpu.dma_semaphore, #tpu.memory_space<semaphore_mem>>) {add = true}
      %dma_wait3A_161 = arith.constant 0 : i32
      %dma_wait3A_162 = tpu.memref_slice %arg7[%mul3A_122, %dma_wait3A_161] : memref<40x128xi32, #tpu.memory_space<vmem>> -> memref<1x128xi32, #tpu.memory_space<vmem>>
      %dma_wait3A_163 = tpu.memref_squeeze %dma_wait3A_162 : memref<1x128xi32, #tpu.memory_space<vmem>> -> memref<128xi32, #tpu.memory_space<vmem>>
      %dma_wait3A_164 = arith.constant 0 : i32
      %dma_wait3A_165 = arith.constant 0 : i32
      %dma_wait3A_166 = tpu.memref_slice %arg14[%dma_wait3A_164, %dma_wait3A_165] : memref<10240x128xf32, #tpu.memory_space<vmem_shared>> -> memref<10240x128xf32, #tpu.memory_space<vmem_shared>>
      tpu.wait_indirect_dma semaphore(%arg12 : memref<!tpu.dma_semaphore, #tpu.memory_space<semaphore_mem>>) src(%arg8 : memref<128x128xf32, #tpu.memory_space<vmem>>) dst(%dma_wait3A_166 : memref<10240x128xf32, #tpu.memory_space<vmem_shared>>)
      %lt3A_167 = arith.constant 19 : i32
      %lt3A_168 = arith.cmpi slt, %scan3A_119, %lt3A_167 : i32
      %convert_element_type3A_169 = arith.extui %lt3A_168 : i1 to i32
      %cond3A_170 = arith.constant 0 : i32
      %cond3A_171 = arith.cmpi ne, %convert_element_type3A_169, %cond3A_170 : i32
      scf.if %cond3A_171 {
        %add3A_173 = arith.constant 2 : i32
        %add3A_174 = arith.addi %mul3A_122, %add3A_173 : i32
        %dma_start3A_175 = arith.constant 0 : i32
        %dma_start3A_176 = tpu.memref_slice %arg6[%add3A_174, %dma_start3A_175] : memref<40x128xi32, #tpu.memory_space<vmem>> -> memref<1x128xi32, #tpu.memory_space<vmem>>
        %dma_start3A_177 = tpu.memref_squeeze %dma_start3A_176 : memref<1x128xi32, #tpu.memory_space<vmem>> -> memref<128xi32, #tpu.memory_space<vmem>>
        %dma_start3A_178 = arith.constant 0 : i32
        %dma_start3A_179 = arith.constant 0 : i32
        %dma_start3A_180 = tpu.memref_slice %arg2[%dma_start3A_178, %dma_start3A_179] : memref<20000x128xf32, #tpu.memory_space<hbm>> -> memref<20000x128xf32, #tpu.memory_space<hbm>>
        tpu.enqueue_indirect_dma source(%dma_start3A_180 : memref<20000x128xf32, #tpu.memory_space<hbm>>) target(%arg8 : memref<128x128xf32, #tpu.memory_space<vmem>>) offsets(%dma_start3A_177 : memref<128xi32, #tpu.memory_space<vmem>>) semaphore(%arg10 : memref<!tpu.dma_semaphore, #tpu.memory_space<semaphore_mem>>)
      } else {
      }
      %scan3A_172 = arith.constant 0 : i32
      scf.yield %scan3A_172 : i32
    }
    %scan3A_75 = arith.constant 20 : i32
    %dma_wait3A_76 = arith.constant 39 : i32
    %dma_wait3A_77 = arith.constant 0 : i32
    %dma_wait3A_78 = tpu.memref_slice %arg7[%dma_wait3A_76, %dma_wait3A_77] : memref<40x128xi32, #tpu.memory_space<vmem>> -> memref<1x128xi32, #tpu.memory_space<vmem>>
    %dma_wait3A_79 = tpu.memref_squeeze %dma_wait3A_78 : memref<1x128xi32, #tpu.memory_space<vmem>> -> memref<128xi32, #tpu.memory_space<vmem>>
    %dma_wait3A_80 = arith.constant 0 : i32
    %dma_wait3A_81 = arith.constant 0 : i32
    %dma_wait3A_82 = tpu.memref_slice %arg14[%dma_wait3A_80, %dma_wait3A_81] : memref<10240x128xf32, #tpu.memory_space<vmem_shared>> -> memref<10240x128xf32, #tpu.memory_space<vmem_shared>>
    tpu.wait_indirect_dma semaphore(%arg13 : memref<!tpu.dma_semaphore, #tpu.memory_space<semaphore_mem>>) src(%arg9 : memref<128x128xf32, #tpu.memory_space<vmem>>) dst(%dma_wait3A_82 : memref<10240x128xf32, #tpu.memory_space<vmem_shared>>)
    %add3A_83 = arith.constant 120 : i32
    %add3A_84 = arith.addi %add3A, %add3A_83 : i32
    "tpu.region"() ({
      %run_scoped3A = tpu.sem_alloc : memref<!tpu.dma_semaphore, #tpu.memory_space<semaphore_mem>>
      %dma_start3A_119 = arith.constant 0 : i32
      %dma_start3A_120 = tpu.memref_slice %arg3[%add3A_84, %dma_start3A_119] : memref<5120x128xi32, #tpu.memory_space<hbm>> -> memref<40x128xi32, #tpu.memory_space<hbm>>
      %dma_start3A_121 = arith.constant 0 : i32
      %dma_start3A_122 = tpu.memref_slice %arg3[%add3A_84, %dma_start3A_121] : memref<5120x128xi32, #tpu.memory_space<hbm>> -> memref<40x128xi32, #tpu.memory_space<hbm>>
      tpu.enqueue_dma source(%dma_start3A_122 : memref<40x128xi32, #tpu.memory_space<hbm>>) target(%arg6 : memref<40x128xi32, #tpu.memory_space<vmem>>) target_semaphore(%run_scoped3A : memref<!tpu.dma_semaphore, #tpu.memory_space<semaphore_mem>>)
      %dma_wait3A_123 = arith.constant 0 : i32
      %dma_wait3A_124 = tpu.memref_slice %arg3[%add3A_84, %dma_wait3A_123] : memref<5120x128xi32, #tpu.memory_space<hbm>> -> memref<40x128xi32, #tpu.memory_space<hbm>>
      %dma_wait3A_125 = arith.constant 0 : i32
      %dma_wait3A_126 = tpu.memref_slice %arg3[%add3A_84, %dma_wait3A_125] : memref<5120x128xi32, #tpu.memory_space<hbm>> -> memref<40x128xi32, #tpu.memory_space<hbm>>
      tpu.wait_dma2 semaphore(%run_scoped3A : memref<!tpu.dma_semaphore, #tpu.memory_space<semaphore_mem>>) src(%dma_wait3A_126 : memref<40x128xi32, #tpu.memory_space<hbm>>) dst(%arg6 : memref<40x128xi32, #tpu.memory_space<vmem>>)
      tpu.yield
    }) : () -> ()
    %add3A_85 = arith.constant 120 : i32
    %add3A_86 = arith.addi %add3A, %add3A_85 : i32
    "tpu.region"() ({
      %run_scoped3A = tpu.sem_alloc : memref<!tpu.dma_semaphore, #tpu.memory_space<semaphore_mem>>
      %dma_start3A_119 = arith.constant 0 : i32
      %dma_start3A_120 = tpu.memref_slice %arg4[%add3A_86, %dma_start3A_119] : memref<5120x128xi32, #tpu.memory_space<hbm>> -> memref<40x128xi32, #tpu.memory_space<hbm>>
      %dma_start3A_121 = arith.constant 0 : i32
      %dma_start3A_122 = tpu.memref_slice %arg4[%add3A_86, %dma_start3A_121] : memref<5120x128xi32, #tpu.memory_space<hbm>> -> memref<40x128xi32, #tpu.memory_space<hbm>>
      tpu.enqueue_dma source(%dma_start3A_122 : memref<40x128xi32, #tpu.memory_space<hbm>>) target(%arg7 : memref<40x128xi32, #tpu.memory_space<vmem>>) target_semaphore(%run_scoped3A : memref<!tpu.dma_semaphore, #tpu.memory_space<semaphore_mem>>)
      %dma_wait3A_123 = arith.constant 0 : i32
      %dma_wait3A_124 = tpu.memref_slice %arg4[%add3A_86, %dma_wait3A_123] : memref<5120x128xi32, #tpu.memory_space<hbm>> -> memref<40x128xi32, #tpu.memory_space<hbm>>
      %dma_wait3A_125 = arith.constant 0 : i32
      %dma_wait3A_126 = tpu.memref_slice %arg4[%add3A_86, %dma_wait3A_125] : memref<5120x128xi32, #tpu.memory_space<hbm>> -> memref<40x128xi32, #tpu.memory_space<hbm>>
      tpu.wait_dma2 semaphore(%run_scoped3A : memref<!tpu.dma_semaphore, #tpu.memory_space<semaphore_mem>>) src(%dma_wait3A_126 : memref<40x128xi32, #tpu.memory_space<hbm>>) dst(%arg7 : memref<40x128xi32, #tpu.memory_space<vmem>>)
      tpu.yield
    }) : () -> ()
    %dma_start3A_87 = arith.constant 0 : i32
    %dma_start3A_88 = arith.constant 0 : i32
    %dma_start3A_89 = tpu.memref_slice %arg6[%dma_start3A_87, %dma_start3A_88] : memref<40x128xi32, #tpu.memory_space<vmem>> -> memref<1x128xi32, #tpu.memory_space<vmem>>
    %dma_start3A_90 = tpu.memref_squeeze %dma_start3A_89 : memref<1x128xi32, #tpu.memory_space<vmem>> -> memref<128xi32, #tpu.memory_space<vmem>>
    %dma_start3A_91 = arith.constant 0 : i32
    %dma_start3A_92 = arith.constant 0 : i32
    %dma_start3A_93 = tpu.memref_slice %arg2[%dma_start3A_91, %dma_start3A_92] : memref<20000x128xf32, #tpu.memory_space<hbm>> -> memref<20000x128xf32, #tpu.memory_space<hbm>>
    tpu.enqueue_indirect_dma source(%dma_start3A_93 : memref<20000x128xf32, #tpu.memory_space<hbm>>) target(%arg8 : memref<128x128xf32, #tpu.memory_space<vmem>>) offsets(%dma_start3A_90 : memref<128xi32, #tpu.memory_space<vmem>>) semaphore(%arg10 : memref<!tpu.dma_semaphore, #tpu.memory_space<semaphore_mem>>)
    %scan3A_94 = arith.constant 0 : i32
    %scan3A_95 = arith.constant 0 : i32
    %scan3A_96 = arith.constant 20 : i32
    %scan3A_97 = arith.addi %scan3A_95, %scan3A_96 : i32
    %scan3A_98 = arith.constant 1 : i32
    %scan3A_99 = scf.for %scan3A_119 = %scan3A_95 to %scan3A_97 step %scan3A_98 iter_args(%scan3A_120 = %scan3A_94) -> (i32)  : i32 {
      %mul3A_121 = arith.constant 2 : i32
      %mul3A_122 = arith.muli %mul3A_121, %scan3A_119 : i32
      %mul3A_123 = arith.constant 2 : i32
      %mul3A_124 = arith.muli %mul3A_123, %scan3A_119 : i32
      %add3A_125 = arith.constant 1 : i32
      %add3A_126 = arith.addi %mul3A_124, %add3A_125 : i32
      %dma_wait3A_127 = arith.constant 0 : i32
      %dma_wait3A_128 = tpu.memref_slice %arg6[%mul3A_122, %dma_wait3A_127] : memref<40x128xi32, #tpu.memory_space<vmem>> -> memref<1x128xi32, #tpu.memory_space<vmem>>
      %dma_wait3A_129 = tpu.memref_squeeze %dma_wait3A_128 : memref<1x128xi32, #tpu.memory_space<vmem>> -> memref<128xi32, #tpu.memory_space<vmem>>
      %dma_wait3A_130 = arith.constant 0 : i32
      %dma_wait3A_131 = arith.constant 0 : i32
      %dma_wait3A_132 = tpu.memref_slice %arg2[%dma_wait3A_130, %dma_wait3A_131] : memref<20000x128xf32, #tpu.memory_space<hbm>> -> memref<20000x128xf32, #tpu.memory_space<hbm>>
      tpu.wait_indirect_dma semaphore(%arg10 : memref<!tpu.dma_semaphore, #tpu.memory_space<semaphore_mem>>) src(%dma_wait3A_132 : memref<20000x128xf32, #tpu.memory_space<hbm>>) dst(%arg8 : memref<128x128xf32, #tpu.memory_space<vmem>>)
      %dma_start3A_133 = arith.constant 0 : i32
      %dma_start3A_134 = tpu.memref_slice %arg7[%mul3A_122, %dma_start3A_133] : memref<40x128xi32, #tpu.memory_space<vmem>> -> memref<1x128xi32, #tpu.memory_space<vmem>>
      %dma_start3A_135 = tpu.memref_squeeze %dma_start3A_134 : memref<1x128xi32, #tpu.memory_space<vmem>> -> memref<128xi32, #tpu.memory_space<vmem>>
      %dma_start3A_136 = arith.constant 0 : i32
      %dma_start3A_137 = arith.constant 0 : i32
      %dma_start3A_138 = tpu.memref_slice %arg14[%dma_start3A_136, %dma_start3A_137] : memref<10240x128xf32, #tpu.memory_space<vmem_shared>> -> memref<10240x128xf32, #tpu.memory_space<vmem_shared>>
      tpu.enqueue_indirect_dma source(%arg8 : memref<128x128xf32, #tpu.memory_space<vmem>>) target(%dma_start3A_138 : memref<10240x128xf32, #tpu.memory_space<vmem_shared>>) offsets(%dma_start3A_135 : memref<128xi32, #tpu.memory_space<vmem>>) semaphore(%arg12 : memref<!tpu.dma_semaphore, #tpu.memory_space<semaphore_mem>>) {add = true}
      %gt3A = arith.constant 0 : i32
      %gt3A_139 = arith.cmpi sgt, %scan3A_119, %gt3A : i32
      %convert_element_type3A_140 = arith.extui %gt3A_139 : i1 to i32
      %cond3A_141 = arith.constant 0 : i32
      %cond3A_142 = arith.cmpi ne, %convert_element_type3A_140, %cond3A_141 : i32
      scf.if %cond3A_142 {
        %sub3A = arith.constant 2 : i32
        %sub3A_173 = arith.subi %add3A_126, %sub3A : i32
        %dma_wait3A_174 = arith.constant 0 : i32
        %dma_wait3A_175 = tpu.memref_slice %arg7[%sub3A_173, %dma_wait3A_174] : memref<40x128xi32, #tpu.memory_space<vmem>> -> memref<1x128xi32, #tpu.memory_space<vmem>>
        %dma_wait3A_176 = tpu.memref_squeeze %dma_wait3A_175 : memref<1x128xi32, #tpu.memory_space<vmem>> -> memref<128xi32, #tpu.memory_space<vmem>>
        %dma_wait3A_177 = arith.constant 0 : i32
        %dma_wait3A_178 = arith.constant 0 : i32
        %dma_wait3A_179 = tpu.memref_slice %arg14[%dma_wait3A_177, %dma_wait3A_178] : memref<10240x128xf32, #tpu.memory_space<vmem_shared>> -> memref<10240x128xf32, #tpu.memory_space<vmem_shared>>
        tpu.wait_indirect_dma semaphore(%arg13 : memref<!tpu.dma_semaphore, #tpu.memory_space<semaphore_mem>>) src(%arg9 : memref<128x128xf32, #tpu.memory_space<vmem>>) dst(%dma_wait3A_179 : memref<10240x128xf32, #tpu.memory_space<vmem_shared>>)
      } else {
      }
      %dma_start3A_143 = arith.constant 0 : i32
      %dma_start3A_144 = tpu.memref_slice %arg6[%add3A_126, %dma_start3A_143] : memref<40x128xi32, #tpu.memory_space<vmem>> -> memref<1x128xi32, #tpu.memory_space<vmem>>
      %dma_start3A_145 = tpu.memref_squeeze %dma_start3A_144 : memref<1x128xi32, #tpu.memory_space<vmem>> -> memref<128xi32, #tpu.memory_space<vmem>>
      %dma_start3A_146 = arith.constant 0 : i32
      %dma_start3A_147 = arith.constant 0 : i32
      %dma_start3A_148 = tpu.memref_slice %arg2[%dma_start3A_146, %dma_start3A_147] : memref<20000x128xf32, #tpu.memory_space<hbm>> -> memref<20000x128xf32, #tpu.memory_space<hbm>>
      tpu.enqueue_indirect_dma source(%dma_start3A_148 : memref<20000x128xf32, #tpu.memory_space<hbm>>) target(%arg9 : memref<128x128xf32, #tpu.memory_space<vmem>>) offsets(%dma_start3A_145 : memref<128xi32, #tpu.memory_space<vmem>>) semaphore(%arg11 : memref<!tpu.dma_semaphore, #tpu.memory_space<semaphore_mem>>)
      %dma_wait3A_149 = arith.constant 0 : i32
      %dma_wait3A_150 = tpu.memref_slice %arg6[%add3A_126, %dma_wait3A_149] : memref<40x128xi32, #tpu.memory_space<vmem>> -> memref<1x128xi32, #tpu.memory_space<vmem>>
      %dma_wait3A_151 = tpu.memref_squeeze %dma_wait3A_150 : memref<1x128xi32, #tpu.memory_space<vmem>> -> memref<128xi32, #tpu.memory_space<vmem>>
      %dma_wait3A_152 = arith.constant 0 : i32
      %dma_wait3A_153 = arith.constant 0 : i32
      %dma_wait3A_154 = tpu.memref_slice %arg2[%dma_wait3A_152, %dma_wait3A_153] : memref<20000x128xf32, #tpu.memory_space<hbm>> -> memref<20000x128xf32, #tpu.memory_space<hbm>>
      tpu.wait_indirect_dma semaphore(%arg11 : memref<!tpu.dma_semaphore, #tpu.memory_space<semaphore_mem>>) src(%dma_wait3A_154 : memref<20000x128xf32, #tpu.memory_space<hbm>>) dst(%arg9 : memref<128x128xf32, #tpu.memory_space<vmem>>)
      %dma_start3A_155 = arith.constant 0 : i32
      %dma_start3A_156 = tpu.memref_slice %arg7[%add3A_126, %dma_start3A_155] : memref<40x128xi32, #tpu.memory_space<vmem>> -> memref<1x128xi32, #tpu.memory_space<vmem>>
      %dma_start3A_157 = tpu.memref_squeeze %dma_start3A_156 : memref<1x128xi32, #tpu.memory_space<vmem>> -> memref<128xi32, #tpu.memory_space<vmem>>
      %dma_start3A_158 = arith.constant 0 : i32
      %dma_start3A_159 = arith.constant 0 : i32
      %dma_start3A_160 = tpu.memref_slice %arg14[%dma_start3A_158, %dma_start3A_159] : memref<10240x128xf32, #tpu.memory_space<vmem_shared>> -> memref<10240x128xf32, #tpu.memory_space<vmem_shared>>
      tpu.enqueue_indirect_dma source(%arg9 : memref<128x128xf32, #tpu.memory_space<vmem>>) target(%dma_start3A_160 : memref<10240x128xf32, #tpu.memory_space<vmem_shared>>) offsets(%dma_start3A_157 : memref<128xi32, #tpu.memory_space<vmem>>) semaphore(%arg13 : memref<!tpu.dma_semaphore, #tpu.memory_space<semaphore_mem>>) {add = true}
      %dma_wait3A_161 = arith.constant 0 : i32
      %dma_wait3A_162 = tpu.memref_slice %arg7[%mul3A_122, %dma_wait3A_161] : memref<40x128xi32, #tpu.memory_space<vmem>> -> memref<1x128xi32, #tpu.memory_space<vmem>>
      %dma_wait3A_163 = tpu.memref_squeeze %dma_wait3A_162 : memref<1x128xi32, #tpu.memory_space<vmem>> -> memref<128xi32, #tpu.memory_space<vmem>>
      %dma_wait3A_164 = arith.constant 0 : i32
      %dma_wait3A_165 = arith.constant 0 : i32
      %dma_wait3A_166 = tpu.memref_slice %arg14[%dma_wait3A_164, %dma_wait3A_165] : memref<10240x128xf32, #tpu.memory_space<vmem_shared>> -> memref<10240x128xf32, #tpu.memory_space<vmem_shared>>
      tpu.wait_indirect_dma semaphore(%arg12 : memref<!tpu.dma_semaphore, #tpu.memory_space<semaphore_mem>>) src(%arg8 : memref<128x128xf32, #tpu.memory_space<vmem>>) dst(%dma_wait3A_166 : memref<10240x128xf32, #tpu.memory_space<vmem_shared>>)
      %lt3A_167 = arith.constant 19 : i32
      %lt3A_168 = arith.cmpi slt, %scan3A_119, %lt3A_167 : i32
      %convert_element_type3A_169 = arith.extui %lt3A_168 : i1 to i32
      %cond3A_170 = arith.constant 0 : i32
      %cond3A_171 = arith.cmpi ne, %convert_element_type3A_169, %cond3A_170 : i32
      scf.if %cond3A_171 {
        %add3A_173 = arith.constant 2 : i32
        %add3A_174 = arith.addi %mul3A_122, %add3A_173 : i32
        %dma_start3A_175 = arith.constant 0 : i32
        %dma_start3A_176 = tpu.memref_slice %arg6[%add3A_174, %dma_start3A_175] : memref<40x128xi32, #tpu.memory_space<vmem>> -> memref<1x128xi32, #tpu.memory_space<vmem>>
        %dma_start3A_177 = tpu.memref_squeeze %dma_start3A_176 : memref<1x128xi32, #tpu.memory_space<vmem>> -> memref<128xi32, #tpu.memory_space<vmem>>
        %dma_start3A_178 = arith.constant 0 : i32
        %dma_start3A_179 = arith.constant 0 : i32
        %dma_start3A_180 = tpu.memref_slice %arg2[%dma_start3A_178, %dma_start3A_179] : memref<20000x128xf32, #tpu.memory_space<hbm>> -> memref<20000x128xf32, #tpu.memory_space<hbm>>
        tpu.enqueue_indirect_dma source(%dma_start3A_180 : memref<20000x128xf32, #tpu.memory_space<hbm>>) target(%arg8 : memref<128x128xf32, #tpu.memory_space<vmem>>) offsets(%dma_start3A_177 : memref<128xi32, #tpu.memory_space<vmem>>) semaphore(%arg10 : memref<!tpu.dma_semaphore, #tpu.memory_space<semaphore_mem>>)
      } else {
      }
      %scan3A_172 = arith.constant 0 : i32
      scf.yield %scan3A_172 : i32
    }
    %scan3A_100 = arith.constant 20 : i32
    %dma_wait3A_101 = arith.constant 39 : i32
    %dma_wait3A_102 = arith.constant 0 : i32
    %dma_wait3A_103 = tpu.memref_slice %arg7[%dma_wait3A_101, %dma_wait3A_102] : memref<40x128xi32, #tpu.memory_space<vmem>> -> memref<1x128xi32, #tpu.memory_space<vmem>>
    %dma_wait3A_104 = tpu.memref_squeeze %dma_wait3A_103 : memref<1x128xi32, #tpu.memory_space<vmem>> -> memref<128xi32, #tpu.memory_space<vmem>>
    %dma_wait3A_105 = arith.constant 0 : i32
    %dma_wait3A_106 = arith.constant 0 : i32
    %dma_wait3A_107 = tpu.memref_slice %arg14[%dma_wait3A_105, %dma_wait3A_106] : memref<10240x128xf32, #tpu.memory_space<vmem_shared>> -> memref<10240x128xf32, #tpu.memory_space<vmem_shared>>
    tpu.wait_indirect_dma semaphore(%arg13 : memref<!tpu.dma_semaphore, #tpu.memory_space<semaphore_mem>>) src(%arg9 : memref<128x128xf32, #tpu.memory_space<vmem>>) dst(%dma_wait3A_107 : memref<10240x128xf32, #tpu.memory_space<vmem_shared>>)
    %barrier3A_108 = arith.constant 0 : index
    tpu.barrier barrier_id(%barrier3A_108)
    %lt3A_109 = arith.constant 15 : i32
    %lt3A_110 = arith.cmpi slt, %arg1, %lt3A_109 : i32
    %convert_element_type3A_111 = arith.extui %lt3A_110 : i1 to i32
    %cond3A_112 = arith.constant 0 : i32
    %cond3A_113 = arith.cmpi ne, %convert_element_type3A_111, %cond3A_112 : i32
    scf.if %cond3A_113 {
      %mul3A_119 = arith.constant 10240 : i32
      %mul3A_120 = arith.muli %arg0, %mul3A_119 : i32
      %add3A_121 = arith.addi %mul3A_120, %mul3A_0 : i32
      "tpu.region"() ({
        %run_scoped3A = tpu.sem_alloc : memref<!tpu.dma_semaphore, #tpu.memory_space<semaphore_mem>>
        %dma_start3A_122 = arith.constant 0 : i32
        %dma_start3A_123 = tpu.memref_slice %arg5[%add3A_121, %dma_start3A_122] : memref<20480x128xf32, #tpu.memory_space<hbm>> -> memref<640x128xf32, #tpu.memory_space<hbm>>
        %dma_start3A_124 = arith.constant 0 : i32
        %dma_start3A_125 = tpu.memref_slice %arg14[%mul3A_0, %dma_start3A_124] : memref<10240x128xf32, #tpu.memory_space<vmem_shared>> -> memref<640x128xf32, #tpu.memory_space<vmem_shared>>
        tpu.enqueue_dma source(%dma_start3A_125 : memref<640x128xf32, #tpu.memory_space<vmem_shared>>) target(%dma_start3A_123 : memref<640x128xf32, #tpu.memory_space<hbm>>) target_semaphore(%run_scoped3A : memref<!tpu.dma_semaphore, #tpu.memory_space<semaphore_mem>>)
        %dma_wait3A_126 = arith.constant 0 : i32
        %dma_wait3A_127 = tpu.memref_slice %arg5[%add3A_121, %dma_wait3A_126] : memref<20480x128xf32, #tpu.memory_space<hbm>> -> memref<640x128xf32, #tpu.memory_space<hbm>>
        %dma_wait3A_128 = arith.constant 0 : i32
        %dma_wait3A_129 = tpu.memref_slice %arg14[%mul3A_0, %dma_wait3A_128] : memref<10240x128xf32, #tpu.memory_space<vmem_shared>> -> memref<640x128xf32, #tpu.memory_space<vmem_shared>>
        tpu.wait_dma2 semaphore(%run_scoped3A : memref<!tpu.dma_semaphore, #tpu.memory_space<semaphore_mem>>) src(%dma_wait3A_129 : memref<640x128xf32, #tpu.memory_space<vmem_shared>>) dst(%dma_wait3A_127 : memref<640x128xf32, #tpu.memory_space<hbm>>)
        tpu.yield
      }) : () -> ()
    } else {
    }
    %eq3A_114 = arith.constant 15 : i32
    %eq3A_115 = arith.cmpi eq, %arg1, %eq3A_114 : i32
    %convert_element_type3A_116 = arith.extui %eq3A_115 : i1 to i32
    %cond3A_117 = arith.constant 0 : i32
    %cond3A_118 = arith.cmpi ne, %convert_element_type3A_116, %cond3A_117 : i32
    scf.if %cond3A_118 {
      %mul3A_119 = arith.constant 10240 : i32
      %mul3A_120 = arith.muli %arg0, %mul3A_119 : i32
      %add3A_121 = arith.constant 9600 : i32
      %add3A_122 = arith.addi %mul3A_120, %add3A_121 : i32
      "tpu.region"() ({
        %run_scoped3A = tpu.sem_alloc : memref<!tpu.dma_semaphore, #tpu.memory_space<semaphore_mem>>
        %dma_start3A_123 = arith.constant 0 : i32
        %dma_start3A_124 = tpu.memref_slice %arg5[%add3A_122, %dma_start3A_123] : memref<20480x128xf32, #tpu.memory_space<hbm>> -> memref<400x128xf32, #tpu.memory_space<hbm>>
        %dma_start3A_125 = arith.constant 9600 : i32
        %dma_start3A_126 = arith.constant 0 : i32
        %dma_start3A_127 = tpu.memref_slice %arg14[%dma_start3A_125, %dma_start3A_126] : memref<10240x128xf32, #tpu.memory_space<vmem_shared>> -> memref<400x128xf32, #tpu.memory_space<vmem_shared>>
        tpu.enqueue_dma source(%dma_start3A_127 : memref<400x128xf32, #tpu.memory_space<vmem_shared>>) target(%dma_start3A_124 : memref<400x128xf32, #tpu.memory_space<hbm>>) target_semaphore(%run_scoped3A : memref<!tpu.dma_semaphore, #tpu.memory_space<semaphore_mem>>)
        %dma_wait3A_128 = arith.constant 0 : i32
        %dma_wait3A_129 = tpu.memref_slice %arg5[%add3A_122, %dma_wait3A_128] : memref<20480x128xf32, #tpu.memory_space<hbm>> -> memref<400x128xf32, #tpu.memory_space<hbm>>
        %dma_wait3A_130 = arith.constant 9600 : i32
        %dma_wait3A_131 = arith.constant 0 : i32
        %dma_wait3A_132 = tpu.memref_slice %arg14[%dma_wait3A_130, %dma_wait3A_131] : memref<10240x128xf32, #tpu.memory_space<vmem_shared>> -> memref<400x128xf32, #tpu.memory_space<vmem_shared>>
        tpu.wait_dma2 semaphore(%run_scoped3A : memref<!tpu.dma_semaphore, #tpu.memory_space<semaphore_mem>>) src(%dma_wait3A_132 : memref<400x128xf32, #tpu.memory_space<vmem_shared>>) dst(%dma_wait3A_129 : memref<400x128xf32, #tpu.memory_space<hbm>>)
        tpu.yield
      }) : () -> ()
    } else {
    }
    return
  }
}

module attributes {stable_mosaic.version = 14 : i64} {
  func.func @_t1_body(%arg0: i32, %arg1: i32, %arg2: memref<1000x128xf32, #tpu.memory_space<vmem>>, %arg3: memref<1x128x128xf32, #tpu.memory_space<vmem>>, %arg4: memref<1x1000x1xf32, #tpu.memory_space<vmem>>, %arg5: memref<1000x128xf32, #tpu.memory_space<vmem>>, %arg6: memref<1x1000x1xf32, #tpu.memory_space<vmem>>) attributes {dimension_semantics = [#tpu.dimension_semantics<arbitrary>, #tpu.dimension_semantics<arbitrary>], iteration_bounds = array<i64: 2, 10>, scalar_prefetch = 0 : i64, scratch_operands = 0 : i64, tpu.core_type = #tpu.core_type<tc>, window_params = [{transform_indices = @transform_0, window_bounds = array<i64: 1000, 128>}, {transform_indices = @transform_1, window_bounds = array<i64: 1, 128, 128>}, {transform_indices = @transform_2, window_bounds = array<i64: 1, 1000, 1>}, {transform_indices = @transform_3, window_bounds = array<i64: 1000, 128>}, {transform_indices = @transform_4, window_bounds = array<i64: 1, 1000, 1>}]} {
    %get3A = arith.constant 0 : index
    %get3A_0 = arith.constant 0 : index
    %get3A_1 = arith.constant 0 : index
    %get3A_2 = vector.load %arg4[%get3A, %get3A_0, %get3A_1] : memref<1x1000x1xf32, #tpu.memory_space<vmem>>, vector<1x1000x1xf32>
    %get3A_3 = vector.shape_cast %get3A_2 : vector<1x1000x1xf32> to vector<1000x1xf32>
    %add3A = arith.constant 1.000000e+00 : f32
    %add3A_4 = vector.broadcast %add3A : f32 to vector<1000x1xf32>
    %add3A_5 = arith.addf %get3A_3, %add3A_4 : vector<1000x1xf32>
    %rsqrt3A = math.rsqrt %add3A_5 : vector<1000x1xf32>
    %get3A_6 = arith.constant 0 : index
    %get3A_7 = arith.constant 0 : index
    %get3A_8 = vector.load %arg2[%get3A_6, %get3A_7] : memref<1000x128xf32, #tpu.memory_space<vmem>>, vector<1000x128xf32>
    %get3A_9 = arith.constant 0 : index
    %get3A_10 = arith.constant 0 : index
    %get3A_11 = arith.constant 0 : index
    %get3A_12 = vector.load %arg3[%get3A_9, %get3A_10, %get3A_11] : memref<1x128x128xf32, #tpu.memory_space<vmem>>, vector<1x128x128xf32>
    %get3A_13 = vector.shape_cast %get3A_12 : vector<1x128x128xf32> to vector<128x128xf32>
    %dot_general3A = arith.constant dense<0.000000e+00> : vector<1000x128xf32>
    %dot_general3A_14 = tpu.matmul %get3A_8, %get3A_13, %dot_general3A {dimension_numbers = #tpu.dot_dimension_numbers<[1], [1], [0], [0], [0, 0, 1, 0], [], []>, transpose_lhs_hint = false} : vector<1000x128xf32>, vector<128x128xf32>, vector<1000x128xf32> -> vector<1000x128xf32>
    %mul3A = vector.broadcast %rsqrt3A : vector<1000x1xf32> to vector<1000x128xf32>
    %mul3A_15 = arith.mulf %dot_general3A_14, %mul3A : vector<1000x128xf32>
    %swap3A = arith.constant 0 : index
    %swap3A_16 = arith.constant 0 : index
    %swap3A_17 = vector.load %arg5[%swap3A, %swap3A_16] : memref<1000x128xf32, #tpu.memory_space<vmem>>, vector<1000x128xf32>
    tpu.vector_store %arg5[%swap3A, %swap3A_16], %mul3A_15 {strides = array<i32>} : memref<1000x128xf32, #tpu.memory_space<vmem>>, vector<1000x128xf32>,
    %broadcast_in_dim3A = vector.shape_cast %rsqrt3A : vector<1000x1xf32> to vector<1x1000x1xf32>
    %swap3A_18 = arith.constant 0 : index
    %swap3A_19 = arith.constant 0 : index
    %swap3A_20 = arith.constant 0 : index
    %swap3A_21 = vector.load %arg6[%swap3A_18, %swap3A_19, %swap3A_20] : memref<1x1000x1xf32, #tpu.memory_space<vmem>>, vector<1x1000x1xf32>
    tpu.vector_store %arg6[%swap3A_18, %swap3A_19, %swap3A_20], %broadcast_in_dim3A {strides = array<i32>} : memref<1x1000x1xf32, #tpu.memory_space<vmem>>, vector<1x1000x1xf32>,
    return
  }
  func.func @transform_0(%arg0: i32, %arg1: i32) -> (i32, i32) {
    %mul3A = arith.constant 10 : i32
    %mul3A_0 = arith.muli %mul3A, %arg0 : i32
    %add3A = arith.addi %mul3A_0, %arg1 : i32
    %c0_i32 = arith.constant 0 : i32
    %c0_i32_1 = arith.constant 0 : i32
    return %add3A, %c0_i32 : i32, i32
  }
  func.func @transform_1(%arg0: i32, %arg1: i32) -> (i32, i32, i32) {
    %c0_i32 = arith.constant 0 : i32
    %c0_i32_0 = arith.constant 0 : i32
    %c0_i32_1 = arith.constant 0 : i32
    return %arg0, %c0_i32, %c0_i32_0 : i32, i32, i32
  }
  func.func @transform_2(%arg0: i32, %arg1: i32) -> (i32, i32, i32) {
    %c0_i32 = arith.constant 0 : i32
    %c0_i32_0 = arith.constant 0 : i32
    return %arg0, %arg1, %c0_i32 : i32, i32, i32
  }
  func.func @transform_3(%arg0: i32, %arg1: i32) -> (i32, i32) {
    %mul3A = arith.constant 10 : i32
    %mul3A_0 = arith.muli %mul3A, %arg0 : i32
    %add3A = arith.addi %mul3A_0, %arg1 : i32
    %c0_i32 = arith.constant 0 : i32
    %c0_i32_1 = arith.constant 0 : i32
    return %add3A, %c0_i32 : i32, i32
  }
  func.func @transform_4(%arg0: i32, %arg1: i32) -> (i32, i32, i32) {
    %c0_i32 = arith.constant 0 : i32
    %c0_i32_0 = arith.constant 0 : i32
    return %arg0, %arg1, %c0_i32 : i32, i32, i32
  }
}

module attributes {stable_mosaic.version = 14 : i64} {
  func.func @_t2_body(%arg0: i32, %arg1: i32, %arg2: memref<1000x128xf32, #tpu.memory_space<vmem>>, %arg3: memref<1x1000x128xf32, #tpu.memory_space<vmem>>, %arg4: memref<1x1000x1xf32, #tpu.memory_space<vmem>>, %arg5: memref<1x128x128xf32, #tpu.memory_space<vmem>>, %arg6: memref<1x1x128xf32, #tpu.memory_space<vmem>>, %arg7: memref<1x1x128xf32, #tpu.memory_space<vmem>>, %arg8: memref<1x1x128xf32, #tpu.memory_space<vmem>>, %arg9: memref<1x1x128xf32, #tpu.memory_space<vmem>>, %arg10: memref<1x128x128xf32, #tpu.memory_space<vmem>>, %arg11: memref<1000x128xf32, #tpu.memory_space<vmem>>) attributes {dimension_semantics = [#tpu.dimension_semantics<arbitrary>, #tpu.dimension_semantics<arbitrary>], iteration_bounds = array<i64: 2, 10>, scalar_prefetch = 0 : i64, scratch_operands = 0 : i64, tpu.core_type = #tpu.core_type<tc>, window_params = [{transform_indices = @transform_0, window_bounds = array<i64: 1000, 128>}, {transform_indices = @transform_1, window_bounds = array<i64: 1, 1000, 128>}, {transform_indices = @transform_2, window_bounds = array<i64: 1, 1000, 1>}, {transform_indices = @transform_3, window_bounds = array<i64: 1, 128, 128>}, {transform_indices = @transform_4, window_bounds = array<i64: 1, 1, 128>}, {transform_indices = @transform_5, window_bounds = array<i64: 1, 1, 128>}, {transform_indices = @transform_6, window_bounds = array<i64: 1, 1, 128>}, {transform_indices = @transform_7, window_bounds = array<i64: 1, 1, 128>}, {transform_indices = @transform_8, window_bounds = array<i64: 1, 128, 128>}, {transform_indices = @transform_9, window_bounds = array<i64: 1000, 128>}]} {
    %get3A = arith.constant 0 : index
    %get3A_0 = arith.constant 0 : index
    %get3A_1 = arith.constant 0 : index
    %get3A_2 = vector.load %arg4[%get3A, %get3A_0, %get3A_1] : memref<1x1000x1xf32, #tpu.memory_space<vmem>>, vector<1x1000x1xf32>
    %get3A_3 = vector.shape_cast %get3A_2 : vector<1x1000x1xf32> to vector<1000x1xf32>
    %get3A_4 = arith.constant 0 : index
    %get3A_5 = arith.constant 0 : index
    %get3A_6 = arith.constant 0 : index
    %get3A_7 = vector.load %arg3[%get3A_4, %get3A_5, %get3A_6] : memref<1x1000x128xf32, #tpu.memory_space<vmem>>, vector<1x1000x128xf32>
    %get3A_8 = vector.shape_cast %get3A_7 : vector<1x1000x128xf32> to vector<1000x128xf32>
    %mul3A = vector.broadcast %get3A_3 : vector<1000x1xf32> to vector<1000x128xf32>
    %mul3A_9 = arith.mulf %mul3A, %get3A_8 : vector<1000x128xf32>
    %get3A_10 = arith.constant 0 : index
    %get3A_11 = arith.constant 0 : index
    %get3A_12 = arith.constant 0 : index
    %get3A_13 = vector.load %arg7[%get3A_10, %get3A_11, %get3A_12] : memref<1x1x128xf32, #tpu.memory_space<vmem>>, vector<1x1x128xf32>
    %get3A_14 = vector.shape_cast %get3A_13 : vector<1x1x128xf32> to vector<1x128xf32>
    %add3A = vector.broadcast %get3A_14 : vector<1x128xf32> to vector<1000x128xf32>
    %add3A_15 = arith.addf %mul3A_9, %add3A : vector<1000x128xf32>
    %get3A_16 = arith.constant 0 : index
    %get3A_17 = arith.constant 0 : index
    %get3A_18 = arith.constant 0 : index
    %get3A_19 = vector.load %arg8[%get3A_16, %get3A_17, %get3A_18] : memref<1x1x128xf32, #tpu.memory_space<vmem>>, vector<1x1x128xf32>
    %get3A_20 = vector.shape_cast %get3A_19 : vector<1x1x128xf32> to vector<1x128xf32>
    %get3A_21 = arith.constant 0 : index
    %get3A_22 = arith.constant 0 : index
    %get3A_23 = arith.constant 0 : index
    %get3A_24 = vector.load %arg9[%get3A_21, %get3A_22, %get3A_23] : memref<1x1x128xf32, #tpu.memory_space<vmem>>, vector<1x1x128xf32>
    %get3A_25 = vector.shape_cast %get3A_24 : vector<1x1x128xf32> to vector<1x128xf32>
    %reduce_sum3A = arith.constant dense<0.000000e+00> : vector<1000xf32>
    %reduce_sum3A_26 = vector.multi_reduction <add>, %add3A_15, %reduce_sum3A [1] : vector<1000x128xf32> to vector<1000xf32>
    %broadcast_in_dim3A = vector.shape_cast %reduce_sum3A_26 : vector<1000xf32> to vector<1000x1xf32>
    %div3A = arith.constant 1.280000e+02 : f32
    %div3A_27 = vector.broadcast %div3A : f32 to vector<1000x1xf32>
    %div3A_28 = arith.divf %broadcast_in_dim3A, %div3A_27 : vector<1000x1xf32>
    %sub3A = vector.broadcast %div3A_28 : vector<1000x1xf32> to vector<1000x128xf32>
    %sub3A_29 = arith.subf %add3A_15, %sub3A : vector<1000x128xf32>
    %integer_pow3A = arith.mulf %sub3A_29, %sub3A_29 : vector<1000x128xf32>
    %reduce_sum3A_30 = arith.constant dense<0.000000e+00> : vector<1000xf32>
    %reduce_sum3A_31 = vector.multi_reduction <add>, %integer_pow3A, %reduce_sum3A_30 [1] : vector<1000x128xf32> to vector<1000xf32>
    %broadcast_in_dim3A_32 = vector.shape_cast %reduce_sum3A_31 : vector<1000xf32> to vector<1000x1xf32>
    %div3A_33 = arith.constant 1.280000e+02 : f32
    %div3A_34 = vector.broadcast %div3A_33 : f32 to vector<1000x1xf32>
    %div3A_35 = arith.divf %broadcast_in_dim3A_32, %div3A_34 : vector<1000x1xf32>
    %sub3A_36 = vector.broadcast %div3A_28 : vector<1000x1xf32> to vector<1000x128xf32>
    %sub3A_37 = arith.subf %add3A_15, %sub3A_36 : vector<1000x128xf32>
    %add3A_38 = arith.constant 9.99999974E-6 : f32
    %add3A_39 = vector.broadcast %add3A_38 : f32 to vector<1000x1xf32>
    %add3A_40 = arith.addf %div3A_35, %add3A_39 : vector<1000x1xf32>
    %rsqrt3A = math.rsqrt %add3A_40 : vector<1000x1xf32>
    %mul3A_41 = vector.broadcast %rsqrt3A : vector<1000x1xf32> to vector<1000x128xf32>
    %mul3A_42 = arith.mulf %sub3A_37, %mul3A_41 : vector<1000x128xf32>
    %mul3A_43 = vector.broadcast %get3A_20 : vector<1x128xf32> to vector<1000x128xf32>
    %mul3A_44 = arith.mulf %mul3A_42, %mul3A_43 : vector<1000x128xf32>
    %add3A_45 = vector.broadcast %get3A_25 : vector<1x128xf32> to vector<1000x128xf32>
    %add3A_46 = arith.addf %mul3A_44, %add3A_45 : vector<1000x128xf32>
    %max3A = arith.constant 0.000000e+00 : f32
    %max3A_47 = vector.broadcast %max3A : f32 to vector<1000x128xf32>
    %max3A_48 = arith.maximumf %add3A_46, %max3A_47 : vector<1000x128xf32>
    %get3A_49 = arith.constant 0 : index
    %get3A_50 = arith.constant 0 : index
    %get3A_51 = vector.load %arg2[%get3A_49, %get3A_50] : memref<1000x128xf32, #tpu.memory_space<vmem>>, vector<1000x128xf32>
    %get3A_52 = arith.constant 0 : index
    %get3A_53 = arith.constant 0 : index
    %get3A_54 = arith.constant 0 : index
    %get3A_55 = vector.load %arg5[%get3A_52, %get3A_53, %get3A_54] : memref<1x128x128xf32, #tpu.memory_space<vmem>>, vector<1x128x128xf32>
    %get3A_56 = vector.shape_cast %get3A_55 : vector<1x128x128xf32> to vector<128x128xf32>
    %dot_general3A = arith.constant dense<0.000000e+00> : vector<1000x128xf32>
    %dot_general3A_57 = tpu.matmul %get3A_51, %get3A_56, %dot_general3A {dimension_numbers = #tpu.dot_dimension_numbers<[1], [1], [0], [0], [0, 0, 1, 0], [], []>, transpose_lhs_hint = false} : vector<1000x128xf32>, vector<128x128xf32>, vector<1000x128xf32> -> vector<1000x128xf32>
    %get3A_58 = arith.constant 0 : index
    %get3A_59 = arith.constant 0 : index
    %get3A_60 = arith.constant 0 : index
    %get3A_61 = vector.load %arg6[%get3A_58, %get3A_59, %get3A_60] : memref<1x1x128xf32, #tpu.memory_space<vmem>>, vector<1x1x128xf32>
    %get3A_62 = vector.shape_cast %get3A_61 : vector<1x1x128xf32> to vector<1x128xf32>
    %add3A_63 = vector.broadcast %get3A_62 : vector<1x128xf32> to vector<1000x128xf32>
    %add3A_64 = arith.addf %dot_general3A_57, %add3A_63 : vector<1000x128xf32>
    %add3A_65 = arith.addf %add3A_64, %max3A_48 : vector<1000x128xf32>
    %get3A_66 = arith.constant 0 : index
    %get3A_67 = arith.constant 0 : index
    %get3A_68 = arith.constant 0 : index
    %get3A_69 = vector.load %arg10[%get3A_66, %get3A_67, %get3A_68] : memref<1x128x128xf32, #tpu.memory_space<vmem>>, vector<1x128x128xf32>
    %get3A_70 = vector.shape_cast %get3A_69 : vector<1x128x128xf32> to vector<128x128xf32>
    %dot_general3A_71 = arith.constant dense<0.000000e+00> : vector<1000x128xf32>
    %dot_general3A_72 = tpu.matmul %add3A_65, %get3A_70, %dot_general3A_71 {dimension_numbers = #tpu.dot_dimension_numbers<[1], [1], [0], [0], [0, 0, 1, 0], [], []>, transpose_lhs_hint = false} : vector<1000x128xf32>, vector<128x128xf32>, vector<1000x128xf32> -> vector<1000x128xf32>
    %mul3A_73 = vector.broadcast %get3A_3 : vector<1000x1xf32> to vector<1000x128xf32>
    %mul3A_74 = arith.mulf %dot_general3A_72, %mul3A_73 : vector<1000x128xf32>
    %swap3A = arith.constant 0 : index
    %swap3A_75 = arith.constant 0 : index
    %swap3A_76 = vector.load %arg11[%swap3A, %swap3A_75] : memref<1000x128xf32, #tpu.memory_space<vmem>>, vector<1000x128xf32>
    tpu.vector_store %arg11[%swap3A, %swap3A_75], %mul3A_74 {strides = array<i32>} : memref<1000x128xf32, #tpu.memory_space<vmem>>, vector<1000x128xf32>,
    return
  }
  func.func @transform_0(%arg0: i32, %arg1: i32) -> (i32, i32) {
    %mul3A = arith.constant 10 : i32
    %mul3A_0 = arith.muli %mul3A, %arg0 : i32
    %add3A = arith.addi %mul3A_0, %arg1 : i32
    %c0_i32 = arith.constant 0 : i32
    %c0_i32_1 = arith.constant 0 : i32
    return %add3A, %c0_i32 : i32, i32
  }
  func.func @transform_1(%arg0: i32, %arg1: i32) -> (i32, i32, i32) {
    %c0_i32 = arith.constant 0 : i32
    %c0_i32_0 = arith.constant 0 : i32
    return %arg0, %arg1, %c0_i32 : i32, i32, i32
  }
  func.func @transform_2(%arg0: i32, %arg1: i32) -> (i32, i32, i32) {
    %c0_i32 = arith.constant 0 : i32
    %c0_i32_0 = arith.constant 0 : i32
    return %arg0, %arg1, %c0_i32 : i32, i32, i32
  }
  func.func @transform_3(%arg0: i32, %arg1: i32) -> (i32, i32, i32) {
    %c0_i32 = arith.constant 0 : i32
    %c0_i32_0 = arith.constant 0 : i32
    %c0_i32_1 = arith.constant 0 : i32
    return %arg0, %c0_i32, %c0_i32_0 : i32, i32, i32
  }
  func.func @transform_4(%arg0: i32, %arg1: i32) -> (i32, i32, i32) {
    %c0_i32 = arith.constant 0 : i32
    %c0_i32_0 = arith.constant 0 : i32
    %c0_i32_1 = arith.constant 0 : i32
    return %arg0, %c0_i32, %c0_i32_0 : i32, i32, i32
  }
  func.func @transform_5(%arg0: i32, %arg1: i32) -> (i32, i32, i32) {
    %c0_i32 = arith.constant 0 : i32
    %c0_i32_0 = arith.constant 0 : i32
    %c0_i32_1 = arith.constant 0 : i32
    return %arg0, %c0_i32, %c0_i32_0 : i32, i32, i32
  }
  func.func @transform_6(%arg0: i32, %arg1: i32) -> (i32, i32, i32) {
    %c0_i32 = arith.constant 0 : i32
    %c0_i32_0 = arith.constant 0 : i32
    %c0_i32_1 = arith.constant 0 : i32
    return %arg0, %c0_i32, %c0_i32_0 : i32, i32, i32
  }
  func.func @transform_7(%arg0: i32, %arg1: i32) -> (i32, i32, i32) {
    %c0_i32 = arith.constant 0 : i32
    %c0_i32_0 = arith.constant 0 : i32
    %c0_i32_1 = arith.constant 0 : i32
    return %arg0, %c0_i32, %c0_i32_0 : i32, i32, i32
  }
  func.func @transform_8(%arg0: i32, %arg1: i32) -> (i32, i32, i32) {
    %c0_i32 = arith.constant 0 : i32
    %c0_i32_0 = arith.constant 0 : i32
    %c0_i32_1 = arith.constant 0 : i32
    return %arg0, %c0_i32, %c0_i32_0 : i32, i32, i32
  }
  func.func @transform_9(%arg0: i32, %arg1: i32) -> (i32, i32) {
    %mul3A = arith.constant 10 : i32
    %mul3A_0 = arith.muli %mul3A, %arg0 : i32
    %add3A = arith.addi %mul3A_0, %arg1 : i32
    %c0_i32 = arith.constant 0 : i32
    %c0_i32_1 = arith.constant 0 : i32
    return %add3A, %c0_i32 : i32, i32
  }
}

module attributes {stable_mosaic.version = 14 : i64} {
  func.func @_t3_body(%arg0: i32, %arg1: i32, %arg2: memref<1x5000x128xf32, #tpu.memory_space<vmem>>, %arg3: memref<1x5000x1xf32, #tpu.memory_space<vmem>>, %arg4: memref<1x1x128xf32, #tpu.memory_space<vmem>>, %arg5: memref<1x1x128xf32, #tpu.memory_space<vmem>>, %arg6: memref<1x1x128xf32, #tpu.memory_space<vmem>>, %arg7: memref<3x128x128xf32, #tpu.memory_space<vmem>>, %arg8: memref<3x1x128xf32, #tpu.memory_space<vmem>>, %arg9: memref<3x1x128xf32, #tpu.memory_space<vmem>>, %arg10: memref<3x1x128xf32, #tpu.memory_space<vmem>>, %arg11: memref<3x1x1xf32, #tpu.memory_space<vmem>>, %arg12: memref<128x128xf32, #tpu.memory_space<vmem>>, %arg13: memref<1x128xf32, #tpu.memory_space<vmem>>, %arg14: memref<1x5000x128xf32, #tpu.memory_space<vmem>>, %arg15: memref<1x8x128xf32, #tpu.memory_space<vmem>>) attributes {dimension_semantics = [#tpu.dimension_semantics<arbitrary>, #tpu.dimension_semantics<arbitrary>], iteration_bounds = array<i64: 2, 2>, scalar_prefetch = 0 : i64, scratch_operands = 0 : i64, tpu.core_type = #tpu.core_type<tc>, window_params = [{transform_indices = @transform_0, window_bounds = array<i64: 1, 5000, 128>}, {transform_indices = @transform_1, window_bounds = array<i64: 1, 5000, 1>}, {transform_indices = @transform_2, window_bounds = array<i64: 1, 1, 128>}, {transform_indices = @transform_3, window_bounds = array<i64: 1, 1, 128>}, {transform_indices = @transform_4, window_bounds = array<i64: 1, 1, 128>}, {pipeline_mode = #tpu.pipeline_mode<synchronous>, transform_indices = @transform_5, window_bounds = array<i64: 3, 128, 128>}, {pipeline_mode = #tpu.pipeline_mode<synchronous>, transform_indices = @transform_6, window_bounds = array<i64: 3, 1, 128>}, {pipeline_mode = #tpu.pipeline_mode<synchronous>, transform_indices = @transform_7, window_bounds = array<i64: 3, 1, 128>}, {pipeline_mode = #tpu.pipeline_mode<synchronous>, transform_indices = @transform_8, window_bounds = array<i64: 3, 1, 128>}, {pipeline_mode = #tpu.pipeline_mode<synchronous>, transform_indices = @transform_9, window_bounds = array<i64: 3, 1, 1>}, {pipeline_mode = #tpu.pipeline_mode<synchronous>, transform_indices = @transform_10, window_bounds = array<i64: 128, 128>}, {pipeline_mode = #tpu.pipeline_mode<synchronous>, transform_indices = @transform_11, window_bounds = array<i64: 1, 128>}, {transform_indices = @transform_12, window_bounds = array<i64: 1, 5000, 128>}, {transform_indices = @transform_13, window_bounds = array<i64: 1, 8, 128>}]} {
    %get3A = arith.constant 0 : index
    %get3A_0 = arith.constant 0 : index
    %get3A_1 = arith.constant 0 : index
    %get3A_2 = vector.load %arg3[%get3A, %get3A_0, %get3A_1] : memref<1x5000x1xf32, #tpu.memory_space<vmem>>, vector<1x5000x1xf32>
    %get3A_3 = vector.shape_cast %get3A_2 : vector<1x5000x1xf32> to vector<5000x1xf32>
    %get3A_4 = arith.constant 0 : index
    %get3A_5 = arith.constant 0 : index
    %get3A_6 = arith.constant 0 : index
    %get3A_7 = vector.load %arg2[%get3A_4, %get3A_5, %get3A_6] : memref<1x5000x128xf32, #tpu.memory_space<vmem>>, vector<1x5000x128xf32>
    %get3A_8 = vector.shape_cast %get3A_7 : vector<1x5000x128xf32> to vector<5000x128xf32>
    %mul3A = vector.broadcast %get3A_3 : vector<5000x1xf32> to vector<5000x128xf32>
    %mul3A_9 = arith.mulf %mul3A, %get3A_8 : vector<5000x128xf32>
    %get3A_10 = arith.constant 0 : index
    %get3A_11 = arith.constant 0 : index
    %get3A_12 = arith.constant 0 : index
    %get3A_13 = vector.load %arg4[%get3A_10, %get3A_11, %get3A_12] : memref<1x1x128xf32, #tpu.memory_space<vmem>>, vector<1x1x128xf32>
    %get3A_14 = vector.shape_cast %get3A_13 : vector<1x1x128xf32> to vector<1x128xf32>
    %add3A = vector.broadcast %get3A_14 : vector<1x128xf32> to vector<5000x128xf32>
    %add3A_15 = arith.addf %mul3A_9, %add3A : vector<5000x128xf32>
    %get3A_16 = arith.constant 0 : index
    %get3A_17 = arith.constant 0 : index
    %get3A_18 = arith.constant 0 : index
    %get3A_19 = vector.load %arg5[%get3A_16, %get3A_17, %get3A_18] : memref<1x1x128xf32, #tpu.memory_space<vmem>>, vector<1x1x128xf32>
    %get3A_20 = vector.shape_cast %get3A_19 : vector<1x1x128xf32> to vector<1x128xf32>
    %get3A_21 = arith.constant 0 : index
    %get3A_22 = arith.constant 0 : index
    %get3A_23 = arith.constant 0 : index
    %get3A_24 = vector.load %arg6[%get3A_21, %get3A_22, %get3A_23] : memref<1x1x128xf32, #tpu.memory_space<vmem>>, vector<1x1x128xf32>
    %get3A_25 = vector.shape_cast %get3A_24 : vector<1x1x128xf32> to vector<1x128xf32>
    %reduce_sum3A = arith.constant dense<0.000000e+00> : vector<5000xf32>
    %reduce_sum3A_26 = vector.multi_reduction <add>, %add3A_15, %reduce_sum3A [1] : vector<5000x128xf32> to vector<5000xf32>
    %broadcast_in_dim3A = vector.shape_cast %reduce_sum3A_26 : vector<5000xf32> to vector<5000x1xf32>
    %div3A = arith.constant 1.280000e+02 : f32
    %div3A_27 = vector.broadcast %div3A : f32 to vector<5000x1xf32>
    %div3A_28 = arith.divf %broadcast_in_dim3A, %div3A_27 : vector<5000x1xf32>
    %sub3A = vector.broadcast %div3A_28 : vector<5000x1xf32> to vector<5000x128xf32>
    %sub3A_29 = arith.subf %add3A_15, %sub3A : vector<5000x128xf32>
    %integer_pow3A = arith.mulf %sub3A_29, %sub3A_29 : vector<5000x128xf32>
    %reduce_sum3A_30 = arith.constant dense<0.000000e+00> : vector<5000xf32>
    %reduce_sum3A_31 = vector.multi_reduction <add>, %integer_pow3A, %reduce_sum3A_30 [1] : vector<5000x128xf32> to vector<5000xf32>
    %broadcast_in_dim3A_32 = vector.shape_cast %reduce_sum3A_31 : vector<5000xf32> to vector<5000x1xf32>
    %div3A_33 = arith.constant 1.280000e+02 : f32
    %div3A_34 = vector.broadcast %div3A_33 : f32 to vector<5000x1xf32>
    %div3A_35 = arith.divf %broadcast_in_dim3A_32, %div3A_34 : vector<5000x1xf32>
    %sub3A_36 = vector.broadcast %div3A_28 : vector<5000x1xf32> to vector<5000x128xf32>
    %sub3A_37 = arith.subf %add3A_15, %sub3A_36 : vector<5000x128xf32>
    %add3A_38 = arith.constant 9.99999974E-6 : f32
    %add3A_39 = vector.broadcast %add3A_38 : f32 to vector<5000x1xf32>
    %add3A_40 = arith.addf %div3A_35, %add3A_39 : vector<5000x1xf32>
    %rsqrt3A = math.rsqrt %add3A_40 : vector<5000x1xf32>
    %mul3A_41 = vector.broadcast %rsqrt3A : vector<5000x1xf32> to vector<5000x128xf32>
    %mul3A_42 = arith.mulf %sub3A_37, %mul3A_41 : vector<5000x128xf32>
    %mul3A_43 = vector.broadcast %get3A_20 : vector<1x128xf32> to vector<5000x128xf32>
    %mul3A_44 = arith.mulf %mul3A_42, %mul3A_43 : vector<5000x128xf32>
    %add3A_45 = vector.broadcast %get3A_25 : vector<1x128xf32> to vector<5000x128xf32>
    %add3A_46 = arith.addf %mul3A_44, %add3A_45 : vector<5000x128xf32>
    %max3A = arith.constant 0.000000e+00 : f32
    %max3A_47 = vector.broadcast %max3A : f32 to vector<5000x128xf32>
    %max3A_48 = arith.maximumf %add3A_46, %max3A_47 : vector<5000x128xf32>
    %iota3A = tpu.iota {dimensions = array<i32: 1>} : vector<8x5000xi32>
    %jit3A = arith.constant 625 : i32
    %div3A_49 = vector.broadcast %jit3A : i32 to vector<8x5000xi32>
    %div3A_50 = arith.divsi %iota3A, %div3A_49 : vector<8x5000xi32>
    %sign3A = arith.constant 0 : i32
    %sign3A_51 = vector.broadcast %sign3A : i32 to vector<8x5000xi32>
    %sign3A_52 = arith.cmpi sgt, %iota3A, %sign3A_51 : vector<8x5000xi32>
    %sign3A_53 = arith.extui %sign3A_52 : vector<8x5000xi1> to vector<8x5000xi32>
    %sign3A_54 = arith.constant 0 : i32
    %sign3A_55 = vector.broadcast %sign3A_54 : i32 to vector<8x5000xi32>
    %sign3A_56 = arith.cmpi slt, %iota3A, %sign3A_55 : vector<8x5000xi32>
    %sign3A_57 = arith.extui %sign3A_56 : vector<8x5000xi1> to vector<8x5000xi32>
    %sign3A_58 = arith.subi %sign3A_53, %sign3A_57 : vector<8x5000xi32>
    %sign3A_59 = arith.constant 0 : i32
    %sign3A_60 = arith.cmpi sgt, %jit3A, %sign3A_59 : i32
    %sign3A_61 = arith.extui %sign3A_60 : i1 to i32
    %sign3A_62 = arith.constant 0 : i32
    %sign3A_63 = arith.cmpi slt, %jit3A, %sign3A_62 : i32
    %sign3A_64 = arith.extui %sign3A_63 : i1 to i32
    %sign3A_65 = arith.subi %sign3A_61, %sign3A_64 : i32
    %ne3A = vector.broadcast %sign3A_65 : i32 to vector<8x5000xi32>
    %ne3A_66 = arith.cmpi ne, %sign3A_58, %ne3A : vector<8x5000xi32>
    %rem3A = vector.broadcast %jit3A : i32 to vector<8x5000xi32>
    %rem3A_67 = arith.remsi %iota3A, %rem3A : vector<8x5000xi32>
    %ne3A_68 = arith.constant 0 : i32
    %ne3A_69 = vector.broadcast %ne3A_68 : i32 to vector<8x5000xi32>
    %ne3A_70 = arith.cmpi ne, %rem3A_67, %ne3A_69 : vector<8x5000xi32>
    %and3A = arith.andi %ne3A_66, %ne3A_70 : vector<8x5000xi1>
    %sub3A_71 = arith.constant 1 : i32
    %sub3A_72 = vector.broadcast %sub3A_71 : i32 to vector<8x5000xi32>
    %sub3A_73 = arith.subi %div3A_50, %sub3A_72 : vector<8x5000xi32>
    %select_n3A = arith.select %and3A, %sub3A_73, %div3A_50 : vector<8x5000xi1>, vector<8x5000xi32>
    %iota3A_74 = tpu.iota {dimensions = array<i32: 0>} : vector<8x5000xi32>
    %eq3A = arith.cmpi eq, %select_n3A, %iota3A_74 : vector<8x5000xi32>
    %convert_element_type3A = arith.extui %eq3A : vector<8x5000xi1> to vector<8x5000xi32>
    %convert_element_type3A_75 = arith.sitofp %convert_element_type3A : vector<8x5000xi32> to vector<8x5000xf32>
    %dot_general3A = arith.constant dense<0.000000e+00> : vector<8x128xf32>
    %dot_general3A_76 = tpu.matmul %convert_element_type3A_75, %max3A_48, %dot_general3A {dimension_numbers = #tpu.dot_dimension_numbers<[1], [0], [0], [1], [0, 0, 1, 1], [], []>, transpose_lhs_hint = false} : vector<8x5000xf32>, vector<5000x128xf32>, vector<8x128xf32> -> vector<8x128xf32>
    %broadcast_in_dim3A_77 = vector.shape_cast %dot_general3A_76 : vector<8x128xf32> to vector<1x8x128xf32>
    %swap3A = arith.constant 0 : index
    %swap3A_78 = arith.constant 0 : index
    %swap3A_79 = arith.constant 0 : index
    %swap3A_80 = vector.load %arg15[%swap3A, %swap3A_78, %swap3A_79] : memref<1x8x128xf32, #tpu.memory_space<vmem>>, vector<1x8x128xf32>
    tpu.vector_store %arg15[%swap3A, %swap3A_78, %swap3A_79], %broadcast_in_dim3A_77 {strides = array<i32>} : memref<1x8x128xf32, #tpu.memory_space<vmem>>, vector<1x8x128xf32>,
    %get3A_81 = arith.constant 0 : index
    %get3A_82 = arith.constant 0 : index
    %get3A_83 = arith.constant 0 : index
    %get3A_84 = vector.load %arg11[%get3A_81, %get3A_82, %get3A_83] : memref<3x1x1xf32, #tpu.memory_space<vmem>>, vector<1x1x1xf32>
    %get3A_85 = vector.shape_cast %get3A_84 : vector<1x1x1xf32> to vector<1x1xf32>
    %get3A_86 = arith.constant 0 : index
    %get3A_87 = arith.constant 0 : index
    %get3A_88 = arith.constant 0 : index
    %get3A_89 = vector.load %arg7[%get3A_86, %get3A_87, %get3A_88] : memref<3x128x128xf32, #tpu.memory_space<vmem>>, vector<1x128x128xf32>
    %get3A_90 = vector.shape_cast %get3A_89 : vector<1x128x128xf32> to vector<128x128xf32>
    %dot_general3A_91 = arith.constant dense<0.000000e+00> : vector<5000x128xf32>
    %dot_general3A_92 = tpu.matmul %max3A_48, %get3A_90, %dot_general3A_91 {dimension_numbers = #tpu.dot_dimension_numbers<[1], [1], [0], [0], [0, 0, 1, 0], [], []>, transpose_lhs_hint = false} : vector<5000x128xf32>, vector<128x128xf32>, vector<5000x128xf32> -> vector<5000x128xf32>
    %get3A_93 = arith.constant 0 : index
    %get3A_94 = arith.constant 0 : index
    %get3A_95 = arith.constant 0 : index
    %get3A_96 = vector.load %arg8[%get3A_93, %get3A_94, %get3A_95] : memref<3x1x128xf32, #tpu.memory_space<vmem>>, vector<1x1x128xf32>
    %get3A_97 = vector.shape_cast %get3A_96 : vector<1x1x128xf32> to vector<1x128xf32>
    %add3A_98 = vector.broadcast %get3A_97 : vector<1x128xf32> to vector<5000x128xf32>
    %add3A_99 = arith.addf %dot_general3A_92, %add3A_98 : vector<5000x128xf32>
    %get3A_100 = arith.constant 0 : index
    %get3A_101 = arith.constant 0 : index
    %get3A_102 = arith.constant 0 : index
    %get3A_103 = vector.load %arg9[%get3A_100, %get3A_101, %get3A_102] : memref<3x1x128xf32, #tpu.memory_space<vmem>>, vector<1x1x128xf32>
    %get3A_104 = vector.shape_cast %get3A_103 : vector<1x1x128xf32> to vector<1x128xf32>
    %get3A_105 = arith.constant 0 : index
    %get3A_106 = arith.constant 0 : index
    %get3A_107 = arith.constant 0 : index
    %get3A_108 = vector.load %arg10[%get3A_105, %get3A_106, %get3A_107] : memref<3x1x128xf32, #tpu.memory_space<vmem>>, vector<1x1x128xf32>
    %get3A_109 = vector.shape_cast %get3A_108 : vector<1x1x128xf32> to vector<1x128xf32>
    %reduce_sum3A_110 = arith.constant dense<0.000000e+00> : vector<5000xf32>
    %reduce_sum3A_111 = vector.multi_reduction <add>, %add3A_99, %reduce_sum3A_110 [1] : vector<5000x128xf32> to vector<5000xf32>
    %broadcast_in_dim3A_112 = vector.shape_cast %reduce_sum3A_111 : vector<5000xf32> to vector<5000x1xf32>
    %div3A_113 = arith.constant 1.280000e+02 : f32
    %div3A_114 = vector.broadcast %div3A_113 : f32 to vector<5000x1xf32>
    %div3A_115 = arith.divf %broadcast_in_dim3A_112, %div3A_114 : vector<5000x1xf32>
    %sub3A_116 = vector.broadcast %div3A_115 : vector<5000x1xf32> to vector<5000x128xf32>
    %sub3A_117 = arith.subf %add3A_99, %sub3A_116 : vector<5000x128xf32>
    %integer_pow3A_118 = arith.mulf %sub3A_117, %sub3A_117 : vector<5000x128xf32>
    %reduce_sum3A_119 = arith.constant dense<0.000000e+00> : vector<5000xf32>
    %reduce_sum3A_120 = vector.multi_reduction <add>, %integer_pow3A_118, %reduce_sum3A_119 [1] : vector<5000x128xf32> to vector<5000xf32>
    %broadcast_in_dim3A_121 = vector.shape_cast %reduce_sum3A_120 : vector<5000xf32> to vector<5000x1xf32>
    %div3A_122 = arith.constant 1.280000e+02 : f32
    %div3A_123 = vector.broadcast %div3A_122 : f32 to vector<5000x1xf32>
    %div3A_124 = arith.divf %broadcast_in_dim3A_121, %div3A_123 : vector<5000x1xf32>
    %sub3A_125 = vector.broadcast %div3A_115 : vector<5000x1xf32> to vector<5000x128xf32>
    %sub3A_126 = arith.subf %add3A_99, %sub3A_125 : vector<5000x128xf32>
    %add3A_127 = arith.constant 9.99999974E-6 : f32
    %add3A_128 = vector.broadcast %add3A_127 : f32 to vector<5000x1xf32>
    %add3A_129 = arith.addf %div3A_124, %add3A_128 : vector<5000x1xf32>
    %rsqrt3A_130 = math.rsqrt %add3A_129 : vector<5000x1xf32>
    %mul3A_131 = vector.broadcast %rsqrt3A_130 : vector<5000x1xf32> to vector<5000x128xf32>
    %mul3A_132 = arith.mulf %sub3A_126, %mul3A_131 : vector<5000x128xf32>
    %mul3A_133 = vector.broadcast %get3A_104 : vector<1x128xf32> to vector<5000x128xf32>
    %mul3A_134 = arith.mulf %mul3A_132, %mul3A_133 : vector<5000x128xf32>
    %add3A_135 = vector.broadcast %get3A_109 : vector<1x128xf32> to vector<5000x128xf32>
    %add3A_136 = arith.addf %mul3A_134, %add3A_135 : vector<5000x128xf32>
    %ge3A = arith.constant 0.000000e+00 : f32
    %ge3A_137 = vector.broadcast %ge3A : f32 to vector<5000x128xf32>
    %ge3A_138 = arith.cmpf oge, %add3A_136, %ge3A_137 : vector<5000x128xf32>
    %mul3A_139 = vector.broadcast %get3A_85 : vector<1x1xf32> to vector<5000x128xf32>
    %mul3A_140 = arith.mulf %mul3A_139, %add3A_136 : vector<5000x128xf32>
    %select_n3A_141 = arith.select %ge3A_138, %add3A_136, %mul3A_140 : vector<5000x128xi1>, vector<5000x128xf32>
    %get3A_142 = arith.constant 1 : index
    %get3A_143 = arith.constant 0 : index
    %get3A_144 = arith.constant 0 : index
    %get3A_145 = vector.load %arg11[%get3A_142, %get3A_143, %get3A_144] : memref<3x1x1xf32, #tpu.memory_space<vmem>>, vector<1x1x1xf32>
    %get3A_146 = vector.shape_cast %get3A_145 : vector<1x1x1xf32> to vector<1x1xf32>
    %get3A_147 = arith.constant 1 : index
    %get3A_148 = arith.constant 0 : index
    %get3A_149 = arith.constant 0 : index
    %get3A_150 = vector.load %arg7[%get3A_147, %get3A_148, %get3A_149] : memref<3x128x128xf32, #tpu.memory_space<vmem>>, vector<1x128x128xf32>
    %get3A_151 = vector.shape_cast %get3A_150 : vector<1x128x128xf32> to vector<128x128xf32>
    %dot_general3A_152 = arith.constant dense<0.000000e+00> : vector<5000x128xf32>
    %dot_general3A_153 = tpu.matmul %select_n3A_141, %get3A_151, %dot_general3A_152 {dimension_numbers = #tpu.dot_dimension_numbers<[1], [1], [0], [0], [0, 0, 1, 0], [], []>, transpose_lhs_hint = false} : vector<5000x128xf32>, vector<128x128xf32>, vector<5000x128xf32> -> vector<5000x128xf32>
    %get3A_154 = arith.constant 1 : index
    %get3A_155 = arith.constant 0 : index
    %get3A_156 = arith.constant 0 : index
    %get3A_157 = vector.load %arg8[%get3A_154, %get3A_155, %get3A_156] : memref<3x1x128xf32, #tpu.memory_space<vmem>>, vector<1x1x128xf32>
    %get3A_158 = vector.shape_cast %get3A_157 : vector<1x1x128xf32> to vector<1x128xf32>
    %add3A_159 = vector.broadcast %get3A_158 : vector<1x128xf32> to vector<5000x128xf32>
    %add3A_160 = arith.addf %dot_general3A_153, %add3A_159 : vector<5000x128xf32>
    %get3A_161 = arith.constant 1 : index
    %get3A_162 = arith.constant 0 : index
    %get3A_163 = arith.constant 0 : index
    %get3A_164 = vector.load %arg9[%get3A_161, %get3A_162, %get3A_163] : memref<3x1x128xf32, #tpu.memory_space<vmem>>, vector<1x1x128xf32>
    %get3A_165 = vector.shape_cast %get3A_164 : vector<1x1x128xf32> to vector<1x128xf32>
    %get3A_166 = arith.constant 1 : index
    %get3A_167 = arith.constant 0 : index
    %get3A_168 = arith.constant 0 : index
    %get3A_169 = vector.load %arg10[%get3A_166, %get3A_167, %get3A_168] : memref<3x1x128xf32, #tpu.memory_space<vmem>>, vector<1x1x128xf32>
    %get3A_170 = vector.shape_cast %get3A_169 : vector<1x1x128xf32> to vector<1x128xf32>
    %reduce_sum3A_171 = arith.constant dense<0.000000e+00> : vector<5000xf32>
    %reduce_sum3A_172 = vector.multi_reduction <add>, %add3A_160, %reduce_sum3A_171 [1] : vector<5000x128xf32> to vector<5000xf32>
    %broadcast_in_dim3A_173 = vector.shape_cast %reduce_sum3A_172 : vector<5000xf32> to vector<5000x1xf32>
    %div3A_174 = arith.constant 1.280000e+02 : f32
    %div3A_175 = vector.broadcast %div3A_174 : f32 to vector<5000x1xf32>
    %div3A_176 = arith.divf %broadcast_in_dim3A_173, %div3A_175 : vector<5000x1xf32>
    %sub3A_177 = vector.broadcast %div3A_176 : vector<5000x1xf32> to vector<5000x128xf32>
    %sub3A_178 = arith.subf %add3A_160, %sub3A_177 : vector<5000x128xf32>
    %integer_pow3A_179 = arith.mulf %sub3A_178, %sub3A_178 : vector<5000x128xf32>
    %reduce_sum3A_180 = arith.constant dense<0.000000e+00> : vector<5000xf32>
    %reduce_sum3A_181 = vector.multi_reduction <add>, %integer_pow3A_179, %reduce_sum3A_180 [1] : vector<5000x128xf32> to vector<5000xf32>
    %broadcast_in_dim3A_182 = vector.shape_cast %reduce_sum3A_181 : vector<5000xf32> to vector<5000x1xf32>
    %div3A_183 = arith.constant 1.280000e+02 : f32
    %div3A_184 = vector.broadcast %div3A_183 : f32 to vector<5000x1xf32>
    %div3A_185 = arith.divf %broadcast_in_dim3A_182, %div3A_184 : vector<5000x1xf32>
    %sub3A_186 = vector.broadcast %div3A_176 : vector<5000x1xf32> to vector<5000x128xf32>
    %sub3A_187 = arith.subf %add3A_160, %sub3A_186 : vector<5000x128xf32>
    %add3A_188 = arith.constant 9.99999974E-6 : f32
    %add3A_189 = vector.broadcast %add3A_188 : f32 to vector<5000x1xf32>
    %add3A_190 = arith.addf %div3A_185, %add3A_189 : vector<5000x1xf32>
    %rsqrt3A_191 = math.rsqrt %add3A_190 : vector<5000x1xf32>
    %mul3A_192 = vector.broadcast %rsqrt3A_191 : vector<5000x1xf32> to vector<5000x128xf32>
    %mul3A_193 = arith.mulf %sub3A_187, %mul3A_192 : vector<5000x128xf32>
    %mul3A_194 = vector.broadcast %get3A_165 : vector<1x128xf32> to vector<5000x128xf32>
    %mul3A_195 = arith.mulf %mul3A_193, %mul3A_194 : vector<5000x128xf32>
    %add3A_196 = vector.broadcast %get3A_170 : vector<1x128xf32> to vector<5000x128xf32>
    %add3A_197 = arith.addf %mul3A_195, %add3A_196 : vector<5000x128xf32>
    %ge3A_198 = arith.constant 0.000000e+00 : f32
    %ge3A_199 = vector.broadcast %ge3A_198 : f32 to vector<5000x128xf32>
    %ge3A_200 = arith.cmpf oge, %add3A_197, %ge3A_199 : vector<5000x128xf32>
    %mul3A_201 = vector.broadcast %get3A_146 : vector<1x1xf32> to vector<5000x128xf32>
    %mul3A_202 = arith.mulf %mul3A_201, %add3A_197 : vector<5000x128xf32>
    %select_n3A_203 = arith.select %ge3A_200, %add3A_197, %mul3A_202 : vector<5000x128xi1>, vector<5000x128xf32>
    %get3A_204 = arith.constant 2 : index
    %get3A_205 = arith.constant 0 : index
    %get3A_206 = arith.constant 0 : index
    %get3A_207 = vector.load %arg11[%get3A_204, %get3A_205, %get3A_206] : memref<3x1x1xf32, #tpu.memory_space<vmem>>, vector<1x1x1xf32>
    %get3A_208 = vector.shape_cast %get3A_207 : vector<1x1x1xf32> to vector<1x1xf32>
    %get3A_209 = arith.constant 2 : index
    %get3A_210 = arith.constant 0 : index
    %get3A_211 = arith.constant 0 : index
    %get3A_212 = vector.load %arg7[%get3A_209, %get3A_210, %get3A_211] : memref<3x128x128xf32, #tpu.memory_space<vmem>>, vector<1x128x128xf32>
    %get3A_213 = vector.shape_cast %get3A_212 : vector<1x128x128xf32> to vector<128x128xf32>
    %dot_general3A_214 = arith.constant dense<0.000000e+00> : vector<5000x128xf32>
    %dot_general3A_215 = tpu.matmul %select_n3A_203, %get3A_213, %dot_general3A_214 {dimension_numbers = #tpu.dot_dimension_numbers<[1], [1], [0], [0], [0, 0, 1, 0], [], []>, transpose_lhs_hint = false} : vector<5000x128xf32>, vector<128x128xf32>, vector<5000x128xf32> -> vector<5000x128xf32>
    %get3A_216 = arith.constant 2 : index
    %get3A_217 = arith.constant 0 : index
    %get3A_218 = arith.constant 0 : index
    %get3A_219 = vector.load %arg8[%get3A_216, %get3A_217, %get3A_218] : memref<3x1x128xf32, #tpu.memory_space<vmem>>, vector<1x1x128xf32>
    %get3A_220 = vector.shape_cast %get3A_219 : vector<1x1x128xf32> to vector<1x128xf32>
    %add3A_221 = vector.broadcast %get3A_220 : vector<1x128xf32> to vector<5000x128xf32>
    %add3A_222 = arith.addf %dot_general3A_215, %add3A_221 : vector<5000x128xf32>
    %get3A_223 = arith.constant 2 : index
    %get3A_224 = arith.constant 0 : index
    %get3A_225 = arith.constant 0 : index
    %get3A_226 = vector.load %arg9[%get3A_223, %get3A_224, %get3A_225] : memref<3x1x128xf32, #tpu.memory_space<vmem>>, vector<1x1x128xf32>
    %get3A_227 = vector.shape_cast %get3A_226 : vector<1x1x128xf32> to vector<1x128xf32>
    %get3A_228 = arith.constant 2 : index
    %get3A_229 = arith.constant 0 : index
    %get3A_230 = arith.constant 0 : index
    %get3A_231 = vector.load %arg10[%get3A_228, %get3A_229, %get3A_230] : memref<3x1x128xf32, #tpu.memory_space<vmem>>, vector<1x1x128xf32>
    %get3A_232 = vector.shape_cast %get3A_231 : vector<1x1x128xf32> to vector<1x128xf32>
    %reduce_sum3A_233 = arith.constant dense<0.000000e+00> : vector<5000xf32>
    %reduce_sum3A_234 = vector.multi_reduction <add>, %add3A_222, %reduce_sum3A_233 [1] : vector<5000x128xf32> to vector<5000xf32>
    %broadcast_in_dim3A_235 = vector.shape_cast %reduce_sum3A_234 : vector<5000xf32> to vector<5000x1xf32>
    %div3A_236 = arith.constant 1.280000e+02 : f32
    %div3A_237 = vector.broadcast %div3A_236 : f32 to vector<5000x1xf32>
    %div3A_238 = arith.divf %broadcast_in_dim3A_235, %div3A_237 : vector<5000x1xf32>
    %sub3A_239 = vector.broadcast %div3A_238 : vector<5000x1xf32> to vector<5000x128xf32>
    %sub3A_240 = arith.subf %add3A_222, %sub3A_239 : vector<5000x128xf32>
    %integer_pow3A_241 = arith.mulf %sub3A_240, %sub3A_240 : vector<5000x128xf32>
    %reduce_sum3A_242 = arith.constant dense<0.000000e+00> : vector<5000xf32>
    %reduce_sum3A_243 = vector.multi_reduction <add>, %integer_pow3A_241, %reduce_sum3A_242 [1] : vector<5000x128xf32> to vector<5000xf32>
    %broadcast_in_dim3A_244 = vector.shape_cast %reduce_sum3A_243 : vector<5000xf32> to vector<5000x1xf32>
    %div3A_245 = arith.constant 1.280000e+02 : f32
    %div3A_246 = vector.broadcast %div3A_245 : f32 to vector<5000x1xf32>
    %div3A_247 = arith.divf %broadcast_in_dim3A_244, %div3A_246 : vector<5000x1xf32>
    %sub3A_248 = vector.broadcast %div3A_238 : vector<5000x1xf32> to vector<5000x128xf32>
    %sub3A_249 = arith.subf %add3A_222, %sub3A_248 : vector<5000x128xf32>
    %add3A_250 = arith.constant 9.99999974E-6 : f32
    %add3A_251 = vector.broadcast %add3A_250 : f32 to vector<5000x1xf32>
    %add3A_252 = arith.addf %div3A_247, %add3A_251 : vector<5000x1xf32>
    %rsqrt3A_253 = math.rsqrt %add3A_252 : vector<5000x1xf32>
    %mul3A_254 = vector.broadcast %rsqrt3A_253 : vector<5000x1xf32> to vector<5000x128xf32>
    %mul3A_255 = arith.mulf %sub3A_249, %mul3A_254 : vector<5000x128xf32>
    %mul3A_256 = vector.broadcast %get3A_227 : vector<1x128xf32> to vector<5000x128xf32>
    %mul3A_257 = arith.mulf %mul3A_255, %mul3A_256 : vector<5000x128xf32>
    %add3A_258 = vector.broadcast %get3A_232 : vector<1x128xf32> to vector<5000x128xf32>
    %add3A_259 = arith.addf %mul3A_257, %add3A_258 : vector<5000x128xf32>
    %ge3A_260 = arith.constant 0.000000e+00 : f32
    %ge3A_261 = vector.broadcast %ge3A_260 : f32 to vector<5000x128xf32>
    %ge3A_262 = arith.cmpf oge, %add3A_259, %ge3A_261 : vector<5000x128xf32>
    %mul3A_263 = vector.broadcast %get3A_208 : vector<1x1xf32> to vector<5000x128xf32>
    %mul3A_264 = arith.mulf %mul3A_263, %add3A_259 : vector<5000x128xf32>
    %select_n3A_265 = arith.select %ge3A_262, %add3A_259, %mul3A_264 : vector<5000x128xi1>, vector<5000x128xf32>
    %get3A_266 = arith.constant 0 : index
    %get3A_267 = arith.constant 0 : index
    %get3A_268 = vector.load %arg12[%get3A_266, %get3A_267] : memref<128x128xf32, #tpu.memory_space<vmem>>, vector<128x128xf32>
    %dot_general3A_269 = arith.constant dense<0.000000e+00> : vector<5000x128xf32>
    %dot_general3A_270 = tpu.matmul %max3A_48, %get3A_268, %dot_general3A_269 {dimension_numbers = #tpu.dot_dimension_numbers<[1], [1], [0], [0], [0, 0, 1, 0], [], []>, transpose_lhs_hint = false} : vector<5000x128xf32>, vector<128x128xf32>, vector<5000x128xf32> -> vector<5000x128xf32>
    %add3A_271 = arith.addf %select_n3A_265, %dot_general3A_270 : vector<5000x128xf32>
    %get3A_272 = arith.constant 0 : index
    %get3A_273 = arith.constant 0 : index
    %get3A_274 = vector.load %arg13[%get3A_272, %get3A_273] : memref<1x128xf32, #tpu.memory_space<vmem>>, vector<1x128xf32>
    %add3A_275 = vector.broadcast %get3A_274 : vector<1x128xf32> to vector<5000x128xf32>
    %add3A_276 = arith.addf %add3A_271, %add3A_275 : vector<5000x128xf32>
    %broadcast_in_dim3A_277 = vector.shape_cast %add3A_276 : vector<5000x128xf32> to vector<1x5000x128xf32>
    %swap3A_278 = arith.constant 0 : index
    %swap3A_279 = arith.constant 0 : index
    %swap3A_280 = arith.constant 0 : index
    %swap3A_281 = vector.load %arg14[%swap3A_278, %swap3A_279, %swap3A_280] : memref<1x5000x128xf32, #tpu.memory_space<vmem>>, vector<1x5000x128xf32>
    tpu.vector_store %arg14[%swap3A_278, %swap3A_279, %swap3A_280], %broadcast_in_dim3A_277 {strides = array<i32>} : memref<1x5000x128xf32, #tpu.memory_space<vmem>>, vector<1x5000x128xf32>,
    return
  }
  func.func @transform_0(%arg0: i32, %arg1: i32) -> (i32, i32, i32) {
    %c0_i32 = arith.constant 0 : i32
    %c0_i32_0 = arith.constant 0 : i32
    return %arg0, %arg1, %c0_i32 : i32, i32, i32
  }
  func.func @transform_1(%arg0: i32, %arg1: i32) -> (i32, i32, i32) {
    %c0_i32 = arith.constant 0 : i32
    %c0_i32_0 = arith.constant 0 : i32
    return %arg0, %arg1, %c0_i32 : i32, i32, i32
  }
  func.func @transform_2(%arg0: i32, %arg1: i32) -> (i32, i32, i32) {
    %c0_i32 = arith.constant 0 : i32
    %c0_i32_0 = arith.constant 0 : i32
    %c0_i32_1 = arith.constant 0 : i32
    return %arg0, %c0_i32, %c0_i32_0 : i32, i32, i32
  }
  func.func @transform_3(%arg0: i32, %arg1: i32) -> (i32, i32, i32) {
    %c0_i32 = arith.constant 0 : i32
    %c0_i32_0 = arith.constant 0 : i32
    %c0_i32_1 = arith.constant 0 : i32
    return %arg0, %c0_i32, %c0_i32_0 : i32, i32, i32
  }
  func.func @transform_4(%arg0: i32, %arg1: i32) -> (i32, i32, i32) {
    %c0_i32 = arith.constant 0 : i32
    %c0_i32_0 = arith.constant 0 : i32
    %c0_i32_1 = arith.constant 0 : i32
    return %arg0, %c0_i32, %c0_i32_0 : i32, i32, i32
  }
  func.func @transform_5(%arg0: i32, %arg1: i32) -> (i32, i32, i32) {
    %c0_i32 = arith.constant 0 : i32
    %c0_i32_0 = arith.constant 0 : i32
    %c0_i32_1 = arith.constant 0 : i32
    %c0_i32_2 = arith.constant 0 : i32
    return %c0_i32, %c0_i32_0, %c0_i32_1 : i32, i32, i32
  }
  func.func @transform_6(%arg0: i32, %arg1: i32) -> (i32, i32, i32) {
    %c0_i32 = arith.constant 0 : i32
    %c0_i32_0 = arith.constant 0 : i32
    %c0_i32_1 = arith.constant 0 : i32
    %c0_i32_2 = arith.constant 0 : i32
    return %c0_i32, %c0_i32_0, %c0_i32_1 : i32, i32, i32
  }
  func.func @transform_7(%arg0: i32, %arg1: i32) -> (i32, i32, i32) {
    %c0_i32 = arith.constant 0 : i32
    %c0_i32_0 = arith.constant 0 : i32
    %c0_i32_1 = arith.constant 0 : i32
    %c0_i32_2 = arith.constant 0 : i32
    return %c0_i32, %c0_i32_0, %c0_i32_1 : i32, i32, i32
  }
  func.func @transform_8(%arg0: i32, %arg1: i32) -> (i32, i32, i32) {
    %c0_i32 = arith.constant 0 : i32
    %c0_i32_0 = arith.constant 0 : i32
    %c0_i32_1 = arith.constant 0 : i32
    %c0_i32_2 = arith.constant 0 : i32
    return %c0_i32, %c0_i32_0, %c0_i32_1 : i32, i32, i32
  }
  func.func @transform_9(%arg0: i32, %arg1: i32) -> (i32, i32, i32) {
    %c0_i32 = arith.constant 0 : i32
    %c0_i32_0 = arith.constant 0 : i32
    %c0_i32_1 = arith.constant 0 : i32
    %c0_i32_2 = arith.constant 0 : i32
    return %c0_i32, %c0_i32_0, %c0_i32_1 : i32, i32, i32
  }
  func.func @transform_10(%arg0: i32, %arg1: i32) -> (i32, i32) {
    %c0_i32 = arith.constant 0 : i32
    %c0_i32_0 = arith.constant 0 : i32
    %c0_i32_1 = arith.constant 0 : i32
    return %c0_i32, %c0_i32_0 : i32, i32
  }
  func.func @transform_11(%arg0: i32, %arg1: i32) -> (i32, i32) {
    %c0_i32 = arith.constant 0 : i32
    %c0_i32_0 = arith.constant 0 : i32
    %c0_i32_1 = arith.constant 0 : i32
    return %c0_i32, %c0_i32_0 : i32, i32
  }
  func.func @transform_12(%arg0: i32, %arg1: i32) -> (i32, i32, i32) {
    %c0_i32 = arith.constant 0 : i32
    %c0_i32_0 = arith.constant 0 : i32
    return %arg0, %arg1, %c0_i32 : i32, i32, i32
  }
  func.func @transform_13(%arg0: i32, %arg1: i32) -> (i32, i32, i32) {
    %c0_i32 = arith.constant 0 : i32
    %c0_i32_0 = arith.constant 0 : i32
    return %arg0, %arg1, %c0_i32 : i32, i32, i32
  }
}

module attributes {stable_mosaic.version = 14 : i64} {
  func.func @_t4_body(%arg0: i32, %arg1: memref<1x5000x128xf32, #tpu.memory_space<vmem>>, %arg2: memref<1x5000x128xf32, #tpu.memory_space<vmem>>, %arg3: memref<2x16x128xf32, #tpu.memory_space<vmem>>, %arg4: memref<3x128x128xf32, #tpu.memory_space<vmem>>, %arg5: memref<3x1x128xf32, #tpu.memory_space<vmem>>, %arg6: memref<3x1x128xf32, #tpu.memory_space<vmem>>, %arg7: memref<3x1x128xf32, #tpu.memory_space<vmem>>, %arg8: memref<3x1x1xf32, #tpu.memory_space<vmem>>, %arg9: memref<128x128xf32, #tpu.memory_space<vmem>>, %arg10: memref<1x128xf32, #tpu.memory_space<vmem>>, %arg11: memref<1x1xf32, #tpu.memory_space<vmem>>) attributes {dimension_semantics = [#tpu.dimension_semantics<arbitrary>], iteration_bounds = array<i64: 2>, scalar_prefetch = 0 : i64, scratch_operands = 0 : i64, tpu.core_type = #tpu.core_type<tc>, window_params = [{transform_indices = @transform_0, window_bounds = array<i64: 1, 5000, 128>}, {transform_indices = @transform_1, window_bounds = array<i64: 1, 5000, 128>}, {pipeline_mode = #tpu.pipeline_mode<synchronous>, transform_indices = @transform_2, window_bounds = array<i64: 2, 16, 128>}, {pipeline_mode = #tpu.pipeline_mode<synchronous>, transform_indices = @transform_3, window_bounds = array<i64: 3, 128, 128>}, {pipeline_mode = #tpu.pipeline_mode<synchronous>, transform_indices = @transform_4, window_bounds = array<i64: 3, 1, 128>}, {pipeline_mode = #tpu.pipeline_mode<synchronous>, transform_indices = @transform_5, window_bounds = array<i64: 3, 1, 128>}, {pipeline_mode = #tpu.pipeline_mode<synchronous>, transform_indices = @transform_6, window_bounds = array<i64: 3, 1, 128>}, {pipeline_mode = #tpu.pipeline_mode<synchronous>, transform_indices = @transform_7, window_bounds = array<i64: 3, 1, 1>}, {pipeline_mode = #tpu.pipeline_mode<synchronous>, transform_indices = @transform_8, window_bounds = array<i64: 128, 128>}, {pipeline_mode = #tpu.pipeline_mode<synchronous>, transform_indices = @transform_9, window_bounds = array<i64: 1, 128>}, {pipeline_mode = #tpu.pipeline_mode<synchronous>, transform_indices = @transform_10, window_bounds = array<i64: 1, 1>}]} {
    %get3A = arith.constant 0 : index
    %get3A_0 = arith.constant 0 : index
    %get3A_1 = arith.constant 0 : index
    %get3A_2 = vector.load %arg3[%get3A, %get3A_0, %get3A_1] : memref<2x16x128xf32, #tpu.memory_space<vmem>>, vector<1x16x128xf32>
    %get3A_3 = vector.shape_cast %get3A_2 : vector<1x16x128xf32> to vector<16x128xf32>
    %div3A = arith.constant 6.250000e+02 : f32
    %div3A_4 = vector.broadcast %div3A : f32 to vector<16x128xf32>
    %div3A_5 = arith.divf %get3A_3, %div3A_4 : vector<16x128xf32>
    %get3A_6 = arith.constant 0 : index
    %get3A_7 = arith.constant 0 : index
    %get3A_8 = arith.constant 0 : index
    %get3A_9 = vector.load %arg4[%get3A_6, %get3A_7, %get3A_8] : memref<3x128x128xf32, #tpu.memory_space<vmem>>, vector<1x128x128xf32>
    %get3A_10 = vector.shape_cast %get3A_9 : vector<1x128x128xf32> to vector<128x128xf32>
    %dot_general3A = arith.constant dense<0.000000e+00> : vector<16x128xf32>
    %dot_general3A_11 = tpu.matmul %div3A_5, %get3A_10, %dot_general3A {dimension_numbers = #tpu.dot_dimension_numbers<[1], [1], [0], [0], [0, 0, 1, 0], [], []>, transpose_lhs_hint = false} : vector<16x128xf32>, vector<128x128xf32>, vector<16x128xf32> -> vector<16x128xf32>
    %get3A_12 = arith.constant 0 : index
    %get3A_13 = arith.constant 0 : index
    %get3A_14 = arith.constant 0 : index
    %get3A_15 = vector.load %arg5[%get3A_12, %get3A_13, %get3A_14] : memref<3x1x128xf32, #tpu.memory_space<vmem>>, vector<1x1x128xf32>
    %get3A_16 = vector.shape_cast %get3A_15 : vector<1x1x128xf32> to vector<1x128xf32>
    %add3A = vector.broadcast %get3A_16 : vector<1x128xf32> to vector<16x128xf32>
    %add3A_17 = arith.addf %dot_general3A_11, %add3A : vector<16x128xf32>
    %get3A_18 = arith.constant 0 : index
    %get3A_19 = arith.constant 0 : index
    %get3A_20 = arith.constant 0 : index
    %get3A_21 = vector.load %arg6[%get3A_18, %get3A_19, %get3A_20] : memref<3x1x128xf32, #tpu.memory_space<vmem>>, vector<1x1x128xf32>
    %get3A_22 = vector.shape_cast %get3A_21 : vector<1x1x128xf32> to vector<1x128xf32>
    %get3A_23 = arith.constant 0 : index
    %get3A_24 = arith.constant 0 : index
    %get3A_25 = arith.constant 0 : index
    %get3A_26 = vector.load %arg7[%get3A_23, %get3A_24, %get3A_25] : memref<3x1x128xf32, #tpu.memory_space<vmem>>, vector<1x1x128xf32>
    %get3A_27 = vector.shape_cast %get3A_26 : vector<1x1x128xf32> to vector<1x128xf32>
    %reduce_sum3A = arith.constant dense<0.000000e+00> : vector<16xf32>
    %reduce_sum3A_28 = vector.multi_reduction <add>, %add3A_17, %reduce_sum3A [1] : vector<16x128xf32> to vector<16xf32>
    %broadcast_in_dim3A = vector.shape_cast %reduce_sum3A_28 : vector<16xf32> to vector<16x1xf32>
    %div3A_29 = arith.constant 1.280000e+02 : f32
    %div3A_30 = vector.broadcast %div3A_29 : f32 to vector<16x1xf32>
    %div3A_31 = arith.divf %broadcast_in_dim3A, %div3A_30 : vector<16x1xf32>
    %sub3A = vector.broadcast %div3A_31 : vector<16x1xf32> to vector<16x128xf32>
    %sub3A_32 = arith.subf %add3A_17, %sub3A : vector<16x128xf32>
    %integer_pow3A = arith.mulf %sub3A_32, %sub3A_32 : vector<16x128xf32>
    %reduce_sum3A_33 = arith.constant dense<0.000000e+00> : vector<16xf32>
    %reduce_sum3A_34 = vector.multi_reduction <add>, %integer_pow3A, %reduce_sum3A_33 [1] : vector<16x128xf32> to vector<16xf32>
    %broadcast_in_dim3A_35 = vector.shape_cast %reduce_sum3A_34 : vector<16xf32> to vector<16x1xf32>
    %div3A_36 = arith.constant 1.280000e+02 : f32
    %div3A_37 = vector.broadcast %div3A_36 : f32 to vector<16x1xf32>
    %div3A_38 = arith.divf %broadcast_in_dim3A_35, %div3A_37 : vector<16x1xf32>
    %sub3A_39 = vector.broadcast %div3A_31 : vector<16x1xf32> to vector<16x128xf32>
    %sub3A_40 = arith.subf %add3A_17, %sub3A_39 : vector<16x128xf32>
    %add3A_41 = arith.constant 9.99999974E-6 : f32
    %add3A_42 = vector.broadcast %add3A_41 : f32 to vector<16x1xf32>
    %add3A_43 = arith.addf %div3A_38, %add3A_42 : vector<16x1xf32>
    %rsqrt3A = math.rsqrt %add3A_43 : vector<16x1xf32>
    %mul3A = vector.broadcast %rsqrt3A : vector<16x1xf32> to vector<16x128xf32>
    %mul3A_44 = arith.mulf %sub3A_40, %mul3A : vector<16x128xf32>
    %mul3A_45 = vector.broadcast %get3A_22 : vector<1x128xf32> to vector<16x128xf32>
    %mul3A_46 = arith.mulf %mul3A_44, %mul3A_45 : vector<16x128xf32>
    %add3A_47 = vector.broadcast %get3A_27 : vector<1x128xf32> to vector<16x128xf32>
    %add3A_48 = arith.addf %mul3A_46, %add3A_47 : vector<16x128xf32>
    %ge3A = arith.constant 0.000000e+00 : f32
    %ge3A_49 = vector.broadcast %ge3A : f32 to vector<16x128xf32>
    %ge3A_50 = arith.cmpf oge, %add3A_48, %ge3A_49 : vector<16x128xf32>
    %get3A_51 = arith.constant 0 : index
    %get3A_52 = arith.constant 0 : index
    %get3A_53 = arith.constant 0 : index
    %get3A_54 = vector.load %arg8[%get3A_51, %get3A_52, %get3A_53] : memref<3x1x1xf32, #tpu.memory_space<vmem>>, vector<1x1x1xf32>
    %get3A_55 = vector.shape_cast %get3A_54 : vector<1x1x1xf32> to vector<1x1xf32>
    %mul3A_56 = vector.broadcast %get3A_55 : vector<1x1xf32> to vector<16x128xf32>
    %mul3A_57 = arith.mulf %mul3A_56, %add3A_48 : vector<16x128xf32>
    %select_n3A = arith.select %ge3A_50, %add3A_48, %mul3A_57 : vector<16x128xi1>, vector<16x128xf32>
    %get3A_58 = arith.constant 1 : index
    %get3A_59 = arith.constant 0 : index
    %get3A_60 = arith.constant 0 : index
    %get3A_61 = vector.load %arg4[%get3A_58, %get3A_59, %get3A_60] : memref<3x128x128xf32, #tpu.memory_space<vmem>>, vector<1x128x128xf32>
    %get3A_62 = vector.shape_cast %get3A_61 : vector<1x128x128xf32> to vector<128x128xf32>
    %dot_general3A_63 = arith.constant dense<0.000000e+00> : vector<16x128xf32>
    %dot_general3A_64 = tpu.matmul %select_n3A, %get3A_62, %dot_general3A_63 {dimension_numbers = #tpu.dot_dimension_numbers<[1], [1], [0], [0], [0, 0, 1, 0], [], []>, transpose_lhs_hint = false} : vector<16x128xf32>, vector<128x128xf32>, vector<16x128xf32> -> vector<16x128xf32>
    %get3A_65 = arith.constant 1 : index
    %get3A_66 = arith.constant 0 : index
    %get3A_67 = arith.constant 0 : index
    %get3A_68 = vector.load %arg5[%get3A_65, %get3A_66, %get3A_67] : memref<3x1x128xf32, #tpu.memory_space<vmem>>, vector<1x1x128xf32>
    %get3A_69 = vector.shape_cast %get3A_68 : vector<1x1x128xf32> to vector<1x128xf32>
    %add3A_70 = vector.broadcast %get3A_69 : vector<1x128xf32> to vector<16x128xf32>
    %add3A_71 = arith.addf %dot_general3A_64, %add3A_70 : vector<16x128xf32>
    %get3A_72 = arith.constant 1 : index
    %get3A_73 = arith.constant 0 : index
    %get3A_74 = arith.constant 0 : index
    %get3A_75 = vector.load %arg6[%get3A_72, %get3A_73, %get3A_74] : memref<3x1x128xf32, #tpu.memory_space<vmem>>, vector<1x1x128xf32>
    %get3A_76 = vector.shape_cast %get3A_75 : vector<1x1x128xf32> to vector<1x128xf32>
    %get3A_77 = arith.constant 1 : index
    %get3A_78 = arith.constant 0 : index
    %get3A_79 = arith.constant 0 : index
    %get3A_80 = vector.load %arg7[%get3A_77, %get3A_78, %get3A_79] : memref<3x1x128xf32, #tpu.memory_space<vmem>>, vector<1x1x128xf32>
    %get3A_81 = vector.shape_cast %get3A_80 : vector<1x1x128xf32> to vector<1x128xf32>
    %reduce_sum3A_82 = arith.constant dense<0.000000e+00> : vector<16xf32>
    %reduce_sum3A_83 = vector.multi_reduction <add>, %add3A_71, %reduce_sum3A_82 [1] : vector<16x128xf32> to vector<16xf32>
    %broadcast_in_dim3A_84 = vector.shape_cast %reduce_sum3A_83 : vector<16xf32> to vector<16x1xf32>
    %div3A_85 = arith.constant 1.280000e+02 : f32
    %div3A_86 = vector.broadcast %div3A_85 : f32 to vector<16x1xf32>
    %div3A_87 = arith.divf %broadcast_in_dim3A_84, %div3A_86 : vector<16x1xf32>
    %sub3A_88 = vector.broadcast %div3A_87 : vector<16x1xf32> to vector<16x128xf32>
    %sub3A_89 = arith.subf %add3A_71, %sub3A_88 : vector<16x128xf32>
    %integer_pow3A_90 = arith.mulf %sub3A_89, %sub3A_89 : vector<16x128xf32>
    %reduce_sum3A_91 = arith.constant dense<0.000000e+00> : vector<16xf32>
    %reduce_sum3A_92 = vector.multi_reduction <add>, %integer_pow3A_90, %reduce_sum3A_91 [1] : vector<16x128xf32> to vector<16xf32>
    %broadcast_in_dim3A_93 = vector.shape_cast %reduce_sum3A_92 : vector<16xf32> to vector<16x1xf32>
    %div3A_94 = arith.constant 1.280000e+02 : f32
    %div3A_95 = vector.broadcast %div3A_94 : f32 to vector<16x1xf32>
    %div3A_96 = arith.divf %broadcast_in_dim3A_93, %div3A_95 : vector<16x1xf32>
    %sub3A_97 = vector.broadcast %div3A_87 : vector<16x1xf32> to vector<16x128xf32>
    %sub3A_98 = arith.subf %add3A_71, %sub3A_97 : vector<16x128xf32>
    %add3A_99 = arith.constant 9.99999974E-6 : f32
    %add3A_100 = vector.broadcast %add3A_99 : f32 to vector<16x1xf32>
    %add3A_101 = arith.addf %div3A_96, %add3A_100 : vector<16x1xf32>
    %rsqrt3A_102 = math.rsqrt %add3A_101 : vector<16x1xf32>
    %mul3A_103 = vector.broadcast %rsqrt3A_102 : vector<16x1xf32> to vector<16x128xf32>
    %mul3A_104 = arith.mulf %sub3A_98, %mul3A_103 : vector<16x128xf32>
    %mul3A_105 = vector.broadcast %get3A_76 : vector<1x128xf32> to vector<16x128xf32>
    %mul3A_106 = arith.mulf %mul3A_104, %mul3A_105 : vector<16x128xf32>
    %add3A_107 = vector.broadcast %get3A_81 : vector<1x128xf32> to vector<16x128xf32>
    %add3A_108 = arith.addf %mul3A_106, %add3A_107 : vector<16x128xf32>
    %ge3A_109 = arith.constant 0.000000e+00 : f32
    %ge3A_110 = vector.broadcast %ge3A_109 : f32 to vector<16x128xf32>
    %ge3A_111 = arith.cmpf oge, %add3A_108, %ge3A_110 : vector<16x128xf32>
    %get3A_112 = arith.constant 1 : index
    %get3A_113 = arith.constant 0 : index
    %get3A_114 = arith.constant 0 : index
    %get3A_115 = vector.load %arg8[%get3A_112, %get3A_113, %get3A_114] : memref<3x1x1xf32, #tpu.memory_space<vmem>>, vector<1x1x1xf32>
    %get3A_116 = vector.shape_cast %get3A_115 : vector<1x1x1xf32> to vector<1x1xf32>
    %mul3A_117 = vector.broadcast %get3A_116 : vector<1x1xf32> to vector<16x128xf32>
    %mul3A_118 = arith.mulf %mul3A_117, %add3A_108 : vector<16x128xf32>
    %select_n3A_119 = arith.select %ge3A_111, %add3A_108, %mul3A_118 : vector<16x128xi1>, vector<16x128xf32>
    %get3A_120 = arith.constant 2 : index
    %get3A_121 = arith.constant 0 : index
    %get3A_122 = arith.constant 0 : index
    %get3A_123 = vector.load %arg4[%get3A_120, %get3A_121, %get3A_122] : memref<3x128x128xf32, #tpu.memory_space<vmem>>, vector<1x128x128xf32>
    %get3A_124 = vector.shape_cast %get3A_123 : vector<1x128x128xf32> to vector<128x128xf32>
    %dot_general3A_125 = arith.constant dense<0.000000e+00> : vector<16x128xf32>
    %dot_general3A_126 = tpu.matmul %select_n3A_119, %get3A_124, %dot_general3A_125 {dimension_numbers = #tpu.dot_dimension_numbers<[1], [1], [0], [0], [0, 0, 1, 0], [], []>, transpose_lhs_hint = false} : vector<16x128xf32>, vector<128x128xf32>, vector<16x128xf32> -> vector<16x128xf32>
    %get3A_127 = arith.constant 2 : index
    %get3A_128 = arith.constant 0 : index
    %get3A_129 = arith.constant 0 : index
    %get3A_130 = vector.load %arg5[%get3A_127, %get3A_128, %get3A_129] : memref<3x1x128xf32, #tpu.memory_space<vmem>>, vector<1x1x128xf32>
    %get3A_131 = vector.shape_cast %get3A_130 : vector<1x1x128xf32> to vector<1x128xf32>
    %add3A_132 = vector.broadcast %get3A_131 : vector<1x128xf32> to vector<16x128xf32>
    %add3A_133 = arith.addf %dot_general3A_126, %add3A_132 : vector<16x128xf32>
    %get3A_134 = arith.constant 2 : index
    %get3A_135 = arith.constant 0 : index
    %get3A_136 = arith.constant 0 : index
    %get3A_137 = vector.load %arg6[%get3A_134, %get3A_135, %get3A_136] : memref<3x1x128xf32, #tpu.memory_space<vmem>>, vector<1x1x128xf32>
    %get3A_138 = vector.shape_cast %get3A_137 : vector<1x1x128xf32> to vector<1x128xf32>
    %get3A_139 = arith.constant 2 : index
    %get3A_140 = arith.constant 0 : index
    %get3A_141 = arith.constant 0 : index
    %get3A_142 = vector.load %arg7[%get3A_139, %get3A_140, %get3A_141] : memref<3x1x128xf32, #tpu.memory_space<vmem>>, vector<1x1x128xf32>
    %get3A_143 = vector.shape_cast %get3A_142 : vector<1x1x128xf32> to vector<1x128xf32>
    %reduce_sum3A_144 = arith.constant dense<0.000000e+00> : vector<16xf32>
    %reduce_sum3A_145 = vector.multi_reduction <add>, %add3A_133, %reduce_sum3A_144 [1] : vector<16x128xf32> to vector<16xf32>
    %broadcast_in_dim3A_146 = vector.shape_cast %reduce_sum3A_145 : vector<16xf32> to vector<16x1xf32>
    %div3A_147 = arith.constant 1.280000e+02 : f32
    %div3A_148 = vector.broadcast %div3A_147 : f32 to vector<16x1xf32>
    %div3A_149 = arith.divf %broadcast_in_dim3A_146, %div3A_148 : vector<16x1xf32>
    %sub3A_150 = vector.broadcast %div3A_149 : vector<16x1xf32> to vector<16x128xf32>
    %sub3A_151 = arith.subf %add3A_133, %sub3A_150 : vector<16x128xf32>
    %integer_pow3A_152 = arith.mulf %sub3A_151, %sub3A_151 : vector<16x128xf32>
    %reduce_sum3A_153 = arith.constant dense<0.000000e+00> : vector<16xf32>
    %reduce_sum3A_154 = vector.multi_reduction <add>, %integer_pow3A_152, %reduce_sum3A_153 [1] : vector<16x128xf32> to vector<16xf32>
    %broadcast_in_dim3A_155 = vector.shape_cast %reduce_sum3A_154 : vector<16xf32> to vector<16x1xf32>
    %div3A_156 = arith.constant 1.280000e+02 : f32
    %div3A_157 = vector.broadcast %div3A_156 : f32 to vector<16x1xf32>
    %div3A_158 = arith.divf %broadcast_in_dim3A_155, %div3A_157 : vector<16x1xf32>
    %sub3A_159 = vector.broadcast %div3A_149 : vector<16x1xf32> to vector<16x128xf32>
    %sub3A_160 = arith.subf %add3A_133, %sub3A_159 : vector<16x128xf32>
    %add3A_161 = arith.constant 9.99999974E-6 : f32
    %add3A_162 = vector.broadcast %add3A_161 : f32 to vector<16x1xf32>
    %add3A_163 = arith.addf %div3A_158, %add3A_162 : vector<16x1xf32>
    %rsqrt3A_164 = math.rsqrt %add3A_163 : vector<16x1xf32>
    %mul3A_165 = vector.broadcast %rsqrt3A_164 : vector<16x1xf32> to vector<16x128xf32>
    %mul3A_166 = arith.mulf %sub3A_160, %mul3A_165 : vector<16x128xf32>
    %mul3A_167 = vector.broadcast %get3A_138 : vector<1x128xf32> to vector<16x128xf32>
    %mul3A_168 = arith.mulf %mul3A_166, %mul3A_167 : vector<16x128xf32>
    %add3A_169 = vector.broadcast %get3A_143 : vector<1x128xf32> to vector<16x128xf32>
    %add3A_170 = arith.addf %mul3A_168, %add3A_169 : vector<16x128xf32>
    %ge3A_171 = arith.constant 0.000000e+00 : f32
    %ge3A_172 = vector.broadcast %ge3A_171 : f32 to vector<16x128xf32>
    %ge3A_173 = arith.cmpf oge, %add3A_170, %ge3A_172 : vector<16x128xf32>
    %get3A_174 = arith.constant 2 : index
    %get3A_175 = arith.constant 0 : index
    %get3A_176 = arith.constant 0 : index
    %get3A_177 = vector.load %arg8[%get3A_174, %get3A_175, %get3A_176] : memref<3x1x1xf32, #tpu.memory_space<vmem>>, vector<1x1x1xf32>
    %get3A_178 = vector.shape_cast %get3A_177 : vector<1x1x1xf32> to vector<1x1xf32>
    %mul3A_179 = vector.broadcast %get3A_178 : vector<1x1xf32> to vector<16x128xf32>
    %mul3A_180 = arith.mulf %mul3A_179, %add3A_170 : vector<16x128xf32>
    %select_n3A_181 = arith.select %ge3A_173, %add3A_170, %mul3A_180 : vector<16x128xi1>, vector<16x128xf32>
    %get3A_182 = arith.constant 0 : index
    %get3A_183 = arith.constant 0 : index
    %get3A_184 = vector.load %arg9[%get3A_182, %get3A_183] : memref<128x128xf32, #tpu.memory_space<vmem>>, vector<128x128xf32>
    %dot_general3A_185 = arith.constant dense<0.000000e+00> : vector<16x128xf32>
    %dot_general3A_186 = tpu.matmul %div3A_5, %get3A_184, %dot_general3A_185 {dimension_numbers = #tpu.dot_dimension_numbers<[1], [1], [0], [0], [0, 0, 1, 0], [], []>, transpose_lhs_hint = false} : vector<16x128xf32>, vector<128x128xf32>, vector<16x128xf32> -> vector<16x128xf32>
    %add3A_187 = arith.addf %select_n3A_181, %dot_general3A_186 : vector<16x128xf32>
    %get3A_188 = arith.constant 0 : index
    %get3A_189 = arith.constant 0 : index
    %get3A_190 = vector.load %arg10[%get3A_188, %get3A_189] : memref<1x128xf32, #tpu.memory_space<vmem>>, vector<1x128xf32>
    %add3A_191 = vector.broadcast %get3A_190 : vector<1x128xf32> to vector<16x128xf32>
    %add3A_192 = arith.addf %add3A_187, %add3A_191 : vector<16x128xf32>
    %get3A_193 = arith.constant 1 : index
    %get3A_194 = arith.constant 0 : index
    %get3A_195 = arith.constant 0 : index
    %get3A_196 = vector.load %arg3[%get3A_193, %get3A_194, %get3A_195] : memref<2x16x128xf32, #tpu.memory_space<vmem>>, vector<1x16x128xf32>
    %get3A_197 = vector.shape_cast %get3A_196 : vector<1x16x128xf32> to vector<16x128xf32>
    %div3A_198 = arith.constant 6.250000e+02 : f32
    %div3A_199 = vector.broadcast %div3A_198 : f32 to vector<16x128xf32>
    %div3A_200 = arith.divf %get3A_197, %div3A_199 : vector<16x128xf32>
    %get3A_201 = arith.constant 0 : index
    %get3A_202 = arith.constant 0 : index
    %get3A_203 = arith.constant 0 : index
    %get3A_204 = vector.load %arg4[%get3A_201, %get3A_202, %get3A_203] : memref<3x128x128xf32, #tpu.memory_space<vmem>>, vector<1x128x128xf32>
    %get3A_205 = vector.shape_cast %get3A_204 : vector<1x128x128xf32> to vector<128x128xf32>
    %dot_general3A_206 = arith.constant dense<0.000000e+00> : vector<16x128xf32>
    %dot_general3A_207 = tpu.matmul %div3A_200, %get3A_205, %dot_general3A_206 {dimension_numbers = #tpu.dot_dimension_numbers<[1], [1], [0], [0], [0, 0, 1, 0], [], []>, transpose_lhs_hint = false} : vector<16x128xf32>, vector<128x128xf32>, vector<16x128xf32> -> vector<16x128xf32>
    %get3A_208 = arith.constant 0 : index
    %get3A_209 = arith.constant 0 : index
    %get3A_210 = arith.constant 0 : index
    %get3A_211 = vector.load %arg5[%get3A_208, %get3A_209, %get3A_210] : memref<3x1x128xf32, #tpu.memory_space<vmem>>, vector<1x1x128xf32>
    %get3A_212 = vector.shape_cast %get3A_211 : vector<1x1x128xf32> to vector<1x128xf32>
    %add3A_213 = vector.broadcast %get3A_212 : vector<1x128xf32> to vector<16x128xf32>
    %add3A_214 = arith.addf %dot_general3A_207, %add3A_213 : vector<16x128xf32>
    %get3A_215 = arith.constant 0 : index
    %get3A_216 = arith.constant 0 : index
    %get3A_217 = arith.constant 0 : index
    %get3A_218 = vector.load %arg6[%get3A_215, %get3A_216, %get3A_217] : memref<3x1x128xf32, #tpu.memory_space<vmem>>, vector<1x1x128xf32>
    %get3A_219 = vector.shape_cast %get3A_218 : vector<1x1x128xf32> to vector<1x128xf32>
    %get3A_220 = arith.constant 0 : index
    %get3A_221 = arith.constant 0 : index
    %get3A_222 = arith.constant 0 : index
    %get3A_223 = vector.load %arg7[%get3A_220, %get3A_221, %get3A_222] : memref<3x1x128xf32, #tpu.memory_space<vmem>>, vector<1x1x128xf32>
    %get3A_224 = vector.shape_cast %get3A_223 : vector<1x1x128xf32> to vector<1x128xf32>
    %reduce_sum3A_225 = arith.constant dense<0.000000e+00> : vector<16xf32>
    %reduce_sum3A_226 = vector.multi_reduction <add>, %add3A_214, %reduce_sum3A_225 [1] : vector<16x128xf32> to vector<16xf32>
    %broadcast_in_dim3A_227 = vector.shape_cast %reduce_sum3A_226 : vector<16xf32> to vector<16x1xf32>
    %div3A_228 = arith.constant 1.280000e+02 : f32
    %div3A_229 = vector.broadcast %div3A_228 : f32 to vector<16x1xf32>
    %div3A_230 = arith.divf %broadcast_in_dim3A_227, %div3A_229 : vector<16x1xf32>
    %sub3A_231 = vector.broadcast %div3A_230 : vector<16x1xf32> to vector<16x128xf32>
    %sub3A_232 = arith.subf %add3A_214, %sub3A_231 : vector<16x128xf32>
    %integer_pow3A_233 = arith.mulf %sub3A_232, %sub3A_232 : vector<16x128xf32>
    %reduce_sum3A_234 = arith.constant dense<0.000000e+00> : vector<16xf32>
    %reduce_sum3A_235 = vector.multi_reduction <add>, %integer_pow3A_233, %reduce_sum3A_234 [1] : vector<16x128xf32> to vector<16xf32>
    %broadcast_in_dim3A_236 = vector.shape_cast %reduce_sum3A_235 : vector<16xf32> to vector<16x1xf32>
    %div3A_237 = arith.constant 1.280000e+02 : f32
    %div3A_238 = vector.broadcast %div3A_237 : f32 to vector<16x1xf32>
    %div3A_239 = arith.divf %broadcast_in_dim3A_236, %div3A_238 : vector<16x1xf32>
    %sub3A_240 = vector.broadcast %div3A_230 : vector<16x1xf32> to vector<16x128xf32>
    %sub3A_241 = arith.subf %add3A_214, %sub3A_240 : vector<16x128xf32>
    %add3A_242 = arith.constant 9.99999974E-6 : f32
    %add3A_243 = vector.broadcast %add3A_242 : f32 to vector<16x1xf32>
    %add3A_244 = arith.addf %div3A_239, %add3A_243 : vector<16x1xf32>
    %rsqrt3A_245 = math.rsqrt %add3A_244 : vector<16x1xf32>
    %mul3A_246 = vector.broadcast %rsqrt3A_245 : vector<16x1xf32> to vector<16x128xf32>
    %mul3A_247 = arith.mulf %sub3A_241, %mul3A_246 : vector<16x128xf32>
    %mul3A_248 = vector.broadcast %get3A_219 : vector<1x128xf32> to vector<16x128xf32>
    %mul3A_249 = arith.mulf %mul3A_247, %mul3A_248 : vector<16x128xf32>
    %add3A_250 = vector.broadcast %get3A_224 : vector<1x128xf32> to vector<16x128xf32>
    %add3A_251 = arith.addf %mul3A_249, %add3A_250 : vector<16x128xf32>
    %ge3A_252 = arith.constant 0.000000e+00 : f32
    %ge3A_253 = vector.broadcast %ge3A_252 : f32 to vector<16x128xf32>
    %ge3A_254 = arith.cmpf oge, %add3A_251, %ge3A_253 : vector<16x128xf32>
    %get3A_255 = arith.constant 0 : index
    %get3A_256 = arith.constant 0 : index
    %get3A_257 = arith.constant 0 : index
    %get3A_258 = vector.load %arg8[%get3A_255, %get3A_256, %get3A_257] : memref<3x1x1xf32, #tpu.memory_space<vmem>>, vector<1x1x1xf32>
    %get3A_259 = vector.shape_cast %get3A_258 : vector<1x1x1xf32> to vector<1x1xf32>
    %mul3A_260 = vector.broadcast %get3A_259 : vector<1x1xf32> to vector<16x128xf32>
    %mul3A_261 = arith.mulf %mul3A_260, %add3A_251 : vector<16x128xf32>
    %select_n3A_262 = arith.select %ge3A_254, %add3A_251, %mul3A_261 : vector<16x128xi1>, vector<16x128xf32>
    %get3A_263 = arith.constant 1 : index
    %get3A_264 = arith.constant 0 : index
    %get3A_265 = arith.constant 0 : index
    %get3A_266 = vector.load %arg4[%get3A_263, %get3A_264, %get3A_265] : memref<3x128x128xf32, #tpu.memory_space<vmem>>, vector<1x128x128xf32>
    %get3A_267 = vector.shape_cast %get3A_266 : vector<1x128x128xf32> to vector<128x128xf32>
    %dot_general3A_268 = arith.constant dense<0.000000e+00> : vector<16x128xf32>
    %dot_general3A_269 = tpu.matmul %select_n3A_262, %get3A_267, %dot_general3A_268 {dimension_numbers = #tpu.dot_dimension_numbers<[1], [1], [0], [0], [0, 0, 1, 0], [], []>, transpose_lhs_hint = false} : vector<16x128xf32>, vector<128x128xf32>, vector<16x128xf32> -> vector<16x128xf32>
    %get3A_270 = arith.constant 1 : index
    %get3A_271 = arith.constant 0 : index
    %get3A_272 = arith.constant 0 : index
    %get3A_273 = vector.load %arg5[%get3A_270, %get3A_271, %get3A_272] : memref<3x1x128xf32, #tpu.memory_space<vmem>>, vector<1x1x128xf32>
    %get3A_274 = vector.shape_cast %get3A_273 : vector<1x1x128xf32> to vector<1x128xf32>
    %add3A_275 = vector.broadcast %get3A_274 : vector<1x128xf32> to vector<16x128xf32>
    %add3A_276 = arith.addf %dot_general3A_269, %add3A_275 : vector<16x128xf32>
    %get3A_277 = arith.constant 1 : index
    %get3A_278 = arith.constant 0 : index
    %get3A_279 = arith.constant 0 : index
    %get3A_280 = vector.load %arg6[%get3A_277, %get3A_278, %get3A_279] : memref<3x1x128xf32, #tpu.memory_space<vmem>>, vector<1x1x128xf32>
    %get3A_281 = vector.shape_cast %get3A_280 : vector<1x1x128xf32> to vector<1x128xf32>
    %get3A_282 = arith.constant 1 : index
    %get3A_283 = arith.constant 0 : index
    %get3A_284 = arith.constant 0 : index
    %get3A_285 = vector.load %arg7[%get3A_282, %get3A_283, %get3A_284] : memref<3x1x128xf32, #tpu.memory_space<vmem>>, vector<1x1x128xf32>
    %get3A_286 = vector.shape_cast %get3A_285 : vector<1x1x128xf32> to vector<1x128xf32>
    %reduce_sum3A_287 = arith.constant dense<0.000000e+00> : vector<16xf32>
    %reduce_sum3A_288 = vector.multi_reduction <add>, %add3A_276, %reduce_sum3A_287 [1] : vector<16x128xf32> to vector<16xf32>
    %broadcast_in_dim3A_289 = vector.shape_cast %reduce_sum3A_288 : vector<16xf32> to vector<16x1xf32>
    %div3A_290 = arith.constant 1.280000e+02 : f32
    %div3A_291 = vector.broadcast %div3A_290 : f32 to vector<16x1xf32>
    %div3A_292 = arith.divf %broadcast_in_dim3A_289, %div3A_291 : vector<16x1xf32>
    %sub3A_293 = vector.broadcast %div3A_292 : vector<16x1xf32> to vector<16x128xf32>
    %sub3A_294 = arith.subf %add3A_276, %sub3A_293 : vector<16x128xf32>
    %integer_pow3A_295 = arith.mulf %sub3A_294, %sub3A_294 : vector<16x128xf32>
    %reduce_sum3A_296 = arith.constant dense<0.000000e+00> : vector<16xf32>
    %reduce_sum3A_297 = vector.multi_reduction <add>, %integer_pow3A_295, %reduce_sum3A_296 [1] : vector<16x128xf32> to vector<16xf32>
    %broadcast_in_dim3A_298 = vector.shape_cast %reduce_sum3A_297 : vector<16xf32> to vector<16x1xf32>
    %div3A_299 = arith.constant 1.280000e+02 : f32
    %div3A_300 = vector.broadcast %div3A_299 : f32 to vector<16x1xf32>
    %div3A_301 = arith.divf %broadcast_in_dim3A_298, %div3A_300 : vector<16x1xf32>
    %sub3A_302 = vector.broadcast %div3A_292 : vector<16x1xf32> to vector<16x128xf32>
    %sub3A_303 = arith.subf %add3A_276, %sub3A_302 : vector<16x128xf32>
    %add3A_304 = arith.constant 9.99999974E-6 : f32
    %add3A_305 = vector.broadcast %add3A_304 : f32 to vector<16x1xf32>
    %add3A_306 = arith.addf %div3A_301, %add3A_305 : vector<16x1xf32>
    %rsqrt3A_307 = math.rsqrt %add3A_306 : vector<16x1xf32>
    %mul3A_308 = vector.broadcast %rsqrt3A_307 : vector<16x1xf32> to vector<16x128xf32>
    %mul3A_309 = arith.mulf %sub3A_303, %mul3A_308 : vector<16x128xf32>
    %mul3A_310 = vector.broadcast %get3A_281 : vector<1x128xf32> to vector<16x128xf32>
    %mul3A_311 = arith.mulf %mul3A_309, %mul3A_310 : vector<16x128xf32>
    %add3A_312 = vector.broadcast %get3A_286 : vector<1x128xf32> to vector<16x128xf32>
    %add3A_313 = arith.addf %mul3A_311, %add3A_312 : vector<16x128xf32>
    %ge3A_314 = arith.constant 0.000000e+00 : f32
    %ge3A_315 = vector.broadcast %ge3A_314 : f32 to vector<16x128xf32>
    %ge3A_316 = arith.cmpf oge, %add3A_313, %ge3A_315 : vector<16x128xf32>
    %get3A_317 = arith.constant 1 : index
    %get3A_318 = arith.constant 0 : index
    %get3A_319 = arith.constant 0 : index
    %get3A_320 = vector.load %arg8[%get3A_317, %get3A_318, %get3A_319] : memref<3x1x1xf32, #tpu.memory_space<vmem>>, vector<1x1x1xf32>
    %get3A_321 = vector.shape_cast %get3A_320 : vector<1x1x1xf32> to vector<1x1xf32>
    %mul3A_322 = vector.broadcast %get3A_321 : vector<1x1xf32> to vector<16x128xf32>
    %mul3A_323 = arith.mulf %mul3A_322, %add3A_313 : vector<16x128xf32>
    %select_n3A_324 = arith.select %ge3A_316, %add3A_313, %mul3A_323 : vector<16x128xi1>, vector<16x128xf32>
    %get3A_325 = arith.constant 2 : index
    %get3A_326 = arith.constant 0 : index
    %get3A_327 = arith.constant 0 : index
    %get3A_328 = vector.load %arg4[%get3A_325, %get3A_326, %get3A_327] : memref<3x128x128xf32, #tpu.memory_space<vmem>>, vector<1x128x128xf32>
    %get3A_329 = vector.shape_cast %get3A_328 : vector<1x128x128xf32> to vector<128x128xf32>
    %dot_general3A_330 = arith.constant dense<0.000000e+00> : vector<16x128xf32>
    %dot_general3A_331 = tpu.matmul %select_n3A_324, %get3A_329, %dot_general3A_330 {dimension_numbers = #tpu.dot_dimension_numbers<[1], [1], [0], [0], [0, 0, 1, 0], [], []>, transpose_lhs_hint = false} : vector<16x128xf32>, vector<128x128xf32>, vector<16x128xf32> -> vector<16x128xf32>
    %get3A_332 = arith.constant 2 : index
    %get3A_333 = arith.constant 0 : index
    %get3A_334 = arith.constant 0 : index
    %get3A_335 = vector.load %arg5[%get3A_332, %get3A_333, %get3A_334] : memref<3x1x128xf32, #tpu.memory_space<vmem>>, vector<1x1x128xf32>
    %get3A_336 = vector.shape_cast %get3A_335 : vector<1x1x128xf32> to vector<1x128xf32>
    %add3A_337 = vector.broadcast %get3A_336 : vector<1x128xf32> to vector<16x128xf32>
    %add3A_338 = arith.addf %dot_general3A_331, %add3A_337 : vector<16x128xf32>
    %get3A_339 = arith.constant 2 : index
    %get3A_340 = arith.constant 0 : index
    %get3A_341 = arith.constant 0 : index
    %get3A_342 = vector.load %arg6[%get3A_339, %get3A_340, %get3A_341] : memref<3x1x128xf32, #tpu.memory_space<vmem>>, vector<1x1x128xf32>
    %get3A_343 = vector.shape_cast %get3A_342 : vector<1x1x128xf32> to vector<1x128xf32>
    %get3A_344 = arith.constant 2 : index
    %get3A_345 = arith.constant 0 : index
    %get3A_346 = arith.constant 0 : index
    %get3A_347 = vector.load %arg7[%get3A_344, %get3A_345, %get3A_346] : memref<3x1x128xf32, #tpu.memory_space<vmem>>, vector<1x1x128xf32>
    %get3A_348 = vector.shape_cast %get3A_347 : vector<1x1x128xf32> to vector<1x128xf32>
    %reduce_sum3A_349 = arith.constant dense<0.000000e+00> : vector<16xf32>
    %reduce_sum3A_350 = vector.multi_reduction <add>, %add3A_338, %reduce_sum3A_349 [1] : vector<16x128xf32> to vector<16xf32>
    %broadcast_in_dim3A_351 = vector.shape_cast %reduce_sum3A_350 : vector<16xf32> to vector<16x1xf32>
    %div3A_352 = arith.constant 1.280000e+02 : f32
    %div3A_353 = vector.broadcast %div3A_352 : f32 to vector<16x1xf32>
    %div3A_354 = arith.divf %broadcast_in_dim3A_351, %div3A_353 : vector<16x1xf32>
    %sub3A_355 = vector.broadcast %div3A_354 : vector<16x1xf32> to vector<16x128xf32>
    %sub3A_356 = arith.subf %add3A_338, %sub3A_355 : vector<16x128xf32>
    %integer_pow3A_357 = arith.mulf %sub3A_356, %sub3A_356 : vector<16x128xf32>
    %reduce_sum3A_358 = arith.constant dense<0.000000e+00> : vector<16xf32>
    %reduce_sum3A_359 = vector.multi_reduction <add>, %integer_pow3A_357, %reduce_sum3A_358 [1] : vector<16x128xf32> to vector<16xf32>
    %broadcast_in_dim3A_360 = vector.shape_cast %reduce_sum3A_359 : vector<16xf32> to vector<16x1xf32>
    %div3A_361 = arith.constant 1.280000e+02 : f32
    %div3A_362 = vector.broadcast %div3A_361 : f32 to vector<16x1xf32>
    %div3A_363 = arith.divf %broadcast_in_dim3A_360, %div3A_362 : vector<16x1xf32>
    %sub3A_364 = vector.broadcast %div3A_354 : vector<16x1xf32> to vector<16x128xf32>
    %sub3A_365 = arith.subf %add3A_338, %sub3A_364 : vector<16x128xf32>
    %add3A_366 = arith.constant 9.99999974E-6 : f32
    %add3A_367 = vector.broadcast %add3A_366 : f32 to vector<16x1xf32>
    %add3A_368 = arith.addf %div3A_363, %add3A_367 : vector<16x1xf32>
    %rsqrt3A_369 = math.rsqrt %add3A_368 : vector<16x1xf32>
    %mul3A_370 = vector.broadcast %rsqrt3A_369 : vector<16x1xf32> to vector<16x128xf32>
    %mul3A_371 = arith.mulf %sub3A_365, %mul3A_370 : vector<16x128xf32>
    %mul3A_372 = vector.broadcast %get3A_343 : vector<1x128xf32> to vector<16x128xf32>
    %mul3A_373 = arith.mulf %mul3A_371, %mul3A_372 : vector<16x128xf32>
    %add3A_374 = vector.broadcast %get3A_348 : vector<1x128xf32> to vector<16x128xf32>
    %add3A_375 = arith.addf %mul3A_373, %add3A_374 : vector<16x128xf32>
    %ge3A_376 = arith.constant 0.000000e+00 : f32
    %ge3A_377 = vector.broadcast %ge3A_376 : f32 to vector<16x128xf32>
    %ge3A_378 = arith.cmpf oge, %add3A_375, %ge3A_377 : vector<16x128xf32>
    %get3A_379 = arith.constant 2 : index
    %get3A_380 = arith.constant 0 : index
    %get3A_381 = arith.constant 0 : index
    %get3A_382 = vector.load %arg8[%get3A_379, %get3A_380, %get3A_381] : memref<3x1x1xf32, #tpu.memory_space<vmem>>, vector<1x1x1xf32>
    %get3A_383 = vector.shape_cast %get3A_382 : vector<1x1x1xf32> to vector<1x1xf32>
    %mul3A_384 = vector.broadcast %get3A_383 : vector<1x1xf32> to vector<16x128xf32>
    %mul3A_385 = arith.mulf %mul3A_384, %add3A_375 : vector<16x128xf32>
    %select_n3A_386 = arith.select %ge3A_378, %add3A_375, %mul3A_385 : vector<16x128xi1>, vector<16x128xf32>
    %get3A_387 = arith.constant 0 : index
    %get3A_388 = arith.constant 0 : index
    %get3A_389 = vector.load %arg9[%get3A_387, %get3A_388] : memref<128x128xf32, #tpu.memory_space<vmem>>, vector<128x128xf32>
    %dot_general3A_390 = arith.constant dense<0.000000e+00> : vector<16x128xf32>
    %dot_general3A_391 = tpu.matmul %div3A_200, %get3A_389, %dot_general3A_390 {dimension_numbers = #tpu.dot_dimension_numbers<[1], [1], [0], [0], [0, 0, 1, 0], [], []>, transpose_lhs_hint = false} : vector<16x128xf32>, vector<128x128xf32>, vector<16x128xf32> -> vector<16x128xf32>
    %add3A_392 = arith.addf %select_n3A_386, %dot_general3A_391 : vector<16x128xf32>
    %get3A_393 = arith.constant 0 : index
    %get3A_394 = arith.constant 0 : index
    %get3A_395 = vector.load %arg10[%get3A_393, %get3A_394] : memref<1x128xf32, #tpu.memory_space<vmem>>, vector<1x128xf32>
    %add3A_396 = vector.broadcast %get3A_395 : vector<1x128xf32> to vector<16x128xf32>
    %add3A_397 = arith.addf %add3A_392, %add3A_396 : vector<16x128xf32>
    %get3A_398 = arith.constant 0 : index
    %get3A_399 = arith.constant 0 : index
    %get3A_400 = arith.constant 0 : index
    %get3A_401 = vector.load %arg1[%get3A_398, %get3A_399, %get3A_400] : memref<1x5000x128xf32, #tpu.memory_space<vmem>>, vector<1x5000x128xf32>
    %get3A_402 = vector.shape_cast %get3A_401 : vector<1x5000x128xf32> to vector<5000x128xf32>
    %dot_general3A_403 = arith.constant dense<0.000000e+00> : vector<5000x16xf32>
    %dot_general3A_404 = tpu.matmul %get3A_402, %add3A_397, %dot_general3A_403 {dimension_numbers = #tpu.dot_dimension_numbers<[1], [1], [0], [0], [0, 0, 1, 0], [], []>, transpose_lhs_hint = false} : vector<5000x128xf32>, vector<16x128xf32>, vector<5000x16xf32> -> vector<5000x16xf32>
    %iota3A = tpu.iota {dimensions = array<i32: 0>} : vector<5000x16xi32>
    %jit3A = arith.constant 625 : i32
    %div3A_405 = vector.broadcast %jit3A : i32 to vector<5000x16xi32>
    %div3A_406 = arith.divsi %iota3A, %div3A_405 : vector<5000x16xi32>
    %sign3A = arith.constant 0 : i32
    %sign3A_407 = vector.broadcast %sign3A : i32 to vector<5000x16xi32>
    %sign3A_408 = arith.cmpi sgt, %iota3A, %sign3A_407 : vector<5000x16xi32>
    %sign3A_409 = arith.extui %sign3A_408 : vector<5000x16xi1> to vector<5000x16xi32>
    %sign3A_410 = arith.constant 0 : i32
    %sign3A_411 = vector.broadcast %sign3A_410 : i32 to vector<5000x16xi32>
    %sign3A_412 = arith.cmpi slt, %iota3A, %sign3A_411 : vector<5000x16xi32>
    %sign3A_413 = arith.extui %sign3A_412 : vector<5000x16xi1> to vector<5000x16xi32>
    %sign3A_414 = arith.subi %sign3A_409, %sign3A_413 : vector<5000x16xi32>
    %sign3A_415 = arith.constant 0 : i32
    %sign3A_416 = arith.cmpi sgt, %jit3A, %sign3A_415 : i32
    %sign3A_417 = arith.extui %sign3A_416 : i1 to i32
    %sign3A_418 = arith.constant 0 : i32
    %sign3A_419 = arith.cmpi slt, %jit3A, %sign3A_418 : i32
    %sign3A_420 = arith.extui %sign3A_419 : i1 to i32
    %sign3A_421 = arith.subi %sign3A_417, %sign3A_420 : i32
    %ne3A = vector.broadcast %sign3A_421 : i32 to vector<5000x16xi32>
    %ne3A_422 = arith.cmpi ne, %sign3A_414, %ne3A : vector<5000x16xi32>
    %rem3A = vector.broadcast %jit3A : i32 to vector<5000x16xi32>
    %rem3A_423 = arith.remsi %iota3A, %rem3A : vector<5000x16xi32>
    %ne3A_424 = arith.constant 0 : i32
    %ne3A_425 = vector.broadcast %ne3A_424 : i32 to vector<5000x16xi32>
    %ne3A_426 = arith.cmpi ne, %rem3A_423, %ne3A_425 : vector<5000x16xi32>
    %and3A = arith.andi %ne3A_422, %ne3A_426 : vector<5000x16xi1>
    %sub3A_427 = arith.constant 1 : i32
    %sub3A_428 = vector.broadcast %sub3A_427 : i32 to vector<5000x16xi32>
    %sub3A_429 = arith.subi %div3A_406, %sub3A_428 : vector<5000x16xi32>
    %select_n3A_430 = arith.select %and3A, %sub3A_429, %div3A_406 : vector<5000x16xi1>, vector<5000x16xi32>
    %mul3A_431 = arith.constant 8 : i32
    %mul3A_432 = arith.muli %arg0, %mul3A_431 : i32
    %add3A_433 = vector.broadcast %mul3A_432 : i32 to vector<5000x16xi32>
    %add3A_434 = arith.addi %select_n3A_430, %add3A_433 : vector<5000x16xi32>
    %iota3A_435 = tpu.iota {dimensions = array<i32: 1>} : vector<5000x16xi32>
    %eq3A = arith.cmpi eq, %iota3A_435, %add3A_434 : vector<5000x16xi32>
    %convert_element_type3A = arith.extui %eq3A : vector<5000x16xi1> to vector<5000x16xi32>
    %convert_element_type3A_436 = arith.sitofp %convert_element_type3A : vector<5000x16xi32> to vector<5000x16xf32>
    %neg3A = arith.constant 0.000000e+00 : f32
    %neg3A_437 = vector.broadcast %neg3A : f32 to vector<5000x16xf32>
    %neg3A_438 = arith.subf %neg3A_437, %dot_general3A_404 : vector<5000x16xf32>
    %max3A = arith.constant 0.000000e+00 : f32
    %max3A_439 = vector.broadcast %max3A : f32 to vector<5000x16xf32>
    %max3A_440 = arith.maximumf %neg3A_438, %max3A_439 : vector<5000x16xf32>
    %abs3A = math.absf %neg3A_438 : vector<5000x16xf32>
    %neg3A_441 = arith.constant 0.000000e+00 : f32
    %neg3A_442 = vector.broadcast %neg3A_441 : f32 to vector<5000x16xf32>
    %neg3A_443 = arith.subf %neg3A_442, %abs3A : vector<5000x16xf32>
    %exp3A = math.exp %neg3A_443 : vector<5000x16xf32>
    %log1p3A = math.log1p %exp3A : vector<5000x16xf32>
    %add3A_444 = arith.addf %max3A_440, %log1p3A : vector<5000x16xf32>
    %sub3A_445 = arith.constant 0.693147182 : f32
    %sub3A_446 = vector.broadcast %sub3A_445 : f32 to vector<5000x16xf32>
    %sub3A_447 = arith.subf %sub3A_446, %add3A_444 : vector<5000x16xf32>
    %mul3A_448 = arith.mulf %convert_element_type3A_436, %sub3A_447 : vector<5000x16xf32>
    %reduce_sum3A_449 = vector.shape_cast %mul3A_448 : vector<5000x16xf32> to vector<1x5000x16xf32>
    %reduce_sum3A_450 = arith.constant dense<0.000000e+00> : vector<1xf32>
    %reduce_sum3A_451 = vector.multi_reduction <add>, %reduce_sum3A_449, %reduce_sum3A_450 [1, 2] : vector<1x5000x16xf32> to vector<1xf32>
    %reduce_sum3A_452 = vector.shape_cast %reduce_sum3A_451 : vector<1xf32> to vector<1x1x1xf32>
    %reduce_sum3A_453 = vector.extract %reduce_sum3A_452[0, 0, 0] : f32 from vector<1x1x1xf32>
    %sub3A_454 = arith.constant 1.000000e+00 : f32
    %sub3A_455 = vector.broadcast %sub3A_454 : f32 to vector<5000x16xf32>
    %sub3A_456 = arith.subf %sub3A_455, %convert_element_type3A_436 : vector<5000x16xf32>
    %add3A_457 = arith.addf %add3A_444, %dot_general3A_404 : vector<5000x16xf32>
    %sub3A_458 = arith.constant 0.693147182 : f32
    %sub3A_459 = vector.broadcast %sub3A_458 : f32 to vector<5000x16xf32>
    %sub3A_460 = arith.subf %add3A_457, %sub3A_459 : vector<5000x16xf32>
    %mul3A_461 = arith.mulf %sub3A_456, %sub3A_460 : vector<5000x16xf32>
    %reduce_sum3A_462 = vector.shape_cast %mul3A_461 : vector<5000x16xf32> to vector<1x5000x16xf32>
    %reduce_sum3A_463 = arith.constant dense<0.000000e+00> : vector<1xf32>
    %reduce_sum3A_464 = vector.multi_reduction <add>, %reduce_sum3A_462, %reduce_sum3A_463 [1, 2] : vector<1x5000x16xf32> to vector<1xf32>
    %reduce_sum3A_465 = vector.shape_cast %reduce_sum3A_464 : vector<1xf32> to vector<1x1x1xf32>
    %reduce_sum3A_466 = vector.extract %reduce_sum3A_465[0, 0, 0] : f32 from vector<1x1x1xf32>
    %div3A_467 = arith.constant 1.500000e+05 : f32
    %div3A_468 = arith.divf %reduce_sum3A_466, %div3A_467 : f32
    %div3A_469 = arith.constant 1.000000e+04 : f32
    %div3A_470 = arith.divf %reduce_sum3A_453, %div3A_469 : f32
    %sub3A_471 = arith.subf %div3A_468, %div3A_470 : f32
    %get3A_472 = arith.constant 0 : index
    %get3A_473 = arith.constant 0 : index
    %get3A_474 = arith.constant 0 : index
    %get3A_475 = vector.load %arg2[%get3A_472, %get3A_473, %get3A_474] : memref<1x5000x128xf32, #tpu.memory_space<vmem>>, vector<1x5000x128xf32>
    %get3A_476 = vector.shape_cast %get3A_475 : vector<1x5000x128xf32> to vector<5000x128xf32>
    %dot_general3A_477 = arith.constant dense<0.000000e+00> : vector<5000x16xf32>
    %dot_general3A_478 = tpu.matmul %get3A_476, %add3A_192, %dot_general3A_477 {dimension_numbers = #tpu.dot_dimension_numbers<[1], [1], [0], [0], [0, 0, 1, 0], [], []>, transpose_lhs_hint = false} : vector<5000x128xf32>, vector<16x128xf32>, vector<5000x16xf32> -> vector<5000x16xf32>
    %iota3A_479 = tpu.iota {dimensions = array<i32: 0>} : vector<5000x16xi32>
    %jit3A_480 = arith.constant 625 : i32
    %div3A_481 = vector.broadcast %jit3A_480 : i32 to vector<5000x16xi32>
    %div3A_482 = arith.divsi %iota3A_479, %div3A_481 : vector<5000x16xi32>
    %sign3A_483 = arith.constant 0 : i32
    %sign3A_484 = vector.broadcast %sign3A_483 : i32 to vector<5000x16xi32>
    %sign3A_485 = arith.cmpi sgt, %iota3A_479, %sign3A_484 : vector<5000x16xi32>
    %sign3A_486 = arith.extui %sign3A_485 : vector<5000x16xi1> to vector<5000x16xi32>
    %sign3A_487 = arith.constant 0 : i32
    %sign3A_488 = vector.broadcast %sign3A_487 : i32 to vector<5000x16xi32>
    %sign3A_489 = arith.cmpi slt, %iota3A_479, %sign3A_488 : vector<5000x16xi32>
    %sign3A_490 = arith.extui %sign3A_489 : vector<5000x16xi1> to vector<5000x16xi32>
    %sign3A_491 = arith.subi %sign3A_486, %sign3A_490 : vector<5000x16xi32>
    %sign3A_492 = arith.constant 0 : i32
    %sign3A_493 = arith.cmpi sgt, %jit3A_480, %sign3A_492 : i32
    %sign3A_494 = arith.extui %sign3A_493 : i1 to i32
    %sign3A_495 = arith.constant 0 : i32
    %sign3A_496 = arith.cmpi slt, %jit3A_480, %sign3A_495 : i32
    %sign3A_497 = arith.extui %sign3A_496 : i1 to i32
    %sign3A_498 = arith.subi %sign3A_494, %sign3A_497 : i32
    %ne3A_499 = vector.broadcast %sign3A_498 : i32 to vector<5000x16xi32>
    %ne3A_500 = arith.cmpi ne, %sign3A_491, %ne3A_499 : vector<5000x16xi32>
    %rem3A_501 = vector.broadcast %jit3A_480 : i32 to vector<5000x16xi32>
    %rem3A_502 = arith.remsi %iota3A_479, %rem3A_501 : vector<5000x16xi32>
    %ne3A_503 = arith.constant 0 : i32
    %ne3A_504 = vector.broadcast %ne3A_503 : i32 to vector<5000x16xi32>
    %ne3A_505 = arith.cmpi ne, %rem3A_502, %ne3A_504 : vector<5000x16xi32>
    %and3A_506 = arith.andi %ne3A_500, %ne3A_505 : vector<5000x16xi1>
    %sub3A_507 = arith.constant 1 : i32
    %sub3A_508 = vector.broadcast %sub3A_507 : i32 to vector<5000x16xi32>
    %sub3A_509 = arith.subi %div3A_482, %sub3A_508 : vector<5000x16xi32>
    %select_n3A_510 = arith.select %and3A_506, %sub3A_509, %div3A_482 : vector<5000x16xi1>, vector<5000x16xi32>
    %mul3A_511 = arith.constant 8 : i32
    %mul3A_512 = arith.muli %arg0, %mul3A_511 : i32
    %add3A_513 = vector.broadcast %mul3A_512 : i32 to vector<5000x16xi32>
    %add3A_514 = arith.addi %select_n3A_510, %add3A_513 : vector<5000x16xi32>
    %iota3A_515 = tpu.iota {dimensions = array<i32: 1>} : vector<5000x16xi32>
    %eq3A_516 = arith.cmpi eq, %iota3A_515, %add3A_514 : vector<5000x16xi32>
    %convert_element_type3A_517 = arith.extui %eq3A_516 : vector<5000x16xi1> to vector<5000x16xi32>
    %convert_element_type3A_518 = arith.sitofp %convert_element_type3A_517 : vector<5000x16xi32> to vector<5000x16xf32>
    %neg3A_519 = arith.constant 0.000000e+00 : f32
    %neg3A_520 = vector.broadcast %neg3A_519 : f32 to vector<5000x16xf32>
    %neg3A_521 = arith.subf %neg3A_520, %dot_general3A_478 : vector<5000x16xf32>
    %max3A_522 = arith.constant 0.000000e+00 : f32
    %max3A_523 = vector.broadcast %max3A_522 : f32 to vector<5000x16xf32>
    %max3A_524 = arith.maximumf %neg3A_521, %max3A_523 : vector<5000x16xf32>
    %abs3A_525 = math.absf %neg3A_521 : vector<5000x16xf32>
    %neg3A_526 = arith.constant 0.000000e+00 : f32
    %neg3A_527 = vector.broadcast %neg3A_526 : f32 to vector<5000x16xf32>
    %neg3A_528 = arith.subf %neg3A_527, %abs3A_525 : vector<5000x16xf32>
    %exp3A_529 = math.exp %neg3A_528 : vector<5000x16xf32>
    %log1p3A_530 = math.log1p %exp3A_529 : vector<5000x16xf32>
    %add3A_531 = arith.addf %max3A_524, %log1p3A_530 : vector<5000x16xf32>
    %sub3A_532 = arith.constant 0.693147182 : f32
    %sub3A_533 = vector.broadcast %sub3A_532 : f32 to vector<5000x16xf32>
    %sub3A_534 = arith.subf %sub3A_533, %add3A_531 : vector<5000x16xf32>
    %mul3A_535 = arith.mulf %convert_element_type3A_518, %sub3A_534 : vector<5000x16xf32>
    %reduce_sum3A_536 = vector.shape_cast %mul3A_535 : vector<5000x16xf32> to vector<1x5000x16xf32>
    %reduce_sum3A_537 = arith.constant dense<0.000000e+00> : vector<1xf32>
    %reduce_sum3A_538 = vector.multi_reduction <add>, %reduce_sum3A_536, %reduce_sum3A_537 [1, 2] : vector<1x5000x16xf32> to vector<1xf32>
    %reduce_sum3A_539 = vector.shape_cast %reduce_sum3A_538 : vector<1xf32> to vector<1x1x1xf32>
    %reduce_sum3A_540 = vector.extract %reduce_sum3A_539[0, 0, 0] : f32 from vector<1x1x1xf32>
    %sub3A_541 = arith.constant 1.000000e+00 : f32
    %sub3A_542 = vector.broadcast %sub3A_541 : f32 to vector<5000x16xf32>
    %sub3A_543 = arith.subf %sub3A_542, %convert_element_type3A_518 : vector<5000x16xf32>
    %add3A_544 = arith.addf %add3A_531, %dot_general3A_478 : vector<5000x16xf32>
    %sub3A_545 = arith.constant 0.693147182 : f32
    %sub3A_546 = vector.broadcast %sub3A_545 : f32 to vector<5000x16xf32>
    %sub3A_547 = arith.subf %add3A_544, %sub3A_546 : vector<5000x16xf32>
    %mul3A_548 = arith.mulf %sub3A_543, %sub3A_547 : vector<5000x16xf32>
    %reduce_sum3A_549 = vector.shape_cast %mul3A_548 : vector<5000x16xf32> to vector<1x5000x16xf32>
    %reduce_sum3A_550 = arith.constant dense<0.000000e+00> : vector<1xf32>
    %reduce_sum3A_551 = vector.multi_reduction <add>, %reduce_sum3A_549, %reduce_sum3A_550 [1, 2] : vector<1x5000x16xf32> to vector<1xf32>
    %reduce_sum3A_552 = vector.shape_cast %reduce_sum3A_551 : vector<1xf32> to vector<1x1x1xf32>
    %reduce_sum3A_553 = vector.extract %reduce_sum3A_552[0, 0, 0] : f32 from vector<1x1x1xf32>
    %div3A_554 = arith.constant 1.500000e+05 : f32
    %div3A_555 = arith.divf %reduce_sum3A_553, %div3A_554 : f32
    %div3A_556 = arith.constant 1.000000e+04 : f32
    %div3A_557 = arith.divf %reduce_sum3A_540, %div3A_556 : f32
    %sub3A_558 = arith.subf %div3A_555, %div3A_557 : f32
    %add3A_559 = arith.addf %sub3A_471, %sub3A_558 : f32
    %reshape3A = vector.broadcast %add3A_559 : f32 to vector<1x1xf32>
    %eq3A_560 = arith.constant 0 : i32
    %eq3A_561 = arith.cmpi eq, %arg0, %eq3A_560 : i32
    %convert_element_type3A_562 = arith.extui %eq3A_561 : i1 to i32
    %cond3A = arith.constant 0 : i32
    %cond3A_563 = arith.cmpi ne, %convert_element_type3A_562, %cond3A : i32
    scf.if %cond3A_563 {
      %swap3A = arith.constant 0 : index
      %swap3A_569 = arith.constant 0 : index
      %swap3A_570 = vector.load %arg11[%swap3A, %swap3A_569] : memref<1x1xf32, #tpu.memory_space<vmem>>, vector<1x1xf32>
      tpu.vector_store %arg11[%swap3A, %swap3A_569], %reshape3A {strides = array<i32>} : memref<1x1xf32, #tpu.memory_space<vmem>>, vector<1x1xf32>,
    } else {
    }
    %ne3A_564 = arith.constant 0 : i32
    %ne3A_565 = arith.cmpi ne, %arg0, %ne3A_564 : i32
    %convert_element_type3A_566 = arith.extui %ne3A_565 : i1 to i32
    %cond3A_567 = arith.constant 0 : i32
    %cond3A_568 = arith.cmpi ne, %convert_element_type3A_566, %cond3A_567 : i32
    scf.if %cond3A_568 {
      %get3A_569 = arith.constant 0 : index
      %get3A_570 = arith.constant 0 : index
      %get3A_571 = vector.load %arg11[%get3A_569, %get3A_570] : memref<1x1xf32, #tpu.memory_space<vmem>>, vector<1x1xf32>
      %add3A_572 = arith.addf %get3A_571, %reshape3A : vector<1x1xf32>
      %swap3A = arith.constant 0 : index
      %swap3A_573 = arith.constant 0 : index
      %swap3A_574 = vector.load %arg11[%swap3A, %swap3A_573] : memref<1x1xf32, #tpu.memory_space<vmem>>, vector<1x1xf32>
      tpu.vector_store %arg11[%swap3A, %swap3A_573], %add3A_572 {strides = array<i32>} : memref<1x1xf32, #tpu.memory_space<vmem>>, vector<1x1xf32>,
    } else {
    }
    return
  }
  func.func @transform_0(%arg0: i32) -> (i32, i32, i32) {
    %c0_i32 = arith.constant 0 : i32
    %c0_i32_0 = arith.constant 0 : i32
    %c0_i32_1 = arith.constant 0 : i32
    return %c0_i32, %arg0, %c0_i32_0 : i32, i32, i32
  }
  func.func @transform_1(%arg0: i32) -> (i32, i32, i32) {
    %c1_i32 = arith.constant 1 : i32
    %c0_i32 = arith.constant 0 : i32
    %c0_i32_0 = arith.constant 0 : i32
    return %c1_i32, %arg0, %c0_i32 : i32, i32, i32
  }
  func.func @transform_2(%arg0: i32) -> (i32, i32, i32) {
    %c0_i32 = arith.constant 0 : i32
    %c0_i32_0 = arith.constant 0 : i32
    %c0_i32_1 = arith.constant 0 : i32
    %c0_i32_2 = arith.constant 0 : i32
    return %c0_i32, %c0_i32_0, %c0_i32_1 : i32, i32, i32
  }
  func.func @transform_3(%arg0: i32) -> (i32, i32, i32) {
    %c0_i32 = arith.constant 0 : i32
    %c0_i32_0 = arith.constant 0 : i32
    %c0_i32_1 = arith.constant 0 : i32
    %c0_i32_2 = arith.constant 0 : i32
    return %c0_i32, %c0_i32_0, %c0_i32_1 : i32, i32, i32
  }
  func.func @transform_4(%arg0: i32) -> (i32, i32, i32) {
    %c0_i32 = arith.constant 0 : i32
    %c0_i32_0 = arith.constant 0 : i32
    %c0_i32_1 = arith.constant 0 : i32
    %c0_i32_2 = arith.constant 0 : i32
    return %c0_i32, %c0_i32_0, %c0_i32_1 : i32, i32, i32
  }
  func.func @transform_5(%arg0: i32) -> (i32, i32, i32) {
    %c0_i32 = arith.constant 0 : i32
    %c0_i32_0 = arith.constant 0 : i32
    %c0_i32_1 = arith.constant 0 : i32
    %c0_i32_2 = arith.constant 0 : i32
    return %c0_i32, %c0_i32_0, %c0_i32_1 : i32, i32, i32
  }
  func.func @transform_6(%arg0: i32) -> (i32, i32, i32) {
    %c0_i32 = arith.constant 0 : i32
    %c0_i32_0 = arith.constant 0 : i32
    %c0_i32_1 = arith.constant 0 : i32
    %c0_i32_2 = arith.constant 0 : i32
    return %c0_i32, %c0_i32_0, %c0_i32_1 : i32, i32, i32
  }
  func.func @transform_7(%arg0: i32) -> (i32, i32, i32) {
    %c0_i32 = arith.constant 0 : i32
    %c0_i32_0 = arith.constant 0 : i32
    %c0_i32_1 = arith.constant 0 : i32
    %c0_i32_2 = arith.constant 0 : i32
    return %c0_i32, %c0_i32_0, %c0_i32_1 : i32, i32, i32
  }
  func.func @transform_8(%arg0: i32) -> (i32, i32) {
    %c0_i32 = arith.constant 0 : i32
    %c0_i32_0 = arith.constant 0 : i32
    %c0_i32_1 = arith.constant 0 : i32
    return %c0_i32, %c0_i32_0 : i32, i32
  }
  func.func @transform_9(%arg0: i32) -> (i32, i32) {
    %c0_i32 = arith.constant 0 : i32
    %c0_i32_0 = arith.constant 0 : i32
    %c0_i32_1 = arith.constant 0 : i32
    return %c0_i32, %c0_i32_0 : i32, i32
  }
  func.func @transform_10(%arg0: i32) -> (i32, i32) {
    %c0_i32 = arith.constant 0 : i32
    %c0_i32_0 = arith.constant 0 : i32
    %c0_i32_1 = arith.constant 0 : i32
    return %c0_i32, %c0_i32_0 : i32, i32
  }
}

</mosaic_0001>

<sc_bundles>
// kernel: kernel.12.cloned.1.call-start
scs
__scs_entry_jumppad:
0x0: {  	(pc) =	sbr.rel $0x88, $3  }
0x1: {  	(tag) =	ssettag $0x0;
	lr =	simm.s32 $0x1  }
0x2: {  	[smem:$0x3F66] =	sst lr;
	_ =	strace $0xD0000000  }
0x3: {  	_ = 	snop  }
0x4: {  	_ = 	snop  }
0x5: {  	_ = 	snop  }
0x6: {  	_ = 	snop  }
0x7: {  	_ = 	snop  }
__scs_overlays_trampoline_lowered:
0x8: {  	[smem:$0x3F75] =	sst s0  }
0x9: {  	[smem:$0x3F76] =	sst s1  }
0xa: {  	[smem:$0x3F77] =	sst s2  }
0xb: {  	[smem:$0x3F78] =	sst s3  }
0xc: {  	[smem:$0x3F79] =	sst s4  }
0xd: {  	[smem:$0x3F7A] =	sst s5  }
0xe: {  	[smem:$0x3F7B] =	sst s6  }
0xf: {  	[smem:$0x3F7C] =	sst s7  }
0x10: {  	[smem:$0x3F7D] =	sst s8  }
0x11: {  	[smem:$0x3F7E] =	sst s9;
	s0 =	simm.s32 @!p0 $0x0  }
0x12: {  	s1 =	sld [smem:$0x3F64];
	s0 =	simm.s32 @p0 $0x1  }
0x13: {  	[smem:$0x3F7F] =	sst s0;
	s0 =	simm.s32 @!p1 $0x0  }
0x14: {  	s2 =	sld [smem:$0x3F63];
	s0 =	simm.s32 @p1 $0x1  }
0x15: {  	[smem:$0x3F80] =	sst s0;
	s0 =	simm.s32 @!p2 $0x0  }
0x16: {  	s3 =	sld [smem:$0x3FDB];
	s0 =	simm.s32 @p2 $0x1  }
0x17: {  	s4 =	simm.s32 $0x1BF5;
	[smem:$0x3F82] =	sst s0  }
0x18: {  	s0 =	sld [smem:$0x3F65];
	_ =	swait.ge [sflag:s4], $0x0  }
0x19: {  	s7 =	sld [smem:$0x3F66]  }
0x1a: {  	s8 =	sadd.s32 $0xFFFFE003, lr  }
0x1b: {  	s9 =	sadd.s32 $0xFFFFFEF7, lr;
	s5 =	simm.s32 $0xFFFFFFFF;
	p2 =	slt.u32 s8, $0xFFFFF086  }
0x1c: {  	p1 =	slt.u32 s9, $0xF7A;
	s5 =	simm.s32 @!p2 $0x0  }
0x1d: {  	s5 =	simm.s32 @p1 $0x1;
	p0 =	seq.s32 s7, s2  }
0x1e: {  	s7 =	smul.u32 @!p0 $0xF7A, s2;
	p2 =	seq.s32 @!p0 s5, $0x0  }
0x1f: {  	s9 =	smul.u32 $0xF7A, s1;
	s8 =	simm.s32 @!p0 $0x1BF5;
	p2 =	por !p2, p0  }
0x20: {  	[sflag:s8] =	ssyncset.s32 @!p0 $0xFFFFF086;
	s6 =	sadd.s32 @!p0 s3, s7;
	s7 =	simm.s32 @!p0 $0x108  }
0x21: {  	s3 =	sadd.s32 s3, s9;
	s6 =	sadd.s32 @!p0 $0x88, s6;
	s7 =	simm.s32 @p2 $0x1082  }
0x22: {  	[simem:s7], [sflag:s8] =	dma.local @!p0 [hbm:s6], $0xF7A  }
0x23: {  	s9 =	sor.u32 $0xD0000000, s2;
	s6 =	simm.s32 $0x108;
	_ =	swait.ge @!p0 [sflag:s8], $0x0  }
0x24: {  	s3 =	sadd.s32 $0x88, s3;
	s6 =	simm.s32 @!p1 $0x1082;
	[sflag:s4] =	ssyncset.s32 $0xFFFFF086  }
0x25: {  	[simem:s6], [sflag:s4] =	dma.local [hbm:s3], $0xF7A  }
0x26: {  	[smem:$0x3F66] =	sst s1;
	(tag) =	ssettag s2;
	_ =	strace s9  }
0x27: {  	s1 =	sld [smem:$0x3F76]  }
0x28: {  	s2 =	sld [smem:$0x3F77]  }
0x29: {  	s4 =	sld [smem:$0x3F79]  }
0x2a: {  	p0 =	seq.s32 s5, $0x0;
	s5 =	sld [smem:$0x3F7A]  }
0x2b: {  	s6 =	sld [smem:$0x3F7B]  }
0x2c: {  	s7 =	sld [smem:$0x3F7C]  }
0x2d: {  	s3 =	simm.s32 $0x108;
	s8 =	sld [smem:$0x3F7D]  }
0x2e: {  	s3 =	simm.s32 @!p0 $0x1082;
	s9 =	sld [smem:$0x3F7E]  }
0x2f: {  	lr =	sadd.s32 s0, s3;
	s0 =	sld [smem:$0x3F75]  }
0x30: {  	s3 =	sld [smem:$0x3F78]  }
0x31: {  	[smem:$0x3F81] =	sst s10  }
0x32: {  	s10 =	sld [smem:$0x3F7F];
	_ =	sdelay $0x3  }
0x33: {  	p0 =	seq.s32 s10, $0x1;
	s10 =	sld [smem:$0x3F81];
	_ =	sdelay $0x3  }
0x34: {  	[smem:$0x3F81] =	sst s10  }
0x35: {  	s10 =	sld [smem:$0x3F80];
	_ =	sdelay $0x3  }
0x36: {  	p1 =	seq.s32 s10, $0x1;
	s10 =	sld [smem:$0x3F81];
	_ =	sdelay $0x3  }
0x37: {  	[smem:$0x3F81] =	sst s10  }
0x38: {  	s10 =	sld [smem:$0x3F82]  }
0x39: {  	_ = 	snop;
	(pc) =	sbr.ind lr, $3  }
0x3a: {  	_ = 	snop  }
0x3b: {  	_ = 	snop  }
0x3c: {  	p2 =	seq.s32 s10, $0x1;
	s10 =	sld [smem:$0x3F81]  }
0x3d: {  	_ =	shalt  }
0x3e: {  	_ =	shalt  }
0x3f: {  	_ =	shalt  }
0x40: {  	_ =	shalt  }
0x41: {  	_ =	shalt  }
0x42: {  	_ =	shalt  }
0x43: {  	_ =	shalt  }
0x44: {  	_ =	shalt  }
0x45: {  	_ =	shalt  }
0x46: {  	_ =	shalt  }
0x47: {  	_ =	shalt  }
0x48: {  	_ =	shalt  }
0x49: {  	_ =	shalt  }
0x4a: {  	_ =	shalt  }
0x4b: {  	_ =	shalt  }
0x4c: {  	_ =	shalt  }
0x4d: {  	_ =	shalt  }
0x4e: {  	_ =	shalt  }
0x4f: {  	_ =	shalt  }
0x50: {  	_ =	shalt  }
0x51: {  	_ =	shalt  }
0x52: {  	_ =	shalt  }
0x53: {  	_ =	shalt  }
0x54: {  	_ =	shalt  }
0x55: {  	_ =	shalt  }
0x56: {  	_ =	shalt  }
0x57: {  	_ =	shalt  }
0x58: {  	_ =	shalt  }
0x59: {  	_ =	shalt  }
0x5a: {  	_ =	shalt  }
0x5b: {  	_ =	shalt  }
0x5c: {  	_ =	shalt  }
0x5d: {  	_ =	shalt  }
0x5e: {  	_ =	shalt  }
0x5f: {  	_ =	shalt  }
0x60: {  	_ =	shalt  }
0x61: {  	_ =	shalt  }
0x62: {  	_ =	shalt  }
0x63: {  	_ =	shalt  }
0x64: {  	_ =	shalt  }
0x65: {  	_ =	shalt  }
0x66: {  	_ =	shalt  }
0x67: {  	_ =	shalt  }
0x68: {  	_ =	shalt  }
0x69: {  	_ =	shalt  }
0x6a: {  	_ =	shalt  }
0x6b: {  	_ =	shalt  }
0x6c: {  	_ =	shalt  }
0x6d: {  	_ =	shalt  }
0x6e: {  	_ =	shalt  }
0x6f: {  	_ =	shalt  }
0x70: {  	_ =	shalt  }
0x71: {  	_ =	shalt  }
0x72: {  	_ =	shalt  }
0x73: {  	_ =	shalt  }
0x74: {  	_ =	shalt  }
0x75: {  	_ =	shalt  }
0x76: {  	_ =	shalt  }
0x77: {  	_ =	shalt  }
0x78: {  	_ =	shalt  }
0x79: {  	_ =	shalt  }
0x7a: {  	_ =	shalt  }
0x7b: {  	_ =	shalt  }
0x7c: {  	_ =	shalt  }
0x7d: {  	_ =	shalt  }
0x7e: {  	_ =	shalt  }
0x7f: {  	_ =	shalt  }
0x80: {  	_ =	shalt  }
0x81: {  	_ =	shalt  }
0x82: {  	_ =	shalt  }
0x83: {  	_ =	shalt  }
0x84: {  	_ =	shalt  }
0x85: {  	_ =	shalt  }
0x86: {  	_ =	shalt  }
0x87: {  	_ =	shalt  }
.Lfunc_end0:
.L_simem_size_0:
called_computation.1_lowered:
.L_overlay_start_0:
0x88: {  	s2 =	sld [smem:$0x3FD9]  }
0x89: {  	s3 =	sld [smem:$0x3FFE];
	_ =	sdelay $0x1  }
0x8a: {  	s1 =	srdreg.scid  }
0x8b: {  	s0 =	sand.u32 $0x1, s1  }
0x8c: {  	s16 =	sshll.u32 s0, $0xA;
	s2 =	sadd.s32 s3, s2  }
0x8d: {  	s2 =	sadd.s32 s2, s16  }
0x8e: {  	[smem:$0x3F8D] =	sst s2  }
0x8f: {  	_ = 	snop  }
0x90: {  	(tm) =	ssettm $0x1  }
0x91: {  	s17 =	sld [smem:$0x3FFB];
	_ =	sdelay $0x3  }
0x92: {  	_ =	strace s17  }
0x93: {  	s2 =	sld [smem:$0x3FFC];
	_ =	sdelay $0x3  }
0x94: {  	_ =	strace s2  }
0x95: {  	s2 =	sld [smem:$0x3FFD];
	_ =	sdelay $0x3  }
0x96: {  	_ =	strace s2  }
0x97: {  	_ =	strace $0x8FFFFFFF  }
0x98: {  	s18 =	sld [smem:$0x3FDB];
	_ =	sdelay $0x1  }
0x99: {  	s19 =	simm.s32 $_scs_section_size  }
0x9a: {  	s4 =	simm.s32 $_size__tile_overlayer_lowered;
	s5 =	simm.s32 $_tile_overlayer_lowered  }
0x9b: {  	s22 =	simm.s32 $0x1BFF;
	s21 =	sshll.u32 s5, $0x1;
	s2 =	sadd.s32 s19, s18  }
0x9c: {  	s6 =	simm.s32 $0x0;
	s20 =	sshll.u32 s4, $0x1;
	s4 =	sadd.s32 s21, s2  }
0x9d: {  	[timem:s6], [sflag:s22] =	dma.local [hbm:s4], s20  }
0x9e: {  	_ =	swait.ge [sflag:s22], s20  }
0x9f: {  	s3 =	ssub.s32 $0x0, s20;
	[sflag:s22] =	ssyncset.done $0x0  }
0xa0: {  	[sflag:s22] =	ssyncadd.s32 s3;
	_ =	sdelay $0x1  }
0xa1: {  	s23 =	simm.s32 $0x1B8B  }
0xa2: {  	_ =	swait.ge [sflag:s23], $0x1  }
0xa3: {  	[sflag:s23] =	ssyncset.done $0x0  }
0xa4: {  	s25 =	simm.s32 $0x1B8E;
	s24 =	sld [smem:$0x3FFE];
	[sflag:s23] =	ssyncadd.s32 $0xFFFFFFFF  }
0xa5: {  	s26 =	simm.s32 $execute0_lowered;
	[smem:$0x3FD2] =	sst s25  }
0xa6: {  	s4 =	sshll.u32 s26, $0x1;
	_ =	strace $0x80000049;
	[dreg:$0x1] =	wrdreg $0xFFFFFFFF  }
0xa7: {  	s28 =	simm.s32 $_size_execute0_lowered;
	s2 =	sadd.s32 s2, s4;
	[dreg:$0x0] =	wrdreg $0x0  }
0xa8: {  	s4 =	sshll.u32 s28, $0x1;
	[dreg:$0x2] =	wrdreg s2  }
0xa9: {  	[dreg:$0x3] =	wrdreg s4  }
0xaa: {  	[dreg:$0x4] =	wrdreg $0xC0  }
0xab: {  	_ =	task [dreg:s6], $0x5FFFF  }
0xac: {  	[dreg:$0x1] =	wrdreg $0xFFFFFFFF  }
0xad: {  	[dreg:$0x0] =	wrdreg $0x60  }
0xae: {  	[dreg:$0x2] =	wrdreg s24  }
0xaf: {  	[dreg:$0x3] =	wrdreg $0xA8000  }
0xb0: {  	[dreg:$0x4] =	wrdreg $0x9  }
0xb1: {  	_ =	task.clear_ibuf [dreg:s6], $0x5FFFF;
	_ =	strace $0x90000049  }
0xb2: {  	s29 =	simm.s32 $0x9;
	_ =	strace $0x8000004B  }
0xb3: {  	_ =	swait.ge [sflag:s29], $0x1  }
0xb4: {  	[sflag:s29] =	ssyncadd.s32 $0xFFFFFFFF  }
0xb5: {  	_ =	strace $0x9000004B  }
0xb6: {  	_ =	sfence  }
0xb7: {  	s30 =	sld [smem:$0x0];
	_ =	sdelay $0x2  }
0xb8: {  	s31 =	sshll.u32 s1, $0xD;
	s1 =	sshrl.u32 s1, $0x2  }
0xb9: {  	s3 =	sand.u32 $0x4000, s31;
	s1 =	sadd.s32 s1, s30  }
0xba: {  	s0 =	sor.u32 s3, s0;
	s1 =	sshll.u32 s1, $0x11  }
0xbb: {  	s0 =	sor.u32 s1, s0  }
0xbc: {  	s0 =	sadd.s32 $0x8F2B, s0  }
0xbd: {  	[sflag:s0] =	ssyncadd.remote.s32 $0x1  }
0xbe: {  	_ =	sfence.sel $0xFFFF  }
0xbf: {  	[dreg:$0x0] =	wrdreg $0xFFFFFFFF;
	(pc) =	sbr.abs _section_cstart, $3  }
0xc0: {  	[dreg:$0x1] =	wrdreg $0xFFFFFFFF  }
0xc1: {  	_ =	task.clear_ibuf [dreg:s6], $0x2FFFF;
	_ =	strace $0x9FFFFFFF  }
0xc2: {  	(tm) =	ssettm $0x7FFFFFFF  }
0xc3: {  	_ =	shalt  }
tec
execute0_lowered:
.L_overlay_start_1:
0x0: {  	(tag) =	ssettag $0x1  }
0x1: {  	s0 =	rddreg [dreg:$0x0]  }
0x2: {  	s2 =	rddreg [dreg:$0x1]  }
0x3: {  	s3 =	simm.s32 $0x0;
	s20 =	stileid.u32;
	s1 =	srdreg.scid  }
0x4: {  	s28 =	simm.s32 $0x1480;
	s29 =	simm.s32 $0x3;
	s5 =	smul.u32 $0x280, s20  }
0x5: {  	s30 =	simm.s32 $0x100;
	[smem:$0x7FF] =	sst s3;
	s6 =	smul.u32 $0x50000, s20  }
0x6: {  	s4 =	sadd.s32 $0x80200, s0;
	s1 =	sand.u32 $0x1, s1;
	s12 =	smul.u32 $0xA0, s20  }
0x7: {  	s7 =	sadd.s32 $0x9600, s0;
	s16 =	sadd.s32 $0x1D600, s0;
	s9 =	smul.u32 $0x2710, s1  }
0x8: {  	s31 =	simm.s32 $0x4;
	s0 =	sadd.s32 $0x11C600, s0;
	s11 =	smul.u32 $0x138800, s1  }
0x9: {  	s24 =	sadd.s32 $0x12C000, s2;
	p0 =	seq.s32 s20, $0xF;
	s18 =	smul.u32 $0xA00, s1  }
0xa: {  	s20 =	simm.s32 $0x5;
	_ =	strace $0x8000004A;
	s15 =	smul.u32 $0x2800, s1  }
0xb: {  	s8 =	ssub.s32 $0x2, s1;
	[dreg:$0x5] =	wrdreg s24;
	s1 =	smul.u32 $0x140000, s1  }
0xc: {  	s24 =	simm.s32 $0x1;
	s10 =	sshrl.u32 s8, $0x1;
	s6 =	sshrl.u32 s6, $0x2  }
0xd: {  	s8 =	ssub.s32 s8, s10;
	s9 =	sadd.s32 s5, s9;
	s6 =	sadd.s32 s6, s2  }
0xe: {  	s21 =	sshrl.u32 s11, $0x3;
	s23 =	sadd.s32 s12, s18;
	s5 =	sadd.s32 s5, s15  }
0xf: {  	s1 =	sshrl.u32 s1, $0x3;
	[dreg:$0x3] =	wrdreg s6;
	s19 =	sshll.u32 s9, $0x4  }
0x10: {  	s22 =	sadd.s32 s4, s21;
	s25 =	sshll.u32 s23, $0x4;
	s5 =	sshll.u32 s5, $0x4  }
0x11: {  	s21 =	simm.s32 $0x1400;
	s23 =	simm.s32 $0x2800;
	s6 =	sadd.s32 s4, s19  }
0x12: {  	s9 =	sadd.s32 s7, s25;
	s10 =	sadd.s32 s16, s25;
	s26 =	sadd.s32 $0x280, s25  }
0x13: {  	s14 =	sadd.s32 $0x500, s25;
	s17 =	sadd.s32 s0, s5;
	s0 =	sadd.s32 s0, s1  }
0x14: {  	s19 =	smax.u32 s8, $0x1;
	[dreg:$0x4] =	wrdreg s6;
	s6 =	sadd.s32 $0x25800, s22  }
.Ltmp0:
0x15: {  	[dreg:$0x7] =	wrdreg s9;
	s11 =	sadd.s32 s7, s26;
	(pc) =	sbr.rel .LBB2_1-.Ltmp0, $4  }
0x16: {  	s12 =	sadd.s32 s16, s26;
	s13 =	sadd.s32 s7, s14;
	s14 =	sadd.s32 s16, s14  }
0x17: {  	s18 =	sadd.s32 $0x25800, s0;
	s22 =	simm.s32 $0x80;
	s26 =	simm.s32 $0x2  }
0x18: {  	s0 =	simm.s32 $0x0;
	[dreg:$0x6] =	wrdreg s6;
	s6 =	sadd.s32 $0x780, s25  }
0x19: {  	s25 =	simm.s32 $0x6800;
	s15 =	sadd.s32 s7, s6;
	s16 =	sadd.s32 s16, s6  }
.LBB2_13:
0x1a: {  	_ =	swait.ge [sflag:s31], $0x4000  }
0x1b: {  	[sflag:s31] =	ssyncset.done $0x0  }
0x1c: {  	[sflag:s31] =	ssyncadd.s32 $0xFFFFC000  }
0x1d: {  	s7 =	simm.s32 @p0 $0x1FC5;
	[bflag:$0x0] =	sbarrier.arrive $0xFFFF  }
0x1e: {  	[hbm:s18], [sflag:s7] =	dma.local @p0 [spmem:s1], $0x1900  }
0x1f: {  	s1 =	simm.s32 @p0 $0x5  }
0x20: {  	s0 =	sadd.s32 $0x1, s0;
	_ =	swait.ge @p0 [sflag:s1], $0x1900  }
0x21: {  	p1 =	sne.s32 s0, s19;
	[sflag:s1] =	ssyncset.done @p0 $0x0  }
.Ltmp1:
0x22: {  	[sflag:s1] =	ssyncadd.s32 @p0 $0xFFFFE700;
	s1 =	simm.s32 @!p0 $0x5;
	(pc) =	sbr.rel @!p1 .LBB2_14-.Ltmp1, $4  }
0x23: {  	[hbm:s17], [sflag:s5] =	dma.local @!p0 [spmem:s6], $0x2800  }
0x24: {  	_ =	swait.ge @!p0 [sflag:s1], $0x2800  }
0x25: {  	[sflag:s1] =	ssyncset.done @!p0 $0x0  }
0x26: {  	[sflag:s1] =	ssyncadd.s32 @!p0 $0xFFFFD800  }
.LBB2_1:
0x27: {  	s1 =	rddreg [dreg:$0x5]  }
0x28: {  	s5 =	simm.s32 @p0 $0x1FC5;
	s6 =	rddreg [dreg:$0x6];
	s1 =	sshrl.u32 @p0 s1, $0x3  }
0x29: {  	[spmem:s1], [sflag:s5] =	dma.local @p0 [hbm:s6], $0x1900  }
0x2a: {  	s5 =	simm.s32 @p0 $0x5  }
0x2b: {  	s6 =	stileid.u32;
	_ =	swait.ge @p0 [sflag:s5], $0x1900  }
0x2c: {  	s6 =	sshll.u32 @!p0 s6, $0x6;
	[sflag:s5] =	ssyncset.done @p0 $0x0  }
0x2d: {  	[sflag:s5] =	ssyncadd.s32 @p0 $0xFFFFE700;
	s5 =	sor.u32 @!p0 $0x1C05, s6;
	s6 =	rddreg [dreg:$0x3]  }
0x2e: {  	s7 =	rddreg [dreg:$0x4];
	s6 =	sshrl.u32 @!p0 s6, $0x3  }
0x2f: {  	[spmem:s6], [sflag:s5] =	dma.local @!p0 [hbm:s7], $0x2800  }
0x30: {  	s7 =	simm.s32 @!p0 $0x5  }
0x31: {  	_ =	swait.ge @!p0 [sflag:s7], $0x2800  }
0x32: {  	[sflag:s7] =	ssyncset.done @!p0 $0x0  }
0x33: {  	[sflag:s7] =	ssyncadd.s32 @!p0 $0xFFFFD800  }
0x34: {  	[bflag:$0x0] =	sbarrier.arrive $0xFFFF  }
0x35: {  	s9 =	rddreg [dreg:$0x7]  }
0x36: {  	[tilespmem:s3], [sflag:$0x5] =	stream.linear.gather [hbm4b:s9+s3], $0x1400, $0x38;
	[tilespmem:$0x1E800] =	vst v63  }
0x37: {  	_ =	swait.ge [sflag:s20], $0x1400  }
0x38: {  	[sflag:s20] =	ssyncset.done $0x0  }
0x39: {  	[sflag:s20] =	ssyncadd.s32 $0xFFFFEC00  }
0x3a: {  	[tilespmem:s21], [sflag:$0x5] =	stream.linear.gather [hbm4b:s10+s3], $0x1400, $0x38;
	[tilespmem:$0x1E800] =	vst v63  }
0x3b: {  	_ =	swait.ge [sflag:s20], $0x1400  }
0x3c: {  	[sflag:s20] =	ssyncset.done $0x0  }
0x3d: {  	[sflag:s20] =	ssyncadd.s32 $0xFFFFEC00  }
0x3e: {  	[tilespmem:s23], [sflag:$0x1] =	stream.indirect.gather [hbm4b:s4+s22], $0x80, s3, s22, $0xb8;
	[tilespmem:$0x1E800] =	vst v63  }
0x3f: {  	_ =	swait.ge [sflag:s24], $0x4000  }
0x40: {  	[sflag:s24] =	ssyncset.done $0x0  }
0x41: {  	[sflag:s24] =	ssyncadd.s32 $0xFFFFC000  }
0x42: {  	[spmem:s2] =	stream.indirect.scatter.add.f32 [tilespmem:s23], [sflag:$0x3], $0x80, s21, s22, $0xb8;
	[tilespmem:$0x1E800] =	vst v63  }
0x43: {  	_ = 	snop  }
0x44: {  	[tilespmem:s25], [sflag:$0x2] =	stream.indirect.gather [hbm4b:s4+s22], $0x80, s22, s22, $0xb8;
	[tilespmem:$0x1E800] =	vst v63  }
0x45: {  	_ =	swait.ge [sflag:s26], $0x4000  }
0x46: {  	[sflag:s26] =	ssyncset.done $0x0  }
0x47: {  	[sflag:s26] =	ssyncadd.s32 $0xFFFFC000  }
0x48: {  	[spmem:s2] =	stream.indirect.scatter.add.f32 [tilespmem:s25], [sflag:$0x4], $0x80, s28, s22, $0xb8;
	[tilespmem:$0x1E800] =	vst v63  }
0x49: {  	_ =	swait.ge [sflag:s29], $0x4000  }
0x4a: {  	[sflag:s29] =	ssyncset.done $0x0  }
0x4b: {  	s7 =	simm.s32 $0xFFFFB800;
	[sflag:s29] =	ssyncadd.s32 $0xFFFFC000  }
0x4c: {  	[tilespmem:s23], [sflag:$0x1] =	stream.indirect.gather [hbm4b:s4+s22], $0x80, s30, s22, $0xb8;
	[tilespmem:$0x1E800] =	vst v63  }
.LBB2_2:
0x4d: {  	_ =	swait.ge [sflag:s24], $0x4000  }
0x4e: {  	s8 =	sshra.s32 s7, $0x2;
	[sflag:s24] =	ssyncset.done $0x0  }
0x4f: {  	s9 =	sadd.s32 $0x2700, s8;
	[sflag:s24] =	ssyncadd.s32 $0xFFFFC000  }
0x50: {  	[spmem:s2] =	stream.indirect.scatter.add.f32 [tilespmem:s23], [sflag:$0x3], $0x80, s9, s22, $0xb8;
	[tilespmem:$0x1E800] =	vst v63  }
0x51: {  	_ =	swait.ge [sflag:s31], $0x4000  }
0x52: {  	[sflag:s31] =	ssyncset.done $0x0  }
0x53: {  	s9 =	sadd.s32 $0x1380, s8;
	[sflag:s31] =	ssyncadd.s32 $0xFFFFC000  }
0x54: {  	[tilespmem:s25], [sflag:$0x2] =	stream.indirect.gather [hbm4b:s4+s22], $0x80, s9, s22, $0xb8;
	[tilespmem:$0x1E800] =	vst v63  }
0x55: {  	_ =	swait.ge [sflag:s26], $0x4000  }
0x56: {  	p1 =	seq.s32 s7, $0x0;
	[sflag:s26] =	ssyncset.done $0x0  }
.Ltmp2:
0x57: {  	s9 =	sadd.s32 $0x2780, s8;
	[sflag:s26] =	ssyncadd.s32 $0xFFFFC000;
	(pc) =	sbr.rel @p1 .LBB2_4-.Ltmp2, $4  }
0x58: {  	[spmem:s2] =	stream.indirect.scatter.add.f32 [tilespmem:s25], [sflag:$0x4], $0x80, s9, s22, $0xb8;
	[tilespmem:$0x1E800] =	vst v63  }
0x59: {  	_ =	swait.ge [sflag:s29], $0x4000  }
0x5a: {  	[sflag:s29] =	ssyncset.done $0x0  }
0x5b: {  	[sflag:s29] =	ssyncadd.s32 $0xFFFFC000  }
.Ltmp3:
0x5c: {  	(pc) =	sbr.rel .LBB2_2-.Ltmp3, $3  }
0x5d: {  	_ =	sdelay $0x1  }
0x5e: {  	s8 =	sadd.s32 $0x1400, s8;
	s7 =	sadd.s32 $0x400, s7  }
0x5f: {  	[tilespmem:s23], [sflag:$0x1] =	stream.indirect.gather [hbm4b:s4+s22], $0x80, s8, s22, $0xb8;
	[tilespmem:$0x1E800] =	vst v63  }
.LBB2_4:
0x60: {  	_ =	swait.ge [sflag:s31], $0x4000  }
0x61: {  	[sflag:s31] =	ssyncset.done $0x0  }
0x62: {  	[sflag:s31] =	ssyncadd.s32 $0xFFFFC000  }
0x63: {  	[tilespmem:s3], [sflag:$0x5] =	stream.linear.gather [hbm4b:s11+s3], $0x1400, $0x38;
	[tilespmem:$0x1E800] =	vst v63  }
0x64: {  	_ =	swait.ge [sflag:s20], $0x1400  }
0x65: {  	[sflag:s20] =	ssyncset.done $0x0  }
0x66: {  	[sflag:s20] =	ssyncadd.s32 $0xFFFFEC00  }
0x67: {  	[tilespmem:s21], [sflag:$0x5] =	stream.linear.gather [hbm4b:s12+s3], $0x1400, $0x38;
	[tilespmem:$0x1E800] =	vst v63  }
0x68: {  	_ =	swait.ge [sflag:s20], $0x1400  }
0x69: {  	[sflag:s20] =	ssyncset.done $0x0  }
0x6a: {  	[sflag:s20] =	ssyncadd.s32 $0xFFFFEC00  }
0x6b: {  	[tilespmem:s23], [sflag:$0x1] =	stream.indirect.gather [hbm4b:s4+s22], $0x80, s3, s22, $0xb8;
	[tilespmem:$0x1E800] =	vst v63  }
0x6c: {  	_ =	swait.ge [sflag:s24], $0x4000  }
0x6d: {  	[sflag:s24] =	ssyncset.done $0x0  }
0x6e: {  	[sflag:s24] =	ssyncadd.s32 $0xFFFFC000  }
0x6f: {  	[spmem:s2] =	stream.indirect.scatter.add.f32 [tilespmem:s23], [sflag:$0x3], $0x80, s21, s22, $0xb8;
	[tilespmem:$0x1E800] =	vst v63  }
0x70: {  	_ = 	snop  }
0x71: {  	[tilespmem:s25], [sflag:$0x2] =	stream.indirect.gather [hbm4b:s4+s22], $0x80, s22, s22, $0xb8;
	[tilespmem:$0x1E800] =	vst v63  }
0x72: {  	_ =	swait.ge [sflag:s26], $0x4000  }
0x73: {  	[sflag:s26] =	ssyncset.done $0x0  }
0x74: {  	[sflag:s26] =	ssyncadd.s32 $0xFFFFC000  }
0x75: {  	[spmem:s2] =	stream.indirect.scatter.add.f32 [tilespmem:s25], [sflag:$0x4], $0x80, s28, s22, $0xb8;
	[tilespmem:$0x1E800] =	vst v63  }
0x76: {  	_ =	swait.ge [sflag:s29], $0x4000  }
0x77: {  	[sflag:s29] =	ssyncset.done $0x0  }
0x78: {  	s7 =	simm.s32 $0xFFFFB800;
	[sflag:s29] =	ssyncadd.s32 $0xFFFFC000  }
0x79: {  	[tilespmem:s23], [sflag:$0x1] =	stream.indirect.gather [hbm4b:s4+s22], $0x80, s30, s22, $0xb8;
	[tilespmem:$0x1E800] =	vst v63  }
.LBB2_5:
0x7a: {  	_ =	swait.ge [sflag:s24], $0x4000  }
0x7b: {  	s8 =	sshra.s32 s7, $0x2;
	[sflag:s24] =	ssyncset.done $0x0  }
0x7c: {  	s9 =	sadd.s32 $0x2700, s8;
	[sflag:s24] =	ssyncadd.s32 $0xFFFFC000  }
0x7d: {  	[spmem:s2] =	stream.indirect.scatter.add.f32 [tilespmem:s23], [sflag:$0x3], $0x80, s9, s22, $0xb8;
	[tilespmem:$0x1E800] =	vst v63  }
0x7e: {  	_ =	swait.ge [sflag:s31], $0x4000  }
0x7f: {  	[sflag:s31] =	ssyncset.done $0x0  }
0x80: {  	s9 =	sadd.s32 $0x1380, s8;
	[sflag:s31] =	ssyncadd.s32 $0xFFFFC000  }
0x81: {  	[tilespmem:s25], [sflag:$0x2] =	stream.indirect.gather [hbm4b:s4+s22], $0x80, s9, s22, $0xb8;
	[tilespmem:$0x1E800] =	vst v63  }
0x82: {  	_ =	swait.ge [sflag:s26], $0x4000  }
0x83: {  	p1 =	seq.s32 s7, $0x0;
	[sflag:s26] =	ssyncset.done $0x0  }
.Ltmp4:
0x84: {  	s9 =	sadd.s32 $0x2780, s8;
	[sflag:s26] =	ssyncadd.s32 $0xFFFFC000;
	(pc) =	sbr.rel @p1 .LBB2_7-.Ltmp4, $4  }
0x85: {  	[spmem:s2] =	stream.indirect.scatter.add.f32 [tilespmem:s25], [sflag:$0x4], $0x80, s9, s22, $0xb8;
	[tilespmem:$0x1E800] =	vst v63  }
0x86: {  	_ =	swait.ge [sflag:s29], $0x4000  }
0x87: {  	[sflag:s29] =	ssyncset.done $0x0  }
0x88: {  	[sflag:s29] =	ssyncadd.s32 $0xFFFFC000  }
.Ltmp5:
0x89: {  	(pc) =	sbr.rel .LBB2_5-.Ltmp5, $3  }
0x8a: {  	_ =	sdelay $0x1  }
0x8b: {  	s8 =	sadd.s32 $0x1400, s8;
	s7 =	sadd.s32 $0x400, s7  }
0x8c: {  	[tilespmem:s23], [sflag:$0x1] =	stream.indirect.gather [hbm4b:s4+s22], $0x80, s8, s22, $0xb8;
	[tilespmem:$0x1E800] =	vst v63  }
.LBB2_7:
0x8d: {  	_ =	swait.ge [sflag:s31], $0x4000  }
0x8e: {  	[sflag:s31] =	ssyncset.done $0x0  }
0x8f: {  	[sflag:s31] =	ssyncadd.s32 $0xFFFFC000  }
0x90: {  	[tilespmem:s3], [sflag:$0x5] =	stream.linear.gather [hbm4b:s13+s3], $0x1400, $0x38;
	[tilespmem:$0x1E800] =	vst v63  }
0x91: {  	_ =	swait.ge [sflag:s20], $0x1400  }
0x92: {  	[sflag:s20] =	ssyncset.done $0x0  }
0x93: {  	[sflag:s20] =	ssyncadd.s32 $0xFFFFEC00  }
0x94: {  	[tilespmem:s21], [sflag:$0x5] =	stream.linear.gather [hbm4b:s14+s3], $0x1400, $0x38;
	[tilespmem:$0x1E800] =	vst v63  }
0x95: {  	_ =	swait.ge [sflag:s20], $0x1400  }
0x96: {  	[sflag:s20] =	ssyncset.done $0x0  }
0x97: {  	[sflag:s20] =	ssyncadd.s32 $0xFFFFEC00  }
0x98: {  	[tilespmem:s23], [sflag:$0x1] =	stream.indirect.gather [hbm4b:s4+s22], $0x80, s3, s22, $0xb8;
	[tilespmem:$0x1E800] =	vst v63  }
0x99: {  	_ =	swait.ge [sflag:s24], $0x4000  }
0x9a: {  	[sflag:s24] =	ssyncset.done $0x0  }
0x9b: {  	[sflag:s24] =	ssyncadd.s32 $0xFFFFC000  }
0x9c: {  	[spmem:s2] =	stream.indirect.scatter.add.f32 [tilespmem:s23], [sflag:$0x3], $0x80, s21, s22, $0xb8;
	[tilespmem:$0x1E800] =	vst v63  }
0x9d: {  	_ = 	snop  }
0x9e: {  	[tilespmem:s25], [sflag:$0x2] =	stream.indirect.gather [hbm4b:s4+s22], $0x80, s22, s22, $0xb8;
	[tilespmem:$0x1E800] =	vst v63  }
0x9f: {  	_ =	swait.ge [sflag:s26], $0x4000  }
0xa0: {  	[sflag:s26] =	ssyncset.done $0x0  }
0xa1: {  	[sflag:s26] =	ssyncadd.s32 $0xFFFFC000  }
0xa2: {  	[spmem:s2] =	stream.indirect.scatter.add.f32 [tilespmem:s25], [sflag:$0x4], $0x80, s28, s22, $0xb8;
	[tilespmem:$0x1E800] =	vst v63  }
0xa3: {  	_ =	swait.ge [sflag:s29], $0x4000  }
0xa4: {  	[sflag:s29] =	ssyncset.done $0x0  }
0xa5: {  	s7 =	simm.s32 $0xFFFFB800;
	[sflag:s29] =	ssyncadd.s32 $0xFFFFC000  }
0xa6: {  	[tilespmem:s23], [sflag:$0x1] =	stream.indirect.gather [hbm4b:s4+s22], $0x80, s30, s22, $0xb8;
	[tilespmem:$0x1E800] =	vst v63  }
.LBB2_8:
0xa7: {  	_ =	swait.ge [sflag:s24], $0x4000  }
0xa8: {  	s8 =	sshra.s32 s7, $0x2;
	[sflag:s24] =	ssyncset.done $0x0  }
0xa9: {  	s9 =	sadd.s32 $0x2700, s8;
	[sflag:s24] =	ssyncadd.s32 $0xFFFFC000  }
0xaa: {  	[spmem:s2] =	stream.indirect.scatter.add.f32 [tilespmem:s23], [sflag:$0x3], $0x80, s9, s22, $0xb8;
	[tilespmem:$0x1E800] =	vst v63  }
0xab: {  	_ =	swait.ge [sflag:s31], $0x4000  }
0xac: {  	[sflag:s31] =	ssyncset.done $0x0  }
0xad: {  	s9 =	sadd.s32 $0x1380, s8;
	[sflag:s31] =	ssyncadd.s32 $0xFFFFC000  }
0xae: {  	[tilespmem:s25], [sflag:$0x2] =	stream.indirect.gather [hbm4b:s4+s22], $0x80, s9, s22, $0xb8;
	[tilespmem:$0x1E800] =	vst v63  }
0xaf: {  	_ =	swait.ge [sflag:s26], $0x4000  }
0xb0: {  	p1 =	seq.s32 s7, $0x0;
	[sflag:s26] =	ssyncset.done $0x0  }
.Ltmp6:
0xb1: {  	s9 =	sadd.s32 $0x2780, s8;
	[sflag:s26] =	ssyncadd.s32 $0xFFFFC000;
	(pc) =	sbr.rel @p1 .LBB2_10-.Ltmp6, $4  }
0xb2: {  	[spmem:s2] =	stream.indirect.scatter.add.f32 [tilespmem:s25], [sflag:$0x4], $0x80, s9, s22, $0xb8;
	[tilespmem:$0x1E800] =	vst v63  }
0xb3: {  	_ =	swait.ge [sflag:s29], $0x4000  }
0xb4: {  	[sflag:s29] =	ssyncset.done $0x0  }
0xb5: {  	[sflag:s29] =	ssyncadd.s32 $0xFFFFC000  }
.Ltmp7:
0xb6: {  	(pc) =	sbr.rel .LBB2_8-.Ltmp7, $3  }
0xb7: {  	_ =	sdelay $0x1  }
0xb8: {  	s8 =	sadd.s32 $0x1400, s8;
	s7 =	sadd.s32 $0x400, s7  }
0xb9: {  	[tilespmem:s23], [sflag:$0x1] =	stream.indirect.gather [hbm4b:s4+s22], $0x80, s8, s22, $0xb8;
	[tilespmem:$0x1E800] =	vst v63  }
.LBB2_10:
0xba: {  	_ =	swait.ge [sflag:s31], $0x4000  }
0xbb: {  	[sflag:s31] =	ssyncset.done $0x0  }
0xbc: {  	[sflag:s31] =	ssyncadd.s32 $0xFFFFC000  }
0xbd: {  	[tilespmem:s3], [sflag:$0x5] =	stream.linear.gather [hbm4b:s15+s3], $0x1400, $0x38;
	[tilespmem:$0x1E800] =	vst v63  }
0xbe: {  	_ =	swait.ge [sflag:s20], $0x1400  }
0xbf: {  	[sflag:s20] =	ssyncset.done $0x0  }
0xc0: {  	[sflag:s20] =	ssyncadd.s32 $0xFFFFEC00  }
0xc1: {  	[tilespmem:s21], [sflag:$0x5] =	stream.linear.gather [hbm4b:s16+s3], $0x1400, $0x38;
	[tilespmem:$0x1E800] =	vst v63  }
0xc2: {  	_ =	swait.ge [sflag:s20], $0x1400  }
0xc3: {  	[sflag:s20] =	ssyncset.done $0x0  }
0xc4: {  	[sflag:s20] =	ssyncadd.s32 $0xFFFFEC00  }
0xc5: {  	[tilespmem:s23], [sflag:$0x1] =	stream.indirect.gather [hbm4b:s4+s22], $0x80, s3, s22, $0xb8;
	[tilespmem:$0x1E800] =	vst v63  }
0xc6: {  	_ =	swait.ge [sflag:s24], $0x4000  }
0xc7: {  	[sflag:s24] =	ssyncset.done $0x0  }
0xc8: {  	[sflag:s24] =	ssyncadd.s32 $0xFFFFC000  }
0xc9: {  	[spmem:s2] =	stream.indirect.scatter.add.f32 [tilespmem:s23], [sflag:$0x3], $0x80, s21, s22, $0xb8;
	[tilespmem:$0x1E800] =	vst v63  }
0xca: {  	_ = 	snop  }
0xcb: {  	[tilespmem:s25], [sflag:$0x2] =	stream.indirect.gather [hbm4b:s4+s22], $0x80, s22, s22, $0xb8;
	[tilespmem:$0x1E800] =	vst v63  }
0xcc: {  	_ =	swait.ge [sflag:s26], $0x4000  }
0xcd: {  	[sflag:s26] =	ssyncset.done $0x0  }
0xce: {  	[sflag:s26] =	ssyncadd.s32 $0xFFFFC000  }
0xcf: {  	[spmem:s2] =	stream.indirect.scatter.add.f32 [tilespmem:s25], [sflag:$0x4], $0x80, s28, s22, $0xb8;
	[tilespmem:$0x1E800] =	vst v63  }
0xd0: {  	_ =	swait.ge [sflag:s29], $0x4000  }
0xd1: {  	[sflag:s29] =	ssyncset.done $0x0  }
0xd2: {  	s7 =	simm.s32 $0xFFFFB800;
	[sflag:s29] =	ssyncadd.s32 $0xFFFFC000  }
0xd3: {  	[tilespmem:s23], [sflag:$0x1] =	stream.indirect.gather [hbm4b:s4+s22], $0x80, s30, s22, $0xb8;
	[tilespmem:$0x1E800] =	vst v63  }
.LBB2_11:
0xd4: {  	_ =	swait.ge [sflag:s24], $0x4000  }
0xd5: {  	s8 =	sshra.s32 s7, $0x2;
	[sflag:s24] =	ssyncset.done $0x0  }
0xd6: {  	s9 =	sadd.s32 $0x2700, s8;
	[sflag:s24] =	ssyncadd.s32 $0xFFFFC000  }
0xd7: {  	[spmem:s2] =	stream.indirect.scatter.add.f32 [tilespmem:s23], [sflag:$0x3], $0x80, s9, s22, $0xb8;
	[tilespmem:$0x1E800] =	vst v63  }
0xd8: {  	_ =	swait.ge [sflag:s31], $0x4000  }
0xd9: {  	[sflag:s31] =	ssyncset.done $0x0  }
0xda: {  	s9 =	sadd.s32 $0x1380, s8;
	[sflag:s31] =	ssyncadd.s32 $0xFFFFC000  }
0xdb: {  	[tilespmem:s25], [sflag:$0x2] =	stream.indirect.gather [hbm4b:s4+s22], $0x80, s9, s22, $0xb8;
	[tilespmem:$0x1E800] =	vst v63  }
0xdc: {  	_ =	swait.ge [sflag:s26], $0x4000  }
0xdd: {  	p1 =	seq.s32 s7, $0x0;
	[sflag:s26] =	ssyncset.done $0x0  }
.Ltmp8:
0xde: {  	s9 =	sadd.s32 $0x2780, s8;
	[sflag:s26] =	ssyncadd.s32 $0xFFFFC000;
	(pc) =	sbr.rel @p1 .LBB2_13-.Ltmp8, $4  }
0xdf: {  	[spmem:s2] =	stream.indirect.scatter.add.f32 [tilespmem:s25], [sflag:$0x4], $0x80, s9, s22, $0xb8;
	[tilespmem:$0x1E800] =	vst v63  }
0xe0: {  	_ =	swait.ge [sflag:s29], $0x4000  }
0xe1: {  	[sflag:s29] =	ssyncset.done $0x0  }
0xe2: {  	[sflag:s29] =	ssyncadd.s32 $0xFFFFC000  }
.Ltmp9:
0xe3: {  	(pc) =	sbr.rel .LBB2_11-.Ltmp9, $3  }
0xe4: {  	_ =	sdelay $0x1  }
0xe5: {  	s8 =	sadd.s32 $0x1400, s8;
	s7 =	sadd.s32 $0x400, s7  }
0xe6: {  	[tilespmem:s23], [sflag:$0x1] =	stream.indirect.gather [hbm4b:s4+s22], $0x80, s8, s22, $0xb8;
	[tilespmem:$0x1E800] =	vst v63  }
.LBB2_14:
0xe7: {  	_ =	sfence.sel $0x180000  }
0xe8: {  	[bflag:$0x0] =	sbarrier.arrive $0xFFFF  }
0xe9: {  	_ =	strace $0x9000004A  }
0xea: {  	s0 =	stileid.u32;
	[bflag:$0x2] =	sbarrier.arrive $0xFFFF  }
0xeb: {  	p0 =	sne.s32 s0, $0x0;
	s0 =	rddreg [dreg:$0x2]  }
0xec: {  	s0 =	sadd.s32 @!p0 $0x100000, s0  }
0xed: {  	[sflag:s0] =	ssyncadd.tile.s32 @!p0 $0x1;
	_ =	shalt  }
.Lfunc_end2:
_tile_overlayer_lowered:
.L_overlay_start_2:
0xee: {  	(tag) =	ssettag $0x2  }
0xef: {  	s0 =	rddreg [dreg:$0x0];
	s2 =	stileid.u32  }
0xf0: {  	s1 =	rddreg [dreg:$0x1];
	p0 =	sne.s32 s2, $0x0  }
0xf1: {  	s3 =	rddreg [dreg:$0x2];
	[bflag:$0x3] =	sbarrier.arrive $0xFFFF;
	s2 =	simm.s32 @!p0 $0x1C05  }
0xf2: {  	[timem:s3], [sflag:s2] =	dma.local @!p0 [hbm:s0], s1  }
0xf3: {  	s0 =	simm.s32 @!p0 $0x5  }
0xf4: {  	_ =	swait.ge @!p0 [sflag:s0], s1  }
0xf5: {  	s1 =	ssub.s32 @!p0 $0x0, s1;
	[sflag:s0] =	ssyncset.done @!p0 $0x0  }
0xf6: {  	[sflag:s0] =	ssyncadd.s32 @!p0 s1  }
0xf7: {  	[bflag:$0x3] =	sbarrier.arrive $0xFFFF  }
0xf8: {  	_ =	shalt  }

// kernel: kernel.15.cloned.1.call-start
scs
__scs_entry_jumppad:
0x0: {  	(pc) =	sbr.rel $0x88, $3  }
0x1: {  	(tag) =	ssettag $0x0;
	lr =	simm.s32 $0x1  }
0x2: {  	[smem:$0x3F66] =	sst lr;
	_ =	strace $0xD0000000  }
0x3: {  	_ = 	snop  }
0x4: {  	_ = 	snop  }
0x5: {  	_ = 	snop  }
0x6: {  	_ = 	snop  }
0x7: {  	_ = 	snop  }
__scs_overlays_trampoline_lowered:
0x8: {  	[smem:$0x3F75] =	sst s0  }
0x9: {  	[smem:$0x3F76] =	sst s1  }
0xa: {  	[smem:$0x3F77] =	sst s2  }
0xb: {  	[smem:$0x3F78] =	sst s3  }
0xc: {  	[smem:$0x3F79] =	sst s4  }
0xd: {  	[smem:$0x3F7A] =	sst s5  }
0xe: {  	[smem:$0x3F7B] =	sst s6  }
0xf: {  	[smem:$0x3F7C] =	sst s7  }
0x10: {  	[smem:$0x3F7D] =	sst s8  }
0x11: {  	[smem:$0x3F7E] =	sst s9;
	s0 =	simm.s32 @!p0 $0x0  }
0x12: {  	s1 =	sld [smem:$0x3F64];
	s0 =	simm.s32 @p0 $0x1  }
0x13: {  	[smem:$0x3F7F] =	sst s0;
	s0 =	simm.s32 @!p1 $0x0  }
0x14: {  	s2 =	sld [smem:$0x3F63];
	s0 =	simm.s32 @p1 $0x1  }
0x15: {  	[smem:$0x3F80] =	sst s0;
	s0 =	simm.s32 @!p2 $0x0  }
0x16: {  	s3 =	sld [smem:$0x3FDB];
	s0 =	simm.s32 @p2 $0x1  }
0x17: {  	s4 =	simm.s32 $0x1BF5;
	[smem:$0x3F82] =	sst s0  }
0x18: {  	s0 =	sld [smem:$0x3F65];
	_ =	swait.ge [sflag:s4], $0x0  }
0x19: {  	s7 =	sld [smem:$0x3F66]  }
0x1a: {  	s8 =	sadd.s32 $0xFFFFE003, lr  }
0x1b: {  	s9 =	sadd.s32 $0xFFFFFEF7, lr;
	s5 =	simm.s32 $0xFFFFFFFF;
	p2 =	slt.u32 s8, $0xFFFFF086  }
0x1c: {  	p1 =	slt.u32 s9, $0xF7A;
	s5 =	simm.s32 @!p2 $0x0  }
0x1d: {  	s5 =	simm.s32 @p1 $0x1;
	p0 =	seq.s32 s7, s2  }
0x1e: {  	s7 =	smul.u32 @!p0 $0xF7A, s2;
	p2 =	seq.s32 @!p0 s5, $0x0  }
0x1f: {  	s9 =	smul.u32 $0xF7A, s1;
	s8 =	simm.s32 @!p0 $0x1BF5;
	p2 =	por !p2, p0  }
0x20: {  	[sflag:s8] =	ssyncset.s32 @!p0 $0xFFFFF086;
	s6 =	sadd.s32 @!p0 s3, s7;
	s7 =	simm.s32 @!p0 $0x108  }
0x21: {  	s3 =	sadd.s32 s3, s9;
	s6 =	sadd.s32 @!p0 $0x88, s6;
	s7 =	simm.s32 @p2 $0x1082  }
0x22: {  	[simem:s7], [sflag:s8] =	dma.local @!p0 [hbm:s6], $0xF7A  }
0x23: {  	s9 =	sor.u32 $0xD0000000, s2;
	s6 =	simm.s32 $0x108;
	_ =	swait.ge @!p0 [sflag:s8], $0x0  }
0x24: {  	s3 =	sadd.s32 $0x88, s3;
	s6 =	simm.s32 @!p1 $0x1082;
	[sflag:s4] =	ssyncset.s32 $0xFFFFF086  }
0x25: {  	[simem:s6], [sflag:s4] =	dma.local [hbm:s3], $0xF7A  }
0x26: {  	[smem:$0x3F66] =	sst s1;
	(tag) =	ssettag s2;
	_ =	strace s9  }
0x27: {  	s1 =	sld [smem:$0x3F76]  }
0x28: {  	s2 =	sld [smem:$0x3F77]  }
0x29: {  	s4 =	sld [smem:$0x3F79]  }
0x2a: {  	p0 =	seq.s32 s5, $0x0;
	s5 =	sld [smem:$0x3F7A]  }
0x2b: {  	s6 =	sld [smem:$0x3F7B]  }
0x2c: {  	s7 =	sld [smem:$0x3F7C]  }
0x2d: {  	s3 =	simm.s32 $0x108;
	s8 =	sld [smem:$0x3F7D]  }
0x2e: {  	s3 =	simm.s32 @!p0 $0x1082;
	s9 =	sld [smem:$0x3F7E]  }
0x2f: {  	lr =	sadd.s32 s0, s3;
	s0 =	sld [smem:$0x3F75]  }
0x30: {  	s3 =	sld [smem:$0x3F78]  }
0x31: {  	[smem:$0x3F81] =	sst s10  }
0x32: {  	s10 =	sld [smem:$0x3F7F];
	_ =	sdelay $0x3  }
0x33: {  	p0 =	seq.s32 s10, $0x1;
	s10 =	sld [smem:$0x3F81];
	_ =	sdelay $0x3  }
0x34: {  	[smem:$0x3F81] =	sst s10  }
0x35: {  	s10 =	sld [smem:$0x3F80];
	_ =	sdelay $0x3  }
0x36: {  	p1 =	seq.s32 s10, $0x1;
	s10 =	sld [smem:$0x3F81];
	_ =	sdelay $0x3  }
0x37: {  	[smem:$0x3F81] =	sst s10  }
0x38: {  	s10 =	sld [smem:$0x3F82]  }
0x39: {  	_ = 	snop;
	(pc) =	sbr.ind lr, $3  }
0x3a: {  	_ = 	snop  }
0x3b: {  	_ = 	snop  }
0x3c: {  	p2 =	seq.s32 s10, $0x1;
	s10 =	sld [smem:$0x3F81]  }
0x3d: {  	_ =	shalt  }
0x3e: {  	_ =	shalt  }
0x3f: {  	_ =	shalt  }
0x40: {  	_ =	shalt  }
0x41: {  	_ =	shalt  }
0x42: {  	_ =	shalt  }
0x43: {  	_ =	shalt  }
0x44: {  	_ =	shalt  }
0x45: {  	_ =	shalt  }
0x46: {  	_ =	shalt  }
0x47: {  	_ =	shalt  }
0x48: {  	_ =	shalt  }
0x49: {  	_ =	shalt  }
0x4a: {  	_ =	shalt  }
0x4b: {  	_ =	shalt  }
0x4c: {  	_ =	shalt  }
0x4d: {  	_ =	shalt  }
0x4e: {  	_ =	shalt  }
0x4f: {  	_ =	shalt  }
0x50: {  	_ =	shalt  }
0x51: {  	_ =	shalt  }
0x52: {  	_ =	shalt  }
0x53: {  	_ =	shalt  }
0x54: {  	_ =	shalt  }
0x55: {  	_ =	shalt  }
0x56: {  	_ =	shalt  }
0x57: {  	_ =	shalt  }
0x58: {  	_ =	shalt  }
0x59: {  	_ =	shalt  }
0x5a: {  	_ =	shalt  }
0x5b: {  	_ =	shalt  }
0x5c: {  	_ =	shalt  }
0x5d: {  	_ =	shalt  }
0x5e: {  	_ =	shalt  }
0x5f: {  	_ =	shalt  }
0x60: {  	_ =	shalt  }
0x61: {  	_ =	shalt  }
0x62: {  	_ =	shalt  }
0x63: {  	_ =	shalt  }
0x64: {  	_ =	shalt  }
0x65: {  	_ =	shalt  }
0x66: {  	_ =	shalt  }
0x67: {  	_ =	shalt  }
0x68: {  	_ =	shalt  }
0x69: {  	_ =	shalt  }
0x6a: {  	_ =	shalt  }
0x6b: {  	_ =	shalt  }
0x6c: {  	_ =	shalt  }
0x6d: {  	_ =	shalt  }
0x6e: {  	_ =	shalt  }
0x6f: {  	_ =	shalt  }
0x70: {  	_ =	shalt  }
0x71: {  	_ =	shalt  }
0x72: {  	_ =	shalt  }
0x73: {  	_ =	shalt  }
0x74: {  	_ =	shalt  }
0x75: {  	_ =	shalt  }
0x76: {  	_ =	shalt  }
0x77: {  	_ =	shalt  }
0x78: {  	_ =	shalt  }
0x79: {  	_ =	shalt  }
0x7a: {  	_ =	shalt  }
0x7b: {  	_ =	shalt  }
0x7c: {  	_ =	shalt  }
0x7d: {  	_ =	shalt  }
0x7e: {  	_ =	shalt  }
0x7f: {  	_ =	shalt  }
0x80: {  	_ =	shalt  }
0x81: {  	_ =	shalt  }
0x82: {  	_ =	shalt  }
0x83: {  	_ =	shalt  }
0x84: {  	_ =	shalt  }
0x85: {  	_ =	shalt  }
0x86: {  	_ =	shalt  }
0x87: {  	_ =	shalt  }
.Lfunc_end0:
.L_simem_size_0:
called_computation.2_lowered:
.L_overlay_start_0:
0x88: {  	s2 =	sld [smem:$0x3FD9]  }
0x89: {  	s3 =	sld [smem:$0x3FFE];
	_ =	sdelay $0x1  }
0x8a: {  	s1 =	srdreg.scid  }
0x8b: {  	s0 =	sand.u32 $0x1, s1  }
0x8c: {  	s16 =	sshll.u32 s0, $0xA;
	s2 =	sadd.s32 s3, s2  }
0x8d: {  	s2 =	sadd.s32 s2, s16  }
0x8e: {  	[smem:$0x3F8D] =	sst s2  }
0x8f: {  	_ = 	snop  }
0x90: {  	(tm) =	ssettm $0x1  }
0x91: {  	s17 =	sld [smem:$0x3FFB];
	_ =	sdelay $0x3  }
0x92: {  	_ =	strace s17  }
0x93: {  	s2 =	sld [smem:$0x3FFC];
	_ =	sdelay $0x3  }
0x94: {  	_ =	strace s2  }
0x95: {  	s2 =	sld [smem:$0x3FFD];
	_ =	sdelay $0x3  }
0x96: {  	_ =	strace s2  }
0x97: {  	_ =	strace $0x8FFFFFFF  }
0x98: {  	s18 =	sld [smem:$0x3FDB];
	_ =	sdelay $0x1  }
0x99: {  	s19 =	simm.s32 $_scs_section_size  }
0x9a: {  	s4 =	simm.s32 $_size__tile_overlayer_lowered;
	s5 =	simm.s32 $_tile_overlayer_lowered  }
0x9b: {  	s22 =	simm.s32 $0x1BFF;
	s21 =	sshll.u32 s5, $0x1;
	s2 =	sadd.s32 s19, s18  }
0x9c: {  	s6 =	simm.s32 $0x0;
	s20 =	sshll.u32 s4, $0x1;
	s4 =	sadd.s32 s21, s2  }
0x9d: {  	[timem:s6], [sflag:s22] =	dma.local [hbm:s4], s20  }
0x9e: {  	_ =	swait.ge [sflag:s22], s20  }
0x9f: {  	s3 =	ssub.s32 $0x0, s20;
	[sflag:s22] =	ssyncset.done $0x0  }
0xa0: {  	[sflag:s22] =	ssyncadd.s32 s3;
	_ =	sdelay $0x1  }
0xa1: {  	s23 =	simm.s32 $0x1B8B  }
0xa2: {  	_ =	swait.ge [sflag:s23], $0x1  }
0xa3: {  	[sflag:s23] =	ssyncset.done $0x0  }
0xa4: {  	s25 =	simm.s32 $0x1B8E;
	s24 =	sld [smem:$0x3FFE];
	[sflag:s23] =	ssyncadd.s32 $0xFFFFFFFF  }
0xa5: {  	s26 =	simm.s32 $execute0_lowered;
	[smem:$0x3FD2] =	sst s25  }
0xa6: {  	s4 =	sshll.u32 s26, $0x1;
	_ =	strace $0x8000004C;
	[dreg:$0x1] =	wrdreg $0xFFFFFFFF  }
0xa7: {  	s28 =	simm.s32 $_size_execute0_lowered;
	s2 =	sadd.s32 s2, s4;
	[dreg:$0x0] =	wrdreg $0x0  }
0xa8: {  	s4 =	sshll.u32 s28, $0x1;
	[dreg:$0x2] =	wrdreg s2  }
0xa9: {  	[dreg:$0x3] =	wrdreg s4  }
0xaa: {  	[dreg:$0x4] =	wrdreg $0xC0  }
0xab: {  	_ =	task [dreg:s6], $0x5FFFF  }
0xac: {  	[dreg:$0x1] =	wrdreg $0xFFFFFFFF  }
0xad: {  	[dreg:$0x0] =	wrdreg $0x60  }
0xae: {  	[dreg:$0x2] =	wrdreg s24  }
0xaf: {  	[dreg:$0x3] =	wrdreg $0xA8000  }
0xb0: {  	[dreg:$0x4] =	wrdreg $0x9  }
0xb1: {  	_ =	task.clear_ibuf [dreg:s6], $0x5FFFF;
	_ =	strace $0x9000004C  }
0xb2: {  	s29 =	simm.s32 $0x9;
	_ =	strace $0x8000004E  }
0xb3: {  	_ =	swait.ge [sflag:s29], $0x1  }
0xb4: {  	[sflag:s29] =	ssyncadd.s32 $0xFFFFFFFF  }
0xb5: {  	_ =	strace $0x9000004E  }
0xb6: {  	_ =	sfence  }
0xb7: {  	s30 =	sld [smem:$0x0];
	_ =	sdelay $0x2  }
0xb8: {  	s31 =	sshll.u32 s1, $0xD;
	s1 =	sshrl.u32 s1, $0x2  }
0xb9: {  	s3 =	sand.u32 $0x4000, s31;
	s1 =	sadd.s32 s1, s30  }
0xba: {  	s0 =	sor.u32 s3, s0;
	s1 =	sshll.u32 s1, $0x11  }
0xbb: {  	s0 =	sor.u32 s1, s0  }
0xbc: {  	s0 =	sadd.s32 $0x8F2B, s0  }
0xbd: {  	[sflag:s0] =	ssyncadd.remote.s32 $0x1  }
0xbe: {  	_ =	sfence.sel $0xFFFF  }
0xbf: {  	[dreg:$0x0] =	wrdreg $0xFFFFFFFF;
	(pc) =	sbr.abs _section_cstart, $3  }
0xc0: {  	[dreg:$0x1] =	wrdreg $0xFFFFFFFF  }
0xc1: {  	_ =	task.clear_ibuf [dreg:s6], $0x2FFFF;
	_ =	strace $0x9FFFFFFF  }
0xc2: {  	(tm) =	ssettm $0x7FFFFFFF  }
0xc3: {  	_ =	shalt  }
tec
execute0_lowered:
.L_overlay_start_1:
0x0: {  	(tag) =	ssettag $0x1  }
0x1: {  	s0 =	rddreg [dreg:$0x0]  }
0x2: {  	s2 =	rddreg [dreg:$0x1]  }
0x3: {  	s3 =	simm.s32 $0x0;
	s20 =	stileid.u32;
	s1 =	srdreg.scid  }
0x4: {  	s28 =	simm.s32 $0x1480;
	s29 =	simm.s32 $0x3;
	s5 =	smul.u32 $0x280, s20  }
0x5: {  	s30 =	simm.s32 $0x100;
	[smem:$0x7FF] =	sst s3;
	s6 =	smul.u32 $0x50000, s20  }
0x6: {  	s4 =	sadd.s32 $0x31600, s0;
	s1 =	sand.u32 $0x1, s1;
	s12 =	smul.u32 $0xA0, s20  }
0x7: {  	s7 =	sadd.s32 $0x9600, s0;
	s16 =	sadd.s32 $0x1D600, s0;
	s9 =	smul.u32 $0x2710, s1  }
0x8: {  	s31 =	simm.s32 $0x4;
	s0 =	sadd.s32 $0x11C600, s0;
	s11 =	smul.u32 $0x138800, s1  }
0x9: {  	s24 =	sadd.s32 $0x12C000, s2;
	p0 =	seq.s32 s20, $0xF;
	s18 =	smul.u32 $0xA00, s1  }
0xa: {  	s20 =	simm.s32 $0x5;
	_ =	strace $0x8000004D;
	s15 =	smul.u32 $0x2800, s1  }
0xb: {  	s8 =	ssub.s32 $0x2, s1;
	[dreg:$0x5] =	wrdreg s24;
	s1 =	smul.u32 $0x140000, s1  }
0xc: {  	s24 =	simm.s32 $0x1;
	s10 =	sshrl.u32 s8, $0x1;
	s6 =	sshrl.u32 s6, $0x2  }
0xd: {  	s8 =	ssub.s32 s8, s10;
	s9 =	sadd.s32 s5, s9;
	s6 =	sadd.s32 s6, s2  }
0xe: {  	s21 =	sshrl.u32 s11, $0x3;
	s23 =	sadd.s32 s12, s18;
	s5 =	sadd.s32 s5, s15  }
0xf: {  	s1 =	sshrl.u32 s1, $0x3;
	[dreg:$0x3] =	wrdreg s6;
	s19 =	sshll.u32 s9, $0x4  }
0x10: {  	s22 =	sadd.s32 s4, s21;
	s25 =	sshll.u32 s23, $0x4;
	s5 =	sshll.u32 s5, $0x4  }
0x11: {  	s21 =	simm.s32 $0x1400;
	s23 =	simm.s32 $0x2800;
	s6 =	sadd.s32 s4, s19  }
0x12: {  	s9 =	sadd.s32 s7, s25;
	s10 =	sadd.s32 s16, s25;
	s26 =	sadd.s32 $0x280, s25  }
0x13: {  	s14 =	sadd.s32 $0x500, s25;
	s17 =	sadd.s32 s0, s5;
	s0 =	sadd.s32 s0, s1  }
0x14: {  	s19 =	smax.u32 s8, $0x1;
	[dreg:$0x4] =	wrdreg s6;
	s6 =	sadd.s32 $0x25800, s22  }
.Ltmp0:
0x15: {  	[dreg:$0x7] =	wrdreg s9;
	s11 =	sadd.s32 s7, s26;
	(pc) =	sbr.rel .LBB2_1-.Ltmp0, $4  }
0x16: {  	s12 =	sadd.s32 s16, s26;
	s13 =	sadd.s32 s7, s14;
	s14 =	sadd.s32 s16, s14  }
0x17: {  	s18 =	sadd.s32 $0x25800, s0;
	s22 =	simm.s32 $0x80;
	s26 =	simm.s32 $0x2  }
0x18: {  	s0 =	simm.s32 $0x0;
	[dreg:$0x6] =	wrdreg s6;
	s6 =	sadd.s32 $0x780, s25  }
0x19: {  	s25 =	simm.s32 $0x6800;
	s15 =	sadd.s32 s7, s6;
	s16 =	sadd.s32 s16, s6  }
.LBB2_13:
0x1a: {  	_ =	swait.ge [sflag:s31], $0x4000  }
0x1b: {  	[sflag:s31] =	ssyncset.done $0x0  }
0x1c: {  	[sflag:s31] =	ssyncadd.s32 $0xFFFFC000  }
0x1d: {  	s7 =	simm.s32 @p0 $0x1FC5;
	[bflag:$0x0] =	sbarrier.arrive $0xFFFF  }
0x1e: {  	[hbm:s18], [sflag:s7] =	dma.local @p0 [spmem:s1], $0x1900  }
0x1f: {  	s1 =	simm.s32 @p0 $0x5  }
0x20: {  	s0 =	sadd.s32 $0x1, s0;
	_ =	swait.ge @p0 [sflag:s1], $0x1900  }
0x21: {  	p1 =	sne.s32 s0, s19;
	[sflag:s1] =	ssyncset.done @p0 $0x0  }
.Ltmp1:
0x22: {  	[sflag:s1] =	ssyncadd.s32 @p0 $0xFFFFE700;
	s1 =	simm.s32 @!p0 $0x5;
	(pc) =	sbr.rel @!p1 .LBB2_14-.Ltmp1, $4  }
0x23: {  	[hbm:s17], [sflag:s5] =	dma.local @!p0 [spmem:s6], $0x2800  }
0x24: {  	_ =	swait.ge @!p0 [sflag:s1], $0x2800  }
0x25: {  	[sflag:s1] =	ssyncset.done @!p0 $0x0  }
0x26: {  	[sflag:s1] =	ssyncadd.s32 @!p0 $0xFFFFD800  }
.LBB2_1:
0x27: {  	s1 =	rddreg [dreg:$0x5]  }
0x28: {  	s5 =	simm.s32 @p0 $0x1FC5;
	s6 =	rddreg [dreg:$0x6];
	s1 =	sshrl.u32 @p0 s1, $0x3  }
0x29: {  	[spmem:s1], [sflag:s5] =	dma.local @p0 [hbm:s6], $0x1900  }
0x2a: {  	s5 =	simm.s32 @p0 $0x5  }
0x2b: {  	s6 =	stileid.u32;
	_ =	swait.ge @p0 [sflag:s5], $0x1900  }
0x2c: {  	s6 =	sshll.u32 @!p0 s6, $0x6;
	[sflag:s5] =	ssyncset.done @p0 $0x0  }
0x2d: {  	[sflag:s5] =	ssyncadd.s32 @p0 $0xFFFFE700;
	s5 =	sor.u32 @!p0 $0x1C05, s6;
	s6 =	rddreg [dreg:$0x3]  }
0x2e: {  	s7 =	rddreg [dreg:$0x4];
	s6 =	sshrl.u32 @!p0 s6, $0x3  }
0x2f: {  	[spmem:s6], [sflag:s5] =	dma.local @!p0 [hbm:s7], $0x2800  }
0x30: {  	s7 =	simm.s32 @!p0 $0x5  }
0x31: {  	_ =	swait.ge @!p0 [sflag:s7], $0x2800  }
0x32: {  	[sflag:s7] =	ssyncset.done @!p0 $0x0  }
0x33: {  	[sflag:s7] =	ssyncadd.s32 @!p0 $0xFFFFD800  }
0x34: {  	[bflag:$0x0] =	sbarrier.arrive $0xFFFF  }
0x35: {  	s9 =	rddreg [dreg:$0x7]  }
0x36: {  	[tilespmem:s3], [sflag:$0x5] =	stream.linear.gather [hbm4b:s9+s3], $0x1400, $0x38;
	[tilespmem:$0x1E800] =	vst v63  }
0x37: {  	_ =	swait.ge [sflag:s20], $0x1400  }
0x38: {  	[sflag:s20] =	ssyncset.done $0x0  }
0x39: {  	[sflag:s20] =	ssyncadd.s32 $0xFFFFEC00  }
0x3a: {  	[tilespmem:s21], [sflag:$0x5] =	stream.linear.gather [hbm4b:s10+s3], $0x1400, $0x38;
	[tilespmem:$0x1E800] =	vst v63  }
0x3b: {  	_ =	swait.ge [sflag:s20], $0x1400  }
0x3c: {  	[sflag:s20] =	ssyncset.done $0x0  }
0x3d: {  	[sflag:s20] =	ssyncadd.s32 $0xFFFFEC00  }
0x3e: {  	[tilespmem:s23], [sflag:$0x1] =	stream.indirect.gather [hbm4b:s4+s22], $0x80, s3, s22, $0xb8;
	[tilespmem:$0x1E800] =	vst v63  }
0x3f: {  	_ =	swait.ge [sflag:s24], $0x4000  }
0x40: {  	[sflag:s24] =	ssyncset.done $0x0  }
0x41: {  	[sflag:s24] =	ssyncadd.s32 $0xFFFFC000  }
0x42: {  	[spmem:s2] =	stream.indirect.scatter.add.f32 [tilespmem:s23], [sflag:$0x3], $0x80, s21, s22, $0xb8;
	[tilespmem:$0x1E800] =	vst v63  }
0x43: {  	_ = 	snop  }
0x44: {  	[tilespmem:s25], [sflag:$0x2] =	stream.indirect.gather [hbm4b:s4+s22], $0x80, s22, s22, $0xb8;
	[tilespmem:$0x1E800] =	vst v63  }
0x45: {  	_ =	swait.ge [sflag:s26], $0x4000  }
0x46: {  	[sflag:s26] =	ssyncset.done $0x0  }
0x47: {  	[sflag:s26] =	ssyncadd.s32 $0xFFFFC000  }
0x48: {  	[spmem:s2] =	stream.indirect.scatter.add.f32 [tilespmem:s25], [sflag:$0x4], $0x80, s28, s22, $0xb8;
	[tilespmem:$0x1E800] =	vst v63  }
0x49: {  	_ =	swait.ge [sflag:s29], $0x4000  }
0x4a: {  	[sflag:s29] =	ssyncset.done $0x0  }
0x4b: {  	s7 =	simm.s32 $0xFFFFB800;
	[sflag:s29] =	ssyncadd.s32 $0xFFFFC000  }
0x4c: {  	[tilespmem:s23], [sflag:$0x1] =	stream.indirect.gather [hbm4b:s4+s22], $0x80, s30, s22, $0xb8;
	[tilespmem:$0x1E800] =	vst v63  }
.LBB2_2:
0x4d: {  	_ =	swait.ge [sflag:s24], $0x4000  }
0x4e: {  	s8 =	sshra.s32 s7, $0x2;
	[sflag:s24] =	ssyncset.done $0x0  }
0x4f: {  	s9 =	sadd.s32 $0x2700, s8;
	[sflag:s24] =	ssyncadd.s32 $0xFFFFC000  }
0x50: {  	[spmem:s2] =	stream.indirect.scatter.add.f32 [tilespmem:s23], [sflag:$0x3], $0x80, s9, s22, $0xb8;
	[tilespmem:$0x1E800] =	vst v63  }
0x51: {  	_ =	swait.ge [sflag:s31], $0x4000  }
0x52: {  	[sflag:s31] =	ssyncset.done $0x0  }
0x53: {  	s9 =	sadd.s32 $0x1380, s8;
	[sflag:s31] =	ssyncadd.s32 $0xFFFFC000  }
0x54: {  	[tilespmem:s25], [sflag:$0x2] =	stream.indirect.gather [hbm4b:s4+s22], $0x80, s9, s22, $0xb8;
	[tilespmem:$0x1E800] =	vst v63  }
0x55: {  	_ =	swait.ge [sflag:s26], $0x4000  }
0x56: {  	p1 =	seq.s32 s7, $0x0;
	[sflag:s26] =	ssyncset.done $0x0  }
.Ltmp2:
0x57: {  	s9 =	sadd.s32 $0x2780, s8;
	[sflag:s26] =	ssyncadd.s32 $0xFFFFC000;
	(pc) =	sbr.rel @p1 .LBB2_4-.Ltmp2, $4  }
0x58: {  	[spmem:s2] =	stream.indirect.scatter.add.f32 [tilespmem:s25], [sflag:$0x4], $0x80, s9, s22, $0xb8;
	[tilespmem:$0x1E800] =	vst v63  }
0x59: {  	_ =	swait.ge [sflag:s29], $0x4000  }
0x5a: {  	[sflag:s29] =	ssyncset.done $0x0  }
0x5b: {  	[sflag:s29] =	ssyncadd.s32 $0xFFFFC000  }
.Ltmp3:
0x5c: {  	(pc) =	sbr.rel .LBB2_2-.Ltmp3, $3  }
0x5d: {  	_ =	sdelay $0x1  }
0x5e: {  	s8 =	sadd.s32 $0x1400, s8;
	s7 =	sadd.s32 $0x400, s7  }
0x5f: {  	[tilespmem:s23], [sflag:$0x1] =	stream.indirect.gather [hbm4b:s4+s22], $0x80, s8, s22, $0xb8;
	[tilespmem:$0x1E800] =	vst v63  }
.LBB2_4:
0x60: {  	_ =	swait.ge [sflag:s31], $0x4000  }
0x61: {  	[sflag:s31] =	ssyncset.done $0x0  }
0x62: {  	[sflag:s31] =	ssyncadd.s32 $0xFFFFC000  }
0x63: {  	[tilespmem:s3], [sflag:$0x5] =	stream.linear.gather [hbm4b:s11+s3], $0x1400, $0x38;
	[tilespmem:$0x1E800] =	vst v63  }
0x64: {  	_ =	swait.ge [sflag:s20], $0x1400  }
0x65: {  	[sflag:s20] =	ssyncset.done $0x0  }
0x66: {  	[sflag:s20] =	ssyncadd.s32 $0xFFFFEC00  }
0x67: {  	[tilespmem:s21], [sflag:$0x5] =	stream.linear.gather [hbm4b:s12+s3], $0x1400, $0x38;
	[tilespmem:$0x1E800] =	vst v63  }
0x68: {  	_ =	swait.ge [sflag:s20], $0x1400  }
0x69: {  	[sflag:s20] =	ssyncset.done $0x0  }
0x6a: {  	[sflag:s20] =	ssyncadd.s32 $0xFFFFEC00  }
0x6b: {  	[tilespmem:s23], [sflag:$0x1] =	stream.indirect.gather [hbm4b:s4+s22], $0x80, s3, s22, $0xb8;
	[tilespmem:$0x1E800] =	vst v63  }
0x6c: {  	_ =	swait.ge [sflag:s24], $0x4000  }
0x6d: {  	[sflag:s24] =	ssyncset.done $0x0  }
0x6e: {  	[sflag:s24] =	ssyncadd.s32 $0xFFFFC000  }
0x6f: {  	[spmem:s2] =	stream.indirect.scatter.add.f32 [tilespmem:s23], [sflag:$0x3], $0x80, s21, s22, $0xb8;
	[tilespmem:$0x1E800] =	vst v63  }
0x70: {  	_ = 	snop  }
0x71: {  	[tilespmem:s25], [sflag:$0x2] =	stream.indirect.gather [hbm4b:s4+s22], $0x80, s22, s22, $0xb8;
	[tilespmem:$0x1E800] =	vst v63  }
0x72: {  	_ =	swait.ge [sflag:s26], $0x4000  }
0x73: {  	[sflag:s26] =	ssyncset.done $0x0  }
0x74: {  	[sflag:s26] =	ssyncadd.s32 $0xFFFFC000  }
0x75: {  	[spmem:s2] =	stream.indirect.scatter.add.f32 [tilespmem:s25], [sflag:$0x4], $0x80, s28, s22, $0xb8;
	[tilespmem:$0x1E800] =	vst v63  }
0x76: {  	_ =	swait.ge [sflag:s29], $0x4000  }
0x77: {  	[sflag:s29] =	ssyncset.done $0x0  }
0x78: {  	s7 =	simm.s32 $0xFFFFB800;
	[sflag:s29] =	ssyncadd.s32 $0xFFFFC000  }
0x79: {  	[tilespmem:s23], [sflag:$0x1] =	stream.indirect.gather [hbm4b:s4+s22], $0x80, s30, s22, $0xb8;
	[tilespmem:$0x1E800] =	vst v63  }
.LBB2_5:
0x7a: {  	_ =	swait.ge [sflag:s24], $0x4000  }
0x7b: {  	s8 =	sshra.s32 s7, $0x2;
	[sflag:s24] =	ssyncset.done $0x0  }
0x7c: {  	s9 =	sadd.s32 $0x2700, s8;
	[sflag:s24] =	ssyncadd.s32 $0xFFFFC000  }
0x7d: {  	[spmem:s2] =	stream.indirect.scatter.add.f32 [tilespmem:s23], [sflag:$0x3], $0x80, s9, s22, $0xb8;
	[tilespmem:$0x1E800] =	vst v63  }
0x7e: {  	_ =	swait.ge [sflag:s31], $0x4000  }
0x7f: {  	[sflag:s31] =	ssyncset.done $0x0  }
0x80: {  	s9 =	sadd.s32 $0x1380, s8;
	[sflag:s31] =	ssyncadd.s32 $0xFFFFC000  }
0x81: {  	[tilespmem:s25], [sflag:$0x2] =	stream.indirect.gather [hbm4b:s4+s22], $0x80, s9, s22, $0xb8;
	[tilespmem:$0x1E800] =	vst v63  }
0x82: {  	_ =	swait.ge [sflag:s26], $0x4000  }
0x83: {  	p1 =	seq.s32 s7, $0x0;
	[sflag:s26] =	ssyncset.done $0x0  }
.Ltmp4:
0x84: {  	s9 =	sadd.s32 $0x2780, s8;
	[sflag:s26] =	ssyncadd.s32 $0xFFFFC000;
	(pc) =	sbr.rel @p1 .LBB2_7-.Ltmp4, $4  }
0x85: {  	[spmem:s2] =	stream.indirect.scatter.add.f32 [tilespmem:s25], [sflag:$0x4], $0x80, s9, s22, $0xb8;
	[tilespmem:$0x1E800] =	vst v63  }
0x86: {  	_ =	swait.ge [sflag:s29], $0x4000  }
0x87: {  	[sflag:s29] =	ssyncset.done $0x0  }
0x88: {  	[sflag:s29] =	ssyncadd.s32 $0xFFFFC000  }
.Ltmp5:
0x89: {  	(pc) =	sbr.rel .LBB2_5-.Ltmp5, $3  }
0x8a: {  	_ =	sdelay $0x1  }
0x8b: {  	s8 =	sadd.s32 $0x1400, s8;
	s7 =	sadd.s32 $0x400, s7  }
0x8c: {  	[tilespmem:s23], [sflag:$0x1] =	stream.indirect.gather [hbm4b:s4+s22], $0x80, s8, s22, $0xb8;
	[tilespmem:$0x1E800] =	vst v63  }
.LBB2_7:
0x8d: {  	_ =	swait.ge [sflag:s31], $0x4000  }
0x8e: {  	[sflag:s31] =	ssyncset.done $0x0  }
0x8f: {  	[sflag:s31] =	ssyncadd.s32 $0xFFFFC000  }
0x90: {  	[tilespmem:s3], [sflag:$0x5] =	stream.linear.gather [hbm4b:s13+s3], $0x1400, $0x38;
	[tilespmem:$0x1E800] =	vst v63  }
0x91: {  	_ =	swait.ge [sflag:s20], $0x1400  }
0x92: {  	[sflag:s20] =	ssyncset.done $0x0  }
0x93: {  	[sflag:s20] =	ssyncadd.s32 $0xFFFFEC00  }
0x94: {  	[tilespmem:s21], [sflag:$0x5] =	stream.linear.gather [hbm4b:s14+s3], $0x1400, $0x38;
	[tilespmem:$0x1E800] =	vst v63  }
0x95: {  	_ =	swait.ge [sflag:s20], $0x1400  }
0x96: {  	[sflag:s20] =	ssyncset.done $0x0  }
0x97: {  	[sflag:s20] =	ssyncadd.s32 $0xFFFFEC00  }
0x98: {  	[tilespmem:s23], [sflag:$0x1] =	stream.indirect.gather [hbm4b:s4+s22], $0x80, s3, s22, $0xb8;
	[tilespmem:$0x1E800] =	vst v63  }
0x99: {  	_ =	swait.ge [sflag:s24], $0x4000  }
0x9a: {  	[sflag:s24] =	ssyncset.done $0x0  }
0x9b: {  	[sflag:s24] =	ssyncadd.s32 $0xFFFFC000  }
0x9c: {  	[spmem:s2] =	stream.indirect.scatter.add.f32 [tilespmem:s23], [sflag:$0x3], $0x80, s21, s22, $0xb8;
	[tilespmem:$0x1E800] =	vst v63  }
0x9d: {  	_ = 	snop  }
0x9e: {  	[tilespmem:s25], [sflag:$0x2] =	stream.indirect.gather [hbm4b:s4+s22], $0x80, s22, s22, $0xb8;
	[tilespmem:$0x1E800] =	vst v63  }
0x9f: {  	_ =	swait.ge [sflag:s26], $0x4000  }
0xa0: {  	[sflag:s26] =	ssyncset.done $0x0  }
0xa1: {  	[sflag:s26] =	ssyncadd.s32 $0xFFFFC000  }
0xa2: {  	[spmem:s2] =	stream.indirect.scatter.add.f32 [tilespmem:s25], [sflag:$0x4], $0x80, s28, s22, $0xb8;
	[tilespmem:$0x1E800] =	vst v63  }
0xa3: {  	_ =	swait.ge [sflag:s29], $0x4000  }
0xa4: {  	[sflag:s29] =	ssyncset.done $0x0  }
0xa5: {  	s7 =	simm.s32 $0xFFFFB800;
	[sflag:s29] =	ssyncadd.s32 $0xFFFFC000  }
0xa6: {  	[tilespmem:s23], [sflag:$0x1] =	stream.indirect.gather [hbm4b:s4+s22], $0x80, s30, s22, $0xb8;
	[tilespmem:$0x1E800] =	vst v63  }
.LBB2_8:
0xa7: {  	_ =	swait.ge [sflag:s24], $0x4000  }
0xa8: {  	s8 =	sshra.s32 s7, $0x2;
	[sflag:s24] =	ssyncset.done $0x0  }
0xa9: {  	s9 =	sadd.s32 $0x2700, s8;
	[sflag:s24] =	ssyncadd.s32 $0xFFFFC000  }
0xaa: {  	[spmem:s2] =	stream.indirect.scatter.add.f32 [tilespmem:s23], [sflag:$0x3], $0x80, s9, s22, $0xb8;
	[tilespmem:$0x1E800] =	vst v63  }
0xab: {  	_ =	swait.ge [sflag:s31], $0x4000  }
0xac: {  	[sflag:s31] =	ssyncset.done $0x0  }
0xad: {  	s9 =	sadd.s32 $0x1380, s8;
	[sflag:s31] =	ssyncadd.s32 $0xFFFFC000  }
0xae: {  	[tilespmem:s25], [sflag:$0x2] =	stream.indirect.gather [hbm4b:s4+s22], $0x80, s9, s22, $0xb8;
	[tilespmem:$0x1E800] =	vst v63  }
0xaf: {  	_ =	swait.ge [sflag:s26], $0x4000  }
0xb0: {  	p1 =	seq.s32 s7, $0x0;
	[sflag:s26] =	ssyncset.done $0x0  }
.Ltmp6:
0xb1: {  	s9 =	sadd.s32 $0x2780, s8;
	[sflag:s26] =	ssyncadd.s32 $0xFFFFC000;
	(pc) =	sbr.rel @p1 .LBB2_10-.Ltmp6, $4  }
0xb2: {  	[spmem:s2] =	stream.indirect.scatter.add.f32 [tilespmem:s25], [sflag:$0x4], $0x80, s9, s22, $0xb8;
	[tilespmem:$0x1E800] =	vst v63  }
0xb3: {  	_ =	swait.ge [sflag:s29], $0x4000  }
0xb4: {  	[sflag:s29] =	ssyncset.done $0x0  }
0xb5: {  	[sflag:s29] =	ssyncadd.s32 $0xFFFFC000  }
.Ltmp7:
0xb6: {  	(pc) =	sbr.rel .LBB2_8-.Ltmp7, $3  }
0xb7: {  	_ =	sdelay $0x1  }
0xb8: {  	s8 =	sadd.s32 $0x1400, s8;
	s7 =	sadd.s32 $0x400, s7  }
0xb9: {  	[tilespmem:s23], [sflag:$0x1] =	stream.indirect.gather [hbm4b:s4+s22], $0x80, s8, s22, $0xb8;
	[tilespmem:$0x1E800] =	vst v63  }
.LBB2_10:
0xba: {  	_ =	swait.ge [sflag:s31], $0x4000  }
0xbb: {  	[sflag:s31] =	ssyncset.done $0x0  }
0xbc: {  	[sflag:s31] =	ssyncadd.s32 $0xFFFFC000  }
0xbd: {  	[tilespmem:s3], [sflag:$0x5] =	stream.linear.gather [hbm4b:s15+s3], $0x1400, $0x38;
	[tilespmem:$0x1E800] =	vst v63  }
0xbe: {  	_ =	swait.ge [sflag:s20], $0x1400  }
0xbf: {  	[sflag:s20] =	ssyncset.done $0x0  }
0xc0: {  	[sflag:s20] =	ssyncadd.s32 $0xFFFFEC00  }
0xc1: {  	[tilespmem:s21], [sflag:$0x5] =	stream.linear.gather [hbm4b:s16+s3], $0x1400, $0x38;
	[tilespmem:$0x1E800] =	vst v63  }
0xc2: {  	_ =	swait.ge [sflag:s20], $0x1400  }
0xc3: {  	[sflag:s20] =	ssyncset.done $0x0  }
0xc4: {  	[sflag:s20] =	ssyncadd.s32 $0xFFFFEC00  }
0xc5: {  	[tilespmem:s23], [sflag:$0x1] =	stream.indirect.gather [hbm4b:s4+s22], $0x80, s3, s22, $0xb8;
	[tilespmem:$0x1E800] =	vst v63  }
0xc6: {  	_ =	swait.ge [sflag:s24], $0x4000  }
0xc7: {  	[sflag:s24] =	ssyncset.done $0x0  }
0xc8: {  	[sflag:s24] =	ssyncadd.s32 $0xFFFFC000  }
0xc9: {  	[spmem:s2] =	stream.indirect.scatter.add.f32 [tilespmem:s23], [sflag:$0x3], $0x80, s21, s22, $0xb8;
	[tilespmem:$0x1E800] =	vst v63  }
0xca: {  	_ = 	snop  }
0xcb: {  	[tilespmem:s25], [sflag:$0x2] =	stream.indirect.gather [hbm4b:s4+s22], $0x80, s22, s22, $0xb8;
	[tilespmem:$0x1E800] =	vst v63  }
0xcc: {  	_ =	swait.ge [sflag:s26], $0x4000  }
0xcd: {  	[sflag:s26] =	ssyncset.done $0x0  }
0xce: {  	[sflag:s26] =	ssyncadd.s32 $0xFFFFC000  }
0xcf: {  	[spmem:s2] =	stream.indirect.scatter.add.f32 [tilespmem:s25], [sflag:$0x4], $0x80, s28, s22, $0xb8;
	[tilespmem:$0x1E800] =	vst v63  }
0xd0: {  	_ =	swait.ge [sflag:s29], $0x4000  }
0xd1: {  	[sflag:s29] =	ssyncset.done $0x0  }
0xd2: {  	s7 =	simm.s32 $0xFFFFB800;
	[sflag:s29] =	ssyncadd.s32 $0xFFFFC000  }
0xd3: {  	[tilespmem:s23], [sflag:$0x1] =	stream.indirect.gather [hbm4b:s4+s22], $0x80, s30, s22, $0xb8;
	[tilespmem:$0x1E800] =	vst v63  }
.LBB2_11:
0xd4: {  	_ =	swait.ge [sflag:s24], $0x4000  }
0xd5: {  	s8 =	sshra.s32 s7, $0x2;
	[sflag:s24] =	ssyncset.done $0x0  }
0xd6: {  	s9 =	sadd.s32 $0x2700, s8;
	[sflag:s24] =	ssyncadd.s32 $0xFFFFC000  }
0xd7: {  	[spmem:s2] =	stream.indirect.scatter.add.f32 [tilespmem:s23], [sflag:$0x3], $0x80, s9, s22, $0xb8;
	[tilespmem:$0x1E800] =	vst v63  }
0xd8: {  	_ =	swait.ge [sflag:s31], $0x4000  }
0xd9: {  	[sflag:s31] =	ssyncset.done $0x0  }
0xda: {  	s9 =	sadd.s32 $0x1380, s8;
	[sflag:s31] =	ssyncadd.s32 $0xFFFFC000  }
0xdb: {  	[tilespmem:s25], [sflag:$0x2] =	stream.indirect.gather [hbm4b:s4+s22], $0x80, s9, s22, $0xb8;
	[tilespmem:$0x1E800] =	vst v63  }
0xdc: {  	_ =	swait.ge [sflag:s26], $0x4000  }
0xdd: {  	p1 =	seq.s32 s7, $0x0;
	[sflag:s26] =	ssyncset.done $0x0  }
.Ltmp8:
0xde: {  	s9 =	sadd.s32 $0x2780, s8;
	[sflag:s26] =	ssyncadd.s32 $0xFFFFC000;
	(pc) =	sbr.rel @p1 .LBB2_13-.Ltmp8, $4  }
0xdf: {  	[spmem:s2] =	stream.indirect.scatter.add.f32 [tilespmem:s25], [sflag:$0x4], $0x80, s9, s22, $0xb8;
	[tilespmem:$0x1E800] =	vst v63  }
0xe0: {  	_ =	swait.ge [sflag:s29], $0x4000  }
0xe1: {  	[sflag:s29] =	ssyncset.done $0x0  }
0xe2: {  	[sflag:s29] =	ssyncadd.s32 $0xFFFFC000  }
.Ltmp9:
0xe3: {  	(pc) =	sbr.rel .LBB2_11-.Ltmp9, $3  }
0xe4: {  	_ =	sdelay $0x1  }
0xe5: {  	s8 =	sadd.s32 $0x1400, s8;
	s7 =	sadd.s32 $0x400, s7  }
0xe6: {  	[tilespmem:s23], [sflag:$0x1] =	stream.indirect.gather [hbm4b:s4+s22], $0x80, s8, s22, $0xb8;
	[tilespmem:$0x1E800] =	vst v63  }
.LBB2_14:
0xe7: {  	_ =	sfence.sel $0x180000  }
0xe8: {  	[bflag:$0x0] =	sbarrier.arrive $0xFFFF  }
0xe9: {  	_ =	strace $0x9000004D  }
0xea: {  	s0 =	stileid.u32;
	[bflag:$0x2] =	sbarrier.arrive $0xFFFF  }
0xeb: {  	p0 =	sne.s32 s0, $0x0;
	s0 =	rddreg [dreg:$0x2]  }
0xec: {  	s0 =	sadd.s32 @!p0 $0x100000, s0  }
0xed: {  	[sflag:s0] =	ssyncadd.tile.s32 @!p0 $0x1;
	_ =	shalt  }
.Lfunc_end2:
_tile_overlayer_lowered:
.L_overlay_start_2:
0xee: {  	(tag) =	ssettag $0x2  }
0xef: {  	s0 =	rddreg [dreg:$0x0];
	s2 =	stileid.u32  }
0xf0: {  	s1 =	rddreg [dreg:$0x1];
	p0 =	sne.s32 s2, $0x0  }
0xf1: {  	s3 =	rddreg [dreg:$0x2];
	[bflag:$0x3] =	sbarrier.arrive $0xFFFF;
	s2 =	simm.s32 @!p0 $0x1C05  }
0xf2: {  	[timem:s3], [sflag:s2] =	dma.local @!p0 [hbm:s0], s1  }
0xf3: {  	s0 =	simm.s32 @!p0 $0x5  }
0xf4: {  	_ =	swait.ge @!p0 [sflag:s0], s1  }
0xf5: {  	s1 =	ssub.s32 @!p0 $0x0, s1;
	[sflag:s0] =	ssyncset.done @!p0 $0x0  }
0xf6: {  	[sflag:s0] =	ssyncadd.s32 @!p0 s1  }
0xf7: {  	[bflag:$0x3] =	sbarrier.arrive $0xFFFF  }
0xf8: {  	_ =	shalt  }

// kernel: kernel.9.cloned.1.call-start
scs
__scs_entry_jumppad:
0x0: {  	(pc) =	sbr.rel $0x88, $3  }
0x1: {  	(tag) =	ssettag $0x0;
	lr =	simm.s32 $0x1  }
0x2: {  	[smem:$0x3F66] =	sst lr;
	_ =	strace $0xD0000000  }
0x3: {  	_ = 	snop  }
0x4: {  	_ = 	snop  }
0x5: {  	_ = 	snop  }
0x6: {  	_ = 	snop  }
0x7: {  	_ = 	snop  }
__scs_overlays_trampoline_lowered:
0x8: {  	[smem:$0x3F75] =	sst s0  }
0x9: {  	[smem:$0x3F76] =	sst s1  }
0xa: {  	[smem:$0x3F77] =	sst s2  }
0xb: {  	[smem:$0x3F78] =	sst s3  }
0xc: {  	[smem:$0x3F79] =	sst s4  }
0xd: {  	[smem:$0x3F7A] =	sst s5  }
0xe: {  	[smem:$0x3F7B] =	sst s6  }
0xf: {  	[smem:$0x3F7C] =	sst s7  }
0x10: {  	[smem:$0x3F7D] =	sst s8  }
0x11: {  	[smem:$0x3F7E] =	sst s9;
	s0 =	simm.s32 @!p0 $0x0  }
0x12: {  	s1 =	sld [smem:$0x3F64];
	s0 =	simm.s32 @p0 $0x1  }
0x13: {  	[smem:$0x3F7F] =	sst s0;
	s0 =	simm.s32 @!p1 $0x0  }
0x14: {  	s2 =	sld [smem:$0x3F63];
	s0 =	simm.s32 @p1 $0x1  }
0x15: {  	[smem:$0x3F80] =	sst s0;
	s0 =	simm.s32 @!p2 $0x0  }
0x16: {  	s3 =	sld [smem:$0x3FDB];
	s0 =	simm.s32 @p2 $0x1  }
0x17: {  	s4 =	simm.s32 $0x1BF5;
	[smem:$0x3F82] =	sst s0  }
0x18: {  	s0 =	sld [smem:$0x3F65];
	_ =	swait.ge [sflag:s4], $0x0  }
0x19: {  	s7 =	sld [smem:$0x3F66]  }
0x1a: {  	s8 =	sadd.s32 $0xFFFFE003, lr  }
0x1b: {  	s9 =	sadd.s32 $0xFFFFFEF7, lr;
	s5 =	simm.s32 $0xFFFFFFFF;
	p2 =	slt.u32 s8, $0xFFFFF086  }
0x1c: {  	p1 =	slt.u32 s9, $0xF7A;
	s5 =	simm.s32 @!p2 $0x0  }
0x1d: {  	s5 =	simm.s32 @p1 $0x1;
	p0 =	seq.s32 s7, s2  }
0x1e: {  	s7 =	smul.u32 @!p0 $0xF7A, s2;
	p2 =	seq.s32 @!p0 s5, $0x0  }
0x1f: {  	s9 =	smul.u32 $0xF7A, s1;
	s8 =	simm.s32 @!p0 $0x1BF5;
	p2 =	por !p2, p0  }
0x20: {  	[sflag:s8] =	ssyncset.s32 @!p0 $0xFFFFF086;
	s6 =	sadd.s32 @!p0 s3, s7;
	s7 =	simm.s32 @!p0 $0x108  }
0x21: {  	s3 =	sadd.s32 s3, s9;
	s6 =	sadd.s32 @!p0 $0x88, s6;
	s7 =	simm.s32 @p2 $0x1082  }
0x22: {  	[simem:s7], [sflag:s8] =	dma.local @!p0 [hbm:s6], $0xF7A  }
0x23: {  	s9 =	sor.u32 $0xD0000000, s2;
	s6 =	simm.s32 $0x108;
	_ =	swait.ge @!p0 [sflag:s8], $0x0  }
0x24: {  	s3 =	sadd.s32 $0x88, s3;
	s6 =	simm.s32 @!p1 $0x1082;
	[sflag:s4] =	ssyncset.s32 $0xFFFFF086  }
0x25: {  	[simem:s6], [sflag:s4] =	dma.local [hbm:s3], $0xF7A  }
0x26: {  	[smem:$0x3F66] =	sst s1;
	(tag) =	ssettag s2;
	_ =	strace s9  }
0x27: {  	s1 =	sld [smem:$0x3F76]  }
0x28: {  	s2 =	sld [smem:$0x3F77]  }
0x29: {  	s4 =	sld [smem:$0x3F79]  }
0x2a: {  	p0 =	seq.s32 s5, $0x0;
	s5 =	sld [smem:$0x3F7A]  }
0x2b: {  	s6 =	sld [smem:$0x3F7B]  }
0x2c: {  	s7 =	sld [smem:$0x3F7C]  }
0x2d: {  	s3 =	simm.s32 $0x108;
	s8 =	sld [smem:$0x3F7D]  }
0x2e: {  	s3 =	simm.s32 @!p0 $0x1082;
	s9 =	sld [smem:$0x3F7E]  }
0x2f: {  	lr =	sadd.s32 s0, s3;
	s0 =	sld [smem:$0x3F75]  }
0x30: {  	s3 =	sld [smem:$0x3F78]  }
0x31: {  	[smem:$0x3F81] =	sst s10  }
0x32: {  	s10 =	sld [smem:$0x3F7F];
	_ =	sdelay $0x3  }
0x33: {  	p0 =	seq.s32 s10, $0x1;
	s10 =	sld [smem:$0x3F81];
	_ =	sdelay $0x3  }
0x34: {  	[smem:$0x3F81] =	sst s10  }
0x35: {  	s10 =	sld [smem:$0x3F80];
	_ =	sdelay $0x3  }
0x36: {  	p1 =	seq.s32 s10, $0x1;
	s10 =	sld [smem:$0x3F81];
	_ =	sdelay $0x3  }
0x37: {  	[smem:$0x3F81] =	sst s10  }
0x38: {  	s10 =	sld [smem:$0x3F82]  }
0x39: {  	_ = 	snop;
	(pc) =	sbr.ind lr, $3  }
0x3a: {  	_ = 	snop  }
0x3b: {  	_ = 	snop  }
0x3c: {  	p2 =	seq.s32 s10, $0x1;
	s10 =	sld [smem:$0x3F81]  }
0x3d: {  	_ =	shalt  }
0x3e: {  	_ =	shalt  }
0x3f: {  	_ =	shalt  }
0x40: {  	_ =	shalt  }
0x41: {  	_ =	shalt  }
0x42: {  	_ =	shalt  }
0x43: {  	_ =	shalt  }
0x44: {  	_ =	shalt  }
0x45: {  	_ =	shalt  }
0x46: {  	_ =	shalt  }
0x47: {  	_ =	shalt  }
0x48: {  	_ =	shalt  }
0x49: {  	_ =	shalt  }
0x4a: {  	_ =	shalt  }
0x4b: {  	_ =	shalt  }
0x4c: {  	_ =	shalt  }
0x4d: {  	_ =	shalt  }
0x4e: {  	_ =	shalt  }
0x4f: {  	_ =	shalt  }
0x50: {  	_ =	shalt  }
0x51: {  	_ =	shalt  }
0x52: {  	_ =	shalt  }
0x53: {  	_ =	shalt  }
0x54: {  	_ =	shalt  }
0x55: {  	_ =	shalt  }
0x56: {  	_ =	shalt  }
0x57: {  	_ =	shalt  }
0x58: {  	_ =	shalt  }
0x59: {  	_ =	shalt  }
0x5a: {  	_ =	shalt  }
0x5b: {  	_ =	shalt  }
0x5c: {  	_ =	shalt  }
0x5d: {  	_ =	shalt  }
0x5e: {  	_ =	shalt  }
0x5f: {  	_ =	shalt  }
0x60: {  	_ =	shalt  }
0x61: {  	_ =	shalt  }
0x62: {  	_ =	shalt  }
0x63: {  	_ =	shalt  }
0x64: {  	_ =	shalt  }
0x65: {  	_ =	shalt  }
0x66: {  	_ =	shalt  }
0x67: {  	_ =	shalt  }
0x68: {  	_ =	shalt  }
0x69: {  	_ =	shalt  }
0x6a: {  	_ =	shalt  }
0x6b: {  	_ =	shalt  }
0x6c: {  	_ =	shalt  }
0x6d: {  	_ =	shalt  }
0x6e: {  	_ =	shalt  }
0x6f: {  	_ =	shalt  }
0x70: {  	_ =	shalt  }
0x71: {  	_ =	shalt  }
0x72: {  	_ =	shalt  }
0x73: {  	_ =	shalt  }
0x74: {  	_ =	shalt  }
0x75: {  	_ =	shalt  }
0x76: {  	_ =	shalt  }
0x77: {  	_ =	shalt  }
0x78: {  	_ =	shalt  }
0x79: {  	_ =	shalt  }
0x7a: {  	_ =	shalt  }
0x7b: {  	_ =	shalt  }
0x7c: {  	_ =	shalt  }
0x7d: {  	_ =	shalt  }
0x7e: {  	_ =	shalt  }
0x7f: {  	_ =	shalt  }
0x80: {  	_ =	shalt  }
0x81: {  	_ =	shalt  }
0x82: {  	_ =	shalt  }
0x83: {  	_ =	shalt  }
0x84: {  	_ =	shalt  }
0x85: {  	_ =	shalt  }
0x86: {  	_ =	shalt  }
0x87: {  	_ =	shalt  }
.Lfunc_end0:
.L_simem_size_0:
called_computation_lowered:
.L_overlay_start_0:
0x88: {  	s2 =	sld [smem:$0x3FD9]  }
0x89: {  	s3 =	sld [smem:$0x3FFE];
	_ =	sdelay $0x1  }
0x8a: {  	s1 =	srdreg.scid  }
0x8b: {  	s0 =	sand.u32 $0x1, s1  }
0x8c: {  	s17 =	sshll.u32 s0, $0xA;
	s2 =	sadd.s32 s3, s2  }
0x8d: {  	s2 =	sadd.s32 s2, s17  }
0x8e: {  	[smem:$0x3F8D] =	sst s2  }
0x8f: {  	_ = 	snop  }
0x90: {  	s2 =	sld [smem:$0x3FC5];
	(tm) =	ssettm $0x1  }
0x91: {  	s18 =	sld [smem:$0x3FFB];
	_ =	sdelay $0x3  }
0x92: {  	_ =	strace s18  }
0x93: {  	s3 =	sld [smem:$0x3FFC];
	_ =	sdelay $0x3  }
0x94: {  	_ =	strace s3  }
0x95: {  	s3 =	sld [smem:$0x3FFD];
	_ =	sdelay $0x3  }
0x96: {  	_ =	strace s3  }
0x97: {  	_ =	strace $0x8FFFFFFF  }
0x98: {  	s19 =	sld [smem:$0x3FDB];
	_ =	sdelay $0x1  }
0x99: {  	s4 =	simm.s32 $_scs_section_size  }
0x9a: {  	s5 =	simm.s32 $_size__tile_overlayer_lowered;
	s6 =	simm.s32 $_tile_overlayer_lowered  }
0x9b: {  	s22 =	simm.s32 $0x1BFF;
	s21 =	sshll.u32 s6, $0x1;
	s3 =	sadd.s32 s4, s19  }
0x9c: {  	s7 =	simm.s32 $0x0;
	s20 =	sshll.u32 s5, $0x1;
	s5 =	sadd.s32 s21, s3  }
0x9d: {  	[timem:s7], [sflag:s22] =	dma.local [hbm:s5], s20  }
0x9e: {  	_ =	swait.ge [sflag:s22], s20  }
0x9f: {  	s4 =	ssub.s32 $0x0, s20;
	[sflag:s22] =	ssyncset.done $0x0  }
0xa0: {  	[sflag:s22] =	ssyncadd.s32 s4;
	_ =	sdelay $0x1  }
0xa1: {  	s23 =	simm.s32 $0x1B8B  }
0xa2: {  	_ =	swait.ge [sflag:s23], $0x1  }
0xa3: {  	[sflag:s23] =	ssyncset.done $0x0  }
0xa4: {  	s25 =	simm.s32 $0x1B8E;
	s24 =	sld [smem:$0x3FFE];
	[sflag:s23] =	ssyncadd.s32 $0xFFFFFFFF  }
0xa5: {  	s26 =	simm.s32 $execute0_lowered;
	[smem:$0x3FD2] =	sst s25  }
0xa6: {  	s5 =	sshll.u32 s26, $0x1;
	_ =	strace $0x80000046;
	[dreg:$0x1] =	wrdreg $0xFFFFFFFF  }
0xa7: {  	s28 =	simm.s32 $_size_execute0_lowered;
	s3 =	sadd.s32 s3, s5;
	[dreg:$0x0] =	wrdreg $0x0  }
0xa8: {  	s5 =	sshll.u32 s28, $0x1;
	[dreg:$0x2] =	wrdreg s3  }
0xa9: {  	[dreg:$0x3] =	wrdreg s5  }
0xaa: {  	[dreg:$0x4] =	wrdreg $0xC0  }
0xab: {  	_ =	task [dreg:s7], $0x5FFFF  }
0xac: {  	[dreg:$0x1] =	wrdreg $0xFFFFFFFF  }
0xad: {  	[dreg:$0x0] =	wrdreg $0x60  }
0xae: {  	[dreg:$0x2] =	wrdreg s2  }
0xaf: {  	[dreg:$0x3] =	wrdreg s24  }
0xb0: {  	[dreg:$0x4] =	wrdreg $0x7F000  }
0xb1: {  	[dreg:$0x5] =	wrdreg $0x9  }
0xb2: {  	_ =	task.clear_ibuf [dreg:s7], $0x6FFFF;
	_ =	strace $0x90000046  }
0xb3: {  	s29 =	simm.s32 $0x9;
	_ =	strace $0x80000048  }
0xb4: {  	_ =	swait.ge [sflag:s29], $0x1  }
0xb5: {  	[sflag:s29] =	ssyncadd.s32 $0xFFFFFFFF  }
0xb6: {  	_ =	strace $0x90000048  }
0xb7: {  	_ =	sfence  }
0xb8: {  	s30 =	sld [smem:$0x0];
	_ =	sdelay $0x2  }
0xb9: {  	s31 =	sshll.u32 s1, $0xD;
	s1 =	sshrl.u32 s1, $0x2  }
0xba: {  	s3 =	sand.u32 $0x4000, s31;
	s1 =	sadd.s32 s1, s30  }
0xbb: {  	s0 =	sor.u32 s3, s0;
	s1 =	sshll.u32 s1, $0x11  }
0xbc: {  	s0 =	sor.u32 s1, s0  }
0xbd: {  	s0 =	sadd.s32 $0x8F2B, s0  }
0xbe: {  	[sflag:s0] =	ssyncadd.remote.s32 $0x1  }
0xbf: {  	_ =	sfence.sel $0xFFFF  }
0xc0: {  	[dreg:$0x0] =	wrdreg $0xFFFFFFFF;
	(pc) =	sbr.abs _section_cstart, $3  }
0xc1: {  	[dreg:$0x1] =	wrdreg $0xFFFFFFFF  }
0xc2: {  	_ =	task.clear_ibuf [dreg:s7], $0x2FFFF;
	_ =	strace $0x9FFFFFFF  }
0xc3: {  	(tm) =	ssettm $0x7FFFFFFF  }
tec
execute0_lowered:
.L_overlay_start_1:
0x0: {  	(tag) =	ssettag $0x1  }
0x1: {  	s1 =	rddreg [dreg:$0x0]  }
0x2: {  	s2 =	rddreg [dreg:$0x1];
	s0 =	stileid.u32  }
0x3: {  	s4 =	srdreg.scid;
	s3 =	rddreg [dreg:$0x2]  }
0x4: {  	s20 =	simm.s32 $0x50;
	s21 =	simm.s32 $0x400;
	s22 =	simm.s32 $0x3  }
0x5: {  	s23 =	simm.s32 $0x80;
	s29 =	simm.s32 $0x7C00;
	s30 =	simm.s32 $0x1  }
0x6: {  	s5 =	sand.u32 $0x1, s4;
	s6 =	smul.u32 $0xA00, s0;
	s4 =	simm.s32 $0x0  }
0x7: {  	s8 =	smul.u32 $0x500, s0;
	s9 =	sshll.u32 s0, $0x7;
	s31 =	sshll.u32 s0, $0x3  }
0x8: {  	s13 =	smul.u32 $0x2800, s0;
	s18 =	sshllo.u32 s0, $0x3;
	p0 =	seq.s32 s0, $0xF  }
0x9: {  	s7 =	smul.u32 $0xA000, s5;
	[smem:$0x7FF] =	sst s4;
	s10 =	sshll.u32 s5, $0x7  }
0xa: {  	s11 =	smul.u32 $0x27100, s5;
	s9 =	sadd.s32 s9, s2;
	s25 =	ssub.s32 $0x2, s5  }
0xb: {  	s12 =	sshll.u32 s5, $0xB;
	s19 =	smul.u32 $0x500, s18;
	p2 =	sgt.u32 @!p0 s18, $0x7C  }
0xc: {  	s18 =	simm.s32 $0x0;
	_ =	strace $0x80000047;
	s8 =	sor.u32 s10, s8  }
0xd: {  	s26 =	sshrl.u32 s25, $0x1;
	s28 =	sadd.s32 s12, s9;
	p2 =	por p2, p0  }
0xe: {  	s7 =	sadd.s32 s6, s7;
	s8 =	sshrl.u32 s8, $0x3;
	s24 =	sadd.s32 s11, s2  }
0xf: {  	s6 =	sshrl.u32 s6, $0x2;
	s11 =	ssub.s32 s25, s26;
	s7 =	sadd.s32 s7, s2  }
0x10: {  	s2 =	sadd.s32 s8, s2;
	s5 =	sadd.s32 s6, s3;
	s6 =	sadd.s32 $0x8600, s28  }
0x11: {  	s17 =	sadd.s32 $0x32000, s24;
	s9 =	smax.u32 s11, $0x1;
	s7 =	sadd.s32 $0x1D600, s7  }
0x12: {  	s8 =	sadd.s32 $0x31600, s2;
	s10 =	sadd.s32 s17, s13;
	s2 =	sor.u32 $0x6, s31  }
0x13: {  	s11 =	sadd.s32 $0x500, s10;
	s16 =	smul.u32 $0x500, s2;
	s12 =	sadd.s32 $0xA00, s10  }
0x14: {  	s13 =	sadd.s32 $0xF00, s10;
	s14 =	sadd.s32 $0x1400, s10;
	p1 =	sgt.u32 @!p0 s2, $0x7C  }
0x15: {  	s15 =	sadd.s32 $0x1900, s10;
	s2 =	simm.s32 $0x10;
	p1 =	por p1, p0  }
0x16: {  	v0 =	vimm.f32 $0.0e+00;
	v1 =	vimm.f32 $1.000000000e+00;
	s16 =	sadd.s32 s17, s16;
	s17 =	sadd.s32 s17, s19;
	s19 =	simm.s32 $0x2  }
.LBB2_1:
0x17: {  	[tilespmem:$0x7C80] =	vst v0  }
0x18: {  	[tilespmem:$0x7C90] =	vst v0  }
0x19: {  	[tilespmem:$0x7CA0] =	vst v0  }
0x1a: {  	[tilespmem:$0x7CB0] =	vst v0  }
0x1b: {  	[tilespmem:$0x7CC0] =	vst v0  }
0x1c: {  	[tilespmem:$0x7CD0] =	vst v0  }
0x1d: {  	[tilespmem:$0x7CE0] =	vst v0  }
0x1e: {  	[tilespmem:$0x7CF0] =	vst v0  }
0x1f: {  	[tilespmem:$0x7D00] =	vst v0  }
0x20: {  	[tilespmem:$0x7D10] =	vst v0  }
0x21: {  	[tilespmem:$0x7D20] =	vst v0  }
0x22: {  	[tilespmem:$0x7D30] =	vst v0  }
0x23: {  	[tilespmem:$0x7D40] =	vst v0  }
0x24: {  	[tilespmem:$0x7D50] =	vst v0  }
0x25: {  	[tilespmem:$0x7D60] =	vst v0  }
0x26: {  	[tilespmem:$0x7D70] =	vst v0  }
0x27: {  	[tilespmem:$0x7D80] =	vst v0  }
0x28: {  	[tilespmem:$0x7D90] =	vst v0  }
0x29: {  	[tilespmem:$0x7DA0] =	vst v0  }
0x2a: {  	[tilespmem:$0x7DB0] =	vst v0  }
0x2b: {  	[tilespmem:$0x7DC0] =	vst v0  }
0x2c: {  	[tilespmem:$0x7DD0] =	vst v0  }
0x2d: {  	[tilespmem:$0x7DE0] =	vst v0  }
0x2e: {  	[tilespmem:$0x7DF0] =	vst v0  }
0x2f: {  	[tilespmem:$0x7E00] =	vst v0  }
0x30: {  	[tilespmem:$0x7E10] =	vst v0  }
0x31: {  	[tilespmem:$0x7E20] =	vst v0  }
0x32: {  	[tilespmem:$0x7E30] =	vst v0  }
0x33: {  	[tilespmem:$0x7E40] =	vst v0  }
0x34: {  	[tilespmem:$0x7E50] =	vst v0  }
0x35: {  	[tilespmem:$0x7E60] =	vst v0  }
0x36: {  	[tilespmem:$0x7E70] =	vst v0  }
0x37: {  	[tilespmem:$0x7E80] =	vst v0  }
0x38: {  	[tilespmem:$0x7E90] =	vst v0  }
0x39: {  	[tilespmem:$0x7EA0] =	vst v0  }
0x3a: {  	[tilespmem:$0x7EB0] =	vst v0  }
0x3b: {  	[tilespmem:$0x7EC0] =	vst v0  }
0x3c: {  	[tilespmem:$0x7ED0] =	vst v0  }
0x3d: {  	[tilespmem:$0x7EE0] =	vst v0  }
0x3e: {  	[tilespmem:$0x7EF0] =	vst v0  }
0x3f: {  	[tilespmem:$0x7C00] =	vst v1  }
0x40: {  	[tilespmem:$0x7C10] =	vst v1  }
0x41: {  	[tilespmem:$0x7C20] =	vst v1  }
0x42: {  	[tilespmem:$0x7C30] =	vst v1  }
0x43: {  	[tilespmem:$0x7C40] =	vst v1  }
0x44: {  	[tilespmem:$0x7C50] =	vst v1  }
0x45: {  	[tilespmem:$0x7C60] =	vst v1  }
0x46: {  	[tilespmem:$0x7C70] =	vst v1;
	s24 =	simm.s32 $0x7C80  }
0x47: {  	[spmem:s5] =	stream.linear.scatter [tilespmem:s24], [sflag:$0x2], $0x280, $0x38;
	[tilespmem:$0x8180] =	vst v63  }
0x48: {  	_ =	swait.ge [sflag:s19], $0x280  }
0x49: {  	[sflag:s19] =	ssyncset.done $0x0  }
0x4a: {  	[sflag:s19] =	ssyncadd.s32 $0xFFFFFD80  }
0x4b: {  	[bflag:$0x0] =	sbarrier.arrive $0xFFFF  }
0x4c: {  	[tilespmem:s4], [sflag:$0x2] =	stream.linear.gather [hbm4b:s6+s4], $0x400, $0x38;
	[tilespmem:$0x8180] =	vst v63  }
0x4d: {  	_ =	swait.ge [sflag:s19], $0x400  }
0x4e: {  	[sflag:s19] =	ssyncset.done $0x0  }
0x4f: {  	[sflag:s19] =	ssyncadd.s32 $0xFFFFFC00  }
0x50: {  	[tilespmem:s21], [sflag:$0x3] =	stream.indirect.gather [hbm4b:s1+s20], $0x80, s4, s20, $0xb8;
	[tilespmem:$0x8180] =	vst v63  }
0x51: {  	_ =	swait.ge [sflag:s22], $0x2800  }
0x52: {  	[sflag:s22] =	ssyncset.done $0x0  }
0x53: {  	[sflag:s22] =	ssyncadd.s32 $0xFFFFD800  }
0x54: {  	[hbm4b:s10+s4] =	stream.linear.scatter [tilespmem:s21], [sflag:$0x2], $0x2800, $0x38;
	[tilespmem:$0x8180] =	vst v63  }
0x55: {  	_ =	swait.ge [sflag:s19], $0x2800  }
0x56: {  	[sflag:s19] =	ssyncset.done $0x0  }
0x57: {  	[sflag:s19] =	ssyncadd.s32 $0xFFFFD800  }
0x58: {  	[tilespmem:s21], [sflag:$0x3] =	stream.indirect.gather [hbm4b:s1+s20], $0x80, s23, s20, $0xb8;
	[tilespmem:$0x8180] =	vst v63  }
0x59: {  	_ =	swait.ge [sflag:s22], $0x2800  }
0x5a: {  	[sflag:s22] =	ssyncset.done $0x0  }
0x5b: {  	[sflag:s22] =	ssyncadd.s32 $0xFFFFD800  }
0x5c: {  	[hbm4b:s11+s4] =	stream.linear.scatter [tilespmem:s21], [sflag:$0x2], $0x2800, $0x38;
	[tilespmem:$0x8180] =	vst v63  }
0x5d: {  	_ =	swait.ge [sflag:s19], $0x2800  }
0x5e: {  	[sflag:s19] =	ssyncset.done $0x0  }
0x5f: {  	s25 =	simm.s32 $0x100;
	[sflag:s19] =	ssyncadd.s32 $0xFFFFD800  }
0x60: {  	[tilespmem:s21], [sflag:$0x3] =	stream.indirect.gather [hbm4b:s1+s20], $0x80, s25, s20, $0xb8;
	[tilespmem:$0x8180] =	vst v63  }
0x61: {  	_ =	swait.ge [sflag:s22], $0x2800  }
0x62: {  	[sflag:s22] =	ssyncset.done $0x0  }
0x63: {  	[sflag:s22] =	ssyncadd.s32 $0xFFFFD800  }
0x64: {  	[hbm4b:s12+s4] =	stream.linear.scatter [tilespmem:s21], [sflag:$0x2], $0x2800, $0x38;
	[tilespmem:$0x8180] =	vst v63  }
0x65: {  	_ =	swait.ge [sflag:s19], $0x2800  }
0x66: {  	[sflag:s19] =	ssyncset.done $0x0  }
0x67: {  	s26 =	simm.s32 $0x180;
	[sflag:s19] =	ssyncadd.s32 $0xFFFFD800  }
0x68: {  	[tilespmem:s21], [sflag:$0x3] =	stream.indirect.gather [hbm4b:s1+s20], $0x80, s26, s20, $0xb8;
	[tilespmem:$0x8180] =	vst v63  }
0x69: {  	_ =	swait.ge [sflag:s22], $0x2800  }
0x6a: {  	[sflag:s22] =	ssyncset.done $0x0  }
0x6b: {  	[sflag:s22] =	ssyncadd.s32 $0xFFFFD800  }
0x6c: {  	[hbm4b:s13+s4] =	stream.linear.scatter [tilespmem:s21], [sflag:$0x2], $0x2800, $0x38;
	[tilespmem:$0x8180] =	vst v63  }
0x6d: {  	_ =	swait.ge [sflag:s19], $0x2800  }
0x6e: {  	[sflag:s19] =	ssyncset.done $0x0  }
0x6f: {  	s28 =	simm.s32 $0x200;
	[sflag:s19] =	ssyncadd.s32 $0xFFFFD800  }
0x70: {  	[tilespmem:s21], [sflag:$0x3] =	stream.indirect.gather [hbm4b:s1+s20], $0x80, s28, s20, $0xb8;
	[tilespmem:$0x8180] =	vst v63  }
0x71: {  	_ =	swait.ge [sflag:s22], $0x2800  }
0x72: {  	[sflag:s22] =	ssyncset.done $0x0  }
0x73: {  	[sflag:s22] =	ssyncadd.s32 $0xFFFFD800  }
0x74: {  	[hbm4b:s14+s4] =	stream.linear.scatter [tilespmem:s21], [sflag:$0x2], $0x2800, $0x38;
	[tilespmem:$0x8180] =	vst v63  }
0x75: {  	_ =	swait.ge [sflag:s19], $0x2800  }
0x76: {  	s24 =	simm.s32 @!p0 $0x50;
	[sflag:s19] =	ssyncset.done $0x0  }
0x77: {  	s25 =	simm.s32 @!p0 $0x280;
	s26 =	simm.s32 @!p0 $0x400;
	[sflag:s19] =	ssyncadd.s32 $0xFFFFD800  }
0x78: {  	[tilespmem:s26], [sflag:$0x3] =	stream.indirect.gather @!p0 [hbm4b:s1+s24], $0x80, s25, s24, $0xb8;
	[tilespmem:$0x8180] =	vst v63  }
0x79: {  	s24 =	simm.s32 @!p0 $0x3  }
0x7a: {  	_ =	swait.ge @!p0 [sflag:s24], $0x2800  }
0x7b: {  	[sflag:s24] =	ssyncset.done @!p0 $0x0  }
0x7c: {  	[sflag:s24] =	ssyncadd.s32 @!p0 $0xFFFFD800;
	s24 =	simm.s32 @!p0 $0x0  }
0x7d: {  	[hbm4b:s15+s24] =	stream.linear.scatter @!p0 [tilespmem:s26], [sflag:$0x2], $0x2800, $0x38;
	[tilespmem:$0x8180] =	vst v63  }
0x7e: {  	s24 =	simm.s32 @!p0 $0x2  }
0x7f: {  	_ =	swait.ge @!p0 [sflag:s24], $0x2800  }
0x80: {  	s25 =	simm.s32 @!p1 $0x300;
	[sflag:s24] =	ssyncset.done @!p0 $0x0  }
0x81: {  	s26 =	simm.s32 @!p1 $0x400;
	[sflag:s24] =	ssyncadd.s32 @!p0 $0xFFFFD800;
	s24 =	simm.s32 @!p1 $0x50  }
0x82: {  	[tilespmem:s26], [sflag:$0x3] =	stream.indirect.gather @!p1 [hbm4b:s1+s24], $0x80, s25, s24, $0xb8;
	[tilespmem:$0x8180] =	vst v63  }
0x83: {  	s24 =	simm.s32 @!p1 $0x3  }
0x84: {  	_ =	swait.ge @!p1 [sflag:s24], $0x2800  }
0x85: {  	[sflag:s24] =	ssyncset.done @!p1 $0x0  }
0x86: {  	[sflag:s24] =	ssyncadd.s32 @!p1 $0xFFFFD800;
	s24 =	simm.s32 @!p1 $0x0  }
0x87: {  	[hbm4b:s16+s24] =	stream.linear.scatter @!p1 [tilespmem:s26], [sflag:$0x2], $0x2800, $0x38;
	[tilespmem:$0x8180] =	vst v63  }
0x88: {  	s24 =	simm.s32 @!p1 $0x2  }
0x89: {  	_ =	swait.ge @!p1 [sflag:s24], $0x2800  }
0x8a: {  	s25 =	simm.s32 @!p2 $0x380;
	[sflag:s24] =	ssyncset.done @!p1 $0x0  }
0x8b: {  	s26 =	simm.s32 @!p2 $0x400;
	[sflag:s24] =	ssyncadd.s32 @!p1 $0xFFFFD800;
	s24 =	simm.s32 @!p2 $0x50  }
0x8c: {  	[tilespmem:s26], [sflag:$0x3] =	stream.indirect.gather @!p2 [hbm4b:s1+s24], $0x80, s25, s24, $0xb8;
	[tilespmem:$0x8180] =	vst v63  }
0x8d: {  	s24 =	simm.s32 @!p2 $0x3  }
0x8e: {  	_ =	swait.ge @!p2 [sflag:s24], $0x2800  }
0x8f: {  	[sflag:s24] =	ssyncset.done @!p2 $0x0  }
0x90: {  	[sflag:s24] =	ssyncadd.s32 @!p2 $0xFFFFD800;
	s24 =	simm.s32 @!p2 $0x0  }
0x91: {  	[hbm4b:s17+s24] =	stream.linear.scatter @!p2 [tilespmem:s26], [sflag:$0x2], $0x2800, $0x38;
	[tilespmem:$0x8180] =	vst v63  }
0x92: {  	s24 =	simm.s32 @!p2 $0x2  }
0x93: {  	_ =	swait.ge @!p2 [sflag:s24], $0x2800  }
0x94: {  	[sflag:s24] =	ssyncset.done @!p2 $0x0  }
0x95: {  	s31 =	simm.s32 $0x2C00;
	[sflag:s24] =	ssyncadd.s32 @!p2 $0xFFFFD800  }
0x96: {  	[tilespmem:s31], [sflag:$0x2] =	stream.linear.gather [hbm4b:s7+s4], $0x5000, $0x38;
	[tilespmem:$0x8180] =	vst v63  }
0x97: {  	_ =	swait.ge [sflag:s19], $0x5000  }
0x98: {  	[sflag:s19] =	ssyncset.done $0x0  }
0x99: {  	s25 =	simm.s32 $0x2C00;
	[sflag:s19] =	ssyncadd.s32 $0xFFFFB000  }
0x9a: {  	[spmem:s3] =	stream.indirect.scatter.add.f32 [tilespmem:s29], [sflag:$0x1], $0x1, s25, s23, $0xb8;
	[tilespmem:$0x8180] =	vst v63  }
0x9b: {  	s26 =	simm.s32 $0x2C80  }
0x9c: {  	[spmem:s3] =	stream.indirect.scatter.add.f32 [tilespmem:s29], [sflag:$0x1], $0x1, s26, s23, $0xb8;
	[tilespmem:$0x8180] =	vst v63  }
0x9d: {  	s28 =	simm.s32 $0x2D00  }
0x9e: {  	[spmem:s3] =	stream.indirect.scatter.add.f32 [tilespmem:s29], [sflag:$0x1], $0x1, s28, s23, $0xb8;
	[tilespmem:$0x8180] =	vst v63  }
0x9f: {  	s31 =	simm.s32 $0x2D80  }
0xa0: {  	[spmem:s3] =	stream.indirect.scatter.add.f32 [tilespmem:s29], [sflag:$0x1], $0x1, s31, s23, $0xb8;
	[tilespmem:$0x8180] =	vst v63  }
0xa1: {  	s25 =	simm.s32 $0x2E00  }
0xa2: {  	[spmem:s3] =	stream.indirect.scatter.add.f32 [tilespmem:s29], [sflag:$0x1], $0x1, s25, s23, $0xb8;
	[tilespmem:$0x8180] =	vst v63  }
0xa3: {  	s26 =	simm.s32 $0x2E80  }
0xa4: {  	[spmem:s3] =	stream.indirect.scatter.add.f32 [tilespmem:s29], [sflag:$0x1], $0x1, s26, s23, $0xb8;
	[tilespmem:$0x8180] =	vst v63  }
0xa5: {  	s28 =	simm.s32 $0x2F00  }
0xa6: {  	[spmem:s3] =	stream.indirect.scatter.add.f32 [tilespmem:s29], [sflag:$0x1], $0x1, s28, s23, $0xb8;
	[tilespmem:$0x8180] =	vst v63  }
0xa7: {  	s31 =	simm.s32 $0x2F80  }
0xa8: {  	[spmem:s3] =	stream.indirect.scatter.add.f32 [tilespmem:s29], [sflag:$0x1], $0x1, s31, s23, $0xb8;
	[tilespmem:$0x8180] =	vst v63  }
0xa9: {  	_ =	swait.ge [sflag:s30], $0x80  }
0xaa: {  	[sflag:s30] =	ssyncset.done $0x0  }
0xab: {  	[sflag:s30] =	ssyncadd.s32 $0xFFFFFF80  }
0xac: {  	_ =	swait.ge [sflag:s30], $0x80  }
0xad: {  	[sflag:s30] =	ssyncset.done $0x0  }
0xae: {  	[sflag:s30] =	ssyncadd.s32 $0xFFFFFF80  }
0xaf: {  	_ =	swait.ge [sflag:s30], $0x80  }
0xb0: {  	[sflag:s30] =	ssyncset.done $0x0  }
0xb1: {  	[sflag:s30] =	ssyncadd.s32 $0xFFFFFF80  }
0xb2: {  	_ =	swait.ge [sflag:s30], $0x80  }
0xb3: {  	[sflag:s30] =	ssyncset.done $0x0  }
0xb4: {  	[sflag:s30] =	ssyncadd.s32 $0xFFFFFF80  }
0xb5: {  	_ =	swait.ge [sflag:s30], $0x80  }
0xb6: {  	[sflag:s30] =	ssyncset.done $0x0  }
0xb7: {  	[sflag:s30] =	ssyncadd.s32 $0xFFFFFF80  }
0xb8: {  	_ =	swait.ge [sflag:s30], $0x80  }
0xb9: {  	[sflag:s30] =	ssyncset.done $0x0  }
0xba: {  	[sflag:s30] =	ssyncadd.s32 $0xFFFFFF80  }
0xbb: {  	_ =	swait.ge [sflag:s30], $0x80  }
0xbc: {  	[sflag:s30] =	ssyncset.done $0x0  }
0xbd: {  	[sflag:s30] =	ssyncadd.s32 $0xFFFFFF80  }
0xbe: {  	_ =	swait.ge [sflag:s30], $0x80  }
0xbf: {  	s24 =	simm.s32 $0x2000;
	s26 =	simm.s32 $0x400;
	[sflag:s30] =	ssyncset.done $0x0  }
.LBB2_2:
0xc0: {  	s31 =	sadd.s32 $0x2C00, s26  }
0xc1: {  	[sflag:s30] =	ssyncadd.s32 $0xFFFFFF80;
	s25 =	smov.u32 s24;
	s28 =	sadd.s32 $0x1000, s24  }
0xc2: {  	[spmem:s3] =	stream.indirect.scatter.add.f32 [tilespmem:s29], [sflag:$0x1], $0x1, s31, s23, $0xb8;
	[tilespmem:$0x8180] =	vst v63  }
0xc3: {  	p3 =	sne.s32 s24, $0x13000;
	s24 =	sadd.s32 $0x2C80, s26  }
0xc4: {  	[spmem:s3] =	stream.indirect.scatter.add.f32 [tilespmem:s29], [sflag:$0x1], $0x1, s24, s23, $0xb8;
	[tilespmem:$0x8180] =	vst v63  }
0xc5: {  	s24 =	sadd.s32 $0x2D00, s26  }
0xc6: {  	[spmem:s3] =	stream.indirect.scatter.add.f32 [tilespmem:s29], [sflag:$0x1], $0x1, s24, s23, $0xb8;
	[tilespmem:$0x8180] =	vst v63  }
0xc7: {  	s24 =	sadd.s32 $0x2D80, s26  }
0xc8: {  	[spmem:s3] =	stream.indirect.scatter.add.f32 [tilespmem:s29], [sflag:$0x1], $0x1, s24, s23, $0xb8;
	[tilespmem:$0x8180] =	vst v63  }
0xc9: {  	s24 =	sadd.s32 $0x2E00, s26  }
0xca: {  	[spmem:s3] =	stream.indirect.scatter.add.f32 [tilespmem:s29], [sflag:$0x1], $0x1, s24, s23, $0xb8;
	[tilespmem:$0x8180] =	vst v63  }
0xcb: {  	s24 =	sadd.s32 $0x2E80, s26  }
0xcc: {  	[spmem:s3] =	stream.indirect.scatter.add.f32 [tilespmem:s29], [sflag:$0x1], $0x1, s24, s23, $0xb8;
	[tilespmem:$0x8180] =	vst v63  }
0xcd: {  	s24 =	sadd.s32 $0x2F00, s26  }
0xce: {  	[spmem:s3] =	stream.indirect.scatter.add.f32 [tilespmem:s29], [sflag:$0x1], $0x1, s24, s23, $0xb8;
	[tilespmem:$0x8180] =	vst v63  }
0xcf: {  	s24 =	sadd.s32 $0x2F80, s26  }
0xd0: {  	[spmem:s3] =	stream.indirect.scatter.add.f32 [tilespmem:s29], [sflag:$0x1], $0x1, s24, s23, $0xb8;
	[tilespmem:$0x8180] =	vst v63  }
0xd1: {  	_ =	swait.ge [sflag:s30], $0x80  }
0xd2: {  	[sflag:s30] =	ssyncset.done $0x0  }
0xd3: {  	[sflag:s30] =	ssyncadd.s32 $0xFFFFFF80  }
0xd4: {  	_ =	swait.ge [sflag:s30], $0x80  }
0xd5: {  	[sflag:s30] =	ssyncset.done $0x0  }
0xd6: {  	[sflag:s30] =	ssyncadd.s32 $0xFFFFFF80  }
0xd7: {  	_ =	swait.ge [sflag:s30], $0x80  }
0xd8: {  	[sflag:s30] =	ssyncset.done $0x0  }
0xd9: {  	[sflag:s30] =	ssyncadd.s32 $0xFFFFFF80  }
0xda: {  	_ =	swait.ge [sflag:s30], $0x80  }
0xdb: {  	[sflag:s30] =	ssyncset.done $0x0  }
0xdc: {  	[sflag:s30] =	ssyncadd.s32 $0xFFFFFF80  }
0xdd: {  	_ =	swait.ge [sflag:s30], $0x80  }
0xde: {  	[sflag:s30] =	ssyncset.done $0x0  }
0xdf: {  	[sflag:s30] =	ssyncadd.s32 $0xFFFFFF80  }
0xe0: {  	_ =	swait.ge [sflag:s30], $0x80  }
0xe1: {  	[sflag:s30] =	ssyncset.done $0x0  }
0xe2: {  	[sflag:s30] =	ssyncadd.s32 $0xFFFFFF80  }
.Ltmp0:
0xe3: {  	_ =	swait.ge [sflag:s30], $0x80;
	(pc) =	sbr.rel @p3 .LBB2_2-.Ltmp0, $4  }
0xe4: {  	[sflag:s30] =	ssyncset.done $0x0  }
0xe5: {  	[sflag:s30] =	ssyncadd.s32 $0xFFFFFF80  }
0xe6: {  	_ =	swait.ge [sflag:s30], $0x80  }
0xe7: {  	s26 =	sshra.s32 s25, $0x2;
	s24 =	smov.u32 s28;
	[sflag:s30] =	ssyncset.done $0x0  }
0xe8: {  	s24 =	sadd.s32 $0x2C00, s26;
	[sflag:s30] =	ssyncadd.s32 $0xFFFFFF80  }
0xe9: {  	[spmem:s3] =	stream.indirect.scatter.add.f32 [tilespmem:s29], [sflag:$0x1], $0x1, s24, s23, $0xb8;
	[tilespmem:$0x8180] =	vst v63  }
0xea: {  	s28 =	sadd.s32 $0x2C80, s26  }
0xeb: {  	[spmem:s3] =	stream.indirect.scatter.add.f32 [tilespmem:s29], [sflag:$0x1], $0x1, s28, s23, $0xb8;
	[tilespmem:$0x8180] =	vst v63  }
0xec: {  	s31 =	sadd.s32 $0x2D00, s26  }
0xed: {  	[spmem:s3] =	stream.indirect.scatter.add.f32 [tilespmem:s29], [sflag:$0x1], $0x1, s31, s23, $0xb8;
	[tilespmem:$0x8180] =	vst v63  }
0xee: {  	s25 =	sadd.s32 $0x2D80, s26  }
0xef: {  	[spmem:s3] =	stream.indirect.scatter.add.f32 [tilespmem:s29], [sflag:$0x1], $0x1, s25, s23, $0xb8;
	[tilespmem:$0x8180] =	vst v63  }
0xf0: {  	s28 =	sadd.s32 $0x2E00, s26  }
0xf1: {  	[spmem:s3] =	stream.indirect.scatter.add.f32 [tilespmem:s29], [sflag:$0x1], $0x1, s28, s23, $0xb8;
	[tilespmem:$0x8180] =	vst v63  }
0xf2: {  	s31 =	sadd.s32 $0x2E80, s26  }
0xf3: {  	[spmem:s3] =	stream.indirect.scatter.add.f32 [tilespmem:s29], [sflag:$0x1], $0x1, s31, s23, $0xb8;
	[tilespmem:$0x8180] =	vst v63  }
0xf4: {  	s25 =	sadd.s32 $0x2F00, s26  }
0xf5: {  	[spmem:s3] =	stream.indirect.scatter.add.f32 [tilespmem:s29], [sflag:$0x1], $0x1, s25, s23, $0xb8;
	[tilespmem:$0x8180] =	vst v63  }
0xf6: {  	s26 =	sadd.s32 $0x2F80, s26  }
0xf7: {  	[spmem:s3] =	stream.indirect.scatter.add.f32 [tilespmem:s29], [sflag:$0x1], $0x1, s26, s23, $0xb8;
	[tilespmem:$0x8180] =	vst v63  }
0xf8: {  	_ =	swait.ge [sflag:s30], $0x80  }
0xf9: {  	[sflag:s30] =	ssyncset.done $0x0  }
0xfa: {  	[sflag:s30] =	ssyncadd.s32 $0xFFFFFF80  }
0xfb: {  	_ =	swait.ge [sflag:s30], $0x80  }
0xfc: {  	[sflag:s30] =	ssyncset.done $0x0  }
0xfd: {  	[sflag:s30] =	ssyncadd.s32 $0xFFFFFF80  }
0xfe: {  	_ =	swait.ge [sflag:s30], $0x80  }
0xff: {  	[sflag:s30] =	ssyncset.done $0x0  }
0x100: {  	[sflag:s30] =	ssyncadd.s32 $0xFFFFFF80  }
0x101: {  	_ =	swait.ge [sflag:s30], $0x80  }
0x102: {  	[sflag:s30] =	ssyncset.done $0x0  }
0x103: {  	[sflag:s30] =	ssyncadd.s32 $0xFFFFFF80  }
0x104: {  	_ =	swait.ge [sflag:s30], $0x80  }
0x105: {  	[sflag:s30] =	ssyncset.done $0x0  }
0x106: {  	[sflag:s30] =	ssyncadd.s32 $0xFFFFFF80  }
0x107: {  	_ =	swait.ge [sflag:s30], $0x80  }
0x108: {  	[sflag:s30] =	ssyncset.done $0x0  }
0x109: {  	[sflag:s30] =	ssyncadd.s32 $0xFFFFFF80  }
0x10a: {  	_ =	swait.ge [sflag:s30], $0x80  }
0x10b: {  	[sflag:s30] =	ssyncset.done $0x0  }
0x10c: {  	[sflag:s30] =	ssyncadd.s32 $0xFFFFFF80  }
0x10d: {  	s18 =	sadd.s32 $0x1, s18;
	_ =	swait.ge [sflag:s30], $0x80  }
0x10e: {  	p3 =	sne.s32 s18, s9;
	s28 =	sshll.u32 s0, $0x6;
	[sflag:s30] =	ssyncset.done $0x0  }
0x10f: {  	s24 =	sor.u32 $0x1C02, s28;
	s31 =	simm.s32 $0x20;
	[sflag:s30] =	ssyncadd.s32 $0xFFFFFF80  }
.Ltmp1:
0x110: {  	s25 =	sshrl.u32 s5, $0x3;
	[bflag:$0x0] =	sbarrier.arrive $0xFFFF;
	(pc) =	sbr.rel @p3 .LBB2_1-.Ltmp1, $4  }
0x111: {  	[hbm:s8@s31], [sflag:s24] =	dma.strided [spmem:s25@s2], $0x50, s30, $0x10   }
0x112: {  	_ =	swait.ge [sflag:s19], $0x50  }
0x113: {  	[sflag:s19] =	ssyncset.done $0x0  }
0x114: {  	[sflag:s19] =	ssyncadd.s32 $0xFFFFFFB0  }
0x115: {  	_ =	sfence.sel $0x180000  }
0x116: {  	[bflag:$0x0] =	sbarrier.arrive $0xFFFF  }
0x117: {  	_ =	strace $0x90000047  }
0x118: {  	[bflag:$0x2] =	sbarrier.arrive $0xFFFF  }
0x119: {  	p0 =	sne.s32 s0, $0x0;
	s0 =	rddreg [dreg:$0x3]  }
0x11a: {  	s0 =	sadd.s32 @!p0 $0x100000, s0  }
0x11b: {  	[sflag:s0] =	ssyncadd.tile.s32 @!p0 $0x1;
	_ =	shalt  }
.Lfunc_end2:
_tile_overlayer_lowered:
.L_overlay_start_2:
0x11c: {  	(tag) =	ssettag $0x2  }
0x11d: {  	s0 =	rddreg [dreg:$0x0];
	s2 =	stileid.u32  }
0x11e: {  	s1 =	rddreg [dreg:$0x1];
	p0 =	sne.s32 s2, $0x0  }
0x11f: {  	s3 =	rddreg [dreg:$0x2];
	[bflag:$0x3] =	sbarrier.arrive $0xFFFF;
	s2 =	simm.s32 @!p0 $0x1C02  }
0x120: {  	[timem:s3], [sflag:s2] =	dma.local @!p0 [hbm:s0], s1  }
0x121: {  	s0 =	simm.s32 @!p0 $0x2  }
0x122: {  	_ =	swait.ge @!p0 [sflag:s0], s1  }
0x123: {  	s1 =	ssub.s32 @!p0 $0x0, s1;
	[sflag:s0] =	ssyncset.done @!p0 $0x0  }
0x124: {  	[sflag:s0] =	ssyncadd.s32 @!p0 s1  }
0x125: {  	[bflag:$0x3] =	sbarrier.arrive $0xFFFF  }
0x126: {  	_ =	shalt  }

</sc_bundles>
